<compile_context>
chip_gen: v7x
topology: tpu7x:2x2x1
jax: 0.10.2.dev20260603
libtpu: 0.0.44.dev20260713+nightly
codegen_flags: <defaults>
</compile_context>

<pallas_src>
import functools

import jax
import jax.numpy as jnp
from jax import lax
from jax.experimental import pallas as pl
from jax.experimental.pallas import tpu as pltpu
from jax.experimental.pallas import tpu_sc as plsc

_N = 512
_ALPHA = 0.02
_BETA = 0.1
_GAMMA = 0.02
_W1 = 0.5
_W2 = 0.5
_SHIFT = 0.0


def _pairwise_body(f_ref, aux_ref, out_ref):
    n = _N
    cf = f_ref.shape[1]

    row_i = jax.lax.broadcasted_iota(jnp.int32, (n, n), 0)
    col_i = jax.lax.broadcasted_iota(jnp.int32, (n, n), 1)
    eye = (row_i == col_i).astype(jnp.float32)
    ft = jax.lax.dot_general(eye, f_ref[0], (((1,), (1,)), ((), ())),
                             preferred_element_type=jnp.float32)
    auxt = jax.lax.dot_general(eye, aux_ref[0], (((1,), (1,)), ((), ())),
                               preferred_element_type=jnp.float32)

    lane_c = jax.lax.broadcasted_iota(jnp.int32, (1, cf), 1)
    lane_a = jax.lax.broadcasted_iota(jnp.int32, (1, 8), 1)

    def aux_col(c):
        onehot = (lane_a == c).astype(jnp.float32)
        return jnp.sum(auxt * onehot, axis=1, keepdims=True)

    def body(c, acc):
        row = f_ref[0, pl.ds(c, 1), :]
        onehot = (lane_c == c).astype(jnp.float32)
        col = jnp.sum(ft * onehot, axis=1, keepdims=True)
        d = col - row
        ad = jnp.abs(d)
        sl1 = jnp.where(ad < 1.0, 0.5 * d * d, ad - 0.5)
        return acc + sl1

    acc = jax.lax.fori_loop(0, cf, body, jnp.zeros((n, n), jnp.float32))
    feat_mean = acc * (1.0 / cf)

    def sqdiff(c):
        row = aux_ref[0, c:c + 1, :]
        col = aux_col(c)
        d = col - row
        return d * d

    gd = sqdiff(0) + sqdiff(1) + sqdiff(2)
    cd = sqdiff(3) + sqdiff(4)

    e1 = -(cd * (1.0 / (2.0 * _ALPHA)) + gd * (1.0 / (2.0 * _BETA)))
    e2 = -(cd * (1.0 / (2.0 * _GAMMA)))
    sim = (_W1 * jnp.exp(e1) + _W2 * jnp.exp(e2) - _SHIFT) * (1.0 / (_W1 + _W2))

    vprod = aux_col(5) * aux_ref[0, 5:6, :]
    sprod = aux_col(6) * aux_ref[0, 6:7, :]
    unc = jnp.sqrt(jnp.maximum(sprod, 1e-8))

    t = vprod * feat_mean * sim
    s_loss = jnp.sum(unc * t)
    s_raw = jnp.sum(t)
    s_v = jnp.sum(vprod)

    out_ref[0] = jnp.concatenate(
        [jnp.full((1, 128), s_loss, jnp.float32),
         jnp.full((1, 128), s_raw, jnp.float32),
         jnp.full((1, 128), s_v, jnp.float32)], axis=1)


def _pairwise_call(sel_feats, aux):
    b = sel_feats.shape[0]
    grid = (b,)
    return pl.pallas_call(
        _pairwise_body,
        grid=grid,
        in_specs=[
            pl.BlockSpec((1, sel_feats.shape[1], _N), lambda i: (i, 0, 0)),
            pl.BlockSpec((1, 8, _N), lambda i: (i, 0, 0)),
        ],
        out_specs=pl.BlockSpec((1, 1, 384), lambda i: (i, 0, 0)),
        out_shape=jax.ShapeDtypeStruct((b, 1, 384), jnp.float32),
    )(sel_feats, aux)


def _topk_thresh_body(v_ref, u_ref, mu_ref, thr_ref):
    v = v_ref[0]
    u = u_ref[0]
    g = -jnp.log(-jnp.log(u + 1e-20) + 1e-20)
    scores = jnp.log(v + 1e-8) + g
    s = jax.lax.bitcast_convert_type(scores, jnp.int32)
    m = jnp.where(s < 0, s ^ jnp.int32(0x7FFFFFFF), s)
    mu = jax.lax.bitcast_convert_type(m, jnp.uint32) ^ jnp.uint32(0x80000000)
    mu_ref[0] = mu

    def body(_, carry):
        lo, hi = carry
        mid = lo + (hi - lo) // jnp.uint32(2)
        cnt = jnp.sum((mu > mid).astype(jnp.int32))
        big = cnt >= _N
        return (jnp.where(big, mid + jnp.uint32(1), lo),
                jnp.where(big, hi, mid))

    lo0 = jnp.uint32(0)
    hi0 = jnp.uint32(0xFFFFFFFF)
    lo, hi = jax.lax.fori_loop(0, 33, body, (lo0, hi0))
    t = lo
    ngt = jnp.sum((mu > t).astype(jnp.int32)).astype(jnp.uint32)
    lane = jax.lax.broadcasted_iota(jnp.int32, (1, 128), 1)
    thr_ref[0] = jnp.where(lane == 0, t, jnp.where(lane == 1, ngt,
                                                   jnp.uint32(0)))


def _topk_select(valid3, u3, b, npix):
    mu, thr = pl.pallas_call(
        _topk_thresh_body,
        grid=(b,),
        in_specs=[
            pl.BlockSpec((1,) + valid3.shape[1:], lambda i: (i, 0, 0)),
            pl.BlockSpec((1,) + valid3.shape[1:], lambda i: (i, 0, 0)),
        ],
        out_specs=[
            pl.BlockSpec((1,) + valid3.shape[1:], lambda i: (i, 0, 0)),
            pl.BlockSpec((1, 1, 128), lambda i: (i, 0, 0)),
        ],
        out_shape=[jax.ShapeDtypeStruct(valid3.shape, jnp.uint32),
                   jax.ShapeDtypeStruct((b, 1, 128), jnp.uint32)],
    )(valid3, u3)
    t = thr[:, 0, 0][:, None]
    ngt = thr[:, 0, 1].astype(jnp.int32)
    muf = mu.reshape(b, npix)
    gt = muf > t
    eq = muf == t
    tie_rank = jnp.cumsum(eq.astype(jnp.int32), axis=1)
    need = (_N - ngt)[:, None]
    accept = gt | (eq & (tie_rank <= need))
    c = jnp.cumsum(accept.astype(jnp.int32), axis=1)
    slots = jnp.arange(1, _N + 1, dtype=jnp.int32)
    offs = jax.vmap(
        lambda cr: jnp.searchsorted(cr, slots, side="left",
                                    method="compare_all"))(c)
    return offs.astype(jnp.int32)


def _sc_gather(offs, feats1d, guid1d, valid1d, scales1d, b, cf, cg, hw, h, w):
    n = _N
    cs = 128
    chunks_per_b = n // cs
    chalf = cf // 2
    nsl = cs // 16
    mesh = plsc.VectorSubcoreMesh(core_axis_name="c", subcore_axis_name="s")

    @functools.partial(
        pl.kernel, mesh=mesh,
        out_type=[jax.ShapeDtypeStruct((b, cf, n), jnp.float32),
                  jax.ShapeDtypeStruct((b, 8, n), jnp.float32)],
        scratch_types=[
            pltpu.VMEM((cs,), jnp.int32),
            pltpu.VMEM((8, cs), jnp.int32),
            pltpu.VMEM((chalf, cs), jnp.float32),
            pltpu.VMEM((8, cs), jnp.float32),
            pltpu.SemaphoreType.DMA,
        ],
    )
    def k(offs_hbm, feats_hbm, guid_hbm, valid_hbm, scales_hbm,
          outf_hbm, outa_hbm, offs_v, idx_buf, valf, vala, sem):
        wid = lax.axis_index("s") * 2 + lax.axis_index("c")
        bi = wid // (2 * chunks_per_b)
        rem = wid % (2 * chunks_per_b)
        chunk = rem % chunks_per_b
        half = rem // chunks_per_b
        col0 = chunk * cs
        c0 = half * chalf
        pltpu.sync_copy(offs_hbm.at[pl.ds(bi * n + col0, cs)], offs_v)

        for s in range(nsl):
            sl = pl.ds(s * 16, 16)
            o = offs_v[sl]
            yi = lax.div(o, w)
            xi = o - yi * w
            vala[3, sl] = yi.astype(jnp.float32) * (1.0 / h)
            vala[4, sl] = xi.astype(jnp.float32) * (1.0 / w)
            vala[7, sl] = jnp.zeros((16,), jnp.float32)
            idx_buf[0, sl] = o + bi * hw
        cps = [pltpu.async_copy(valid_hbm.at[idx_buf.at[0]], vala.at[5], sem),
               pltpu.async_copy(scales_hbm.at[idx_buf.at[0]], vala.at[6], sem)]
        for j in range(cg):
            for s in range(nsl):
                sl = pl.ds(s * 16, 16)
                idx_buf[1 + j, sl] = offs_v[sl] + (bi * cg + j) * hw
            cps.append(
                pltpu.async_copy(guid_hbm.at[idx_buf.at[1 + j]],
                                 vala.at[j], sem))
        for cp in cps:
            cp.wait()
        pltpu.sync_copy(vala, outa_hbm.at[bi, :, pl.ds(col0, cs)])

        def grp(g, carry):
            for j in range(8):
                c = g * 8 + j
                for s in range(nsl):
                    sl = pl.ds(s * 16, 16)
                    idx_buf[j, sl] = offs_v[sl] + (bi * cf + c0 + c) * hw
            gcps = [pltpu.async_copy(feats_hbm.at[idx_buf.at[j]],
                                     valf.at[g * 8 + j], sem)
                    for j in range(8)]
            for cp in gcps:
                cp.wait()
            return carry

        lax.fori_loop(0, chalf // 8, grp, 0)

        pltpu.sync_copy(valf,
                        outf_hbm.at[bi, pl.ds(c0, chalf), pl.ds(col0, cs)])

    return k(offs.reshape(-1), feats1d, guid1d, valid1d, scales1d)


def kernel(guidance, features, valid_mask, loss_scales):
    b, cg, h, w = guidance.shape
    cf = features.shape[1]
    n = _N

    npix = h * w
    u = jax.random.uniform(jax.random.key(42), (b, npix), dtype=jnp.float32)
    valid3 = valid_mask.reshape(b, npix // 128, 128)
    u3 = u.reshape(b, npix // 128, 128)
    offs = _topk_select(valid3, u3, b, npix)

    hw = h * w
    sel_feats, aux = _sc_gather(
        offs, features.reshape(-1), guidance.reshape(-1),
        valid_mask.reshape(-1), loss_scales.reshape(-1), b, cf, cg, hw, h, w)

    part = _pairwise_call(sel_feats, aux)
    s_loss = part[:, 0, 0].sum()
    s_raw = part[:, 0, 128].sum()
    s_v = part[:, 0, 256].sum()

    div = jnp.maximum(s_v, (b * n * n) / 2.0)
    loss = s_loss / div
    raw_loss = jax.lax.stop_gradient(s_raw) / div
    return (loss, raw_loss)

# --- scband reference (transcript-rebuilt; emitter-appended) ---
"""Pipeline reference for scband-sampled-crfloss-40561671143479 (READ-ONLY COPY).

The authoritative reference and input builder live on the scoring server;
editing this copy changes nothing except your own understanding.
"""

import jax, jax.numpy as jnp
import numpy as np

N_SAMPLES = 512
ALPHA = 0.02
BETA = 0.1
GAMMA = 0.02
W1 = 0.5
W2 = 0.5
SHIFT = 0.0


def _smooth_l1(a, b):
    d = a - b
    ad = jnp.abs(d)
    return jnp.where(ad < 1.0, 0.5 * d * d, ad - 0.5)


def _sample_offsets(flat_valid, key):
    # multinomial without replacement on weights (valid_mask + 1e-8) via Gumbel top-k
    g = -jnp.log(-jnp.log(jax.random.uniform(key, flat_valid.shape, dtype=jnp.float32) + 1e-20) + 1e-20)
    scores = jnp.log(flat_valid + 1e-8) + g
    _, idx = jax.lax.top_k(scores, N_SAMPLES)
    return idx


def setup_inputs(seed: int = 0) -> dict:
    key = jax.random.key(seed)
    k1, k2, k3, k4 = jax.random.split(key, 4)
    B, Cg, Cf, H, W = 4, 3, 64, 224, 224
    return {
        "guidance": jax.random.uniform(k1, (B, Cg, H, W), dtype=jnp.float32),
        "features": jax.random.normal(k2, (B, Cf, H, W), dtype=jnp.float32),
        "valid_mask": jax.random.uniform(k3, (B, H, W), dtype=jnp.float32),
        "loss_scales": jax.random.uniform(k4, (B, H, W), dtype=jnp.float32),
    }


def reference(guidance, features, valid_mask, loss_scales):
    b, _, h, w = guidance.shape
    flat_valid = valid_mask.reshape(b, -1)
    offs = _sample_offsets(flat_valid, jax.random.key(42))
    n = offs.shape[1]
    y = offs // w
    x = offs % w
    coords = jnp.stack([y, x], axis=1).astype(features.dtype)  # [B, 2, n]
    norm_coords = coords / jnp.array([h, w], dtype=features.dtype)[None, :, None]
    sel_valid = jnp.take_along_axis(flat_valid, offs, axis=1)
    feats_flat = features.reshape(b, features.shape[1], -1)
    guid_flat = guidance.reshape(b, guidance.shape[1], -1)
    idx_f = jnp.broadcast_to(offs[:, None, :], (b, feats_flat.shape[1], n))
    idx_g = jnp.broadcast_to(offs[:, None, :], (b, guid_flat.shape[1], n))
    sel_feats = jnp.take_along_axis(feats_flat, idx_f, axis=2)
    sel_guid = jnp.take_along_axis(guid_flat, idx_g, axis=2)
    sel_scales = jnp.take_along_axis(loss_scales.reshape(b, -1), offs, axis=1)
    # exact pairwise squared euclidean distances (cdist ... .pow(2))
    nc = jnp.swapaxes(norm_coords, 1, 2)  # [B, n, 2]
    coord_diff = ((nc[:, :, None, :] - nc[:, None, :, :]) ** 2).sum(-1)
    gt = jnp.swapaxes(sel_guid, 1, 2)  # [B, n, Cg]
    guidance_diff = ((gt[:, :, None, :] - gt[:, None, :, :]) ** 2).sum(-1)
    feat_diff = _smooth_l1(sel_feats[:, :, :, None], sel_feats[:, :, None, :]).mean(axis=1)
    sim_kernel = (W1 * jnp.exp(-coord_diff / (2 * ALPHA) - guidance_diff / (2 * BETA)) + W2 * jnp.exp(-coord_diff / (2 * GAMMA)) - SHIFT) / (W1 + W2)
    valid_diff = sel_valid[:, :, None] * sel_valid[:, None, :]
    unc_diff = jnp.sqrt(jnp.clip(sel_scales[:, :, None] * sel_scales[:, None, :], 1e-8, None))
    diff_prod = valid_diff * feat_diff * sim_kernel
    div = jnp.maximum(valid_diff.sum(), valid_diff.size / 2)
    loss = (unc_diff * diff_prod).sum() / div
    raw_loss = jax.lax.stop_gradient(diff_prod).sum() / div
    return (loss, raw_loss)

if __name__ == "__main__":
    import jax
    _d = setup_inputs()
    print(jax.jit(kernel)(*tuple(_d.values())))

</pallas_src>

<mosaic_0001>
#map = affine_map<(d0, d1) -> (0)>
#map1 = affine_map<(d0, d1) -> (0, 0, 0)>
module attributes {stable_mosaic.version = 14 : i64} {
  func.func @k(%arg0: i32, %arg1: i32, %arg2: memref<2048xi32, #tpu.memory_space<hbm>>, %arg3: memref<12845056xf32, #tpu.memory_space<hbm>>, %arg4: memref<602112xf32, #tpu.memory_space<hbm>>, %arg5: memref<200704xf32, #tpu.memory_space<hbm>>, %arg6: memref<200704xf32, #tpu.memory_space<hbm>>, %arg7: memref<4x64x512xf32, #tpu.memory_space<hbm>>, %arg8: memref<4x8x512xf32, #tpu.memory_space<hbm>>, %arg9: memref<128xi32, #tpu.memory_space<vmem>>, %arg10: memref<8x128xi32, #tpu.memory_space<vmem>>, %arg11: memref<32x128xf32, #tpu.memory_space<vmem>>, %arg12: memref<8x128xf32, #tpu.memory_space<vmem>>, %arg13: memref<!tpu.dma_semaphore, #tpu.memory_space<semaphore_mem>>) attributes {dimension_semantics = [#tpu.dimension_semantics<core_parallel>, #tpu.dimension_semantics<subcore_parallel>], iteration_bounds = array<i64: 2, 16>, scalar_prefetch = 0 : i64, scratch_operands = 5 : i64, tpu.core_type = #tpu.core_type<sc_vector_subcore>, window_params = [{transform_indices = #map}, {transform_indices = #map}, {transform_indices = #map}, {transform_indices = #map}, {transform_indices = #map}, {transform_indices = #map1}, {transform_indices = #map1}]} {
    %mul3A = arith.constant 2 : i32
    %mul3A_0 = arith.muli %arg1, %mul3A : i32
    %add3A = arith.addi %mul3A_0, %arg0 : i32
    %jit3A = arith.constant 8 : i32
    %div3A = arith.divsi %add3A, %jit3A : i32
    %sign3A = arith.constant 0 : i32
    %sign3A_1 = arith.cmpi sgt, %add3A, %sign3A : i32
    %sign3A_2 = arith.extui %sign3A_1 : i1 to i32
    %sign3A_3 = arith.constant 0 : i32
    %sign3A_4 = arith.cmpi slt, %add3A, %sign3A_3 : i32
    %sign3A_5 = arith.extui %sign3A_4 : i1 to i32
    %sign3A_6 = arith.subi %sign3A_2, %sign3A_5 : i32
    %sign3A_7 = arith.constant 0 : i32
    %sign3A_8 = arith.cmpi sgt, %jit3A, %sign3A_7 : i32
    %sign3A_9 = arith.extui %sign3A_8 : i1 to i32
    %sign3A_10 = arith.constant 0 : i32
    %sign3A_11 = arith.cmpi slt, %jit3A, %sign3A_10 : i32
    %sign3A_12 = arith.extui %sign3A_11 : i1 to i32
    %sign3A_13 = arith.subi %sign3A_9, %sign3A_12 : i32
    %ne3A = arith.cmpi ne, %sign3A_6, %sign3A_13 : i32
    %rem3A = arith.remsi %add3A, %jit3A : i32
    %ne3A_14 = arith.constant 0 : i32
    %ne3A_15 = arith.cmpi ne, %rem3A, %ne3A_14 : i32
    %and3A = arith.andi %ne3A, %ne3A_15 : i1
    %sub3A = arith.constant 1 : i32
    %sub3A_16 = arith.subi %div3A, %sub3A : i32
    %select_n3A = arith.select %and3A, %sub3A_16, %div3A : i32
    %jit3A_17 = arith.constant 8 : i32
    %eq3A = arith.constant 0 : i32
    %eq3A_18 = arith.cmpi eq, %jit3A_17, %eq3A : i32
    %jit3A_19 = arith.constant 1 : i32
    %select_n3A_20 = arith.select %eq3A_18, %jit3A_19, %jit3A_17 : i32
    %rem3A_21 = arith.remsi %add3A, %select_n3A_20 : i32
    %ne3A_22 = arith.constant 0 : i32
    %ne3A_23 = arith.cmpi ne, %rem3A_21, %ne3A_22 : i32
    %lt3A = arith.constant 0 : i32
    %lt3A_24 = arith.cmpi slt, %rem3A_21, %lt3A : i32
    %lt3A_25 = arith.constant 0 : i32
    %lt3A_26 = arith.cmpi slt, %select_n3A_20, %lt3A_25 : i32
    %ne3A_27 = arith.xori %lt3A_24, %lt3A_26 : i1
    %and3A_28 = arith.andi %ne3A_27, %ne3A_23 : i1
    %add3A_29 = arith.addi %rem3A_21, %select_n3A_20 : i32
    %select_n3A_30 = arith.select %and3A_28, %add3A_29, %rem3A_21 : i32
    %jit3A_31 = arith.constant 4 : i32
    %eq3A_32 = arith.constant 0 : i32
    %eq3A_33 = arith.cmpi eq, %jit3A_31, %eq3A_32 : i32
    %jit3A_34 = arith.constant 1 : i32
    %select_n3A_35 = arith.select %eq3A_33, %jit3A_34, %jit3A_31 : i32
    %rem3A_36 = arith.remsi %select_n3A_30, %select_n3A_35 : i32
    %ne3A_37 = arith.constant 0 : i32
    %ne3A_38 = arith.cmpi ne, %rem3A_36, %ne3A_37 : i32
    %lt3A_39 = arith.constant 0 : i32
    %lt3A_40 = arith.cmpi slt, %rem3A_36, %lt3A_39 : i32
    %lt3A_41 = arith.constant 0 : i32
    %lt3A_42 = arith.cmpi slt, %select_n3A_35, %lt3A_41 : i32
    %ne3A_43 = arith.xori %lt3A_40, %lt3A_42 : i1
    %and3A_44 = arith.andi %ne3A_43, %ne3A_38 : i1
    %add3A_45 = arith.addi %rem3A_36, %select_n3A_35 : i32
    %select_n3A_46 = arith.select %and3A_44, %add3A_45, %rem3A_36 : i32
    %jit3A_47 = arith.constant 4 : i32
    %div3A_48 = arith.divsi %select_n3A_30, %jit3A_47 : i32
    %sign3A_49 = arith.constant 0 : i32
    %sign3A_50 = arith.cmpi sgt, %select_n3A_30, %sign3A_49 : i32
    %sign3A_51 = arith.extui %sign3A_50 : i1 to i32
    %sign3A_52 = arith.constant 0 : i32
    %sign3A_53 = arith.cmpi slt, %select_n3A_30, %sign3A_52 : i32
    %sign3A_54 = arith.extui %sign3A_53 : i1 to i32
    %sign3A_55 = arith.subi %sign3A_51, %sign3A_54 : i32
    %sign3A_56 = arith.constant 0 : i32
    %sign3A_57 = arith.cmpi sgt, %jit3A_47, %sign3A_56 : i32
    %sign3A_58 = arith.extui %sign3A_57 : i1 to i32
    %sign3A_59 = arith.constant 0 : i32
    %sign3A_60 = arith.cmpi slt, %jit3A_47, %sign3A_59 : i32
    %sign3A_61 = arith.extui %sign3A_60 : i1 to i32
    %sign3A_62 = arith.subi %sign3A_58, %sign3A_61 : i32
    %ne3A_63 = arith.cmpi ne, %sign3A_55, %sign3A_62 : i32
    %rem3A_64 = arith.remsi %select_n3A_30, %jit3A_47 : i32
    %ne3A_65 = arith.constant 0 : i32
    %ne3A_66 = arith.cmpi ne, %rem3A_64, %ne3A_65 : i32
    %and3A_67 = arith.andi %ne3A_63, %ne3A_66 : i1
    %sub3A_68 = arith.constant 1 : i32
    %sub3A_69 = arith.subi %div3A_48, %sub3A_68 : i32
    %select_n3A_70 = arith.select %and3A_67, %sub3A_69, %div3A_48 : i32
    %mul3A_71 = arith.constant 128 : i32
    %mul3A_72 = arith.muli %select_n3A_46, %mul3A_71 : i32
    %mul3A_73 = arith.constant 32 : i32
    %mul3A_74 = arith.muli %select_n3A_70, %mul3A_73 : i32
    %mul3A_75 = arith.constant 512 : i32
    %mul3A_76 = arith.muli %select_n3A, %mul3A_75 : i32
    %add3A_77 = arith.addi %mul3A_76, %mul3A_72 : i32
    "tpu.region"() ({
      %run_scoped3A = tpu.sem_alloc : memref<!tpu.dma_semaphore, #tpu.memory_space<semaphore_mem>>
      %dma_start3A_969 = tpu.memref_slice %arg2[%add3A_77] : memref<2048xi32, #tpu.memory_space<hbm>> -> memref<128xi32, #tpu.memory_space<hbm>>
      %dma_start3A_970 = tpu.memref_slice %arg2[%add3A_77] : memref<2048xi32, #tpu.memory_space<hbm>> -> memref<128xi32, #tpu.memory_space<hbm>>
      tpu.enqueue_dma source(%dma_start3A_970 : memref<128xi32, #tpu.memory_space<hbm>>) target(%arg9 : memref<128xi32, #tpu.memory_space<vmem>>) target_semaphore(%run_scoped3A : memref<!tpu.dma_semaphore, #tpu.memory_space<semaphore_mem>>)
      %dma_wait3A_971 = tpu.memref_slice %arg2[%add3A_77] : memref<2048xi32, #tpu.memory_space<hbm>> -> memref<128xi32, #tpu.memory_space<hbm>>
      %dma_wait3A_972 = tpu.memref_slice %arg2[%add3A_77] : memref<2048xi32, #tpu.memory_space<hbm>> -> memref<128xi32, #tpu.memory_space<hbm>>
      tpu.wait_dma2 semaphore(%run_scoped3A : memref<!tpu.dma_semaphore, #tpu.memory_space<semaphore_mem>>) src(%dma_wait3A_972 : memref<128xi32, #tpu.memory_space<hbm>>) dst(%arg9 : memref<128xi32, #tpu.memory_space<vmem>>)
      tpu.yield
    }) : () -> ()
    %get3A = arith.constant 0 : index
    %get3A_78 = tpu.vector_load %arg9[%get3A] {strides = array<i32>} : memref<128xi32, #tpu.memory_space<vmem>>, vector<16xi32>,
    %get3A_79 = vector.shape_cast %get3A_78 : vector<16xi32> to vector<16xi32>
    %div3A_80 = arith.constant 224 : i32
    %div3A_81 = vector.broadcast %div3A_80 : i32 to vector<16xi32>
    %div3A_82 = arith.divsi %get3A_79, %div3A_81 : vector<16xi32>
    %mul3A_83 = arith.constant 224 : i32
    %mul3A_84 = vector.broadcast %mul3A_83 : i32 to vector<16xi32>
    %mul3A_85 = arith.muli %div3A_82, %mul3A_84 : vector<16xi32>
    %sub3A_86 = arith.subi %get3A_79, %mul3A_85 : vector<16xi32>
    %convert_element_type3A = arith.sitofp %div3A_82 : vector<16xi32> to vector<16xf32>
    %mul3A_87 = arith.constant 0.00446428591 : f32
    %mul3A_88 = vector.broadcast %mul3A_87 : f32 to vector<16xf32>
    %mul3A_89 = arith.mulf %convert_element_type3A, %mul3A_88 : vector<16xf32>
    %swap3A = arith.constant 3 : i32
    %swap3A_90 = arith.index_cast %swap3A : i32 to index
    %swap3A_91 = arith.constant 0 : index
    %swap3A_92 = tpu.vector_load %arg12[%swap3A_90, %swap3A_91] {strides = array<i32>} : memref<8x128xf32, #tpu.memory_space<vmem>>, vector<1x16xf32>,
    %swap3A_93 = vector.shape_cast %swap3A_92 : vector<1x16xf32> to vector<16xf32>
    %swap3A_94 = vector.shape_cast %mul3A_89 : vector<16xf32> to vector<1x16xf32>
    tpu.vector_store %arg12[%swap3A_90, %swap3A_91], %swap3A_94 {strides = array<i32>} : memref<8x128xf32, #tpu.memory_space<vmem>>, vector<1x16xf32>,
    %convert_element_type3A_95 = arith.sitofp %sub3A_86 : vector<16xi32> to vector<16xf32>
    %mul3A_96 = arith.constant 0.00446428591 : f32
    %mul3A_97 = vector.broadcast %mul3A_96 : f32 to vector<16xf32>
    %mul3A_98 = arith.mulf %convert_element_type3A_95, %mul3A_97 : vector<16xf32>
    %swap3A_99 = arith.constant 4 : i32
    %swap3A_100 = arith.index_cast %swap3A_99 : i32 to index
    %swap3A_101 = arith.constant 0 : index
    %swap3A_102 = tpu.vector_load %arg12[%swap3A_100, %swap3A_101] {strides = array<i32>} : memref<8x128xf32, #tpu.memory_space<vmem>>, vector<1x16xf32>,
    %swap3A_103 = vector.shape_cast %swap3A_102 : vector<1x16xf32> to vector<16xf32>
    %swap3A_104 = vector.shape_cast %mul3A_98 : vector<16xf32> to vector<1x16xf32>
    tpu.vector_store %arg12[%swap3A_100, %swap3A_101], %swap3A_104 {strides = array<i32>} : memref<8x128xf32, #tpu.memory_space<vmem>>, vector<1x16xf32>,
    %broadcast_in_dim3A = arith.constant 0.000000e+00 : f32
    %broadcast_in_dim3A_105 = vector.broadcast %broadcast_in_dim3A : f32 to vector<16xf32>
    %swap3A_106 = arith.constant 7 : i32
    %swap3A_107 = arith.index_cast %swap3A_106 : i32 to index
    %swap3A_108 = arith.constant 0 : index
    %swap3A_109 = tpu.vector_load %arg12[%swap3A_107, %swap3A_108] {strides = array<i32>} : memref<8x128xf32, #tpu.memory_space<vmem>>, vector<1x16xf32>,
    %swap3A_110 = vector.shape_cast %swap3A_109 : vector<1x16xf32> to vector<16xf32>
    %swap3A_111 = vector.shape_cast %broadcast_in_dim3A_105 : vector<16xf32> to vector<1x16xf32>
    tpu.vector_store %arg12[%swap3A_107, %swap3A_108], %swap3A_111 {strides = array<i32>} : memref<8x128xf32, #tpu.memory_space<vmem>>, vector<1x16xf32>,
    %mul3A_112 = arith.constant 50176 : i32
    %mul3A_113 = arith.muli %select_n3A, %mul3A_112 : i32
    %add3A_114 = vector.broadcast %mul3A_113 : i32 to vector<16xi32>
    %add3A_115 = arith.addi %get3A_79, %add3A_114 : vector<16xi32>
    %swap3A_116 = arith.constant 0 : i32
    %swap3A_117 = arith.index_cast %swap3A_116 : i32 to index
    %swap3A_118 = arith.constant 0 : index
    %swap3A_119 = tpu.vector_load %arg10[%swap3A_117, %swap3A_118] {strides = array<i32>} : memref<8x128xi32, #tpu.memory_space<vmem>>, vector<1x16xi32>,
    %swap3A_120 = vector.shape_cast %swap3A_119 : vector<1x16xi32> to vector<16xi32>
    %swap3A_121 = vector.shape_cast %add3A_115 : vector<16xi32> to vector<1x16xi32>
    tpu.vector_store %arg10[%swap3A_117, %swap3A_118], %swap3A_121 {strides = array<i32>} : memref<8x128xi32, #tpu.memory_space<vmem>>, vector<1x16xi32>,
    %get3A_122 = arith.constant 16 : index
    %get3A_123 = tpu.vector_load %arg9[%get3A_122] {strides = array<i32>} : memref<128xi32, #tpu.memory_space<vmem>>, vector<16xi32>,
    %get3A_124 = vector.shape_cast %get3A_123 : vector<16xi32> to vector<16xi32>
    %div3A_125 = arith.constant 224 : i32
    %div3A_126 = vector.broadcast %div3A_125 : i32 to vector<16xi32>
    %div3A_127 = arith.divsi %get3A_124, %div3A_126 : vector<16xi32>
    %mul3A_128 = arith.constant 224 : i32
    %mul3A_129 = vector.broadcast %mul3A_128 : i32 to vector<16xi32>
    %mul3A_130 = arith.muli %div3A_127, %mul3A_129 : vector<16xi32>
    %sub3A_131 = arith.subi %get3A_124, %mul3A_130 : vector<16xi32>
    %convert_element_type3A_132 = arith.sitofp %div3A_127 : vector<16xi32> to vector<16xf32>
    %mul3A_133 = arith.constant 0.00446428591 : f32
    %mul3A_134 = vector.broadcast %mul3A_133 : f32 to vector<16xf32>
    %mul3A_135 = arith.mulf %convert_element_type3A_132, %mul3A_134 : vector<16xf32>
    %swap3A_136 = arith.constant 3 : i32
    %swap3A_137 = arith.index_cast %swap3A_136 : i32 to index
    %swap3A_138 = arith.constant 16 : index
    %swap3A_139 = tpu.vector_load %arg12[%swap3A_137, %swap3A_138] {strides = array<i32>} : memref<8x128xf32, #tpu.memory_space<vmem>>, vector<1x16xf32>,
    %swap3A_140 = vector.shape_cast %swap3A_139 : vector<1x16xf32> to vector<16xf32>
    %swap3A_141 = vector.shape_cast %mul3A_135 : vector<16xf32> to vector<1x16xf32>
    tpu.vector_store %arg12[%swap3A_137, %swap3A_138], %swap3A_141 {strides = array<i32>} : memref<8x128xf32, #tpu.memory_space<vmem>>, vector<1x16xf32>,
    %convert_element_type3A_142 = arith.sitofp %sub3A_131 : vector<16xi32> to vector<16xf32>
    %mul3A_143 = arith.constant 0.00446428591 : f32
    %mul3A_144 = vector.broadcast %mul3A_143 : f32 to vector<16xf32>
    %mul3A_145 = arith.mulf %convert_element_type3A_142, %mul3A_144 : vector<16xf32>
    %swap3A_146 = arith.constant 4 : i32
    %swap3A_147 = arith.index_cast %swap3A_146 : i32 to index
    %swap3A_148 = arith.constant 16 : index
    %swap3A_149 = tpu.vector_load %arg12[%swap3A_147, %swap3A_148] {strides = array<i32>} : memref<8x128xf32, #tpu.memory_space<vmem>>, vector<1x16xf32>,
    %swap3A_150 = vector.shape_cast %swap3A_149 : vector<1x16xf32> to vector<16xf32>
    %swap3A_151 = vector.shape_cast %mul3A_145 : vector<16xf32> to vector<1x16xf32>
    tpu.vector_store %arg12[%swap3A_147, %swap3A_148], %swap3A_151 {strides = array<i32>} : memref<8x128xf32, #tpu.memory_space<vmem>>, vector<1x16xf32>,
    %broadcast_in_dim3A_152 = arith.constant 0.000000e+00 : f32
    %broadcast_in_dim3A_153 = vector.broadcast %broadcast_in_dim3A_152 : f32 to vector<16xf32>
    %swap3A_154 = arith.constant 7 : i32
    %swap3A_155 = arith.index_cast %swap3A_154 : i32 to index
    %swap3A_156 = arith.constant 16 : index
    %swap3A_157 = tpu.vector_load %arg12[%swap3A_155, %swap3A_156] {strides = array<i32>} : memref<8x128xf32, #tpu.memory_space<vmem>>, vector<1x16xf32>,
    %swap3A_158 = vector.shape_cast %swap3A_157 : vector<1x16xf32> to vector<16xf32>
    %swap3A_159 = vector.shape_cast %broadcast_in_dim3A_153 : vector<16xf32> to vector<1x16xf32>
    tpu.vector_store %arg12[%swap3A_155, %swap3A_156], %swap3A_159 {strides = array<i32>} : memref<8x128xf32, #tpu.memory_space<vmem>>, vector<1x16xf32>,
    %mul3A_160 = arith.constant 50176 : i32
    %mul3A_161 = arith.muli %select_n3A, %mul3A_160 : i32
    %add3A_162 = vector.broadcast %mul3A_161 : i32 to vector<16xi32>
    %add3A_163 = arith.addi %get3A_124, %add3A_162 : vector<16xi32>
    %swap3A_164 = arith.constant 0 : i32
    %swap3A_165 = arith.index_cast %swap3A_164 : i32 to index
    %swap3A_166 = arith.constant 16 : index
    %swap3A_167 = tpu.vector_load %arg10[%swap3A_165, %swap3A_166] {strides = array<i32>} : memref<8x128xi32, #tpu.memory_space<vmem>>, vector<1x16xi32>,
    %swap3A_168 = vector.shape_cast %swap3A_167 : vector<1x16xi32> to vector<16xi32>
    %swap3A_169 = vector.shape_cast %add3A_163 : vector<16xi32> to vector<1x16xi32>
    tpu.vector_store %arg10[%swap3A_165, %swap3A_166], %swap3A_169 {strides = array<i32>} : memref<8x128xi32, #tpu.memory_space<vmem>>, vector<1x16xi32>,
    %get3A_170 = arith.constant 32 : index
    %get3A_171 = tpu.vector_load %arg9[%get3A_170] {strides = array<i32>} : memref<128xi32, #tpu.memory_space<vmem>>, vector<16xi32>,
    %get3A_172 = vector.shape_cast %get3A_171 : vector<16xi32> to vector<16xi32>
    %div3A_173 = arith.constant 224 : i32
    %div3A_174 = vector.broadcast %div3A_173 : i32 to vector<16xi32>
    %div3A_175 = arith.divsi %get3A_172, %div3A_174 : vector<16xi32>
    %mul3A_176 = arith.constant 224 : i32
    %mul3A_177 = vector.broadcast %mul3A_176 : i32 to vector<16xi32>
    %mul3A_178 = arith.muli %div3A_175, %mul3A_177 : vector<16xi32>
    %sub3A_179 = arith.subi %get3A_172, %mul3A_178 : vector<16xi32>
    %convert_element_type3A_180 = arith.sitofp %div3A_175 : vector<16xi32> to vector<16xf32>
    %mul3A_181 = arith.constant 0.00446428591 : f32
    %mul3A_182 = vector.broadcast %mul3A_181 : f32 to vector<16xf32>
    %mul3A_183 = arith.mulf %convert_element_type3A_180, %mul3A_182 : vector<16xf32>
    %swap3A_184 = arith.constant 3 : i32
    %swap3A_185 = arith.index_cast %swap3A_184 : i32 to index
    %swap3A_186 = arith.constant 32 : index
    %swap3A_187 = tpu.vector_load %arg12[%swap3A_185, %swap3A_186] {strides = array<i32>} : memref<8x128xf32, #tpu.memory_space<vmem>>, vector<1x16xf32>,
    %swap3A_188 = vector.shape_cast %swap3A_187 : vector<1x16xf32> to vector<16xf32>
    %swap3A_189 = vector.shape_cast %mul3A_183 : vector<16xf32> to vector<1x16xf32>
    tpu.vector_store %arg12[%swap3A_185, %swap3A_186], %swap3A_189 {strides = array<i32>} : memref<8x128xf32, #tpu.memory_space<vmem>>, vector<1x16xf32>,
    %convert_element_type3A_190 = arith.sitofp %sub3A_179 : vector<16xi32> to vector<16xf32>
    %mul3A_191 = arith.constant 0.00446428591 : f32
    %mul3A_192 = vector.broadcast %mul3A_191 : f32 to vector<16xf32>
    %mul3A_193 = arith.mulf %convert_element_type3A_190, %mul3A_192 : vector<16xf32>
    %swap3A_194 = arith.constant 4 : i32
    %swap3A_195 = arith.index_cast %swap3A_194 : i32 to index
    %swap3A_196 = arith.constant 32 : index
    %swap3A_197 = tpu.vector_load %arg12[%swap3A_195, %swap3A_196] {strides = array<i32>} : memref<8x128xf32, #tpu.memory_space<vmem>>, vector<1x16xf32>,
    %swap3A_198 = vector.shape_cast %swap3A_197 : vector<1x16xf32> to vector<16xf32>
    %swap3A_199 = vector.shape_cast %mul3A_193 : vector<16xf32> to vector<1x16xf32>
    tpu.vector_store %arg12[%swap3A_195, %swap3A_196], %swap3A_199 {strides = array<i32>} : memref<8x128xf32, #tpu.memory_space<vmem>>, vector<1x16xf32>,
    %broadcast_in_dim3A_200 = arith.constant 0.000000e+00 : f32
    %broadcast_in_dim3A_201 = vector.broadcast %broadcast_in_dim3A_200 : f32 to vector<16xf32>
    %swap3A_202 = arith.constant 7 : i32
    %swap3A_203 = arith.index_cast %swap3A_202 : i32 to index
    %swap3A_204 = arith.constant 32 : index
    %swap3A_205 = tpu.vector_load %arg12[%swap3A_203, %swap3A_204] {strides = array<i32>} : memref<8x128xf32, #tpu.memory_space<vmem>>, vector<1x16xf32>,
    %swap3A_206 = vector.shape_cast %swap3A_205 : vector<1x16xf32> to vector<16xf32>
    %swap3A_207 = vector.shape_cast %broadcast_in_dim3A_201 : vector<16xf32> to vector<1x16xf32>
    tpu.vector_store %arg12[%swap3A_203, %swap3A_204], %swap3A_207 {strides = array<i32>} : memref<8x128xf32, #tpu.memory_space<vmem>>, vector<1x16xf32>,
    %mul3A_208 = arith.constant 50176 : i32
    %mul3A_209 = arith.muli %select_n3A, %mul3A_208 : i32
    %add3A_210 = vector.broadcast %mul3A_209 : i32 to vector<16xi32>
    %add3A_211 = arith.addi %get3A_172, %add3A_210 : vector<16xi32>
    %swap3A_212 = arith.constant 0 : i32
    %swap3A_213 = arith.index_cast %swap3A_212 : i32 to index
    %swap3A_214 = arith.constant 32 : index
    %swap3A_215 = tpu.vector_load %arg10[%swap3A_213, %swap3A_214] {strides = array<i32>} : memref<8x128xi32, #tpu.memory_space<vmem>>, vector<1x16xi32>,
    %swap3A_216 = vector.shape_cast %swap3A_215 : vector<1x16xi32> to vector<16xi32>
    %swap3A_217 = vector.shape_cast %add3A_211 : vector<16xi32> to vector<1x16xi32>
    tpu.vector_store %arg10[%swap3A_213, %swap3A_214], %swap3A_217 {strides = array<i32>} : memref<8x128xi32, #tpu.memory_space<vmem>>, vector<1x16xi32>,
    %get3A_218 = arith.constant 48 : index
    %get3A_219 = tpu.vector_load %arg9[%get3A_218] {strides = array<i32>} : memref<128xi32, #tpu.memory_space<vmem>>, vector<16xi32>,
    %get3A_220 = vector.shape_cast %get3A_219 : vector<16xi32> to vector<16xi32>
    %div3A_221 = arith.constant 224 : i32
    %div3A_222 = vector.broadcast %div3A_221 : i32 to vector<16xi32>
    %div3A_223 = arith.divsi %get3A_220, %div3A_222 : vector<16xi32>
    %mul3A_224 = arith.constant 224 : i32
    %mul3A_225 = vector.broadcast %mul3A_224 : i32 to vector<16xi32>
    %mul3A_226 = arith.muli %div3A_223, %mul3A_225 : vector<16xi32>
    %sub3A_227 = arith.subi %get3A_220, %mul3A_226 : vector<16xi32>
    %convert_element_type3A_228 = arith.sitofp %div3A_223 : vector<16xi32> to vector<16xf32>
    %mul3A_229 = arith.constant 0.00446428591 : f32
    %mul3A_230 = vector.broadcast %mul3A_229 : f32 to vector<16xf32>
    %mul3A_231 = arith.mulf %convert_element_type3A_228, %mul3A_230 : vector<16xf32>
    %swap3A_232 = arith.constant 3 : i32
    %swap3A_233 = arith.index_cast %swap3A_232 : i32 to index
    %swap3A_234 = arith.constant 48 : index
    %swap3A_235 = tpu.vector_load %arg12[%swap3A_233, %swap3A_234] {strides = array<i32>} : memref<8x128xf32, #tpu.memory_space<vmem>>, vector<1x16xf32>,
    %swap3A_236 = vector.shape_cast %swap3A_235 : vector<1x16xf32> to vector<16xf32>
    %swap3A_237 = vector.shape_cast %mul3A_231 : vector<16xf32> to vector<1x16xf32>
    tpu.vector_store %arg12[%swap3A_233, %swap3A_234], %swap3A_237 {strides = array<i32>} : memref<8x128xf32, #tpu.memory_space<vmem>>, vector<1x16xf32>,
    %convert_element_type3A_238 = arith.sitofp %sub3A_227 : vector<16xi32> to vector<16xf32>
    %mul3A_239 = arith.constant 0.00446428591 : f32
    %mul3A_240 = vector.broadcast %mul3A_239 : f32 to vector<16xf32>
    %mul3A_241 = arith.mulf %convert_element_type3A_238, %mul3A_240 : vector<16xf32>
    %swap3A_242 = arith.constant 4 : i32
    %swap3A_243 = arith.index_cast %swap3A_242 : i32 to index
    %swap3A_244 = arith.constant 48 : index
    %swap3A_245 = tpu.vector_load %arg12[%swap3A_243, %swap3A_244] {strides = array<i32>} : memref<8x128xf32, #tpu.memory_space<vmem>>, vector<1x16xf32>,
    %swap3A_246 = vector.shape_cast %swap3A_245 : vector<1x16xf32> to vector<16xf32>
    %swap3A_247 = vector.shape_cast %mul3A_241 : vector<16xf32> to vector<1x16xf32>
    tpu.vector_store %arg12[%swap3A_243, %swap3A_244], %swap3A_247 {strides = array<i32>} : memref<8x128xf32, #tpu.memory_space<vmem>>, vector<1x16xf32>,
    %broadcast_in_dim3A_248 = arith.constant 0.000000e+00 : f32
    %broadcast_in_dim3A_249 = vector.broadcast %broadcast_in_dim3A_248 : f32 to vector<16xf32>
    %swap3A_250 = arith.constant 7 : i32
    %swap3A_251 = arith.index_cast %swap3A_250 : i32 to index
    %swap3A_252 = arith.constant 48 : index
    %swap3A_253 = tpu.vector_load %arg12[%swap3A_251, %swap3A_252] {strides = array<i32>} : memref<8x128xf32, #tpu.memory_space<vmem>>, vector<1x16xf32>,
    %swap3A_254 = vector.shape_cast %swap3A_253 : vector<1x16xf32> to vector<16xf32>
    %swap3A_255 = vector.shape_cast %broadcast_in_dim3A_249 : vector<16xf32> to vector<1x16xf32>
    tpu.vector_store %arg12[%swap3A_251, %swap3A_252], %swap3A_255 {strides = array<i32>} : memref<8x128xf32, #tpu.memory_space<vmem>>, vector<1x16xf32>,
    %mul3A_256 = arith.constant 50176 : i32
    %mul3A_257 = arith.muli %select_n3A, %mul3A_256 : i32
    %add3A_258 = vector.broadcast %mul3A_257 : i32 to vector<16xi32>
    %add3A_259 = arith.addi %get3A_220, %add3A_258 : vector<16xi32>
    %swap3A_260 = arith.constant 0 : i32
    %swap3A_261 = arith.index_cast %swap3A_260 : i32 to index
    %swap3A_262 = arith.constant 48 : index
    %swap3A_263 = tpu.vector_load %arg10[%swap3A_261, %swap3A_262] {strides = array<i32>} : memref<8x128xi32, #tpu.memory_space<vmem>>, vector<1x16xi32>,
    %swap3A_264 = vector.shape_cast %swap3A_263 : vector<1x16xi32> to vector<16xi32>
    %swap3A_265 = vector.shape_cast %add3A_259 : vector<16xi32> to vector<1x16xi32>
    tpu.vector_store %arg10[%swap3A_261, %swap3A_262], %swap3A_265 {strides = array<i32>} : memref<8x128xi32, #tpu.memory_space<vmem>>, vector<1x16xi32>,
    %get3A_266 = arith.constant 64 : index
    %get3A_267 = tpu.vector_load %arg9[%get3A_266] {strides = array<i32>} : memref<128xi32, #tpu.memory_space<vmem>>, vector<16xi32>,
    %get3A_268 = vector.shape_cast %get3A_267 : vector<16xi32> to vector<16xi32>
    %div3A_269 = arith.constant 224 : i32
    %div3A_270 = vector.broadcast %div3A_269 : i32 to vector<16xi32>
    %div3A_271 = arith.divsi %get3A_268, %div3A_270 : vector<16xi32>
    %mul3A_272 = arith.constant 224 : i32
    %mul3A_273 = vector.broadcast %mul3A_272 : i32 to vector<16xi32>
    %mul3A_274 = arith.muli %div3A_271, %mul3A_273 : vector<16xi32>
    %sub3A_275 = arith.subi %get3A_268, %mul3A_274 : vector<16xi32>
    %convert_element_type3A_276 = arith.sitofp %div3A_271 : vector<16xi32> to vector<16xf32>
    %mul3A_277 = arith.constant 0.00446428591 : f32
    %mul3A_278 = vector.broadcast %mul3A_277 : f32 to vector<16xf32>
    %mul3A_279 = arith.mulf %convert_element_type3A_276, %mul3A_278 : vector<16xf32>
    %swap3A_280 = arith.constant 3 : i32
    %swap3A_281 = arith.index_cast %swap3A_280 : i32 to index
    %swap3A_282 = arith.constant 64 : index
    %swap3A_283 = tpu.vector_load %arg12[%swap3A_281, %swap3A_282] {strides = array<i32>} : memref<8x128xf32, #tpu.memory_space<vmem>>, vector<1x16xf32>,
    %swap3A_284 = vector.shape_cast %swap3A_283 : vector<1x16xf32> to vector<16xf32>
    %swap3A_285 = vector.shape_cast %mul3A_279 : vector<16xf32> to vector<1x16xf32>
    tpu.vector_store %arg12[%swap3A_281, %swap3A_282], %swap3A_285 {strides = array<i32>} : memref<8x128xf32, #tpu.memory_space<vmem>>, vector<1x16xf32>,
    %convert_element_type3A_286 = arith.sitofp %sub3A_275 : vector<16xi32> to vector<16xf32>
    %mul3A_287 = arith.constant 0.00446428591 : f32
    %mul3A_288 = vector.broadcast %mul3A_287 : f32 to vector<16xf32>
    %mul3A_289 = arith.mulf %convert_element_type3A_286, %mul3A_288 : vector<16xf32>
    %swap3A_290 = arith.constant 4 : i32
    %swap3A_291 = arith.index_cast %swap3A_290 : i32 to index
    %swap3A_292 = arith.constant 64 : index
    %swap3A_293 = tpu.vector_load %arg12[%swap3A_291, %swap3A_292] {strides = array<i32>} : memref<8x128xf32, #tpu.memory_space<vmem>>, vector<1x16xf32>,
    %swap3A_294 = vector.shape_cast %swap3A_293 : vector<1x16xf32> to vector<16xf32>
    %swap3A_295 = vector.shape_cast %mul3A_289 : vector<16xf32> to vector<1x16xf32>
    tpu.vector_store %arg12[%swap3A_291, %swap3A_292], %swap3A_295 {strides = array<i32>} : memref<8x128xf32, #tpu.memory_space<vmem>>, vector<1x16xf32>,
    %broadcast_in_dim3A_296 = arith.constant 0.000000e+00 : f32
    %broadcast_in_dim3A_297 = vector.broadcast %broadcast_in_dim3A_296 : f32 to vector<16xf32>
    %swap3A_298 = arith.constant 7 : i32
    %swap3A_299 = arith.index_cast %swap3A_298 : i32 to index
    %swap3A_300 = arith.constant 64 : index
    %swap3A_301 = tpu.vector_load %arg12[%swap3A_299, %swap3A_300] {strides = array<i32>} : memref<8x128xf32, #tpu.memory_space<vmem>>, vector<1x16xf32>,
    %swap3A_302 = vector.shape_cast %swap3A_301 : vector<1x16xf32> to vector<16xf32>
    %swap3A_303 = vector.shape_cast %broadcast_in_dim3A_297 : vector<16xf32> to vector<1x16xf32>
    tpu.vector_store %arg12[%swap3A_299, %swap3A_300], %swap3A_303 {strides = array<i32>} : memref<8x128xf32, #tpu.memory_space<vmem>>, vector<1x16xf32>,
    %mul3A_304 = arith.constant 50176 : i32
    %mul3A_305 = arith.muli %select_n3A, %mul3A_304 : i32
    %add3A_306 = vector.broadcast %mul3A_305 : i32 to vector<16xi32>
    %add3A_307 = arith.addi %get3A_268, %add3A_306 : vector<16xi32>
    %swap3A_308 = arith.constant 0 : i32
    %swap3A_309 = arith.index_cast %swap3A_308 : i32 to index
    %swap3A_310 = arith.constant 64 : index
    %swap3A_311 = tpu.vector_load %arg10[%swap3A_309, %swap3A_310] {strides = array<i32>} : memref<8x128xi32, #tpu.memory_space<vmem>>, vector<1x16xi32>,
    %swap3A_312 = vector.shape_cast %swap3A_311 : vector<1x16xi32> to vector<16xi32>
    %swap3A_313 = vector.shape_cast %add3A_307 : vector<16xi32> to vector<1x16xi32>
    tpu.vector_store %arg10[%swap3A_309, %swap3A_310], %swap3A_313 {strides = array<i32>} : memref<8x128xi32, #tpu.memory_space<vmem>>, vector<1x16xi32>,
    %get3A_314 = arith.constant 80 : index
    %get3A_315 = tpu.vector_load %arg9[%get3A_314] {strides = array<i32>} : memref<128xi32, #tpu.memory_space<vmem>>, vector<16xi32>,
    %get3A_316 = vector.shape_cast %get3A_315 : vector<16xi32> to vector<16xi32>
    %div3A_317 = arith.constant 224 : i32
    %div3A_318 = vector.broadcast %div3A_317 : i32 to vector<16xi32>
    %div3A_319 = arith.divsi %get3A_316, %div3A_318 : vector<16xi32>
    %mul3A_320 = arith.constant 224 : i32
    %mul3A_321 = vector.broadcast %mul3A_320 : i32 to vector<16xi32>
    %mul3A_322 = arith.muli %div3A_319, %mul3A_321 : vector<16xi32>
    %sub3A_323 = arith.subi %get3A_316, %mul3A_322 : vector<16xi32>
    %convert_element_type3A_324 = arith.sitofp %div3A_319 : vector<16xi32> to vector<16xf32>
    %mul3A_325 = arith.constant 0.00446428591 : f32
    %mul3A_326 = vector.broadcast %mul3A_325 : f32 to vector<16xf32>
    %mul3A_327 = arith.mulf %convert_element_type3A_324, %mul3A_326 : vector<16xf32>
    %swap3A_328 = arith.constant 3 : i32
    %swap3A_329 = arith.index_cast %swap3A_328 : i32 to index
    %swap3A_330 = arith.constant 80 : index
    %swap3A_331 = tpu.vector_load %arg12[%swap3A_329, %swap3A_330] {strides = array<i32>} : memref<8x128xf32, #tpu.memory_space<vmem>>, vector<1x16xf32>,
    %swap3A_332 = vector.shape_cast %swap3A_331 : vector<1x16xf32> to vector<16xf32>
    %swap3A_333 = vector.shape_cast %mul3A_327 : vector<16xf32> to vector<1x16xf32>
    tpu.vector_store %arg12[%swap3A_329, %swap3A_330], %swap3A_333 {strides = array<i32>} : memref<8x128xf32, #tpu.memory_space<vmem>>, vector<1x16xf32>,
    %convert_element_type3A_334 = arith.sitofp %sub3A_323 : vector<16xi32> to vector<16xf32>
    %mul3A_335 = arith.constant 0.00446428591 : f32
    %mul3A_336 = vector.broadcast %mul3A_335 : f32 to vector<16xf32>
    %mul3A_337 = arith.mulf %convert_element_type3A_334, %mul3A_336 : vector<16xf32>
    %swap3A_338 = arith.constant 4 : i32
    %swap3A_339 = arith.index_cast %swap3A_338 : i32 to index
    %swap3A_340 = arith.constant 80 : index
    %swap3A_341 = tpu.vector_load %arg12[%swap3A_339, %swap3A_340] {strides = array<i32>} : memref<8x128xf32, #tpu.memory_space<vmem>>, vector<1x16xf32>,
    %swap3A_342 = vector.shape_cast %swap3A_341 : vector<1x16xf32> to vector<16xf32>
    %swap3A_343 = vector.shape_cast %mul3A_337 : vector<16xf32> to vector<1x16xf32>
    tpu.vector_store %arg12[%swap3A_339, %swap3A_340], %swap3A_343 {strides = array<i32>} : memref<8x128xf32, #tpu.memory_space<vmem>>, vector<1x16xf32>,
    %broadcast_in_dim3A_344 = arith.constant 0.000000e+00 : f32
    %broadcast_in_dim3A_345 = vector.broadcast %broadcast_in_dim3A_344 : f32 to vector<16xf32>
    %swap3A_346 = arith.constant 7 : i32
    %swap3A_347 = arith.index_cast %swap3A_346 : i32 to index
    %swap3A_348 = arith.constant 80 : index
    %swap3A_349 = tpu.vector_load %arg12[%swap3A_347, %swap3A_348] {strides = array<i32>} : memref<8x128xf32, #tpu.memory_space<vmem>>, vector<1x16xf32>,
    %swap3A_350 = vector.shape_cast %swap3A_349 : vector<1x16xf32> to vector<16xf32>
    %swap3A_351 = vector.shape_cast %broadcast_in_dim3A_345 : vector<16xf32> to vector<1x16xf32>
    tpu.vector_store %arg12[%swap3A_347, %swap3A_348], %swap3A_351 {strides = array<i32>} : memref<8x128xf32, #tpu.memory_space<vmem>>, vector<1x16xf32>,
    %mul3A_352 = arith.constant 50176 : i32
    %mul3A_353 = arith.muli %select_n3A, %mul3A_352 : i32
    %add3A_354 = vector.broadcast %mul3A_353 : i32 to vector<16xi32>
    %add3A_355 = arith.addi %get3A_316, %add3A_354 : vector<16xi32>
    %swap3A_356 = arith.constant 0 : i32
    %swap3A_357 = arith.index_cast %swap3A_356 : i32 to index
    %swap3A_358 = arith.constant 80 : index
    %swap3A_359 = tpu.vector_load %arg10[%swap3A_357, %swap3A_358] {strides = array<i32>} : memref<8x128xi32, #tpu.memory_space<vmem>>, vector<1x16xi32>,
    %swap3A_360 = vector.shape_cast %swap3A_359 : vector<1x16xi32> to vector<16xi32>
    %swap3A_361 = vector.shape_cast %add3A_355 : vector<16xi32> to vector<1x16xi32>
    tpu.vector_store %arg10[%swap3A_357, %swap3A_358], %swap3A_361 {strides = array<i32>} : memref<8x128xi32, #tpu.memory_space<vmem>>, vector<1x16xi32>,
    %get3A_362 = arith.constant 96 : index
    %get3A_363 = tpu.vector_load %arg9[%get3A_362] {strides = array<i32>} : memref<128xi32, #tpu.memory_space<vmem>>, vector<16xi32>,
    %get3A_364 = vector.shape_cast %get3A_363 : vector<16xi32> to vector<16xi32>
    %div3A_365 = arith.constant 224 : i32
    %div3A_366 = vector.broadcast %div3A_365 : i32 to vector<16xi32>
    %div3A_367 = arith.divsi %get3A_364, %div3A_366 : vector<16xi32>
    %mul3A_368 = arith.constant 224 : i32
    %mul3A_369 = vector.broadcast %mul3A_368 : i32 to vector<16xi32>
    %mul3A_370 = arith.muli %div3A_367, %mul3A_369 : vector<16xi32>
    %sub3A_371 = arith.subi %get3A_364, %mul3A_370 : vector<16xi32>
    %convert_element_type3A_372 = arith.sitofp %div3A_367 : vector<16xi32> to vector<16xf32>
    %mul3A_373 = arith.constant 0.00446428591 : f32
    %mul3A_374 = vector.broadcast %mul3A_373 : f32 to vector<16xf32>
    %mul3A_375 = arith.mulf %convert_element_type3A_372, %mul3A_374 : vector<16xf32>
    %swap3A_376 = arith.constant 3 : i32
    %swap3A_377 = arith.index_cast %swap3A_376 : i32 to index
    %swap3A_378 = arith.constant 96 : index
    %swap3A_379 = tpu.vector_load %arg12[%swap3A_377, %swap3A_378] {strides = array<i32>} : memref<8x128xf32, #tpu.memory_space<vmem>>, vector<1x16xf32>,
    %swap3A_380 = vector.shape_cast %swap3A_379 : vector<1x16xf32> to vector<16xf32>
    %swap3A_381 = vector.shape_cast %mul3A_375 : vector<16xf32> to vector<1x16xf32>
    tpu.vector_store %arg12[%swap3A_377, %swap3A_378], %swap3A_381 {strides = array<i32>} : memref<8x128xf32, #tpu.memory_space<vmem>>, vector<1x16xf32>,
    %convert_element_type3A_382 = arith.sitofp %sub3A_371 : vector<16xi32> to vector<16xf32>
    %mul3A_383 = arith.constant 0.00446428591 : f32
    %mul3A_384 = vector.broadcast %mul3A_383 : f32 to vector<16xf32>
    %mul3A_385 = arith.mulf %convert_element_type3A_382, %mul3A_384 : vector<16xf32>
    %swap3A_386 = arith.constant 4 : i32
    %swap3A_387 = arith.index_cast %swap3A_386 : i32 to index
    %swap3A_388 = arith.constant 96 : index
    %swap3A_389 = tpu.vector_load %arg12[%swap3A_387, %swap3A_388] {strides = array<i32>} : memref<8x128xf32, #tpu.memory_space<vmem>>, vector<1x16xf32>,
    %swap3A_390 = vector.shape_cast %swap3A_389 : vector<1x16xf32> to vector<16xf32>
    %swap3A_391 = vector.shape_cast %mul3A_385 : vector<16xf32> to vector<1x16xf32>
    tpu.vector_store %arg12[%swap3A_387, %swap3A_388], %swap3A_391 {strides = array<i32>} : memref<8x128xf32, #tpu.memory_space<vmem>>, vector<1x16xf32>,
    %broadcast_in_dim3A_392 = arith.constant 0.000000e+00 : f32
    %broadcast_in_dim3A_393 = vector.broadcast %broadcast_in_dim3A_392 : f32 to vector<16xf32>
    %swap3A_394 = arith.constant 7 : i32
    %swap3A_395 = arith.index_cast %swap3A_394 : i32 to index
    %swap3A_396 = arith.constant 96 : index
    %swap3A_397 = tpu.vector_load %arg12[%swap3A_395, %swap3A_396] {strides = array<i32>} : memref<8x128xf32, #tpu.memory_space<vmem>>, vector<1x16xf32>,
    %swap3A_398 = vector.shape_cast %swap3A_397 : vector<1x16xf32> to vector<16xf32>
    %swap3A_399 = vector.shape_cast %broadcast_in_dim3A_393 : vector<16xf32> to vector<1x16xf32>
    tpu.vector_store %arg12[%swap3A_395, %swap3A_396], %swap3A_399 {strides = array<i32>} : memref<8x128xf32, #tpu.memory_space<vmem>>, vector<1x16xf32>,
    %mul3A_400 = arith.constant 50176 : i32
    %mul3A_401 = arith.muli %select_n3A, %mul3A_400 : i32
    %add3A_402 = vector.broadcast %mul3A_401 : i32 to vector<16xi32>
    %add3A_403 = arith.addi %get3A_364, %add3A_402 : vector<16xi32>
    %swap3A_404 = arith.constant 0 : i32
    %swap3A_405 = arith.index_cast %swap3A_404 : i32 to index
    %swap3A_406 = arith.constant 96 : index
    %swap3A_407 = tpu.vector_load %arg10[%swap3A_405, %swap3A_406] {strides = array<i32>} : memref<8x128xi32, #tpu.memory_space<vmem>>, vector<1x16xi32>,
    %swap3A_408 = vector.shape_cast %swap3A_407 : vector<1x16xi32> to vector<16xi32>
    %swap3A_409 = vector.shape_cast %add3A_403 : vector<16xi32> to vector<1x16xi32>
    tpu.vector_store %arg10[%swap3A_405, %swap3A_406], %swap3A_409 {strides = array<i32>} : memref<8x128xi32, #tpu.memory_space<vmem>>, vector<1x16xi32>,
    %get3A_410 = arith.constant 112 : index
    %get3A_411 = tpu.vector_load %arg9[%get3A_410] {strides = array<i32>} : memref<128xi32, #tpu.memory_space<vmem>>, vector<16xi32>,
    %get3A_412 = vector.shape_cast %get3A_411 : vector<16xi32> to vector<16xi32>
    %div3A_413 = arith.constant 224 : i32
    %div3A_414 = vector.broadcast %div3A_413 : i32 to vector<16xi32>
    %div3A_415 = arith.divsi %get3A_412, %div3A_414 : vector<16xi32>
    %mul3A_416 = arith.constant 224 : i32
    %mul3A_417 = vector.broadcast %mul3A_416 : i32 to vector<16xi32>
    %mul3A_418 = arith.muli %div3A_415, %mul3A_417 : vector<16xi32>
    %sub3A_419 = arith.subi %get3A_412, %mul3A_418 : vector<16xi32>
    %convert_element_type3A_420 = arith.sitofp %div3A_415 : vector<16xi32> to vector<16xf32>
    %mul3A_421 = arith.constant 0.00446428591 : f32
    %mul3A_422 = vector.broadcast %mul3A_421 : f32 to vector<16xf32>
    %mul3A_423 = arith.mulf %convert_element_type3A_420, %mul3A_422 : vector<16xf32>
    %swap3A_424 = arith.constant 3 : i32
    %swap3A_425 = arith.index_cast %swap3A_424 : i32 to index
    %swap3A_426 = arith.constant 112 : index
    %swap3A_427 = tpu.vector_load %arg12[%swap3A_425, %swap3A_426] {strides = array<i32>} : memref<8x128xf32, #tpu.memory_space<vmem>>, vector<1x16xf32>,
    %swap3A_428 = vector.shape_cast %swap3A_427 : vector<1x16xf32> to vector<16xf32>
    %swap3A_429 = vector.shape_cast %mul3A_423 : vector<16xf32> to vector<1x16xf32>
    tpu.vector_store %arg12[%swap3A_425, %swap3A_426], %swap3A_429 {strides = array<i32>} : memref<8x128xf32, #tpu.memory_space<vmem>>, vector<1x16xf32>,
    %convert_element_type3A_430 = arith.sitofp %sub3A_419 : vector<16xi32> to vector<16xf32>
    %mul3A_431 = arith.constant 0.00446428591 : f32
    %mul3A_432 = vector.broadcast %mul3A_431 : f32 to vector<16xf32>
    %mul3A_433 = arith.mulf %convert_element_type3A_430, %mul3A_432 : vector<16xf32>
    %swap3A_434 = arith.constant 4 : i32
    %swap3A_435 = arith.index_cast %swap3A_434 : i32 to index
    %swap3A_436 = arith.constant 112 : index
    %swap3A_437 = tpu.vector_load %arg12[%swap3A_435, %swap3A_436] {strides = array<i32>} : memref<8x128xf32, #tpu.memory_space<vmem>>, vector<1x16xf32>,
    %swap3A_438 = vector.shape_cast %swap3A_437 : vector<1x16xf32> to vector<16xf32>
    %swap3A_439 = vector.shape_cast %mul3A_433 : vector<16xf32> to vector<1x16xf32>
    tpu.vector_store %arg12[%swap3A_435, %swap3A_436], %swap3A_439 {strides = array<i32>} : memref<8x128xf32, #tpu.memory_space<vmem>>, vector<1x16xf32>,
    %broadcast_in_dim3A_440 = arith.constant 0.000000e+00 : f32
    %broadcast_in_dim3A_441 = vector.broadcast %broadcast_in_dim3A_440 : f32 to vector<16xf32>
    %swap3A_442 = arith.constant 7 : i32
    %swap3A_443 = arith.index_cast %swap3A_442 : i32 to index
    %swap3A_444 = arith.constant 112 : index
    %swap3A_445 = tpu.vector_load %arg12[%swap3A_443, %swap3A_444] {strides = array<i32>} : memref<8x128xf32, #tpu.memory_space<vmem>>, vector<1x16xf32>,
    %swap3A_446 = vector.shape_cast %swap3A_445 : vector<1x16xf32> to vector<16xf32>
    %swap3A_447 = vector.shape_cast %broadcast_in_dim3A_441 : vector<16xf32> to vector<1x16xf32>
    tpu.vector_store %arg12[%swap3A_443, %swap3A_444], %swap3A_447 {strides = array<i32>} : memref<8x128xf32, #tpu.memory_space<vmem>>, vector<1x16xf32>,
    %mul3A_448 = arith.constant 50176 : i32
    %mul3A_449 = arith.muli %select_n3A, %mul3A_448 : i32
    %add3A_450 = vector.broadcast %mul3A_449 : i32 to vector<16xi32>
    %add3A_451 = arith.addi %get3A_412, %add3A_450 : vector<16xi32>
    %swap3A_452 = arith.constant 0 : i32
    %swap3A_453 = arith.index_cast %swap3A_452 : i32 to index
    %swap3A_454 = arith.constant 112 : index
    %swap3A_455 = tpu.vector_load %arg10[%swap3A_453, %swap3A_454] {strides = array<i32>} : memref<8x128xi32, #tpu.memory_space<vmem>>, vector<1x16xi32>,
    %swap3A_456 = vector.shape_cast %swap3A_455 : vector<1x16xi32> to vector<16xi32>
    %swap3A_457 = vector.shape_cast %add3A_451 : vector<16xi32> to vector<1x16xi32>
    tpu.vector_store %arg10[%swap3A_453, %swap3A_454], %swap3A_457 {strides = array<i32>} : memref<8x128xi32, #tpu.memory_space<vmem>>, vector<1x16xi32>,
    %dma_start3A = arith.constant 0 : i32
    %dma_start3A_458 = arith.constant 5 : i32
    %dma_start3A_459 = arith.constant 0 : i32
    %dma_start3A_460 = tpu.memref_slice %arg12[%dma_start3A_458, %dma_start3A_459] : memref<8x128xf32, #tpu.memory_space<vmem>> -> memref<1x128xf32, #tpu.memory_space<vmem>>
    %dma_start3A_461 = tpu.memref_squeeze %dma_start3A_460 : memref<1x128xf32, #tpu.memory_space<vmem>> -> memref<128xf32, #tpu.memory_space<vmem>>
    %dma_start3A_462 = arith.constant 0 : i32
    %dma_start3A_463 = tpu.memref_slice %arg10[%dma_start3A, %dma_start3A_462] : memref<8x128xi32, #tpu.memory_space<vmem>> -> memref<1x128xi32, #tpu.memory_space<vmem>>
    %dma_start3A_464 = tpu.memref_squeeze %dma_start3A_463 : memref<1x128xi32, #tpu.memory_space<vmem>> -> memref<128xi32, #tpu.memory_space<vmem>>
    %dma_start3A_465 = arith.constant 0 : i32
    %dma_start3A_466 = tpu.memref_slice %arg5[%dma_start3A_465] : memref<200704xf32, #tpu.memory_space<hbm>> -> memref<200704xf32, #tpu.memory_space<hbm>>
    tpu.enqueue_indirect_dma source(%dma_start3A_466 : memref<200704xf32, #tpu.memory_space<hbm>>) target(%dma_start3A_461 : memref<128xf32, #tpu.memory_space<vmem>>) offsets(%dma_start3A_464 : memref<128xi32, #tpu.memory_space<vmem>>) semaphore(%arg13 : memref<!tpu.dma_semaphore, #tpu.memory_space<semaphore_mem>>)
    %dma_start3A_467 = arith.constant 0 : i32
    %dma_start3A_468 = arith.constant 6 : i32
    %dma_start3A_469 = arith.constant 0 : i32
    %dma_start3A_470 = tpu.memref_slice %arg12[%dma_start3A_468, %dma_start3A_469] : memref<8x128xf32, #tpu.memory_space<vmem>> -> memref<1x128xf32, #tpu.memory_space<vmem>>
    %dma_start3A_471 = tpu.memref_squeeze %dma_start3A_470 : memref<1x128xf32, #tpu.memory_space<vmem>> -> memref<128xf32, #tpu.memory_space<vmem>>
    %dma_start3A_472 = arith.constant 0 : i32
    %dma_start3A_473 = tpu.memref_slice %arg10[%dma_start3A_467, %dma_start3A_472] : memref<8x128xi32, #tpu.memory_space<vmem>> -> memref<1x128xi32, #tpu.memory_space<vmem>>
    %dma_start3A_474 = tpu.memref_squeeze %dma_start3A_473 : memref<1x128xi32, #tpu.memory_space<vmem>> -> memref<128xi32, #tpu.memory_space<vmem>>
    %dma_start3A_475 = arith.constant 0 : i32
    %dma_start3A_476 = tpu.memref_slice %arg6[%dma_start3A_475] : memref<200704xf32, #tpu.memory_space<hbm>> -> memref<200704xf32, #tpu.memory_space<hbm>>
    tpu.enqueue_indirect_dma source(%dma_start3A_476 : memref<200704xf32, #tpu.memory_space<hbm>>) target(%dma_start3A_471 : memref<128xf32, #tpu.memory_space<vmem>>) offsets(%dma_start3A_474 : memref<128xi32, #tpu.memory_space<vmem>>) semaphore(%arg13 : memref<!tpu.dma_semaphore, #tpu.memory_space<semaphore_mem>>)
    %get3A_477 = arith.constant 0 : index
    %get3A_478 = tpu.vector_load %arg9[%get3A_477] {strides = array<i32>} : memref<128xi32, #tpu.memory_space<vmem>>, vector<16xi32>,
    %get3A_479 = vector.shape_cast %get3A_478 : vector<16xi32> to vector<16xi32>
    %mul3A_480 = arith.constant 3 : i32
    %mul3A_481 = arith.muli %select_n3A, %mul3A_480 : i32
    %add3A_482 = arith.constant 0 : i32
    %add3A_483 = arith.addi %mul3A_481, %add3A_482 : i32
    %mul3A_484 = arith.constant 50176 : i32
    %mul3A_485 = arith.muli %add3A_483, %mul3A_484 : i32
    %add3A_486 = vector.broadcast %mul3A_485 : i32 to vector<16xi32>
    %add3A_487 = arith.addi %get3A_479, %add3A_486 : vector<16xi32>
    %swap3A_488 = arith.constant 1 : i32
    %swap3A_489 = arith.index_cast %swap3A_488 : i32 to index
    %swap3A_490 = arith.constant 0 : index
    %swap3A_491 = tpu.vector_load %arg10[%swap3A_489, %swap3A_490] {strides = array<i32>} : memref<8x128xi32, #tpu.memory_space<vmem>>, vector<1x16xi32>,
    %swap3A_492 = vector.shape_cast %swap3A_491 : vector<1x16xi32> to vector<16xi32>
    %swap3A_493 = vector.shape_cast %add3A_487 : vector<16xi32> to vector<1x16xi32>
    tpu.vector_store %arg10[%swap3A_489, %swap3A_490], %swap3A_493 {strides = array<i32>} : memref<8x128xi32, #tpu.memory_space<vmem>>, vector<1x16xi32>,
    %get3A_494 = arith.constant 16 : index
    %get3A_495 = tpu.vector_load %arg9[%get3A_494] {strides = array<i32>} : memref<128xi32, #tpu.memory_space<vmem>>, vector<16xi32>,
    %get3A_496 = vector.shape_cast %get3A_495 : vector<16xi32> to vector<16xi32>
    %mul3A_497 = arith.constant 3 : i32
    %mul3A_498 = arith.muli %select_n3A, %mul3A_497 : i32
    %add3A_499 = arith.constant 0 : i32
    %add3A_500 = arith.addi %mul3A_498, %add3A_499 : i32
    %mul3A_501 = arith.constant 50176 : i32
    %mul3A_502 = arith.muli %add3A_500, %mul3A_501 : i32
    %add3A_503 = vector.broadcast %mul3A_502 : i32 to vector<16xi32>
    %add3A_504 = arith.addi %get3A_496, %add3A_503 : vector<16xi32>
    %swap3A_505 = arith.constant 1 : i32
    %swap3A_506 = arith.index_cast %swap3A_505 : i32 to index
    %swap3A_507 = arith.constant 16 : index
    %swap3A_508 = tpu.vector_load %arg10[%swap3A_506, %swap3A_507] {strides = array<i32>} : memref<8x128xi32, #tpu.memory_space<vmem>>, vector<1x16xi32>,
    %swap3A_509 = vector.shape_cast %swap3A_508 : vector<1x16xi32> to vector<16xi32>
    %swap3A_510 = vector.shape_cast %add3A_504 : vector<16xi32> to vector<1x16xi32>
    tpu.vector_store %arg10[%swap3A_506, %swap3A_507], %swap3A_510 {strides = array<i32>} : memref<8x128xi32, #tpu.memory_space<vmem>>, vector<1x16xi32>,
    %get3A_511 = arith.constant 32 : index
    %get3A_512 = tpu.vector_load %arg9[%get3A_511] {strides = array<i32>} : memref<128xi32, #tpu.memory_space<vmem>>, vector<16xi32>,
    %get3A_513 = vector.shape_cast %get3A_512 : vector<16xi32> to vector<16xi32>
    %mul3A_514 = arith.constant 3 : i32
    %mul3A_515 = arith.muli %select_n3A, %mul3A_514 : i32
    %add3A_516 = arith.constant 0 : i32
    %add3A_517 = arith.addi %mul3A_515, %add3A_516 : i32
    %mul3A_518 = arith.constant 50176 : i32
    %mul3A_519 = arith.muli %add3A_517, %mul3A_518 : i32
    %add3A_520 = vector.broadcast %mul3A_519 : i32 to vector<16xi32>
    %add3A_521 = arith.addi %get3A_513, %add3A_520 : vector<16xi32>
    %swap3A_522 = arith.constant 1 : i32
    %swap3A_523 = arith.index_cast %swap3A_522 : i32 to index
    %swap3A_524 = arith.constant 32 : index
    %swap3A_525 = tpu.vector_load %arg10[%swap3A_523, %swap3A_524] {strides = array<i32>} : memref<8x128xi32, #tpu.memory_space<vmem>>, vector<1x16xi32>,
    %swap3A_526 = vector.shape_cast %swap3A_525 : vector<1x16xi32> to vector<16xi32>
    %swap3A_527 = vector.shape_cast %add3A_521 : vector<16xi32> to vector<1x16xi32>
    tpu.vector_store %arg10[%swap3A_523, %swap3A_524], %swap3A_527 {strides = array<i32>} : memref<8x128xi32, #tpu.memory_space<vmem>>, vector<1x16xi32>,
    %get3A_528 = arith.constant 48 : index
    %get3A_529 = tpu.vector_load %arg9[%get3A_528] {strides = array<i32>} : memref<128xi32, #tpu.memory_space<vmem>>, vector<16xi32>,
    %get3A_530 = vector.shape_cast %get3A_529 : vector<16xi32> to vector<16xi32>
    %mul3A_531 = arith.constant 3 : i32
    %mul3A_532 = arith.muli %select_n3A, %mul3A_531 : i32
    %add3A_533 = arith.constant 0 : i32
    %add3A_534 = arith.addi %mul3A_532, %add3A_533 : i32
    %mul3A_535 = arith.constant 50176 : i32
    %mul3A_536 = arith.muli %add3A_534, %mul3A_535 : i32
    %add3A_537 = vector.broadcast %mul3A_536 : i32 to vector<16xi32>
    %add3A_538 = arith.addi %get3A_530, %add3A_537 : vector<16xi32>
    %swap3A_539 = arith.constant 1 : i32
    %swap3A_540 = arith.index_cast %swap3A_539 : i32 to index
    %swap3A_541 = arith.constant 48 : index
    %swap3A_542 = tpu.vector_load %arg10[%swap3A_540, %swap3A_541] {strides = array<i32>} : memref<8x128xi32, #tpu.memory_space<vmem>>, vector<1x16xi32>,
    %swap3A_543 = vector.shape_cast %swap3A_542 : vector<1x16xi32> to vector<16xi32>
    %swap3A_544 = vector.shape_cast %add3A_538 : vector<16xi32> to vector<1x16xi32>
    tpu.vector_store %arg10[%swap3A_540, %swap3A_541], %swap3A_544 {strides = array<i32>} : memref<8x128xi32, #tpu.memory_space<vmem>>, vector<1x16xi32>,
    %get3A_545 = arith.constant 64 : index
    %get3A_546 = tpu.vector_load %arg9[%get3A_545] {strides = array<i32>} : memref<128xi32, #tpu.memory_space<vmem>>, vector<16xi32>,
    %get3A_547 = vector.shape_cast %get3A_546 : vector<16xi32> to vector<16xi32>
    %mul3A_548 = arith.constant 3 : i32
    %mul3A_549 = arith.muli %select_n3A, %mul3A_548 : i32
    %add3A_550 = arith.constant 0 : i32
    %add3A_551 = arith.addi %mul3A_549, %add3A_550 : i32
    %mul3A_552 = arith.constant 50176 : i32
    %mul3A_553 = arith.muli %add3A_551, %mul3A_552 : i32
    %add3A_554 = vector.broadcast %mul3A_553 : i32 to vector<16xi32>
    %add3A_555 = arith.addi %get3A_547, %add3A_554 : vector<16xi32>
    %swap3A_556 = arith.constant 1 : i32
    %swap3A_557 = arith.index_cast %swap3A_556 : i32 to index
    %swap3A_558 = arith.constant 64 : index
    %swap3A_559 = tpu.vector_load %arg10[%swap3A_557, %swap3A_558] {strides = array<i32>} : memref<8x128xi32, #tpu.memory_space<vmem>>, vector<1x16xi32>,
    %swap3A_560 = vector.shape_cast %swap3A_559 : vector<1x16xi32> to vector<16xi32>
    %swap3A_561 = vector.shape_cast %add3A_555 : vector<16xi32> to vector<1x16xi32>
    tpu.vector_store %arg10[%swap3A_557, %swap3A_558], %swap3A_561 {strides = array<i32>} : memref<8x128xi32, #tpu.memory_space<vmem>>, vector<1x16xi32>,
    %get3A_562 = arith.constant 80 : index
    %get3A_563 = tpu.vector_load %arg9[%get3A_562] {strides = array<i32>} : memref<128xi32, #tpu.memory_space<vmem>>, vector<16xi32>,
    %get3A_564 = vector.shape_cast %get3A_563 : vector<16xi32> to vector<16xi32>
    %mul3A_565 = arith.constant 3 : i32
    %mul3A_566 = arith.muli %select_n3A, %mul3A_565 : i32
    %add3A_567 = arith.constant 0 : i32
    %add3A_568 = arith.addi %mul3A_566, %add3A_567 : i32
    %mul3A_569 = arith.constant 50176 : i32
    %mul3A_570 = arith.muli %add3A_568, %mul3A_569 : i32
    %add3A_571 = vector.broadcast %mul3A_570 : i32 to vector<16xi32>
    %add3A_572 = arith.addi %get3A_564, %add3A_571 : vector<16xi32>
    %swap3A_573 = arith.constant 1 : i32
    %swap3A_574 = arith.index_cast %swap3A_573 : i32 to index
    %swap3A_575 = arith.constant 80 : index
    %swap3A_576 = tpu.vector_load %arg10[%swap3A_574, %swap3A_575] {strides = array<i32>} : memref<8x128xi32, #tpu.memory_space<vmem>>, vector<1x16xi32>,
    %swap3A_577 = vector.shape_cast %swap3A_576 : vector<1x16xi32> to vector<16xi32>
    %swap3A_578 = vector.shape_cast %add3A_572 : vector<16xi32> to vector<1x16xi32>
    tpu.vector_store %arg10[%swap3A_574, %swap3A_575], %swap3A_578 {strides = array<i32>} : memref<8x128xi32, #tpu.memory_space<vmem>>, vector<1x16xi32>,
    %get3A_579 = arith.constant 96 : index
    %get3A_580 = tpu.vector_load %arg9[%get3A_579] {strides = array<i32>} : memref<128xi32, #tpu.memory_space<vmem>>, vector<16xi32>,
    %get3A_581 = vector.shape_cast %get3A_580 : vector<16xi32> to vector<16xi32>
    %mul3A_582 = arith.constant 3 : i32
    %mul3A_583 = arith.muli %select_n3A, %mul3A_582 : i32
    %add3A_584 = arith.constant 0 : i32
    %add3A_585 = arith.addi %mul3A_583, %add3A_584 : i32
    %mul3A_586 = arith.constant 50176 : i32
    %mul3A_587 = arith.muli %add3A_585, %mul3A_586 : i32
    %add3A_588 = vector.broadcast %mul3A_587 : i32 to vector<16xi32>
    %add3A_589 = arith.addi %get3A_581, %add3A_588 : vector<16xi32>
    %swap3A_590 = arith.constant 1 : i32
    %swap3A_591 = arith.index_cast %swap3A_590 : i32 to index
    %swap3A_592 = arith.constant 96 : index
    %swap3A_593 = tpu.vector_load %arg10[%swap3A_591, %swap3A_592] {strides = array<i32>} : memref<8x128xi32, #tpu.memory_space<vmem>>, vector<1x16xi32>,
    %swap3A_594 = vector.shape_cast %swap3A_593 : vector<1x16xi32> to vector<16xi32>
    %swap3A_595 = vector.shape_cast %add3A_589 : vector<16xi32> to vector<1x16xi32>
    tpu.vector_store %arg10[%swap3A_591, %swap3A_592], %swap3A_595 {strides = array<i32>} : memref<8x128xi32, #tpu.memory_space<vmem>>, vector<1x16xi32>,
    %get3A_596 = arith.constant 112 : index
    %get3A_597 = tpu.vector_load %arg9[%get3A_596] {strides = array<i32>} : memref<128xi32, #tpu.memory_space<vmem>>, vector<16xi32>,
    %get3A_598 = vector.shape_cast %get3A_597 : vector<16xi32> to vector<16xi32>
    %mul3A_599 = arith.constant 3 : i32
    %mul3A_600 = arith.muli %select_n3A, %mul3A_599 : i32
    %add3A_601 = arith.constant 0 : i32
    %add3A_602 = arith.addi %mul3A_600, %add3A_601 : i32
    %mul3A_603 = arith.constant 50176 : i32
    %mul3A_604 = arith.muli %add3A_602, %mul3A_603 : i32
    %add3A_605 = vector.broadcast %mul3A_604 : i32 to vector<16xi32>
    %add3A_606 = arith.addi %get3A_598, %add3A_605 : vector<16xi32>
    %swap3A_607 = arith.constant 1 : i32
    %swap3A_608 = arith.index_cast %swap3A_607 : i32 to index
    %swap3A_609 = arith.constant 112 : index
    %swap3A_610 = tpu.vector_load %arg10[%swap3A_608, %swap3A_609] {strides = array<i32>} : memref<8x128xi32, #tpu.memory_space<vmem>>, vector<1x16xi32>,
    %swap3A_611 = vector.shape_cast %swap3A_610 : vector<1x16xi32> to vector<16xi32>
    %swap3A_612 = vector.shape_cast %add3A_606 : vector<16xi32> to vector<1x16xi32>
    tpu.vector_store %arg10[%swap3A_608, %swap3A_609], %swap3A_612 {strides = array<i32>} : memref<8x128xi32, #tpu.memory_space<vmem>>, vector<1x16xi32>,
    %dma_start3A_613 = arith.constant 1 : i32
    %dma_start3A_614 = arith.constant 0 : i32
    %dma_start3A_615 = arith.constant 0 : i32
    %dma_start3A_616 = tpu.memref_slice %arg12[%dma_start3A_614, %dma_start3A_615] : memref<8x128xf32, #tpu.memory_space<vmem>> -> memref<1x128xf32, #tpu.memory_space<vmem>>
    %dma_start3A_617 = tpu.memref_squeeze %dma_start3A_616 : memref<1x128xf32, #tpu.memory_space<vmem>> -> memref<128xf32, #tpu.memory_space<vmem>>
    %dma_start3A_618 = arith.constant 0 : i32
    %dma_start3A_619 = tpu.memref_slice %arg10[%dma_start3A_613, %dma_start3A_618] : memref<8x128xi32, #tpu.memory_space<vmem>> -> memref<1x128xi32, #tpu.memory_space<vmem>>
    %dma_start3A_620 = tpu.memref_squeeze %dma_start3A_619 : memref<1x128xi32, #tpu.memory_space<vmem>> -> memref<128xi32, #tpu.memory_space<vmem>>
    %dma_start3A_621 = arith.constant 0 : i32
    %dma_start3A_622 = tpu.memref_slice %arg4[%dma_start3A_621] : memref<602112xf32, #tpu.memory_space<hbm>> -> memref<602112xf32, #tpu.memory_space<hbm>>
    tpu.enqueue_indirect_dma source(%dma_start3A_622 : memref<602112xf32, #tpu.memory_space<hbm>>) target(%dma_start3A_617 : memref<128xf32, #tpu.memory_space<vmem>>) offsets(%dma_start3A_620 : memref<128xi32, #tpu.memory_space<vmem>>) semaphore(%arg13 : memref<!tpu.dma_semaphore, #tpu.memory_space<semaphore_mem>>)
    %get3A_623 = arith.constant 0 : index
    %get3A_624 = tpu.vector_load %arg9[%get3A_623] {strides = array<i32>} : memref<128xi32, #tpu.memory_space<vmem>>, vector<16xi32>,
    %get3A_625 = vector.shape_cast %get3A_624 : vector<16xi32> to vector<16xi32>
    %mul3A_626 = arith.constant 3 : i32
    %mul3A_627 = arith.muli %select_n3A, %mul3A_626 : i32
    %add3A_628 = arith.constant 1 : i32
    %add3A_629 = arith.addi %mul3A_627, %add3A_628 : i32
    %mul3A_630 = arith.constant 50176 : i32
    %mul3A_631 = arith.muli %add3A_629, %mul3A_630 : i32
    %add3A_632 = vector.broadcast %mul3A_631 : i32 to vector<16xi32>
    %add3A_633 = arith.addi %get3A_625, %add3A_632 : vector<16xi32>
    %swap3A_634 = arith.constant 2 : i32
    %swap3A_635 = arith.index_cast %swap3A_634 : i32 to index
    %swap3A_636 = arith.constant 0 : index
    %swap3A_637 = tpu.vector_load %arg10[%swap3A_635, %swap3A_636] {strides = array<i32>} : memref<8x128xi32, #tpu.memory_space<vmem>>, vector<1x16xi32>,
    %swap3A_638 = vector.shape_cast %swap3A_637 : vector<1x16xi32> to vector<16xi32>
    %swap3A_639 = vector.shape_cast %add3A_633 : vector<16xi32> to vector<1x16xi32>
    tpu.vector_store %arg10[%swap3A_635, %swap3A_636], %swap3A_639 {strides = array<i32>} : memref<8x128xi32, #tpu.memory_space<vmem>>, vector<1x16xi32>,
    %get3A_640 = arith.constant 16 : index
    %get3A_641 = tpu.vector_load %arg9[%get3A_640] {strides = array<i32>} : memref<128xi32, #tpu.memory_space<vmem>>, vector<16xi32>,
    %get3A_642 = vector.shape_cast %get3A_641 : vector<16xi32> to vector<16xi32>
    %mul3A_643 = arith.constant 3 : i32
    %mul3A_644 = arith.muli %select_n3A, %mul3A_643 : i32
    %add3A_645 = arith.constant 1 : i32
    %add3A_646 = arith.addi %mul3A_644, %add3A_645 : i32
    %mul3A_647 = arith.constant 50176 : i32
    %mul3A_648 = arith.muli %add3A_646, %mul3A_647 : i32
    %add3A_649 = vector.broadcast %mul3A_648 : i32 to vector<16xi32>
    %add3A_650 = arith.addi %get3A_642, %add3A_649 : vector<16xi32>
    %swap3A_651 = arith.constant 2 : i32
    %swap3A_652 = arith.index_cast %swap3A_651 : i32 to index
    %swap3A_653 = arith.constant 16 : index
    %swap3A_654 = tpu.vector_load %arg10[%swap3A_652, %swap3A_653] {strides = array<i32>} : memref<8x128xi32, #tpu.memory_space<vmem>>, vector<1x16xi32>,
    %swap3A_655 = vector.shape_cast %swap3A_654 : vector<1x16xi32> to vector<16xi32>
    %swap3A_656 = vector.shape_cast %add3A_650 : vector<16xi32> to vector<1x16xi32>
    tpu.vector_store %arg10[%swap3A_652, %swap3A_653], %swap3A_656 {strides = array<i32>} : memref<8x128xi32, #tpu.memory_space<vmem>>, vector<1x16xi32>,
    %get3A_657 = arith.constant 32 : index
    %get3A_658 = tpu.vector_load %arg9[%get3A_657] {strides = array<i32>} : memref<128xi32, #tpu.memory_space<vmem>>, vector<16xi32>,
    %get3A_659 = vector.shape_cast %get3A_658 : vector<16xi32> to vector<16xi32>
    %mul3A_660 = arith.constant 3 : i32
    %mul3A_661 = arith.muli %select_n3A, %mul3A_660 : i32
    %add3A_662 = arith.constant 1 : i32
    %add3A_663 = arith.addi %mul3A_661, %add3A_662 : i32
    %mul3A_664 = arith.constant 50176 : i32
    %mul3A_665 = arith.muli %add3A_663, %mul3A_664 : i32
    %add3A_666 = vector.broadcast %mul3A_665 : i32 to vector<16xi32>
    %add3A_667 = arith.addi %get3A_659, %add3A_666 : vector<16xi32>
    %swap3A_668 = arith.constant 2 : i32
    %swap3A_669 = arith.index_cast %swap3A_668 : i32 to index
    %swap3A_670 = arith.constant 32 : index
    %swap3A_671 = tpu.vector_load %arg10[%swap3A_669, %swap3A_670] {strides = array<i32>} : memref<8x128xi32, #tpu.memory_space<vmem>>, vector<1x16xi32>,
    %swap3A_672 = vector.shape_cast %swap3A_671 : vector<1x16xi32> to vector<16xi32>
    %swap3A_673 = vector.shape_cast %add3A_667 : vector<16xi32> to vector<1x16xi32>
    tpu.vector_store %arg10[%swap3A_669, %swap3A_670], %swap3A_673 {strides = array<i32>} : memref<8x128xi32, #tpu.memory_space<vmem>>, vector<1x16xi32>,
    %get3A_674 = arith.constant 48 : index
    %get3A_675 = tpu.vector_load %arg9[%get3A_674] {strides = array<i32>} : memref<128xi32, #tpu.memory_space<vmem>>, vector<16xi32>,
    %get3A_676 = vector.shape_cast %get3A_675 : vector<16xi32> to vector<16xi32>
    %mul3A_677 = arith.constant 3 : i32
    %mul3A_678 = arith.muli %select_n3A, %mul3A_677 : i32
    %add3A_679 = arith.constant 1 : i32
    %add3A_680 = arith.addi %mul3A_678, %add3A_679 : i32
    %mul3A_681 = arith.constant 50176 : i32
    %mul3A_682 = arith.muli %add3A_680, %mul3A_681 : i32
    %add3A_683 = vector.broadcast %mul3A_682 : i32 to vector<16xi32>
    %add3A_684 = arith.addi %get3A_676, %add3A_683 : vector<16xi32>
    %swap3A_685 = arith.constant 2 : i32
    %swap3A_686 = arith.index_cast %swap3A_685 : i32 to index
    %swap3A_687 = arith.constant 48 : index
    %swap3A_688 = tpu.vector_load %arg10[%swap3A_686, %swap3A_687] {strides = array<i32>} : memref<8x128xi32, #tpu.memory_space<vmem>>, vector<1x16xi32>,
    %swap3A_689 = vector.shape_cast %swap3A_688 : vector<1x16xi32> to vector<16xi32>
    %swap3A_690 = vector.shape_cast %add3A_684 : vector<16xi32> to vector<1x16xi32>
    tpu.vector_store %arg10[%swap3A_686, %swap3A_687], %swap3A_690 {strides = array<i32>} : memref<8x128xi32, #tpu.memory_space<vmem>>, vector<1x16xi32>,
    %get3A_691 = arith.constant 64 : index
    %get3A_692 = tpu.vector_load %arg9[%get3A_691] {strides = array<i32>} : memref<128xi32, #tpu.memory_space<vmem>>, vector<16xi32>,
    %get3A_693 = vector.shape_cast %get3A_692 : vector<16xi32> to vector<16xi32>
    %mul3A_694 = arith.constant 3 : i32
    %mul3A_695 = arith.muli %select_n3A, %mul3A_694 : i32
    %add3A_696 = arith.constant 1 : i32
    %add3A_697 = arith.addi %mul3A_695, %add3A_696 : i32
    %mul3A_698 = arith.constant 50176 : i32
    %mul3A_699 = arith.muli %add3A_697, %mul3A_698 : i32
    %add3A_700 = vector.broadcast %mul3A_699 : i32 to vector<16xi32>
    %add3A_701 = arith.addi %get3A_693, %add3A_700 : vector<16xi32>
    %swap3A_702 = arith.constant 2 : i32
    %swap3A_703 = arith.index_cast %swap3A_702 : i32 to index
    %swap3A_704 = arith.constant 64 : index
    %swap3A_705 = tpu.vector_load %arg10[%swap3A_703, %swap3A_704] {strides = array<i32>} : memref<8x128xi32, #tpu.memory_space<vmem>>, vector<1x16xi32>,
    %swap3A_706 = vector.shape_cast %swap3A_705 : vector<1x16xi32> to vector<16xi32>
    %swap3A_707 = vector.shape_cast %add3A_701 : vector<16xi32> to vector<1x16xi32>
    tpu.vector_store %arg10[%swap3A_703, %swap3A_704], %swap3A_707 {strides = array<i32>} : memref<8x128xi32, #tpu.memory_space<vmem>>, vector<1x16xi32>,
    %get3A_708 = arith.constant 80 : index
    %get3A_709 = tpu.vector_load %arg9[%get3A_708] {strides = array<i32>} : memref<128xi32, #tpu.memory_space<vmem>>, vector<16xi32>,
    %get3A_710 = vector.shape_cast %get3A_709 : vector<16xi32> to vector<16xi32>
    %mul3A_711 = arith.constant 3 : i32
    %mul3A_712 = arith.muli %select_n3A, %mul3A_711 : i32
    %add3A_713 = arith.constant 1 : i32
    %add3A_714 = arith.addi %mul3A_712, %add3A_713 : i32
    %mul3A_715 = arith.constant 50176 : i32
    %mul3A_716 = arith.muli %add3A_714, %mul3A_715 : i32
    %add3A_717 = vector.broadcast %mul3A_716 : i32 to vector<16xi32>
    %add3A_718 = arith.addi %get3A_710, %add3A_717 : vector<16xi32>
    %swap3A_719 = arith.constant 2 : i32
    %swap3A_720 = arith.index_cast %swap3A_719 : i32 to index
    %swap3A_721 = arith.constant 80 : index
    %swap3A_722 = tpu.vector_load %arg10[%swap3A_720, %swap3A_721] {strides = array<i32>} : memref<8x128xi32, #tpu.memory_space<vmem>>, vector<1x16xi32>,
    %swap3A_723 = vector.shape_cast %swap3A_722 : vector<1x16xi32> to vector<16xi32>
    %swap3A_724 = vector.shape_cast %add3A_718 : vector<16xi32> to vector<1x16xi32>
    tpu.vector_store %arg10[%swap3A_720, %swap3A_721], %swap3A_724 {strides = array<i32>} : memref<8x128xi32, #tpu.memory_space<vmem>>, vector<1x16xi32>,
    %get3A_725 = arith.constant 96 : index
    %get3A_726 = tpu.vector_load %arg9[%get3A_725] {strides = array<i32>} : memref<128xi32, #tpu.memory_space<vmem>>, vector<16xi32>,
    %get3A_727 = vector.shape_cast %get3A_726 : vector<16xi32> to vector<16xi32>
    %mul3A_728 = arith.constant 3 : i32
    %mul3A_729 = arith.muli %select_n3A, %mul3A_728 : i32
    %add3A_730 = arith.constant 1 : i32
    %add3A_731 = arith.addi %mul3A_729, %add3A_730 : i32
    %mul3A_732 = arith.constant 50176 : i32
    %mul3A_733 = arith.muli %add3A_731, %mul3A_732 : i32
    %add3A_734 = vector.broadcast %mul3A_733 : i32 to vector<16xi32>
    %add3A_735 = arith.addi %get3A_727, %add3A_734 : vector<16xi32>
    %swap3A_736 = arith.constant 2 : i32
    %swap3A_737 = arith.index_cast %swap3A_736 : i32 to index
    %swap3A_738 = arith.constant 96 : index
    %swap3A_739 = tpu.vector_load %arg10[%swap3A_737, %swap3A_738] {strides = array<i32>} : memref<8x128xi32, #tpu.memory_space<vmem>>, vector<1x16xi32>,
    %swap3A_740 = vector.shape_cast %swap3A_739 : vector<1x16xi32> to vector<16xi32>
    %swap3A_741 = vector.shape_cast %add3A_735 : vector<16xi32> to vector<1x16xi32>
    tpu.vector_store %arg10[%swap3A_737, %swap3A_738], %swap3A_741 {strides = array<i32>} : memref<8x128xi32, #tpu.memory_space<vmem>>, vector<1x16xi32>,
    %get3A_742 = arith.constant 112 : index
    %get3A_743 = tpu.vector_load %arg9[%get3A_742] {strides = array<i32>} : memref<128xi32, #tpu.memory_space<vmem>>, vector<16xi32>,
    %get3A_744 = vector.shape_cast %get3A_743 : vector<16xi32> to vector<16xi32>
    %mul3A_745 = arith.constant 3 : i32
    %mul3A_746 = arith.muli %select_n3A, %mul3A_745 : i32
    %add3A_747 = arith.constant 1 : i32
    %add3A_748 = arith.addi %mul3A_746, %add3A_747 : i32
    %mul3A_749 = arith.constant 50176 : i32
    %mul3A_750 = arith.muli %add3A_748, %mul3A_749 : i32
    %add3A_751 = vector.broadcast %mul3A_750 : i32 to vector<16xi32>
    %add3A_752 = arith.addi %get3A_744, %add3A_751 : vector<16xi32>
    %swap3A_753 = arith.constant 2 : i32
    %swap3A_754 = arith.index_cast %swap3A_753 : i32 to index
    %swap3A_755 = arith.constant 112 : index
    %swap3A_756 = tpu.vector_load %arg10[%swap3A_754, %swap3A_755] {strides = array<i32>} : memref<8x128xi32, #tpu.memory_space<vmem>>, vector<1x16xi32>,
    %swap3A_757 = vector.shape_cast %swap3A_756 : vector<1x16xi32> to vector<16xi32>
    %swap3A_758 = vector.shape_cast %add3A_752 : vector<16xi32> to vector<1x16xi32>
    tpu.vector_store %arg10[%swap3A_754, %swap3A_755], %swap3A_758 {strides = array<i32>} : memref<8x128xi32, #tpu.memory_space<vmem>>, vector<1x16xi32>,
    %dma_start3A_759 = arith.constant 2 : i32
    %dma_start3A_760 = arith.constant 1 : i32
    %dma_start3A_761 = arith.constant 0 : i32
    %dma_start3A_762 = tpu.memref_slice %arg12[%dma_start3A_760, %dma_start3A_761] : memref<8x128xf32, #tpu.memory_space<vmem>> -> memref<1x128xf32, #tpu.memory_space<vmem>>
    %dma_start3A_763 = tpu.memref_squeeze %dma_start3A_762 : memref<1x128xf32, #tpu.memory_space<vmem>> -> memref<128xf32, #tpu.memory_space<vmem>>
    %dma_start3A_764 = arith.constant 0 : i32
    %dma_start3A_765 = tpu.memref_slice %arg10[%dma_start3A_759, %dma_start3A_764] : memref<8x128xi32, #tpu.memory_space<vmem>> -> memref<1x128xi32, #tpu.memory_space<vmem>>
    %dma_start3A_766 = tpu.memref_squeeze %dma_start3A_765 : memref<1x128xi32, #tpu.memory_space<vmem>> -> memref<128xi32, #tpu.memory_space<vmem>>
    %dma_start3A_767 = arith.constant 0 : i32
    %dma_start3A_768 = tpu.memref_slice %arg4[%dma_start3A_767] : memref<602112xf32, #tpu.memory_space<hbm>> -> memref<602112xf32, #tpu.memory_space<hbm>>
    tpu.enqueue_indirect_dma source(%dma_start3A_768 : memref<602112xf32, #tpu.memory_space<hbm>>) target(%dma_start3A_763 : memref<128xf32, #tpu.memory_space<vmem>>) offsets(%dma_start3A_766 : memref<128xi32, #tpu.memory_space<vmem>>) semaphore(%arg13 : memref<!tpu.dma_semaphore, #tpu.memory_space<semaphore_mem>>)
    %get3A_769 = arith.constant 0 : index
    %get3A_770 = tpu.vector_load %arg9[%get3A_769] {strides = array<i32>} : memref<128xi32, #tpu.memory_space<vmem>>, vector<16xi32>,
    %get3A_771 = vector.shape_cast %get3A_770 : vector<16xi32> to vector<16xi32>
    %mul3A_772 = arith.constant 3 : i32
    %mul3A_773 = arith.muli %select_n3A, %mul3A_772 : i32
    %add3A_774 = arith.constant 2 : i32
    %add3A_775 = arith.addi %mul3A_773, %add3A_774 : i32
    %mul3A_776 = arith.constant 50176 : i32
    %mul3A_777 = arith.muli %add3A_775, %mul3A_776 : i32
    %add3A_778 = vector.broadcast %mul3A_777 : i32 to vector<16xi32>
    %add3A_779 = arith.addi %get3A_771, %add3A_778 : vector<16xi32>
    %swap3A_780 = arith.constant 3 : i32
    %swap3A_781 = arith.index_cast %swap3A_780 : i32 to index
    %swap3A_782 = arith.constant 0 : index
    %swap3A_783 = tpu.vector_load %arg10[%swap3A_781, %swap3A_782] {strides = array<i32>} : memref<8x128xi32, #tpu.memory_space<vmem>>, vector<1x16xi32>,
    %swap3A_784 = vector.shape_cast %swap3A_783 : vector<1x16xi32> to vector<16xi32>
    %swap3A_785 = vector.shape_cast %add3A_779 : vector<16xi32> to vector<1x16xi32>
    tpu.vector_store %arg10[%swap3A_781, %swap3A_782], %swap3A_785 {strides = array<i32>} : memref<8x128xi32, #tpu.memory_space<vmem>>, vector<1x16xi32>,
    %get3A_786 = arith.constant 16 : index
    %get3A_787 = tpu.vector_load %arg9[%get3A_786] {strides = array<i32>} : memref<128xi32, #tpu.memory_space<vmem>>, vector<16xi32>,
    %get3A_788 = vector.shape_cast %get3A_787 : vector<16xi32> to vector<16xi32>
    %mul3A_789 = arith.constant 3 : i32
    %mul3A_790 = arith.muli %select_n3A, %mul3A_789 : i32
    %add3A_791 = arith.constant 2 : i32
    %add3A_792 = arith.addi %mul3A_790, %add3A_791 : i32
    %mul3A_793 = arith.constant 50176 : i32
    %mul3A_794 = arith.muli %add3A_792, %mul3A_793 : i32
    %add3A_795 = vector.broadcast %mul3A_794 : i32 to vector<16xi32>
    %add3A_796 = arith.addi %get3A_788, %add3A_795 : vector<16xi32>
    %swap3A_797 = arith.constant 3 : i32
    %swap3A_798 = arith.index_cast %swap3A_797 : i32 to index
    %swap3A_799 = arith.constant 16 : index
    %swap3A_800 = tpu.vector_load %arg10[%swap3A_798, %swap3A_799] {strides = array<i32>} : memref<8x128xi32, #tpu.memory_space<vmem>>, vector<1x16xi32>,
    %swap3A_801 = vector.shape_cast %swap3A_800 : vector<1x16xi32> to vector<16xi32>
    %swap3A_802 = vector.shape_cast %add3A_796 : vector<16xi32> to vector<1x16xi32>
    tpu.vector_store %arg10[%swap3A_798, %swap3A_799], %swap3A_802 {strides = array<i32>} : memref<8x128xi32, #tpu.memory_space<vmem>>, vector<1x16xi32>,
    %get3A_803 = arith.constant 32 : index
    %get3A_804 = tpu.vector_load %arg9[%get3A_803] {strides = array<i32>} : memref<128xi32, #tpu.memory_space<vmem>>, vector<16xi32>,
    %get3A_805 = vector.shape_cast %get3A_804 : vector<16xi32> to vector<16xi32>
    %mul3A_806 = arith.constant 3 : i32
    %mul3A_807 = arith.muli %select_n3A, %mul3A_806 : i32
    %add3A_808 = arith.constant 2 : i32
    %add3A_809 = arith.addi %mul3A_807, %add3A_808 : i32
    %mul3A_810 = arith.constant 50176 : i32
    %mul3A_811 = arith.muli %add3A_809, %mul3A_810 : i32
    %add3A_812 = vector.broadcast %mul3A_811 : i32 to vector<16xi32>
    %add3A_813 = arith.addi %get3A_805, %add3A_812 : vector<16xi32>
    %swap3A_814 = arith.constant 3 : i32
    %swap3A_815 = arith.index_cast %swap3A_814 : i32 to index
    %swap3A_816 = arith.constant 32 : index
    %swap3A_817 = tpu.vector_load %arg10[%swap3A_815, %swap3A_816] {strides = array<i32>} : memref<8x128xi32, #tpu.memory_space<vmem>>, vector<1x16xi32>,
    %swap3A_818 = vector.shape_cast %swap3A_817 : vector<1x16xi32> to vector<16xi32>
    %swap3A_819 = vector.shape_cast %add3A_813 : vector<16xi32> to vector<1x16xi32>
    tpu.vector_store %arg10[%swap3A_815, %swap3A_816], %swap3A_819 {strides = array<i32>} : memref<8x128xi32, #tpu.memory_space<vmem>>, vector<1x16xi32>,
    %get3A_820 = arith.constant 48 : index
    %get3A_821 = tpu.vector_load %arg9[%get3A_820] {strides = array<i32>} : memref<128xi32, #tpu.memory_space<vmem>>, vector<16xi32>,
    %get3A_822 = vector.shape_cast %get3A_821 : vector<16xi32> to vector<16xi32>
    %mul3A_823 = arith.constant 3 : i32
    %mul3A_824 = arith.muli %select_n3A, %mul3A_823 : i32
    %add3A_825 = arith.constant 2 : i32
    %add3A_826 = arith.addi %mul3A_824, %add3A_825 : i32
    %mul3A_827 = arith.constant 50176 : i32
    %mul3A_828 = arith.muli %add3A_826, %mul3A_827 : i32
    %add3A_829 = vector.broadcast %mul3A_828 : i32 to vector<16xi32>
    %add3A_830 = arith.addi %get3A_822, %add3A_829 : vector<16xi32>
    %swap3A_831 = arith.constant 3 : i32
    %swap3A_832 = arith.index_cast %swap3A_831 : i32 to index
    %swap3A_833 = arith.constant 48 : index
    %swap3A_834 = tpu.vector_load %arg10[%swap3A_832, %swap3A_833] {strides = array<i32>} : memref<8x128xi32, #tpu.memory_space<vmem>>, vector<1x16xi32>,
    %swap3A_835 = vector.shape_cast %swap3A_834 : vector<1x16xi32> to vector<16xi32>
    %swap3A_836 = vector.shape_cast %add3A_830 : vector<16xi32> to vector<1x16xi32>
    tpu.vector_store %arg10[%swap3A_832, %swap3A_833], %swap3A_836 {strides = array<i32>} : memref<8x128xi32, #tpu.memory_space<vmem>>, vector<1x16xi32>,
    %get3A_837 = arith.constant 64 : index
    %get3A_838 = tpu.vector_load %arg9[%get3A_837] {strides = array<i32>} : memref<128xi32, #tpu.memory_space<vmem>>, vector<16xi32>,
    %get3A_839 = vector.shape_cast %get3A_838 : vector<16xi32> to vector<16xi32>
    %mul3A_840 = arith.constant 3 : i32
    %mul3A_841 = arith.muli %select_n3A, %mul3A_840 : i32
    %add3A_842 = arith.constant 2 : i32
    %add3A_843 = arith.addi %mul3A_841, %add3A_842 : i32
    %mul3A_844 = arith.constant 50176 : i32
    %mul3A_845 = arith.muli %add3A_843, %mul3A_844 : i32
    %add3A_846 = vector.broadcast %mul3A_845 : i32 to vector<16xi32>
    %add3A_847 = arith.addi %get3A_839, %add3A_846 : vector<16xi32>
    %swap3A_848 = arith.constant 3 : i32
    %swap3A_849 = arith.index_cast %swap3A_848 : i32 to index
    %swap3A_850 = arith.constant 64 : index
    %swap3A_851 = tpu.vector_load %arg10[%swap3A_849, %swap3A_850] {strides = array<i32>} : memref<8x128xi32, #tpu.memory_space<vmem>>, vector<1x16xi32>,
    %swap3A_852 = vector.shape_cast %swap3A_851 : vector<1x16xi32> to vector<16xi32>
    %swap3A_853 = vector.shape_cast %add3A_847 : vector<16xi32> to vector<1x16xi32>
    tpu.vector_store %arg10[%swap3A_849, %swap3A_850], %swap3A_853 {strides = array<i32>} : memref<8x128xi32, #tpu.memory_space<vmem>>, vector<1x16xi32>,
    %get3A_854 = arith.constant 80 : index
    %get3A_855 = tpu.vector_load %arg9[%get3A_854] {strides = array<i32>} : memref<128xi32, #tpu.memory_space<vmem>>, vector<16xi32>,
    %get3A_856 = vector.shape_cast %get3A_855 : vector<16xi32> to vector<16xi32>
    %mul3A_857 = arith.constant 3 : i32
    %mul3A_858 = arith.muli %select_n3A, %mul3A_857 : i32
    %add3A_859 = arith.constant 2 : i32
    %add3A_860 = arith.addi %mul3A_858, %add3A_859 : i32
    %mul3A_861 = arith.constant 50176 : i32
    %mul3A_862 = arith.muli %add3A_860, %mul3A_861 : i32
    %add3A_863 = vector.broadcast %mul3A_862 : i32 to vector<16xi32>
    %add3A_864 = arith.addi %get3A_856, %add3A_863 : vector<16xi32>
    %swap3A_865 = arith.constant 3 : i32
    %swap3A_866 = arith.index_cast %swap3A_865 : i32 to index
    %swap3A_867 = arith.constant 80 : index
    %swap3A_868 = tpu.vector_load %arg10[%swap3A_866, %swap3A_867] {strides = array<i32>} : memref<8x128xi32, #tpu.memory_space<vmem>>, vector<1x16xi32>,
    %swap3A_869 = vector.shape_cast %swap3A_868 : vector<1x16xi32> to vector<16xi32>
    %swap3A_870 = vector.shape_cast %add3A_864 : vector<16xi32> to vector<1x16xi32>
    tpu.vector_store %arg10[%swap3A_866, %swap3A_867], %swap3A_870 {strides = array<i32>} : memref<8x128xi32, #tpu.memory_space<vmem>>, vector<1x16xi32>,
    %get3A_871 = arith.constant 96 : index
    %get3A_872 = tpu.vector_load %arg9[%get3A_871] {strides = array<i32>} : memref<128xi32, #tpu.memory_space<vmem>>, vector<16xi32>,
    %get3A_873 = vector.shape_cast %get3A_872 : vector<16xi32> to vector<16xi32>
    %mul3A_874 = arith.constant 3 : i32
    %mul3A_875 = arith.muli %select_n3A, %mul3A_874 : i32
    %add3A_876 = arith.constant 2 : i32
    %add3A_877 = arith.addi %mul3A_875, %add3A_876 : i32
    %mul3A_878 = arith.constant 50176 : i32
    %mul3A_879 = arith.muli %add3A_877, %mul3A_878 : i32
    %add3A_880 = vector.broadcast %mul3A_879 : i32 to vector<16xi32>
    %add3A_881 = arith.addi %get3A_873, %add3A_880 : vector<16xi32>
    %swap3A_882 = arith.constant 3 : i32
    %swap3A_883 = arith.index_cast %swap3A_882 : i32 to index
    %swap3A_884 = arith.constant 96 : index
    %swap3A_885 = tpu.vector_load %arg10[%swap3A_883, %swap3A_884] {strides = array<i32>} : memref<8x128xi32, #tpu.memory_space<vmem>>, vector<1x16xi32>,
    %swap3A_886 = vector.shape_cast %swap3A_885 : vector<1x16xi32> to vector<16xi32>
    %swap3A_887 = vector.shape_cast %add3A_881 : vector<16xi32> to vector<1x16xi32>
    tpu.vector_store %arg10[%swap3A_883, %swap3A_884], %swap3A_887 {strides = array<i32>} : memref<8x128xi32, #tpu.memory_space<vmem>>, vector<1x16xi32>,
    %get3A_888 = arith.constant 112 : index
    %get3A_889 = tpu.vector_load %arg9[%get3A_888] {strides = array<i32>} : memref<128xi32, #tpu.memory_space<vmem>>, vector<16xi32>,
    %get3A_890 = vector.shape_cast %get3A_889 : vector<16xi32> to vector<16xi32>
    %mul3A_891 = arith.constant 3 : i32
    %mul3A_892 = arith.muli %select_n3A, %mul3A_891 : i32
    %add3A_893 = arith.constant 2 : i32
    %add3A_894 = arith.addi %mul3A_892, %add3A_893 : i32
    %mul3A_895 = arith.constant 50176 : i32
    %mul3A_896 = arith.muli %add3A_894, %mul3A_895 : i32
    %add3A_897 = vector.broadcast %mul3A_896 : i32 to vector<16xi32>
    %add3A_898 = arith.addi %get3A_890, %add3A_897 : vector<16xi32>
    %swap3A_899 = arith.constant 3 : i32
    %swap3A_900 = arith.index_cast %swap3A_899 : i32 to index
    %swap3A_901 = arith.constant 112 : index
    %swap3A_902 = tpu.vector_load %arg10[%swap3A_900, %swap3A_901] {strides = array<i32>} : memref<8x128xi32, #tpu.memory_space<vmem>>, vector<1x16xi32>,
    %swap3A_903 = vector.shape_cast %swap3A_902 : vector<1x16xi32> to vector<16xi32>
    %swap3A_904 = vector.shape_cast %add3A_898 : vector<16xi32> to vector<1x16xi32>
    tpu.vector_store %arg10[%swap3A_900, %swap3A_901], %swap3A_904 {strides = array<i32>} : memref<8x128xi32, #tpu.memory_space<vmem>>, vector<1x16xi32>,
    %dma_start3A_905 = arith.constant 3 : i32
    %dma_start3A_906 = arith.constant 2 : i32
    %dma_start3A_907 = arith.constant 0 : i32
    %dma_start3A_908 = tpu.memref_slice %arg12[%dma_start3A_906, %dma_start3A_907] : memref<8x128xf32, #tpu.memory_space<vmem>> -> memref<1x128xf32, #tpu.memory_space<vmem>>
    %dma_start3A_909 = tpu.memref_squeeze %dma_start3A_908 : memref<1x128xf32, #tpu.memory_space<vmem>> -> memref<128xf32, #tpu.memory_space<vmem>>
    %dma_start3A_910 = arith.constant 0 : i32
    %dma_start3A_911 = tpu.memref_slice %arg10[%dma_start3A_905, %dma_start3A_910] : memref<8x128xi32, #tpu.memory_space<vmem>> -> memref<1x128xi32, #tpu.memory_space<vmem>>
    %dma_start3A_912 = tpu.memref_squeeze %dma_start3A_911 : memref<1x128xi32, #tpu.memory_space<vmem>> -> memref<128xi32, #tpu.memory_space<vmem>>
    %dma_start3A_913 = arith.constant 0 : i32
    %dma_start3A_914 = tpu.memref_slice %arg4[%dma_start3A_913] : memref<602112xf32, #tpu.memory_space<hbm>> -> memref<602112xf32, #tpu.memory_space<hbm>>
    tpu.enqueue_indirect_dma source(%dma_start3A_914 : memref<602112xf32, #tpu.memory_space<hbm>>) target(%dma_start3A_909 : memref<128xf32, #tpu.memory_space<vmem>>) offsets(%dma_start3A_912 : memref<128xi32, #tpu.memory_space<vmem>>) semaphore(%arg13 : memref<!tpu.dma_semaphore, #tpu.memory_space<semaphore_mem>>)
    %dma_wait3A = arith.constant 0 : i32
    %dma_wait3A_915 = arith.constant 5 : i32
    %dma_wait3A_916 = arith.constant 0 : i32
    %dma_wait3A_917 = tpu.memref_slice %arg12[%dma_wait3A_915, %dma_wait3A_916] : memref<8x128xf32, #tpu.memory_space<vmem>> -> memref<1x128xf32, #tpu.memory_space<vmem>>
    %dma_wait3A_918 = tpu.memref_squeeze %dma_wait3A_917 : memref<1x128xf32, #tpu.memory_space<vmem>> -> memref<128xf32, #tpu.memory_space<vmem>>
    %dma_wait3A_919 = arith.constant 0 : i32
    %dma_wait3A_920 = tpu.memref_slice %arg10[%dma_wait3A, %dma_wait3A_919] : memref<8x128xi32, #tpu.memory_space<vmem>> -> memref<1x128xi32, #tpu.memory_space<vmem>>
    %dma_wait3A_921 = tpu.memref_squeeze %dma_wait3A_920 : memref<1x128xi32, #tpu.memory_space<vmem>> -> memref<128xi32, #tpu.memory_space<vmem>>
    %dma_wait3A_922 = arith.constant 0 : i32
    %dma_wait3A_923 = tpu.memref_slice %arg5[%dma_wait3A_922] : memref<200704xf32, #tpu.memory_space<hbm>> -> memref<200704xf32, #tpu.memory_space<hbm>>
    tpu.wait_indirect_dma semaphore(%arg13 : memref<!tpu.dma_semaphore, #tpu.memory_space<semaphore_mem>>) src(%dma_wait3A_923 : memref<200704xf32, #tpu.memory_space<hbm>>) dst(%dma_wait3A_918 : memref<128xf32, #tpu.memory_space<vmem>>)
    %dma_wait3A_924 = arith.constant 0 : i32
    %dma_wait3A_925 = arith.constant 6 : i32
    %dma_wait3A_926 = arith.constant 0 : i32
    %dma_wait3A_927 = tpu.memref_slice %arg12[%dma_wait3A_925, %dma_wait3A_926] : memref<8x128xf32, #tpu.memory_space<vmem>> -> memref<1x128xf32, #tpu.memory_space<vmem>>
    %dma_wait3A_928 = tpu.memref_squeeze %dma_wait3A_927 : memref<1x128xf32, #tpu.memory_space<vmem>> -> memref<128xf32, #tpu.memory_space<vmem>>
    %dma_wait3A_929 = arith.constant 0 : i32
    %dma_wait3A_930 = tpu.memref_slice %arg10[%dma_wait3A_924, %dma_wait3A_929] : memref<8x128xi32, #tpu.memory_space<vmem>> -> memref<1x128xi32, #tpu.memory_space<vmem>>
    %dma_wait3A_931 = tpu.memref_squeeze %dma_wait3A_930 : memref<1x128xi32, #tpu.memory_space<vmem>> -> memref<128xi32, #tpu.memory_space<vmem>>
    %dma_wait3A_932 = arith.constant 0 : i32
    %dma_wait3A_933 = tpu.memref_slice %arg6[%dma_wait3A_932] : memref<200704xf32, #tpu.memory_space<hbm>> -> memref<200704xf32, #tpu.memory_space<hbm>>
    tpu.wait_indirect_dma semaphore(%arg13 : memref<!tpu.dma_semaphore, #tpu.memory_space<semaphore_mem>>) src(%dma_wait3A_933 : memref<200704xf32, #tpu.memory_space<hbm>>) dst(%dma_wait3A_928 : memref<128xf32, #tpu.memory_space<vmem>>)
    %dma_wait3A_934 = arith.constant 1 : i32
    %dma_wait3A_935 = arith.constant 0 : i32
    %dma_wait3A_936 = arith.constant 0 : i32
    %dma_wait3A_937 = tpu.memref_slice %arg12[%dma_wait3A_935, %dma_wait3A_936] : memref<8x128xf32, #tpu.memory_space<vmem>> -> memref<1x128xf32, #tpu.memory_space<vmem>>
    %dma_wait3A_938 = tpu.memref_squeeze %dma_wait3A_937 : memref<1x128xf32, #tpu.memory_space<vmem>> -> memref<128xf32, #tpu.memory_space<vmem>>
    %dma_wait3A_939 = arith.constant 0 : i32
    %dma_wait3A_940 = tpu.memref_slice %arg10[%dma_wait3A_934, %dma_wait3A_939] : memref<8x128xi32, #tpu.memory_space<vmem>> -> memref<1x128xi32, #tpu.memory_space<vmem>>
    %dma_wait3A_941 = tpu.memref_squeeze %dma_wait3A_940 : memref<1x128xi32, #tpu.memory_space<vmem>> -> memref<128xi32, #tpu.memory_space<vmem>>
    %dma_wait3A_942 = arith.constant 0 : i32
    %dma_wait3A_943 = tpu.memref_slice %arg4[%dma_wait3A_942] : memref<602112xf32, #tpu.memory_space<hbm>> -> memref<602112xf32, #tpu.memory_space<hbm>>
    tpu.wait_indirect_dma semaphore(%arg13 : memref<!tpu.dma_semaphore, #tpu.memory_space<semaphore_mem>>) src(%dma_wait3A_943 : memref<602112xf32, #tpu.memory_space<hbm>>) dst(%dma_wait3A_938 : memref<128xf32, #tpu.memory_space<vmem>>)
    %dma_wait3A_944 = arith.constant 2 : i32
    %dma_wait3A_945 = arith.constant 1 : i32
    %dma_wait3A_946 = arith.constant 0 : i32
    %dma_wait3A_947 = tpu.memref_slice %arg12[%dma_wait3A_945, %dma_wait3A_946] : memref<8x128xf32, #tpu.memory_space<vmem>> -> memref<1x128xf32, #tpu.memory_space<vmem>>
    %dma_wait3A_948 = tpu.memref_squeeze %dma_wait3A_947 : memref<1x128xf32, #tpu.memory_space<vmem>> -> memref<128xf32, #tpu.memory_space<vmem>>
    %dma_wait3A_949 = arith.constant 0 : i32
    %dma_wait3A_950 = tpu.memref_slice %arg10[%dma_wait3A_944, %dma_wait3A_949] : memref<8x128xi32, #tpu.memory_space<vmem>> -> memref<1x128xi32, #tpu.memory_space<vmem>>
    %dma_wait3A_951 = tpu.memref_squeeze %dma_wait3A_950 : memref<1x128xi32, #tpu.memory_space<vmem>> -> memref<128xi32, #tpu.memory_space<vmem>>
    %dma_wait3A_952 = arith.constant 0 : i32
    %dma_wait3A_953 = tpu.memref_slice %arg4[%dma_wait3A_952] : memref<602112xf32, #tpu.memory_space<hbm>> -> memref<602112xf32, #tpu.memory_space<hbm>>
    tpu.wait_indirect_dma semaphore(%arg13 : memref<!tpu.dma_semaphore, #tpu.memory_space<semaphore_mem>>) src(%dma_wait3A_953 : memref<602112xf32, #tpu.memory_space<hbm>>) dst(%dma_wait3A_948 : memref<128xf32, #tpu.memory_space<vmem>>)
    %dma_wait3A_954 = arith.constant 3 : i32
    %dma_wait3A_955 = arith.constant 2 : i32
    %dma_wait3A_956 = arith.constant 0 : i32
    %dma_wait3A_957 = tpu.memref_slice %arg12[%dma_wait3A_955, %dma_wait3A_956] : memref<8x128xf32, #tpu.memory_space<vmem>> -> memref<1x128xf32, #tpu.memory_space<vmem>>
    %dma_wait3A_958 = tpu.memref_squeeze %dma_wait3A_957 : memref<1x128xf32, #tpu.memory_space<vmem>> -> memref<128xf32, #tpu.memory_space<vmem>>
    %dma_wait3A_959 = arith.constant 0 : i32
    %dma_wait3A_960 = tpu.memref_slice %arg10[%dma_wait3A_954, %dma_wait3A_959] : memref<8x128xi32, #tpu.memory_space<vmem>> -> memref<1x128xi32, #tpu.memory_space<vmem>>
    %dma_wait3A_961 = tpu.memref_squeeze %dma_wait3A_960 : memref<1x128xi32, #tpu.memory_space<vmem>> -> memref<128xi32, #tpu.memory_space<vmem>>
    %dma_wait3A_962 = arith.constant 0 : i32
    %dma_wait3A_963 = tpu.memref_slice %arg4[%dma_wait3A_962] : memref<602112xf32, #tpu.memory_space<hbm>> -> memref<602112xf32, #tpu.memory_space<hbm>>
    tpu.wait_indirect_dma semaphore(%arg13 : memref<!tpu.dma_semaphore, #tpu.memory_space<semaphore_mem>>) src(%dma_wait3A_963 : memref<602112xf32, #tpu.memory_space<hbm>>) dst(%dma_wait3A_958 : memref<128xf32, #tpu.memory_space<vmem>>)
    "tpu.region"() ({
      %run_scoped3A = tpu.sem_alloc : memref<!tpu.dma_semaphore, #tpu.memory_space<semaphore_mem>>
      %dma_start3A_969 = arith.constant 0 : i32
      %dma_start3A_970 = tpu.memref_slice %arg8[%select_n3A, %dma_start3A_969, %mul3A_72] : memref<4x8x512xf32, #tpu.memory_space<hbm>> -> memref<1x8x128xf32, #tpu.memory_space<hbm>>
      %dma_start3A_971 = tpu.memref_squeeze %dma_start3A_970 : memref<1x8x128xf32, #tpu.memory_space<hbm>> -> memref<8x128xf32, #tpu.memory_space<hbm>>
      %dma_start3A_972 = arith.constant 0 : i32
      %dma_start3A_973 = tpu.memref_slice %arg8[%select_n3A, %dma_start3A_972, %mul3A_72] : memref<4x8x512xf32, #tpu.memory_space<hbm>> -> memref<1x8x128xf32, #tpu.memory_space<hbm>>
      %dma_start3A_974 = tpu.memref_squeeze %dma_start3A_973 : memref<1x8x128xf32, #tpu.memory_space<hbm>> -> memref<8x128xf32, #tpu.memory_space<hbm>>
      tpu.enqueue_dma source(%arg12 : memref<8x128xf32, #tpu.memory_space<vmem>>) target(%dma_start3A_974 : memref<8x128xf32, #tpu.memory_space<hbm>>) target_semaphore(%run_scoped3A : memref<!tpu.dma_semaphore, #tpu.memory_space<semaphore_mem>>)
      %dma_wait3A_975 = arith.constant 0 : i32
      %dma_wait3A_976 = tpu.memref_slice %arg8[%select_n3A, %dma_wait3A_975, %mul3A_72] : memref<4x8x512xf32, #tpu.memory_space<hbm>> -> memref<1x8x128xf32, #tpu.memory_space<hbm>>
      %dma_wait3A_977 = tpu.memref_squeeze %dma_wait3A_976 : memref<1x8x128xf32, #tpu.memory_space<hbm>> -> memref<8x128xf32, #tpu.memory_space<hbm>>
      %dma_wait3A_978 = arith.constant 0 : i32
      %dma_wait3A_979 = tpu.memref_slice %arg8[%select_n3A, %dma_wait3A_978, %mul3A_72] : memref<4x8x512xf32, #tpu.memory_space<hbm>> -> memref<1x8x128xf32, #tpu.memory_space<hbm>>
      %dma_wait3A_980 = tpu.memref_squeeze %dma_wait3A_979 : memref<1x8x128xf32, #tpu.memory_space<hbm>> -> memref<8x128xf32, #tpu.memory_space<hbm>>
      tpu.wait_dma2 semaphore(%run_scoped3A : memref<!tpu.dma_semaphore, #tpu.memory_space<semaphore_mem>>) src(%arg12 : memref<8x128xf32, #tpu.memory_space<vmem>>) dst(%dma_wait3A_980 : memref<8x128xf32, #tpu.memory_space<hbm>>)
      tpu.yield
    }) : () -> ()
    %scan3A = arith.constant 0 : i32
    %scan3A_964 = arith.constant 0 : i32
    %scan3A_965 = arith.constant 4 : i32
    %scan3A_966 = arith.addi %scan3A_964, %scan3A_965 : i32
    %scan3A_967 = arith.constant 1 : i32
    scf.for %scan3A_969 = %scan3A_964 to %scan3A_966 step %scan3A_967  : i32 {
      %mul3A_970 = arith.constant 8 : i32
      %mul3A_971 = arith.muli %scan3A_969, %mul3A_970 : i32
      %add3A_972 = arith.constant 0 : i32
      %add3A_973 = arith.addi %mul3A_971, %add3A_972 : i32
      %get3A_974 = arith.constant 0 : index
      %get3A_975 = tpu.vector_load %arg9[%get3A_974] {strides = array<i32>} : memref<128xi32, #tpu.memory_space<vmem>>, vector<16xi32>,
      %get3A_976 = vector.shape_cast %get3A_975 : vector<16xi32> to vector<16xi32>
      %mul3A_977 = arith.constant 64 : i32
      %mul3A_978 = arith.muli %select_n3A, %mul3A_977 : i32
      %add3A_979 = arith.addi %mul3A_978, %mul3A_74 : i32
      %add3A_980 = arith.addi %add3A_979, %add3A_973 : i32
      %mul3A_981 = arith.constant 50176 : i32
      %mul3A_982 = arith.muli %add3A_980, %mul3A_981 : i32
      %add3A_983 = vector.broadcast %mul3A_982 : i32 to vector<16xi32>
      %add3A_984 = arith.addi %get3A_976, %add3A_983 : vector<16xi32>
      %swap3A_985 = arith.constant 0 : i32
      %swap3A_986 = arith.index_cast %swap3A_985 : i32 to index
      %swap3A_987 = arith.constant 0 : index
      %swap3A_988 = tpu.vector_load %arg10[%swap3A_986, %swap3A_987] {strides = array<i32>} : memref<8x128xi32, #tpu.memory_space<vmem>>, vector<1x16xi32>,
      %swap3A_989 = vector.shape_cast %swap3A_988 : vector<1x16xi32> to vector<16xi32>
      %swap3A_990 = vector.shape_cast %add3A_984 : vector<16xi32> to vector<1x16xi32>
      tpu.vector_store %arg10[%swap3A_986, %swap3A_987], %swap3A_990 {strides = array<i32>} : memref<8x128xi32, #tpu.memory_space<vmem>>, vector<1x16xi32>,
      %get3A_991 = arith.constant 16 : index
      %get3A_992 = tpu.vector_load %arg9[%get3A_991] {strides = array<i32>} : memref<128xi32, #tpu.memory_space<vmem>>, vector<16xi32>,
      %get3A_993 = vector.shape_cast %get3A_992 : vector<16xi32> to vector<16xi32>
      %mul3A_994 = arith.constant 64 : i32
      %mul3A_995 = arith.muli %select_n3A, %mul3A_994 : i32
      %add3A_996 = arith.addi %mul3A_995, %mul3A_74 : i32
      %add3A_997 = arith.addi %add3A_996, %add3A_973 : i32
      %mul3A_998 = arith.constant 50176 : i32
      %mul3A_999 = arith.muli %add3A_997, %mul3A_998 : i32
      %add3A_1000 = vector.broadcast %mul3A_999 : i32 to vector<16xi32>
      %add3A_1001 = arith.addi %get3A_993, %add3A_1000 : vector<16xi32>
      %swap3A_1002 = arith.constant 0 : i32
      %swap3A_1003 = arith.index_cast %swap3A_1002 : i32 to index
      %swap3A_1004 = arith.constant 16 : index
      %swap3A_1005 = tpu.vector_load %arg10[%swap3A_1003, %swap3A_1004] {strides = array<i32>} : memref<8x128xi32, #tpu.memory_space<vmem>>, vector<1x16xi32>,
      %swap3A_1006 = vector.shape_cast %swap3A_1005 : vector<1x16xi32> to vector<16xi32>
      %swap3A_1007 = vector.shape_cast %add3A_1001 : vector<16xi32> to vector<1x16xi32>
      tpu.vector_store %arg10[%swap3A_1003, %swap3A_1004], %swap3A_1007 {strides = array<i32>} : memref<8x128xi32, #tpu.memory_space<vmem>>, vector<1x16xi32>,
      %get3A_1008 = arith.constant 32 : index
      %get3A_1009 = tpu.vector_load %arg9[%get3A_1008] {strides = array<i32>} : memref<128xi32, #tpu.memory_space<vmem>>, vector<16xi32>,
      %get3A_1010 = vector.shape_cast %get3A_1009 : vector<16xi32> to vector<16xi32>
      %mul3A_1011 = arith.constant 64 : i32
      %mul3A_1012 = arith.muli %select_n3A, %mul3A_1011 : i32
      %add3A_1013 = arith.addi %mul3A_1012, %mul3A_74 : i32
      %add3A_1014 = arith.addi %add3A_1013, %add3A_973 : i32
      %mul3A_1015 = arith.constant 50176 : i32
      %mul3A_1016 = arith.muli %add3A_1014, %mul3A_1015 : i32
      %add3A_1017 = vector.broadcast %mul3A_1016 : i32 to vector<16xi32>
      %add3A_1018 = arith.addi %get3A_1010, %add3A_1017 : vector<16xi32>
      %swap3A_1019 = arith.constant 0 : i32
      %swap3A_1020 = arith.index_cast %swap3A_1019 : i32 to index
      %swap3A_1021 = arith.constant 32 : index
      %swap3A_1022 = tpu.vector_load %arg10[%swap3A_1020, %swap3A_1021] {strides = array<i32>} : memref<8x128xi32, #tpu.memory_space<vmem>>, vector<1x16xi32>,
      %swap3A_1023 = vector.shape_cast %swap3A_1022 : vector<1x16xi32> to vector<16xi32>
      %swap3A_1024 = vector.shape_cast %add3A_1018 : vector<16xi32> to vector<1x16xi32>
      tpu.vector_store %arg10[%swap3A_1020, %swap3A_1021], %swap3A_1024 {strides = array<i32>} : memref<8x128xi32, #tpu.memory_space<vmem>>, vector<1x16xi32>,
      %get3A_1025 = arith.constant 48 : index
      %get3A_1026 = tpu.vector_load %arg9[%get3A_1025] {strides = array<i32>} : memref<128xi32, #tpu.memory_space<vmem>>, vector<16xi32>,
      %get3A_1027 = vector.shape_cast %get3A_1026 : vector<16xi32> to vector<16xi32>
      %mul3A_1028 = arith.constant 64 : i32
      %mul3A_1029 = arith.muli %select_n3A, %mul3A_1028 : i32
      %add3A_1030 = arith.addi %mul3A_1029, %mul3A_74 : i32
      %add3A_1031 = arith.addi %add3A_1030, %add3A_973 : i32
      %mul3A_1032 = arith.constant 50176 : i32
      %mul3A_1033 = arith.muli %add3A_1031, %mul3A_1032 : i32
      %add3A_1034 = vector.broadcast %mul3A_1033 : i32 to vector<16xi32>
      %add3A_1035 = arith.addi %get3A_1027, %add3A_1034 : vector<16xi32>
      %swap3A_1036 = arith.constant 0 : i32
      %swap3A_1037 = arith.index_cast %swap3A_1036 : i32 to index
      %swap3A_1038 = arith.constant 48 : index
      %swap3A_1039 = tpu.vector_load %arg10[%swap3A_1037, %swap3A_1038] {strides = array<i32>} : memref<8x128xi32, #tpu.memory_space<vmem>>, vector<1x16xi32>,
      %swap3A_1040 = vector.shape_cast %swap3A_1039 : vector<1x16xi32> to vector<16xi32>
      %swap3A_1041 = vector.shape_cast %add3A_1035 : vector<16xi32> to vector<1x16xi32>
      tpu.vector_store %arg10[%swap3A_1037, %swap3A_1038], %swap3A_1041 {strides = array<i32>} : memref<8x128xi32, #tpu.memory_space<vmem>>, vector<1x16xi32>,
      %get3A_1042 = arith.constant 64 : index
      %get3A_1043 = tpu.vector_load %arg9[%get3A_1042] {strides = array<i32>} : memref<128xi32, #tpu.memory_space<vmem>>, vector<16xi32>,
      %get3A_1044 = vector.shape_cast %get3A_1043 : vector<16xi32> to vector<16xi32>
      %mul3A_1045 = arith.constant 64 : i32
      %mul3A_1046 = arith.muli %select_n3A, %mul3A_1045 : i32
      %add3A_1047 = arith.addi %mul3A_1046, %mul3A_74 : i32
      %add3A_1048 = arith.addi %add3A_1047, %add3A_973 : i32
      %mul3A_1049 = arith.constant 50176 : i32
      %mul3A_1050 = arith.muli %add3A_1048, %mul3A_1049 : i32
      %add3A_1051 = vector.broadcast %mul3A_1050 : i32 to vector<16xi32>
      %add3A_1052 = arith.addi %get3A_1044, %add3A_1051 : vector<16xi32>
      %swap3A_1053 = arith.constant 0 : i32
      %swap3A_1054 = arith.index_cast %swap3A_1053 : i32 to index
      %swap3A_1055 = arith.constant 64 : index
      %swap3A_1056 = tpu.vector_load %arg10[%swap3A_1054, %swap3A_1055] {strides = array<i32>} : memref<8x128xi32, #tpu.memory_space<vmem>>, vector<1x16xi32>,
      %swap3A_1057 = vector.shape_cast %swap3A_1056 : vector<1x16xi32> to vector<16xi32>
      %swap3A_1058 = vector.shape_cast %add3A_1052 : vector<16xi32> to vector<1x16xi32>
      tpu.vector_store %arg10[%swap3A_1054, %swap3A_1055], %swap3A_1058 {strides = array<i32>} : memref<8x128xi32, #tpu.memory_space<vmem>>, vector<1x16xi32>,
      %get3A_1059 = arith.constant 80 : index
      %get3A_1060 = tpu.vector_load %arg9[%get3A_1059] {strides = array<i32>} : memref<128xi32, #tpu.memory_space<vmem>>, vector<16xi32>,
      %get3A_1061 = vector.shape_cast %get3A_1060 : vector<16xi32> to vector<16xi32>
      %mul3A_1062 = arith.constant 64 : i32
      %mul3A_1063 = arith.muli %select_n3A, %mul3A_1062 : i32
      %add3A_1064 = arith.addi %mul3A_1063, %mul3A_74 : i32
      %add3A_1065 = arith.addi %add3A_1064, %add3A_973 : i32
      %mul3A_1066 = arith.constant 50176 : i32
      %mul3A_1067 = arith.muli %add3A_1065, %mul3A_1066 : i32
      %add3A_1068 = vector.broadcast %mul3A_1067 : i32 to vector<16xi32>
      %add3A_1069 = arith.addi %get3A_1061, %add3A_1068 : vector<16xi32>
      %swap3A_1070 = arith.constant 0 : i32
      %swap3A_1071 = arith.index_cast %swap3A_1070 : i32 to index
      %swap3A_1072 = arith.constant 80 : index
      %swap3A_1073 = tpu.vector_load %arg10[%swap3A_1071, %swap3A_1072] {strides = array<i32>} : memref<8x128xi32, #tpu.memory_space<vmem>>, vector<1x16xi32>,
      %swap3A_1074 = vector.shape_cast %swap3A_1073 : vector<1x16xi32> to vector<16xi32>
      %swap3A_1075 = vector.shape_cast %add3A_1069 : vector<16xi32> to vector<1x16xi32>
      tpu.vector_store %arg10[%swap3A_1071, %swap3A_1072], %swap3A_1075 {strides = array<i32>} : memref<8x128xi32, #tpu.memory_space<vmem>>, vector<1x16xi32>,
      %get3A_1076 = arith.constant 96 : index
      %get3A_1077 = tpu.vector_load %arg9[%get3A_1076] {strides = array<i32>} : memref<128xi32, #tpu.memory_space<vmem>>, vector<16xi32>,
      %get3A_1078 = vector.shape_cast %get3A_1077 : vector<16xi32> to vector<16xi32>
      %mul3A_1079 = arith.constant 64 : i32
      %mul3A_1080 = arith.muli %select_n3A, %mul3A_1079 : i32
      %add3A_1081 = arith.addi %mul3A_1080, %mul3A_74 : i32
      %add3A_1082 = arith.addi %add3A_1081, %add3A_973 : i32
      %mul3A_1083 = arith.constant 50176 : i32
      %mul3A_1084 = arith.muli %add3A_1082, %mul3A_1083 : i32
      %add3A_1085 = vector.broadcast %mul3A_1084 : i32 to vector<16xi32>
      %add3A_1086 = arith.addi %get3A_1078, %add3A_1085 : vector<16xi32>
      %swap3A_1087 = arith.constant 0 : i32
      %swap3A_1088 = arith.index_cast %swap3A_1087 : i32 to index
      %swap3A_1089 = arith.constant 96 : index
      %swap3A_1090 = tpu.vector_load %arg10[%swap3A_1088, %swap3A_1089] {strides = array<i32>} : memref<8x128xi32, #tpu.memory_space<vmem>>, vector<1x16xi32>,
      %swap3A_1091 = vector.shape_cast %swap3A_1090 : vector<1x16xi32> to vector<16xi32>
      %swap3A_1092 = vector.shape_cast %add3A_1086 : vector<16xi32> to vector<1x16xi32>
      tpu.vector_store %arg10[%swap3A_1088, %swap3A_1089], %swap3A_1092 {strides = array<i32>} : memref<8x128xi32, #tpu.memory_space<vmem>>, vector<1x16xi32>,
      %get3A_1093 = arith.constant 112 : index
      %get3A_1094 = tpu.vector_load %arg9[%get3A_1093] {strides = array<i32>} : memref<128xi32, #tpu.memory_space<vmem>>, vector<16xi32>,
      %get3A_1095 = vector.shape_cast %get3A_1094 : vector<16xi32> to vector<16xi32>
      %mul3A_1096 = arith.constant 64 : i32
      %mul3A_1097 = arith.muli %select_n3A, %mul3A_1096 : i32
      %add3A_1098 = arith.addi %mul3A_1097, %mul3A_74 : i32
      %add3A_1099 = arith.addi %add3A_1098, %add3A_973 : i32
      %mul3A_1100 = arith.constant 50176 : i32
      %mul3A_1101 = arith.muli %add3A_1099, %mul3A_1100 : i32
      %add3A_1102 = vector.broadcast %mul3A_1101 : i32 to vector<16xi32>
      %add3A_1103 = arith.addi %get3A_1095, %add3A_1102 : vector<16xi32>
      %swap3A_1104 = arith.constant 0 : i32
      %swap3A_1105 = arith.index_cast %swap3A_1104 : i32 to index
      %swap3A_1106 = arith.constant 112 : index
      %swap3A_1107 = tpu.vector_load %arg10[%swap3A_1105, %swap3A_1106] {strides = array<i32>} : memref<8x128xi32, #tpu.memory_space<vmem>>, vector<1x16xi32>,
      %swap3A_1108 = vector.shape_cast %swap3A_1107 : vector<1x16xi32> to vector<16xi32>
      %swap3A_1109 = vector.shape_cast %add3A_1103 : vector<16xi32> to vector<1x16xi32>
      tpu.vector_store %arg10[%swap3A_1105, %swap3A_1106], %swap3A_1109 {strides = array<i32>} : memref<8x128xi32, #tpu.memory_space<vmem>>, vector<1x16xi32>,
      %mul3A_1110 = arith.constant 8 : i32
      %mul3A_1111 = arith.muli %scan3A_969, %mul3A_1110 : i32
      %add3A_1112 = arith.constant 1 : i32
      %add3A_1113 = arith.addi %mul3A_1111, %add3A_1112 : i32
      %get3A_1114 = arith.constant 0 : index
      %get3A_1115 = tpu.vector_load %arg9[%get3A_1114] {strides = array<i32>} : memref<128xi32, #tpu.memory_space<vmem>>, vector<16xi32>,
      %get3A_1116 = vector.shape_cast %get3A_1115 : vector<16xi32> to vector<16xi32>
      %mul3A_1117 = arith.constant 64 : i32
      %mul3A_1118 = arith.muli %select_n3A, %mul3A_1117 : i32
      %add3A_1119 = arith.addi %mul3A_1118, %mul3A_74 : i32
      %add3A_1120 = arith.addi %add3A_1119, %add3A_1113 : i32
      %mul3A_1121 = arith.constant 50176 : i32
      %mul3A_1122 = arith.muli %add3A_1120, %mul3A_1121 : i32
      %add3A_1123 = vector.broadcast %mul3A_1122 : i32 to vector<16xi32>
      %add3A_1124 = arith.addi %get3A_1116, %add3A_1123 : vector<16xi32>
      %swap3A_1125 = arith.constant 1 : i32
      %swap3A_1126 = arith.index_cast %swap3A_1125 : i32 to index
      %swap3A_1127 = arith.constant 0 : index
      %swap3A_1128 = tpu.vector_load %arg10[%swap3A_1126, %swap3A_1127] {strides = array<i32>} : memref<8x128xi32, #tpu.memory_space<vmem>>, vector<1x16xi32>,
      %swap3A_1129 = vector.shape_cast %swap3A_1128 : vector<1x16xi32> to vector<16xi32>
      %swap3A_1130 = vector.shape_cast %add3A_1124 : vector<16xi32> to vector<1x16xi32>
      tpu.vector_store %arg10[%swap3A_1126, %swap3A_1127], %swap3A_1130 {strides = array<i32>} : memref<8x128xi32, #tpu.memory_space<vmem>>, vector<1x16xi32>,
      %get3A_1131 = arith.constant 16 : index
      %get3A_1132 = tpu.vector_load %arg9[%get3A_1131] {strides = array<i32>} : memref<128xi32, #tpu.memory_space<vmem>>, vector<16xi32>,
      %get3A_1133 = vector.shape_cast %get3A_1132 : vector<16xi32> to vector<16xi32>
      %mul3A_1134 = arith.constant 64 : i32
      %mul3A_1135 = arith.muli %select_n3A, %mul3A_1134 : i32
      %add3A_1136 = arith.addi %mul3A_1135, %mul3A_74 : i32
      %add3A_1137 = arith.addi %add3A_1136, %add3A_1113 : i32
      %mul3A_1138 = arith.constant 50176 : i32
      %mul3A_1139 = arith.muli %add3A_1137, %mul3A_1138 : i32
      %add3A_1140 = vector.broadcast %mul3A_1139 : i32 to vector<16xi32>
      %add3A_1141 = arith.addi %get3A_1133, %add3A_1140 : vector<16xi32>
      %swap3A_1142 = arith.constant 1 : i32
      %swap3A_1143 = arith.index_cast %swap3A_1142 : i32 to index
      %swap3A_1144 = arith.constant 16 : index
      %swap3A_1145 = tpu.vector_load %arg10[%swap3A_1143, %swap3A_1144] {strides = array<i32>} : memref<8x128xi32, #tpu.memory_space<vmem>>, vector<1x16xi32>,
      %swap3A_1146 = vector.shape_cast %swap3A_1145 : vector<1x16xi32> to vector<16xi32>
      %swap3A_1147 = vector.shape_cast %add3A_1141 : vector<16xi32> to vector<1x16xi32>
      tpu.vector_store %arg10[%swap3A_1143, %swap3A_1144], %swap3A_1147 {strides = array<i32>} : memref<8x128xi32, #tpu.memory_space<vmem>>, vector<1x16xi32>,
      %get3A_1148 = arith.constant 32 : index
      %get3A_1149 = tpu.vector_load %arg9[%get3A_1148] {strides = array<i32>} : memref<128xi32, #tpu.memory_space<vmem>>, vector<16xi32>,
      %get3A_1150 = vector.shape_cast %get3A_1149 : vector<16xi32> to vector<16xi32>
      %mul3A_1151 = arith.constant 64 : i32
      %mul3A_1152 = arith.muli %select_n3A, %mul3A_1151 : i32
      %add3A_1153 = arith.addi %mul3A_1152, %mul3A_74 : i32
      %add3A_1154 = arith.addi %add3A_1153, %add3A_1113 : i32
      %mul3A_1155 = arith.constant 50176 : i32
      %mul3A_1156 = arith.muli %add3A_1154, %mul3A_1155 : i32
      %add3A_1157 = vector.broadcast %mul3A_1156 : i32 to vector<16xi32>
      %add3A_1158 = arith.addi %get3A_1150, %add3A_1157 : vector<16xi32>
      %swap3A_1159 = arith.constant 1 : i32
      %swap3A_1160 = arith.index_cast %swap3A_1159 : i32 to index
      %swap3A_1161 = arith.constant 32 : index
      %swap3A_1162 = tpu.vector_load %arg10[%swap3A_1160, %swap3A_1161] {strides = array<i32>} : memref<8x128xi32, #tpu.memory_space<vmem>>, vector<1x16xi32>,
      %swap3A_1163 = vector.shape_cast %swap3A_1162 : vector<1x16xi32> to vector<16xi32>
      %swap3A_1164 = vector.shape_cast %add3A_1158 : vector<16xi32> to vector<1x16xi32>
      tpu.vector_store %arg10[%swap3A_1160, %swap3A_1161], %swap3A_1164 {strides = array<i32>} : memref<8x128xi32, #tpu.memory_space<vmem>>, vector<1x16xi32>,
      %get3A_1165 = arith.constant 48 : index
      %get3A_1166 = tpu.vector_load %arg9[%get3A_1165] {strides = array<i32>} : memref<128xi32, #tpu.memory_space<vmem>>, vector<16xi32>,
      %get3A_1167 = vector.shape_cast %get3A_1166 : vector<16xi32> to vector<16xi32>
      %mul3A_1168 = arith.constant 64 : i32
      %mul3A_1169 = arith.muli %select_n3A, %mul3A_1168 : i32
      %add3A_1170 = arith.addi %mul3A_1169, %mul3A_74 : i32
      %add3A_1171 = arith.addi %add3A_1170, %add3A_1113 : i32
      %mul3A_1172 = arith.constant 50176 : i32
      %mul3A_1173 = arith.muli %add3A_1171, %mul3A_1172 : i32
      %add3A_1174 = vector.broadcast %mul3A_1173 : i32 to vector<16xi32>
      %add3A_1175 = arith.addi %get3A_1167, %add3A_1174 : vector<16xi32>
      %swap3A_1176 = arith.constant 1 : i32
      %swap3A_1177 = arith.index_cast %swap3A_1176 : i32 to index
      %swap3A_1178 = arith.constant 48 : index
      %swap3A_1179 = tpu.vector_load %arg10[%swap3A_1177, %swap3A_1178] {strides = array<i32>} : memref<8x128xi32, #tpu.memory_space<vmem>>, vector<1x16xi32>,
      %swap3A_1180 = vector.shape_cast %swap3A_1179 : vector<1x16xi32> to vector<16xi32>
      %swap3A_1181 = vector.shape_cast %add3A_1175 : vector<16xi32> to vector<1x16xi32>
      tpu.vector_store %arg10[%swap3A_1177, %swap3A_1178], %swap3A_1181 {strides = array<i32>} : memref<8x128xi32, #tpu.memory_space<vmem>>, vector<1x16xi32>,
      %get3A_1182 = arith.constant 64 : index
      %get3A_1183 = tpu.vector_load %arg9[%get3A_1182] {strides = array<i32>} : memref<128xi32, #tpu.memory_space<vmem>>, vector<16xi32>,
      %get3A_1184 = vector.shape_cast %get3A_1183 : vector<16xi32> to vector<16xi32>
      %mul3A_1185 = arith.constant 64 : i32
      %mul3A_1186 = arith.muli %select_n3A, %mul3A_1185 : i32
      %add3A_1187 = arith.addi %mul3A_1186, %mul3A_74 : i32
      %add3A_1188 = arith.addi %add3A_1187, %add3A_1113 : i32
      %mul3A_1189 = arith.constant 50176 : i32
      %mul3A_1190 = arith.muli %add3A_1188, %mul3A_1189 : i32
      %add3A_1191 = vector.broadcast %mul3A_1190 : i32 to vector<16xi32>
      %add3A_1192 = arith.addi %get3A_1184, %add3A_1191 : vector<16xi32>
      %swap3A_1193 = arith.constant 1 : i32
      %swap3A_1194 = arith.index_cast %swap3A_1193 : i32 to index
      %swap3A_1195 = arith.constant 64 : index
      %swap3A_1196 = tpu.vector_load %arg10[%swap3A_1194, %swap3A_1195] {strides = array<i32>} : memref<8x128xi32, #tpu.memory_space<vmem>>, vector<1x16xi32>,
      %swap3A_1197 = vector.shape_cast %swap3A_1196 : vector<1x16xi32> to vector<16xi32>
      %swap3A_1198 = vector.shape_cast %add3A_1192 : vector<16xi32> to vector<1x16xi32>
      tpu.vector_store %arg10[%swap3A_1194, %swap3A_1195], %swap3A_1198 {strides = array<i32>} : memref<8x128xi32, #tpu.memory_space<vmem>>, vector<1x16xi32>,
      %get3A_1199 = arith.constant 80 : index
      %get3A_1200 = tpu.vector_load %arg9[%get3A_1199] {strides = array<i32>} : memref<128xi32, #tpu.memory_space<vmem>>, vector<16xi32>,
      %get3A_1201 = vector.shape_cast %get3A_1200 : vector<16xi32> to vector<16xi32>
      %mul3A_1202 = arith.constant 64 : i32
      %mul3A_1203 = arith.muli %select_n3A, %mul3A_1202 : i32
      %add3A_1204 = arith.addi %mul3A_1203, %mul3A_74 : i32
      %add3A_1205 = arith.addi %add3A_1204, %add3A_1113 : i32
      %mul3A_1206 = arith.constant 50176 : i32
      %mul3A_1207 = arith.muli %add3A_1205, %mul3A_1206 : i32
      %add3A_1208 = vector.broadcast %mul3A_1207 : i32 to vector<16xi32>
      %add3A_1209 = arith.addi %get3A_1201, %add3A_1208 : vector<16xi32>
      %swap3A_1210 = arith.constant 1 : i32
      %swap3A_1211 = arith.index_cast %swap3A_1210 : i32 to index
      %swap3A_1212 = arith.constant 80 : index
      %swap3A_1213 = tpu.vector_load %arg10[%swap3A_1211, %swap3A_1212] {strides = array<i32>} : memref<8x128xi32, #tpu.memory_space<vmem>>, vector<1x16xi32>,
      %swap3A_1214 = vector.shape_cast %swap3A_1213 : vector<1x16xi32> to vector<16xi32>
      %swap3A_1215 = vector.shape_cast %add3A_1209 : vector<16xi32> to vector<1x16xi32>
      tpu.vector_store %arg10[%swap3A_1211, %swap3A_1212], %swap3A_1215 {strides = array<i32>} : memref<8x128xi32, #tpu.memory_space<vmem>>, vector<1x16xi32>,
      %get3A_1216 = arith.constant 96 : index
      %get3A_1217 = tpu.vector_load %arg9[%get3A_1216] {strides = array<i32>} : memref<128xi32, #tpu.memory_space<vmem>>, vector<16xi32>,
      %get3A_1218 = vector.shape_cast %get3A_1217 : vector<16xi32> to vector<16xi32>
      %mul3A_1219 = arith.constant 64 : i32
      %mul3A_1220 = arith.muli %select_n3A, %mul3A_1219 : i32
      %add3A_1221 = arith.addi %mul3A_1220, %mul3A_74 : i32
      %add3A_1222 = arith.addi %add3A_1221, %add3A_1113 : i32
      %mul3A_1223 = arith.constant 50176 : i32
      %mul3A_1224 = arith.muli %add3A_1222, %mul3A_1223 : i32
      %add3A_1225 = vector.broadcast %mul3A_1224 : i32 to vector<16xi32>
      %add3A_1226 = arith.addi %get3A_1218, %add3A_1225 : vector<16xi32>
      %swap3A_1227 = arith.constant 1 : i32
      %swap3A_1228 = arith.index_cast %swap3A_1227 : i32 to index
      %swap3A_1229 = arith.constant 96 : index
      %swap3A_1230 = tpu.vector_load %arg10[%swap3A_1228, %swap3A_1229] {strides = array<i32>} : memref<8x128xi32, #tpu.memory_space<vmem>>, vector<1x16xi32>,
      %swap3A_1231 = vector.shape_cast %swap3A_1230 : vector<1x16xi32> to vector<16xi32>
      %swap3A_1232 = vector.shape_cast %add3A_1226 : vector<16xi32> to vector<1x16xi32>
      tpu.vector_store %arg10[%swap3A_1228, %swap3A_1229], %swap3A_1232 {strides = array<i32>} : memref<8x128xi32, #tpu.memory_space<vmem>>, vector<1x16xi32>,
      %get3A_1233 = arith.constant 112 : index
      %get3A_1234 = tpu.vector_load %arg9[%get3A_1233] {strides = array<i32>} : memref<128xi32, #tpu.memory_space<vmem>>, vector<16xi32>,
      %get3A_1235 = vector.shape_cast %get3A_1234 : vector<16xi32> to vector<16xi32>
      %mul3A_1236 = arith.constant 64 : i32
      %mul3A_1237 = arith.muli %select_n3A, %mul3A_1236 : i32
      %add3A_1238 = arith.addi %mul3A_1237, %mul3A_74 : i32
      %add3A_1239 = arith.addi %add3A_1238, %add3A_1113 : i32
      %mul3A_1240 = arith.constant 50176 : i32
      %mul3A_1241 = arith.muli %add3A_1239, %mul3A_1240 : i32
      %add3A_1242 = vector.broadcast %mul3A_1241 : i32 to vector<16xi32>
      %add3A_1243 = arith.addi %get3A_1235, %add3A_1242 : vector<16xi32>
      %swap3A_1244 = arith.constant 1 : i32
      %swap3A_1245 = arith.index_cast %swap3A_1244 : i32 to index
      %swap3A_1246 = arith.constant 112 : index
      %swap3A_1247 = tpu.vector_load %arg10[%swap3A_1245, %swap3A_1246] {strides = array<i32>} : memref<8x128xi32, #tpu.memory_space<vmem>>, vector<1x16xi32>,
      %swap3A_1248 = vector.shape_cast %swap3A_1247 : vector<1x16xi32> to vector<16xi32>
      %swap3A_1249 = vector.shape_cast %add3A_1243 : vector<16xi32> to vector<1x16xi32>
      tpu.vector_store %arg10[%swap3A_1245, %swap3A_1246], %swap3A_1249 {strides = array<i32>} : memref<8x128xi32, #tpu.memory_space<vmem>>, vector<1x16xi32>,
      %mul3A_1250 = arith.constant 8 : i32
      %mul3A_1251 = arith.muli %scan3A_969, %mul3A_1250 : i32
      %add3A_1252 = arith.constant 2 : i32
      %add3A_1253 = arith.addi %mul3A_1251, %add3A_1252 : i32
      %get3A_1254 = arith.constant 0 : index
      %get3A_1255 = tpu.vector_load %arg9[%get3A_1254] {strides = array<i32>} : memref<128xi32, #tpu.memory_space<vmem>>, vector<16xi32>,
      %get3A_1256 = vector.shape_cast %get3A_1255 : vector<16xi32> to vector<16xi32>
      %mul3A_1257 = arith.constant 64 : i32
      %mul3A_1258 = arith.muli %select_n3A, %mul3A_1257 : i32
      %add3A_1259 = arith.addi %mul3A_1258, %mul3A_74 : i32
      %add3A_1260 = arith.addi %add3A_1259, %add3A_1253 : i32
      %mul3A_1261 = arith.constant 50176 : i32
      %mul3A_1262 = arith.muli %add3A_1260, %mul3A_1261 : i32
      %add3A_1263 = vector.broadcast %mul3A_1262 : i32 to vector<16xi32>
      %add3A_1264 = arith.addi %get3A_1256, %add3A_1263 : vector<16xi32>
      %swap3A_1265 = arith.constant 2 : i32
      %swap3A_1266 = arith.index_cast %swap3A_1265 : i32 to index
      %swap3A_1267 = arith.constant 0 : index
      %swap3A_1268 = tpu.vector_load %arg10[%swap3A_1266, %swap3A_1267] {strides = array<i32>} : memref<8x128xi32, #tpu.memory_space<vmem>>, vector<1x16xi32>,
      %swap3A_1269 = vector.shape_cast %swap3A_1268 : vector<1x16xi32> to vector<16xi32>
      %swap3A_1270 = vector.shape_cast %add3A_1264 : vector<16xi32> to vector<1x16xi32>
      tpu.vector_store %arg10[%swap3A_1266, %swap3A_1267], %swap3A_1270 {strides = array<i32>} : memref<8x128xi32, #tpu.memory_space<vmem>>, vector<1x16xi32>,
      %get3A_1271 = arith.constant 16 : index
      %get3A_1272 = tpu.vector_load %arg9[%get3A_1271] {strides = array<i32>} : memref<128xi32, #tpu.memory_space<vmem>>, vector<16xi32>,
      %get3A_1273 = vector.shape_cast %get3A_1272 : vector<16xi32> to vector<16xi32>
      %mul3A_1274 = arith.constant 64 : i32
      %mul3A_1275 = arith.muli %select_n3A, %mul3A_1274 : i32
      %add3A_1276 = arith.addi %mul3A_1275, %mul3A_74 : i32
      %add3A_1277 = arith.addi %add3A_1276, %add3A_1253 : i32
      %mul3A_1278 = arith.constant 50176 : i32
      %mul3A_1279 = arith.muli %add3A_1277, %mul3A_1278 : i32
      %add3A_1280 = vector.broadcast %mul3A_1279 : i32 to vector<16xi32>
      %add3A_1281 = arith.addi %get3A_1273, %add3A_1280 : vector<16xi32>
      %swap3A_1282 = arith.constant 2 : i32
      %swap3A_1283 = arith.index_cast %swap3A_1282 : i32 to index
      %swap3A_1284 = arith.constant 16 : index
      %swap3A_1285 = tpu.vector_load %arg10[%swap3A_1283, %swap3A_1284] {strides = array<i32>} : memref<8x128xi32, #tpu.memory_space<vmem>>, vector<1x16xi32>,
      %swap3A_1286 = vector.shape_cast %swap3A_1285 : vector<1x16xi32> to vector<16xi32>
      %swap3A_1287 = vector.shape_cast %add3A_1281 : vector<16xi32> to vector<1x16xi32>
      tpu.vector_store %arg10[%swap3A_1283, %swap3A_1284], %swap3A_1287 {strides = array<i32>} : memref<8x128xi32, #tpu.memory_space<vmem>>, vector<1x16xi32>,
      %get3A_1288 = arith.constant 32 : index
      %get3A_1289 = tpu.vector_load %arg9[%get3A_1288] {strides = array<i32>} : memref<128xi32, #tpu.memory_space<vmem>>, vector<16xi32>,
      %get3A_1290 = vector.shape_cast %get3A_1289 : vector<16xi32> to vector<16xi32>
      %mul3A_1291 = arith.constant 64 : i32
      %mul3A_1292 = arith.muli %select_n3A, %mul3A_1291 : i32
      %add3A_1293 = arith.addi %mul3A_1292, %mul3A_74 : i32
      %add3A_1294 = arith.addi %add3A_1293, %add3A_1253 : i32
      %mul3A_1295 = arith.constant 50176 : i32
      %mul3A_1296 = arith.muli %add3A_1294, %mul3A_1295 : i32
      %add3A_1297 = vector.broadcast %mul3A_1296 : i32 to vector<16xi32>
      %add3A_1298 = arith.addi %get3A_1290, %add3A_1297 : vector<16xi32>
      %swap3A_1299 = arith.constant 2 : i32
      %swap3A_1300 = arith.index_cast %swap3A_1299 : i32 to index
      %swap3A_1301 = arith.constant 32 : index
      %swap3A_1302 = tpu.vector_load %arg10[%swap3A_1300, %swap3A_1301] {strides = array<i32>} : memref<8x128xi32, #tpu.memory_space<vmem>>, vector<1x16xi32>,
      %swap3A_1303 = vector.shape_cast %swap3A_1302 : vector<1x16xi32> to vector<16xi32>
      %swap3A_1304 = vector.shape_cast %add3A_1298 : vector<16xi32> to vector<1x16xi32>
      tpu.vector_store %arg10[%swap3A_1300, %swap3A_1301], %swap3A_1304 {strides = array<i32>} : memref<8x128xi32, #tpu.memory_space<vmem>>, vector<1x16xi32>,
      %get3A_1305 = arith.constant 48 : index
      %get3A_1306 = tpu.vector_load %arg9[%get3A_1305] {strides = array<i32>} : memref<128xi32, #tpu.memory_space<vmem>>, vector<16xi32>,
      %get3A_1307 = vector.shape_cast %get3A_1306 : vector<16xi32> to vector<16xi32>
      %mul3A_1308 = arith.constant 64 : i32
      %mul3A_1309 = arith.muli %select_n3A, %mul3A_1308 : i32
      %add3A_1310 = arith.addi %mul3A_1309, %mul3A_74 : i32
      %add3A_1311 = arith.addi %add3A_1310, %add3A_1253 : i32
      %mul3A_1312 = arith.constant 50176 : i32
      %mul3A_1313 = arith.muli %add3A_1311, %mul3A_1312 : i32
      %add3A_1314 = vector.broadcast %mul3A_1313 : i32 to vector<16xi32>
      %add3A_1315 = arith.addi %get3A_1307, %add3A_1314 : vector<16xi32>
      %swap3A_1316 = arith.constant 2 : i32
      %swap3A_1317 = arith.index_cast %swap3A_1316 : i32 to index
      %swap3A_1318 = arith.constant 48 : index
      %swap3A_1319 = tpu.vector_load %arg10[%swap3A_1317, %swap3A_1318] {strides = array<i32>} : memref<8x128xi32, #tpu.memory_space<vmem>>, vector<1x16xi32>,
      %swap3A_1320 = vector.shape_cast %swap3A_1319 : vector<1x16xi32> to vector<16xi32>
      %swap3A_1321 = vector.shape_cast %add3A_1315 : vector<16xi32> to vector<1x16xi32>
      tpu.vector_store %arg10[%swap3A_1317, %swap3A_1318], %swap3A_1321 {strides = array<i32>} : memref<8x128xi32, #tpu.memory_space<vmem>>, vector<1x16xi32>,
      %get3A_1322 = arith.constant 64 : index
      %get3A_1323 = tpu.vector_load %arg9[%get3A_1322] {strides = array<i32>} : memref<128xi32, #tpu.memory_space<vmem>>, vector<16xi32>,
      %get3A_1324 = vector.shape_cast %get3A_1323 : vector<16xi32> to vector<16xi32>
      %mul3A_1325 = arith.constant 64 : i32
      %mul3A_1326 = arith.muli %select_n3A, %mul3A_1325 : i32
      %add3A_1327 = arith.addi %mul3A_1326, %mul3A_74 : i32
      %add3A_1328 = arith.addi %add3A_1327, %add3A_1253 : i32
      %mul3A_1329 = arith.constant 50176 : i32
      %mul3A_1330 = arith.muli %add3A_1328, %mul3A_1329 : i32
      %add3A_1331 = vector.broadcast %mul3A_1330 : i32 to vector<16xi32>
      %add3A_1332 = arith.addi %get3A_1324, %add3A_1331 : vector<16xi32>
      %swap3A_1333 = arith.constant 2 : i32
      %swap3A_1334 = arith.index_cast %swap3A_1333 : i32 to index
      %swap3A_1335 = arith.constant 64 : index
      %swap3A_1336 = tpu.vector_load %arg10[%swap3A_1334, %swap3A_1335] {strides = array<i32>} : memref<8x128xi32, #tpu.memory_space<vmem>>, vector<1x16xi32>,
      %swap3A_1337 = vector.shape_cast %swap3A_1336 : vector<1x16xi32> to vector<16xi32>
      %swap3A_1338 = vector.shape_cast %add3A_1332 : vector<16xi32> to vector<1x16xi32>
      tpu.vector_store %arg10[%swap3A_1334, %swap3A_1335], %swap3A_1338 {strides = array<i32>} : memref<8x128xi32, #tpu.memory_space<vmem>>, vector<1x16xi32>,
      %get3A_1339 = arith.constant 80 : index
      %get3A_1340 = tpu.vector_load %arg9[%get3A_1339] {strides = array<i32>} : memref<128xi32, #tpu.memory_space<vmem>>, vector<16xi32>,
      %get3A_1341 = vector.shape_cast %get3A_1340 : vector<16xi32> to vector<16xi32>
      %mul3A_1342 = arith.constant 64 : i32
      %mul3A_1343 = arith.muli %select_n3A, %mul3A_1342 : i32
      %add3A_1344 = arith.addi %mul3A_1343, %mul3A_74 : i32
      %add3A_1345 = arith.addi %add3A_1344, %add3A_1253 : i32
      %mul3A_1346 = arith.constant 50176 : i32
      %mul3A_1347 = arith.muli %add3A_1345, %mul3A_1346 : i32
      %add3A_1348 = vector.broadcast %mul3A_1347 : i32 to vector<16xi32>
      %add3A_1349 = arith.addi %get3A_1341, %add3A_1348 : vector<16xi32>
      %swap3A_1350 = arith.constant 2 : i32
      %swap3A_1351 = arith.index_cast %swap3A_1350 : i32 to index
      %swap3A_1352 = arith.constant 80 : index
      %swap3A_1353 = tpu.vector_load %arg10[%swap3A_1351, %swap3A_1352] {strides = array<i32>} : memref<8x128xi32, #tpu.memory_space<vmem>>, vector<1x16xi32>,
      %swap3A_1354 = vector.shape_cast %swap3A_1353 : vector<1x16xi32> to vector<16xi32>
      %swap3A_1355 = vector.shape_cast %add3A_1349 : vector<16xi32> to vector<1x16xi32>
      tpu.vector_store %arg10[%swap3A_1351, %swap3A_1352], %swap3A_1355 {strides = array<i32>} : memref<8x128xi32, #tpu.memory_space<vmem>>, vector<1x16xi32>,
      %get3A_1356 = arith.constant 96 : index
      %get3A_1357 = tpu.vector_load %arg9[%get3A_1356] {strides = array<i32>} : memref<128xi32, #tpu.memory_space<vmem>>, vector<16xi32>,
      %get3A_1358 = vector.shape_cast %get3A_1357 : vector<16xi32> to vector<16xi32>
      %mul3A_1359 = arith.constant 64 : i32
      %mul3A_1360 = arith.muli %select_n3A, %mul3A_1359 : i32
      %add3A_1361 = arith.addi %mul3A_1360, %mul3A_74 : i32
      %add3A_1362 = arith.addi %add3A_1361, %add3A_1253 : i32
      %mul3A_1363 = arith.constant 50176 : i32
      %mul3A_1364 = arith.muli %add3A_1362, %mul3A_1363 : i32
      %add3A_1365 = vector.broadcast %mul3A_1364 : i32 to vector<16xi32>
      %add3A_1366 = arith.addi %get3A_1358, %add3A_1365 : vector<16xi32>
      %swap3A_1367 = arith.constant 2 : i32
      %swap3A_1368 = arith.index_cast %swap3A_1367 : i32 to index
      %swap3A_1369 = arith.constant 96 : index
      %swap3A_1370 = tpu.vector_load %arg10[%swap3A_1368, %swap3A_1369] {strides = array<i32>} : memref<8x128xi32, #tpu.memory_space<vmem>>, vector<1x16xi32>,
      %swap3A_1371 = vector.shape_cast %swap3A_1370 : vector<1x16xi32> to vector<16xi32>
      %swap3A_1372 = vector.shape_cast %add3A_1366 : vector<16xi32> to vector<1x16xi32>
      tpu.vector_store %arg10[%swap3A_1368, %swap3A_1369], %swap3A_1372 {strides = array<i32>} : memref<8x128xi32, #tpu.memory_space<vmem>>, vector<1x16xi32>,
      %get3A_1373 = arith.constant 112 : index
      %get3A_1374 = tpu.vector_load %arg9[%get3A_1373] {strides = array<i32>} : memref<128xi32, #tpu.memory_space<vmem>>, vector<16xi32>,
      %get3A_1375 = vector.shape_cast %get3A_1374 : vector<16xi32> to vector<16xi32>
      %mul3A_1376 = arith.constant 64 : i32
      %mul3A_1377 = arith.muli %select_n3A, %mul3A_1376 : i32
      %add3A_1378 = arith.addi %mul3A_1377, %mul3A_74 : i32
      %add3A_1379 = arith.addi %add3A_1378, %add3A_1253 : i32
      %mul3A_1380 = arith.constant 50176 : i32
      %mul3A_1381 = arith.muli %add3A_1379, %mul3A_1380 : i32
      %add3A_1382 = vector.broadcast %mul3A_1381 : i32 to vector<16xi32>
      %add3A_1383 = arith.addi %get3A_1375, %add3A_1382 : vector<16xi32>
      %swap3A_1384 = arith.constant 2 : i32
      %swap3A_1385 = arith.index_cast %swap3A_1384 : i32 to index
      %swap3A_1386 = arith.constant 112 : index
      %swap3A_1387 = tpu.vector_load %arg10[%swap3A_1385, %swap3A_1386] {strides = array<i32>} : memref<8x128xi32, #tpu.memory_space<vmem>>, vector<1x16xi32>,
      %swap3A_1388 = vector.shape_cast %swap3A_1387 : vector<1x16xi32> to vector<16xi32>
      %swap3A_1389 = vector.shape_cast %add3A_1383 : vector<16xi32> to vector<1x16xi32>
      tpu.vector_store %arg10[%swap3A_1385, %swap3A_1386], %swap3A_1389 {strides = array<i32>} : memref<8x128xi32, #tpu.memory_space<vmem>>, vector<1x16xi32>,
      %mul3A_1390 = arith.constant 8 : i32
      %mul3A_1391 = arith.muli %scan3A_969, %mul3A_1390 : i32
      %add3A_1392 = arith.constant 3 : i32
      %add3A_1393 = arith.addi %mul3A_1391, %add3A_1392 : i32
      %get3A_1394 = arith.constant 0 : index
      %get3A_1395 = tpu.vector_load %arg9[%get3A_1394] {strides = array<i32>} : memref<128xi32, #tpu.memory_space<vmem>>, vector<16xi32>,
      %get3A_1396 = vector.shape_cast %get3A_1395 : vector<16xi32> to vector<16xi32>
      %mul3A_1397 = arith.constant 64 : i32
      %mul3A_1398 = arith.muli %select_n3A, %mul3A_1397 : i32
      %add3A_1399 = arith.addi %mul3A_1398, %mul3A_74 : i32
      %add3A_1400 = arith.addi %add3A_1399, %add3A_1393 : i32
      %mul3A_1401 = arith.constant 50176 : i32
      %mul3A_1402 = arith.muli %add3A_1400, %mul3A_1401 : i32
      %add3A_1403 = vector.broadcast %mul3A_1402 : i32 to vector<16xi32>
      %add3A_1404 = arith.addi %get3A_1396, %add3A_1403 : vector<16xi32>
      %swap3A_1405 = arith.constant 3 : i32
      %swap3A_1406 = arith.index_cast %swap3A_1405 : i32 to index
      %swap3A_1407 = arith.constant 0 : index
      %swap3A_1408 = tpu.vector_load %arg10[%swap3A_1406, %swap3A_1407] {strides = array<i32>} : memref<8x128xi32, #tpu.memory_space<vmem>>, vector<1x16xi32>,
      %swap3A_1409 = vector.shape_cast %swap3A_1408 : vector<1x16xi32> to vector<16xi32>
      %swap3A_1410 = vector.shape_cast %add3A_1404 : vector<16xi32> to vector<1x16xi32>
      tpu.vector_store %arg10[%swap3A_1406, %swap3A_1407], %swap3A_1410 {strides = array<i32>} : memref<8x128xi32, #tpu.memory_space<vmem>>, vector<1x16xi32>,
      %get3A_1411 = arith.constant 16 : index
      %get3A_1412 = tpu.vector_load %arg9[%get3A_1411] {strides = array<i32>} : memref<128xi32, #tpu.memory_space<vmem>>, vector<16xi32>,
      %get3A_1413 = vector.shape_cast %get3A_1412 : vector<16xi32> to vector<16xi32>
      %mul3A_1414 = arith.constant 64 : i32
      %mul3A_1415 = arith.muli %select_n3A, %mul3A_1414 : i32
      %add3A_1416 = arith.addi %mul3A_1415, %mul3A_74 : i32
      %add3A_1417 = arith.addi %add3A_1416, %add3A_1393 : i32
      %mul3A_1418 = arith.constant 50176 : i32
      %mul3A_1419 = arith.muli %add3A_1417, %mul3A_1418 : i32
      %add3A_1420 = vector.broadcast %mul3A_1419 : i32 to vector<16xi32>
      %add3A_1421 = arith.addi %get3A_1413, %add3A_1420 : vector<16xi32>
      %swap3A_1422 = arith.constant 3 : i32
      %swap3A_1423 = arith.index_cast %swap3A_1422 : i32 to index
      %swap3A_1424 = arith.constant 16 : index
      %swap3A_1425 = tpu.vector_load %arg10[%swap3A_1423, %swap3A_1424] {strides = array<i32>} : memref<8x128xi32, #tpu.memory_space<vmem>>, vector<1x16xi32>,
      %swap3A_1426 = vector.shape_cast %swap3A_1425 : vector<1x16xi32> to vector<16xi32>
      %swap3A_1427 = vector.shape_cast %add3A_1421 : vector<16xi32> to vector<1x16xi32>
      tpu.vector_store %arg10[%swap3A_1423, %swap3A_1424], %swap3A_1427 {strides = array<i32>} : memref<8x128xi32, #tpu.memory_space<vmem>>, vector<1x16xi32>,
      %get3A_1428 = arith.constant 32 : index
      %get3A_1429 = tpu.vector_load %arg9[%get3A_1428] {strides = array<i32>} : memref<128xi32, #tpu.memory_space<vmem>>, vector<16xi32>,
      %get3A_1430 = vector.shape_cast %get3A_1429 : vector<16xi32> to vector<16xi32>
      %mul3A_1431 = arith.constant 64 : i32
      %mul3A_1432 = arith.muli %select_n3A, %mul3A_1431 : i32
      %add3A_1433 = arith.addi %mul3A_1432, %mul3A_74 : i32
      %add3A_1434 = arith.addi %add3A_1433, %add3A_1393 : i32
      %mul3A_1435 = arith.constant 50176 : i32
      %mul3A_1436 = arith.muli %add3A_1434, %mul3A_1435 : i32
      %add3A_1437 = vector.broadcast %mul3A_1436 : i32 to vector<16xi32>
      %add3A_1438 = arith.addi %get3A_1430, %add3A_1437 : vector<16xi32>
      %swap3A_1439 = arith.constant 3 : i32
      %swap3A_1440 = arith.index_cast %swap3A_1439 : i32 to index
      %swap3A_1441 = arith.constant 32 : index
      %swap3A_1442 = tpu.vector_load %arg10[%swap3A_1440, %swap3A_1441] {strides = array<i32>} : memref<8x128xi32, #tpu.memory_space<vmem>>, vector<1x16xi32>,
      %swap3A_1443 = vector.shape_cast %swap3A_1442 : vector<1x16xi32> to vector<16xi32>
      %swap3A_1444 = vector.shape_cast %add3A_1438 : vector<16xi32> to vector<1x16xi32>
      tpu.vector_store %arg10[%swap3A_1440, %swap3A_1441], %swap3A_1444 {strides = array<i32>} : memref<8x128xi32, #tpu.memory_space<vmem>>, vector<1x16xi32>,
      %get3A_1445 = arith.constant 48 : index
      %get3A_1446 = tpu.vector_load %arg9[%get3A_1445] {strides = array<i32>} : memref<128xi32, #tpu.memory_space<vmem>>, vector<16xi32>,
      %get3A_1447 = vector.shape_cast %get3A_1446 : vector<16xi32> to vector<16xi32>
      %mul3A_1448 = arith.constant 64 : i32
      %mul3A_1449 = arith.muli %select_n3A, %mul3A_1448 : i32
      %add3A_1450 = arith.addi %mul3A_1449, %mul3A_74 : i32
      %add3A_1451 = arith.addi %add3A_1450, %add3A_1393 : i32
      %mul3A_1452 = arith.constant 50176 : i32
      %mul3A_1453 = arith.muli %add3A_1451, %mul3A_1452 : i32
      %add3A_1454 = vector.broadcast %mul3A_1453 : i32 to vector<16xi32>
      %add3A_1455 = arith.addi %get3A_1447, %add3A_1454 : vector<16xi32>
      %swap3A_1456 = arith.constant 3 : i32
      %swap3A_1457 = arith.index_cast %swap3A_1456 : i32 to index
      %swap3A_1458 = arith.constant 48 : index
      %swap3A_1459 = tpu.vector_load %arg10[%swap3A_1457, %swap3A_1458] {strides = array<i32>} : memref<8x128xi32, #tpu.memory_space<vmem>>, vector<1x16xi32>,
      %swap3A_1460 = vector.shape_cast %swap3A_1459 : vector<1x16xi32> to vector<16xi32>
      %swap3A_1461 = vector.shape_cast %add3A_1455 : vector<16xi32> to vector<1x16xi32>
      tpu.vector_store %arg10[%swap3A_1457, %swap3A_1458], %swap3A_1461 {strides = array<i32>} : memref<8x128xi32, #tpu.memory_space<vmem>>, vector<1x16xi32>,
      %get3A_1462 = arith.constant 64 : index
      %get3A_1463 = tpu.vector_load %arg9[%get3A_1462] {strides = array<i32>} : memref<128xi32, #tpu.memory_space<vmem>>, vector<16xi32>,
      %get3A_1464 = vector.shape_cast %get3A_1463 : vector<16xi32> to vector<16xi32>
      %mul3A_1465 = arith.constant 64 : i32
      %mul3A_1466 = arith.muli %select_n3A, %mul3A_1465 : i32
      %add3A_1467 = arith.addi %mul3A_1466, %mul3A_74 : i32
      %add3A_1468 = arith.addi %add3A_1467, %add3A_1393 : i32
      %mul3A_1469 = arith.constant 50176 : i32
      %mul3A_1470 = arith.muli %add3A_1468, %mul3A_1469 : i32
      %add3A_1471 = vector.broadcast %mul3A_1470 : i32 to vector<16xi32>
      %add3A_1472 = arith.addi %get3A_1464, %add3A_1471 : vector<16xi32>
      %swap3A_1473 = arith.constant 3 : i32
      %swap3A_1474 = arith.index_cast %swap3A_1473 : i32 to index
      %swap3A_1475 = arith.constant 64 : index
      %swap3A_1476 = tpu.vector_load %arg10[%swap3A_1474, %swap3A_1475] {strides = array<i32>} : memref<8x128xi32, #tpu.memory_space<vmem>>, vector<1x16xi32>,
      %swap3A_1477 = vector.shape_cast %swap3A_1476 : vector<1x16xi32> to vector<16xi32>
      %swap3A_1478 = vector.shape_cast %add3A_1472 : vector<16xi32> to vector<1x16xi32>
      tpu.vector_store %arg10[%swap3A_1474, %swap3A_1475], %swap3A_1478 {strides = array<i32>} : memref<8x128xi32, #tpu.memory_space<vmem>>, vector<1x16xi32>,
      %get3A_1479 = arith.constant 80 : index
      %get3A_1480 = tpu.vector_load %arg9[%get3A_1479] {strides = array<i32>} : memref<128xi32, #tpu.memory_space<vmem>>, vector<16xi32>,
      %get3A_1481 = vector.shape_cast %get3A_1480 : vector<16xi32> to vector<16xi32>
      %mul3A_1482 = arith.constant 64 : i32
      %mul3A_1483 = arith.muli %select_n3A, %mul3A_1482 : i32
      %add3A_1484 = arith.addi %mul3A_1483, %mul3A_74 : i32
      %add3A_1485 = arith.addi %add3A_1484, %add3A_1393 : i32
      %mul3A_1486 = arith.constant 50176 : i32
      %mul3A_1487 = arith.muli %add3A_1485, %mul3A_1486 : i32
      %add3A_1488 = vector.broadcast %mul3A_1487 : i32 to vector<16xi32>
      %add3A_1489 = arith.addi %get3A_1481, %add3A_1488 : vector<16xi32>
      %swap3A_1490 = arith.constant 3 : i32
      %swap3A_1491 = arith.index_cast %swap3A_1490 : i32 to index
      %swap3A_1492 = arith.constant 80 : index
      %swap3A_1493 = tpu.vector_load %arg10[%swap3A_1491, %swap3A_1492] {strides = array<i32>} : memref<8x128xi32, #tpu.memory_space<vmem>>, vector<1x16xi32>,
      %swap3A_1494 = vector.shape_cast %swap3A_1493 : vector<1x16xi32> to vector<16xi32>
      %swap3A_1495 = vector.shape_cast %add3A_1489 : vector<16xi32> to vector<1x16xi32>
      tpu.vector_store %arg10[%swap3A_1491, %swap3A_1492], %swap3A_1495 {strides = array<i32>} : memref<8x128xi32, #tpu.memory_space<vmem>>, vector<1x16xi32>,
      %get3A_1496 = arith.constant 96 : index
      %get3A_1497 = tpu.vector_load %arg9[%get3A_1496] {strides = array<i32>} : memref<128xi32, #tpu.memory_space<vmem>>, vector<16xi32>,
      %get3A_1498 = vector.shape_cast %get3A_1497 : vector<16xi32> to vector<16xi32>
      %mul3A_1499 = arith.constant 64 : i32
      %mul3A_1500 = arith.muli %select_n3A, %mul3A_1499 : i32
      %add3A_1501 = arith.addi %mul3A_1500, %mul3A_74 : i32
      %add3A_1502 = arith.addi %add3A_1501, %add3A_1393 : i32
      %mul3A_1503 = arith.constant 50176 : i32
      %mul3A_1504 = arith.muli %add3A_1502, %mul3A_1503 : i32
      %add3A_1505 = vector.broadcast %mul3A_1504 : i32 to vector<16xi32>
      %add3A_1506 = arith.addi %get3A_1498, %add3A_1505 : vector<16xi32>
      %swap3A_1507 = arith.constant 3 : i32
      %swap3A_1508 = arith.index_cast %swap3A_1507 : i32 to index
      %swap3A_1509 = arith.constant 96 : index
      %swap3A_1510 = tpu.vector_load %arg10[%swap3A_1508, %swap3A_1509] {strides = array<i32>} : memref<8x128xi32, #tpu.memory_space<vmem>>, vector<1x16xi32>,
      %swap3A_1511 = vector.shape_cast %swap3A_1510 : vector<1x16xi32> to vector<16xi32>
      %swap3A_1512 = vector.shape_cast %add3A_1506 : vector<16xi32> to vector<1x16xi32>
      tpu.vector_store %arg10[%swap3A_1508, %swap3A_1509], %swap3A_1512 {strides = array<i32>} : memref<8x128xi32, #tpu.memory_space<vmem>>, vector<1x16xi32>,
      %get3A_1513 = arith.constant 112 : index
      %get3A_1514 = tpu.vector_load %arg9[%get3A_1513] {strides = array<i32>} : memref<128xi32, #tpu.memory_space<vmem>>, vector<16xi32>,
      %get3A_1515 = vector.shape_cast %get3A_1514 : vector<16xi32> to vector<16xi32>
      %mul3A_1516 = arith.constant 64 : i32
      %mul3A_1517 = arith.muli %select_n3A, %mul3A_1516 : i32
      %add3A_1518 = arith.addi %mul3A_1517, %mul3A_74 : i32
      %add3A_1519 = arith.addi %add3A_1518, %add3A_1393 : i32
      %mul3A_1520 = arith.constant 50176 : i32
      %mul3A_1521 = arith.muli %add3A_1519, %mul3A_1520 : i32
      %add3A_1522 = vector.broadcast %mul3A_1521 : i32 to vector<16xi32>
      %add3A_1523 = arith.addi %get3A_1515, %add3A_1522 : vector<16xi32>
      %swap3A_1524 = arith.constant 3 : i32
      %swap3A_1525 = arith.index_cast %swap3A_1524 : i32 to index
      %swap3A_1526 = arith.constant 112 : index
      %swap3A_1527 = tpu.vector_load %arg10[%swap3A_1525, %swap3A_1526] {strides = array<i32>} : memref<8x128xi32, #tpu.memory_space<vmem>>, vector<1x16xi32>,
      %swap3A_1528 = vector.shape_cast %swap3A_1527 : vector<1x16xi32> to vector<16xi32>
      %swap3A_1529 = vector.shape_cast %add3A_1523 : vector<16xi32> to vector<1x16xi32>
      tpu.vector_store %arg10[%swap3A_1525, %swap3A_1526], %swap3A_1529 {strides = array<i32>} : memref<8x128xi32, #tpu.memory_space<vmem>>, vector<1x16xi32>,
      %mul3A_1530 = arith.constant 8 : i32
      %mul3A_1531 = arith.muli %scan3A_969, %mul3A_1530 : i32
      %add3A_1532 = arith.constant 4 : i32
      %add3A_1533 = arith.addi %mul3A_1531, %add3A_1532 : i32
      %get3A_1534 = arith.constant 0 : index
      %get3A_1535 = tpu.vector_load %arg9[%get3A_1534] {strides = array<i32>} : memref<128xi32, #tpu.memory_space<vmem>>, vector<16xi32>,
      %get3A_1536 = vector.shape_cast %get3A_1535 : vector<16xi32> to vector<16xi32>
      %mul3A_1537 = arith.constant 64 : i32
      %mul3A_1538 = arith.muli %select_n3A, %mul3A_1537 : i32
      %add3A_1539 = arith.addi %mul3A_1538, %mul3A_74 : i32
      %add3A_1540 = arith.addi %add3A_1539, %add3A_1533 : i32
      %mul3A_1541 = arith.constant 50176 : i32
      %mul3A_1542 = arith.muli %add3A_1540, %mul3A_1541 : i32
      %add3A_1543 = vector.broadcast %mul3A_1542 : i32 to vector<16xi32>
      %add3A_1544 = arith.addi %get3A_1536, %add3A_1543 : vector<16xi32>
      %swap3A_1545 = arith.constant 4 : i32
      %swap3A_1546 = arith.index_cast %swap3A_1545 : i32 to index
      %swap3A_1547 = arith.constant 0 : index
      %swap3A_1548 = tpu.vector_load %arg10[%swap3A_1546, %swap3A_1547] {strides = array<i32>} : memref<8x128xi32, #tpu.memory_space<vmem>>, vector<1x16xi32>,
      %swap3A_1549 = vector.shape_cast %swap3A_1548 : vector<1x16xi32> to vector<16xi32>
      %swap3A_1550 = vector.shape_cast %add3A_1544 : vector<16xi32> to vector<1x16xi32>
      tpu.vector_store %arg10[%swap3A_1546, %swap3A_1547], %swap3A_1550 {strides = array<i32>} : memref<8x128xi32, #tpu.memory_space<vmem>>, vector<1x16xi32>,
      %get3A_1551 = arith.constant 16 : index
      %get3A_1552 = tpu.vector_load %arg9[%get3A_1551] {strides = array<i32>} : memref<128xi32, #tpu.memory_space<vmem>>, vector<16xi32>,
      %get3A_1553 = vector.shape_cast %get3A_1552 : vector<16xi32> to vector<16xi32>
      %mul3A_1554 = arith.constant 64 : i32
      %mul3A_1555 = arith.muli %select_n3A, %mul3A_1554 : i32
      %add3A_1556 = arith.addi %mul3A_1555, %mul3A_74 : i32
      %add3A_1557 = arith.addi %add3A_1556, %add3A_1533 : i32
      %mul3A_1558 = arith.constant 50176 : i32
      %mul3A_1559 = arith.muli %add3A_1557, %mul3A_1558 : i32
      %add3A_1560 = vector.broadcast %mul3A_1559 : i32 to vector<16xi32>
      %add3A_1561 = arith.addi %get3A_1553, %add3A_1560 : vector<16xi32>
      %swap3A_1562 = arith.constant 4 : i32
      %swap3A_1563 = arith.index_cast %swap3A_1562 : i32 to index
      %swap3A_1564 = arith.constant 16 : index
      %swap3A_1565 = tpu.vector_load %arg10[%swap3A_1563, %swap3A_1564] {strides = array<i32>} : memref<8x128xi32, #tpu.memory_space<vmem>>, vector<1x16xi32>,
      %swap3A_1566 = vector.shape_cast %swap3A_1565 : vector<1x16xi32> to vector<16xi32>
      %swap3A_1567 = vector.shape_cast %add3A_1561 : vector<16xi32> to vector<1x16xi32>
      tpu.vector_store %arg10[%swap3A_1563, %swap3A_1564], %swap3A_1567 {strides = array<i32>} : memref<8x128xi32, #tpu.memory_space<vmem>>, vector<1x16xi32>,
      %get3A_1568 = arith.constant 32 : index
      %get3A_1569 = tpu.vector_load %arg9[%get3A_1568] {strides = array<i32>} : memref<128xi32, #tpu.memory_space<vmem>>, vector<16xi32>,
      %get3A_1570 = vector.shape_cast %get3A_1569 : vector<16xi32> to vector<16xi32>
      %mul3A_1571 = arith.constant 64 : i32
      %mul3A_1572 = arith.muli %select_n3A, %mul3A_1571 : i32
      %add3A_1573 = arith.addi %mul3A_1572, %mul3A_74 : i32
      %add3A_1574 = arith.addi %add3A_1573, %add3A_1533 : i32
      %mul3A_1575 = arith.constant 50176 : i32
      %mul3A_1576 = arith.muli %add3A_1574, %mul3A_1575 : i32
      %add3A_1577 = vector.broadcast %mul3A_1576 : i32 to vector<16xi32>
      %add3A_1578 = arith.addi %get3A_1570, %add3A_1577 : vector<16xi32>
      %swap3A_1579 = arith.constant 4 : i32
      %swap3A_1580 = arith.index_cast %swap3A_1579 : i32 to index
      %swap3A_1581 = arith.constant 32 : index
      %swap3A_1582 = tpu.vector_load %arg10[%swap3A_1580, %swap3A_1581] {strides = array<i32>} : memref<8x128xi32, #tpu.memory_space<vmem>>, vector<1x16xi32>,
      %swap3A_1583 = vector.shape_cast %swap3A_1582 : vector<1x16xi32> to vector<16xi32>
      %swap3A_1584 = vector.shape_cast %add3A_1578 : vector<16xi32> to vector<1x16xi32>
      tpu.vector_store %arg10[%swap3A_1580, %swap3A_1581], %swap3A_1584 {strides = array<i32>} : memref<8x128xi32, #tpu.memory_space<vmem>>, vector<1x16xi32>,
      %get3A_1585 = arith.constant 48 : index
      %get3A_1586 = tpu.vector_load %arg9[%get3A_1585] {strides = array<i32>} : memref<128xi32, #tpu.memory_space<vmem>>, vector<16xi32>,
      %get3A_1587 = vector.shape_cast %get3A_1586 : vector<16xi32> to vector<16xi32>
      %mul3A_1588 = arith.constant 64 : i32
      %mul3A_1589 = arith.muli %select_n3A, %mul3A_1588 : i32
      %add3A_1590 = arith.addi %mul3A_1589, %mul3A_74 : i32
      %add3A_1591 = arith.addi %add3A_1590, %add3A_1533 : i32
      %mul3A_1592 = arith.constant 50176 : i32
      %mul3A_1593 = arith.muli %add3A_1591, %mul3A_1592 : i32
      %add3A_1594 = vector.broadcast %mul3A_1593 : i32 to vector<16xi32>
      %add3A_1595 = arith.addi %get3A_1587, %add3A_1594 : vector<16xi32>
      %swap3A_1596 = arith.constant 4 : i32
      %swap3A_1597 = arith.index_cast %swap3A_1596 : i32 to index
      %swap3A_1598 = arith.constant 48 : index
      %swap3A_1599 = tpu.vector_load %arg10[%swap3A_1597, %swap3A_1598] {strides = array<i32>} : memref<8x128xi32, #tpu.memory_space<vmem>>, vector<1x16xi32>,
      %swap3A_1600 = vector.shape_cast %swap3A_1599 : vector<1x16xi32> to vector<16xi32>
      %swap3A_1601 = vector.shape_cast %add3A_1595 : vector<16xi32> to vector<1x16xi32>
      tpu.vector_store %arg10[%swap3A_1597, %swap3A_1598], %swap3A_1601 {strides = array<i32>} : memref<8x128xi32, #tpu.memory_space<vmem>>, vector<1x16xi32>,
      %get3A_1602 = arith.constant 64 : index
      %get3A_1603 = tpu.vector_load %arg9[%get3A_1602] {strides = array<i32>} : memref<128xi32, #tpu.memory_space<vmem>>, vector<16xi32>,
      %get3A_1604 = vector.shape_cast %get3A_1603 : vector<16xi32> to vector<16xi32>
      %mul3A_1605 = arith.constant 64 : i32
      %mul3A_1606 = arith.muli %select_n3A, %mul3A_1605 : i32
      %add3A_1607 = arith.addi %mul3A_1606, %mul3A_74 : i32
      %add3A_1608 = arith.addi %add3A_1607, %add3A_1533 : i32
      %mul3A_1609 = arith.constant 50176 : i32
      %mul3A_1610 = arith.muli %add3A_1608, %mul3A_1609 : i32
      %add3A_1611 = vector.broadcast %mul3A_1610 : i32 to vector<16xi32>
      %add3A_1612 = arith.addi %get3A_1604, %add3A_1611 : vector<16xi32>
      %swap3A_1613 = arith.constant 4 : i32
      %swap3A_1614 = arith.index_cast %swap3A_1613 : i32 to index
      %swap3A_1615 = arith.constant 64 : index
      %swap3A_1616 = tpu.vector_load %arg10[%swap3A_1614, %swap3A_1615] {strides = array<i32>} : memref<8x128xi32, #tpu.memory_space<vmem>>, vector<1x16xi32>,
      %swap3A_1617 = vector.shape_cast %swap3A_1616 : vector<1x16xi32> to vector<16xi32>
      %swap3A_1618 = vector.shape_cast %add3A_1612 : vector<16xi32> to vector<1x16xi32>
      tpu.vector_store %arg10[%swap3A_1614, %swap3A_1615], %swap3A_1618 {strides = array<i32>} : memref<8x128xi32, #tpu.memory_space<vmem>>, vector<1x16xi32>,
      %get3A_1619 = arith.constant 80 : index
      %get3A_1620 = tpu.vector_load %arg9[%get3A_1619] {strides = array<i32>} : memref<128xi32, #tpu.memory_space<vmem>>, vector<16xi32>,
      %get3A_1621 = vector.shape_cast %get3A_1620 : vector<16xi32> to vector<16xi32>
      %mul3A_1622 = arith.constant 64 : i32
      %mul3A_1623 = arith.muli %select_n3A, %mul3A_1622 : i32
      %add3A_1624 = arith.addi %mul3A_1623, %mul3A_74 : i32
      %add3A_1625 = arith.addi %add3A_1624, %add3A_1533 : i32
      %mul3A_1626 = arith.constant 50176 : i32
      %mul3A_1627 = arith.muli %add3A_1625, %mul3A_1626 : i32
      %add3A_1628 = vector.broadcast %mul3A_1627 : i32 to vector<16xi32>
      %add3A_1629 = arith.addi %get3A_1621, %add3A_1628 : vector<16xi32>
      %swap3A_1630 = arith.constant 4 : i32
      %swap3A_1631 = arith.index_cast %swap3A_1630 : i32 to index
      %swap3A_1632 = arith.constant 80 : index
      %swap3A_1633 = tpu.vector_load %arg10[%swap3A_1631, %swap3A_1632] {strides = array<i32>} : memref<8x128xi32, #tpu.memory_space<vmem>>, vector<1x16xi32>,
      %swap3A_1634 = vector.shape_cast %swap3A_1633 : vector<1x16xi32> to vector<16xi32>
      %swap3A_1635 = vector.shape_cast %add3A_1629 : vector<16xi32> to vector<1x16xi32>
      tpu.vector_store %arg10[%swap3A_1631, %swap3A_1632], %swap3A_1635 {strides = array<i32>} : memref<8x128xi32, #tpu.memory_space<vmem>>, vector<1x16xi32>,
      %get3A_1636 = arith.constant 96 : index
      %get3A_1637 = tpu.vector_load %arg9[%get3A_1636] {strides = array<i32>} : memref<128xi32, #tpu.memory_space<vmem>>, vector<16xi32>,
      %get3A_1638 = vector.shape_cast %get3A_1637 : vector<16xi32> to vector<16xi32>
      %mul3A_1639 = arith.constant 64 : i32
      %mul3A_1640 = arith.muli %select_n3A, %mul3A_1639 : i32
      %add3A_1641 = arith.addi %mul3A_1640, %mul3A_74 : i32
      %add3A_1642 = arith.addi %add3A_1641, %add3A_1533 : i32
      %mul3A_1643 = arith.constant 50176 : i32
      %mul3A_1644 = arith.muli %add3A_1642, %mul3A_1643 : i32
      %add3A_1645 = vector.broadcast %mul3A_1644 : i32 to vector<16xi32>
      %add3A_1646 = arith.addi %get3A_1638, %add3A_1645 : vector<16xi32>
      %swap3A_1647 = arith.constant 4 : i32
      %swap3A_1648 = arith.index_cast %swap3A_1647 : i32 to index
      %swap3A_1649 = arith.constant 96 : index
      %swap3A_1650 = tpu.vector_load %arg10[%swap3A_1648, %swap3A_1649] {strides = array<i32>} : memref<8x128xi32, #tpu.memory_space<vmem>>, vector<1x16xi32>,
      %swap3A_1651 = vector.shape_cast %swap3A_1650 : vector<1x16xi32> to vector<16xi32>
      %swap3A_1652 = vector.shape_cast %add3A_1646 : vector<16xi32> to vector<1x16xi32>
      tpu.vector_store %arg10[%swap3A_1648, %swap3A_1649], %swap3A_1652 {strides = array<i32>} : memref<8x128xi32, #tpu.memory_space<vmem>>, vector<1x16xi32>,
      %get3A_1653 = arith.constant 112 : index
      %get3A_1654 = tpu.vector_load %arg9[%get3A_1653] {strides = array<i32>} : memref<128xi32, #tpu.memory_space<vmem>>, vector<16xi32>,
      %get3A_1655 = vector.shape_cast %get3A_1654 : vector<16xi32> to vector<16xi32>
      %mul3A_1656 = arith.constant 64 : i32
      %mul3A_1657 = arith.muli %select_n3A, %mul3A_1656 : i32
      %add3A_1658 = arith.addi %mul3A_1657, %mul3A_74 : i32
      %add3A_1659 = arith.addi %add3A_1658, %add3A_1533 : i32
      %mul3A_1660 = arith.constant 50176 : i32
      %mul3A_1661 = arith.muli %add3A_1659, %mul3A_1660 : i32
      %add3A_1662 = vector.broadcast %mul3A_1661 : i32 to vector<16xi32>
      %add3A_1663 = arith.addi %get3A_1655, %add3A_1662 : vector<16xi32>
      %swap3A_1664 = arith.constant 4 : i32
      %swap3A_1665 = arith.index_cast %swap3A_1664 : i32 to index
      %swap3A_1666 = arith.constant 112 : index
      %swap3A_1667 = tpu.vector_load %arg10[%swap3A_1665, %swap3A_1666] {strides = array<i32>} : memref<8x128xi32, #tpu.memory_space<vmem>>, vector<1x16xi32>,
      %swap3A_1668 = vector.shape_cast %swap3A_1667 : vector<1x16xi32> to vector<16xi32>
      %swap3A_1669 = vector.shape_cast %add3A_1663 : vector<16xi32> to vector<1x16xi32>
      tpu.vector_store %arg10[%swap3A_1665, %swap3A_1666], %swap3A_1669 {strides = array<i32>} : memref<8x128xi32, #tpu.memory_space<vmem>>, vector<1x16xi32>,
      %mul3A_1670 = arith.constant 8 : i32
      %mul3A_1671 = arith.muli %scan3A_969, %mul3A_1670 : i32
      %add3A_1672 = arith.constant 5 : i32
      %add3A_1673 = arith.addi %mul3A_1671, %add3A_1672 : i32
      %get3A_1674 = arith.constant 0 : index
      %get3A_1675 = tpu.vector_load %arg9[%get3A_1674] {strides = array<i32>} : memref<128xi32, #tpu.memory_space<vmem>>, vector<16xi32>,
      %get3A_1676 = vector.shape_cast %get3A_1675 : vector<16xi32> to vector<16xi32>
      %mul3A_1677 = arith.constant 64 : i32
      %mul3A_1678 = arith.muli %select_n3A, %mul3A_1677 : i32
      %add3A_1679 = arith.addi %mul3A_1678, %mul3A_74 : i32
      %add3A_1680 = arith.addi %add3A_1679, %add3A_1673 : i32
      %mul3A_1681 = arith.constant 50176 : i32
      %mul3A_1682 = arith.muli %add3A_1680, %mul3A_1681 : i32
      %add3A_1683 = vector.broadcast %mul3A_1682 : i32 to vector<16xi32>
      %add3A_1684 = arith.addi %get3A_1676, %add3A_1683 : vector<16xi32>
      %swap3A_1685 = arith.constant 5 : i32
      %swap3A_1686 = arith.index_cast %swap3A_1685 : i32 to index
      %swap3A_1687 = arith.constant 0 : index
      %swap3A_1688 = tpu.vector_load %arg10[%swap3A_1686, %swap3A_1687] {strides = array<i32>} : memref<8x128xi32, #tpu.memory_space<vmem>>, vector<1x16xi32>,
      %swap3A_1689 = vector.shape_cast %swap3A_1688 : vector<1x16xi32> to vector<16xi32>
      %swap3A_1690 = vector.shape_cast %add3A_1684 : vector<16xi32> to vector<1x16xi32>
      tpu.vector_store %arg10[%swap3A_1686, %swap3A_1687], %swap3A_1690 {strides = array<i32>} : memref<8x128xi32, #tpu.memory_space<vmem>>, vector<1x16xi32>,
      %get3A_1691 = arith.constant 16 : index
      %get3A_1692 = tpu.vector_load %arg9[%get3A_1691] {strides = array<i32>} : memref<128xi32, #tpu.memory_space<vmem>>, vector<16xi32>,
      %get3A_1693 = vector.shape_cast %get3A_1692 : vector<16xi32> to vector<16xi32>
      %mul3A_1694 = arith.constant 64 : i32
      %mul3A_1695 = arith.muli %select_n3A, %mul3A_1694 : i32
      %add3A_1696 = arith.addi %mul3A_1695, %mul3A_74 : i32
      %add3A_1697 = arith.addi %add3A_1696, %add3A_1673 : i32
      %mul3A_1698 = arith.constant 50176 : i32
      %mul3A_1699 = arith.muli %add3A_1697, %mul3A_1698 : i32
      %add3A_1700 = vector.broadcast %mul3A_1699 : i32 to vector<16xi32>
      %add3A_1701 = arith.addi %get3A_1693, %add3A_1700 : vector<16xi32>
      %swap3A_1702 = arith.constant 5 : i32
      %swap3A_1703 = arith.index_cast %swap3A_1702 : i32 to index
      %swap3A_1704 = arith.constant 16 : index
      %swap3A_1705 = tpu.vector_load %arg10[%swap3A_1703, %swap3A_1704] {strides = array<i32>} : memref<8x128xi32, #tpu.memory_space<vmem>>, vector<1x16xi32>,
      %swap3A_1706 = vector.shape_cast %swap3A_1705 : vector<1x16xi32> to vector<16xi32>
      %swap3A_1707 = vector.shape_cast %add3A_1701 : vector<16xi32> to vector<1x16xi32>
      tpu.vector_store %arg10[%swap3A_1703, %swap3A_1704], %swap3A_1707 {strides = array<i32>} : memref<8x128xi32, #tpu.memory_space<vmem>>, vector<1x16xi32>,
      %get3A_1708 = arith.constant 32 : index
      %get3A_1709 = tpu.vector_load %arg9[%get3A_1708] {strides = array<i32>} : memref<128xi32, #tpu.memory_space<vmem>>, vector<16xi32>,
      %get3A_1710 = vector.shape_cast %get3A_1709 : vector<16xi32> to vector<16xi32>
      %mul3A_1711 = arith.constant 64 : i32
      %mul3A_1712 = arith.muli %select_n3A, %mul3A_1711 : i32
      %add3A_1713 = arith.addi %mul3A_1712, %mul3A_74 : i32
      %add3A_1714 = arith.addi %add3A_1713, %add3A_1673 : i32
      %mul3A_1715 = arith.constant 50176 : i32
      %mul3A_1716 = arith.muli %add3A_1714, %mul3A_1715 : i32
      %add3A_1717 = vector.broadcast %mul3A_1716 : i32 to vector<16xi32>
      %add3A_1718 = arith.addi %get3A_1710, %add3A_1717 : vector<16xi32>
      %swap3A_1719 = arith.constant 5 : i32
      %swap3A_1720 = arith.index_cast %swap3A_1719 : i32 to index
      %swap3A_1721 = arith.constant 32 : index
      %swap3A_1722 = tpu.vector_load %arg10[%swap3A_1720, %swap3A_1721] {strides = array<i32>} : memref<8x128xi32, #tpu.memory_space<vmem>>, vector<1x16xi32>,
      %swap3A_1723 = vector.shape_cast %swap3A_1722 : vector<1x16xi32> to vector<16xi32>
      %swap3A_1724 = vector.shape_cast %add3A_1718 : vector<16xi32> to vector<1x16xi32>
      tpu.vector_store %arg10[%swap3A_1720, %swap3A_1721], %swap3A_1724 {strides = array<i32>} : memref<8x128xi32, #tpu.memory_space<vmem>>, vector<1x16xi32>,
      %get3A_1725 = arith.constant 48 : index
      %get3A_1726 = tpu.vector_load %arg9[%get3A_1725] {strides = array<i32>} : memref<128xi32, #tpu.memory_space<vmem>>, vector<16xi32>,
      %get3A_1727 = vector.shape_cast %get3A_1726 : vector<16xi32> to vector<16xi32>
      %mul3A_1728 = arith.constant 64 : i32
      %mul3A_1729 = arith.muli %select_n3A, %mul3A_1728 : i32
      %add3A_1730 = arith.addi %mul3A_1729, %mul3A_74 : i32
      %add3A_1731 = arith.addi %add3A_1730, %add3A_1673 : i32
      %mul3A_1732 = arith.constant 50176 : i32
      %mul3A_1733 = arith.muli %add3A_1731, %mul3A_1732 : i32
      %add3A_1734 = vector.broadcast %mul3A_1733 : i32 to vector<16xi32>
      %add3A_1735 = arith.addi %get3A_1727, %add3A_1734 : vector<16xi32>
      %swap3A_1736 = arith.constant 5 : i32
      %swap3A_1737 = arith.index_cast %swap3A_1736 : i32 to index
      %swap3A_1738 = arith.constant 48 : index
      %swap3A_1739 = tpu.vector_load %arg10[%swap3A_1737, %swap3A_1738] {strides = array<i32>} : memref<8x128xi32, #tpu.memory_space<vmem>>, vector<1x16xi32>,
      %swap3A_1740 = vector.shape_cast %swap3A_1739 : vector<1x16xi32> to vector<16xi32>
      %swap3A_1741 = vector.shape_cast %add3A_1735 : vector<16xi32> to vector<1x16xi32>
      tpu.vector_store %arg10[%swap3A_1737, %swap3A_1738], %swap3A_1741 {strides = array<i32>} : memref<8x128xi32, #tpu.memory_space<vmem>>, vector<1x16xi32>,
      %get3A_1742 = arith.constant 64 : index
      %get3A_1743 = tpu.vector_load %arg9[%get3A_1742] {strides = array<i32>} : memref<128xi32, #tpu.memory_space<vmem>>, vector<16xi32>,
      %get3A_1744 = vector.shape_cast %get3A_1743 : vector<16xi32> to vector<16xi32>
      %mul3A_1745 = arith.constant 64 : i32
      %mul3A_1746 = arith.muli %select_n3A, %mul3A_1745 : i32
      %add3A_1747 = arith.addi %mul3A_1746, %mul3A_74 : i32
      %add3A_1748 = arith.addi %add3A_1747, %add3A_1673 : i32
      %mul3A_1749 = arith.constant 50176 : i32
      %mul3A_1750 = arith.muli %add3A_1748, %mul3A_1749 : i32
      %add3A_1751 = vector.broadcast %mul3A_1750 : i32 to vector<16xi32>
      %add3A_1752 = arith.addi %get3A_1744, %add3A_1751 : vector<16xi32>
      %swap3A_1753 = arith.constant 5 : i32
      %swap3A_1754 = arith.index_cast %swap3A_1753 : i32 to index
      %swap3A_1755 = arith.constant 64 : index
      %swap3A_1756 = tpu.vector_load %arg10[%swap3A_1754, %swap3A_1755] {strides = array<i32>} : memref<8x128xi32, #tpu.memory_space<vmem>>, vector<1x16xi32>,
      %swap3A_1757 = vector.shape_cast %swap3A_1756 : vector<1x16xi32> to vector<16xi32>
      %swap3A_1758 = vector.shape_cast %add3A_1752 : vector<16xi32> to vector<1x16xi32>
      tpu.vector_store %arg10[%swap3A_1754, %swap3A_1755], %swap3A_1758 {strides = array<i32>} : memref<8x128xi32, #tpu.memory_space<vmem>>, vector<1x16xi32>,
      %get3A_1759 = arith.constant 80 : index
      %get3A_1760 = tpu.vector_load %arg9[%get3A_1759] {strides = array<i32>} : memref<128xi32, #tpu.memory_space<vmem>>, vector<16xi32>,
      %get3A_1761 = vector.shape_cast %get3A_1760 : vector<16xi32> to vector<16xi32>
      %mul3A_1762 = arith.constant 64 : i32
      %mul3A_1763 = arith.muli %select_n3A, %mul3A_1762 : i32
      %add3A_1764 = arith.addi %mul3A_1763, %mul3A_74 : i32
      %add3A_1765 = arith.addi %add3A_1764, %add3A_1673 : i32
      %mul3A_1766 = arith.constant 50176 : i32
      %mul3A_1767 = arith.muli %add3A_1765, %mul3A_1766 : i32
      %add3A_1768 = vector.broadcast %mul3A_1767 : i32 to vector<16xi32>
      %add3A_1769 = arith.addi %get3A_1761, %add3A_1768 : vector<16xi32>
      %swap3A_1770 = arith.constant 5 : i32
      %swap3A_1771 = arith.index_cast %swap3A_1770 : i32 to index
      %swap3A_1772 = arith.constant 80 : index
      %swap3A_1773 = tpu.vector_load %arg10[%swap3A_1771, %swap3A_1772] {strides = array<i32>} : memref<8x128xi32, #tpu.memory_space<vmem>>, vector<1x16xi32>,
      %swap3A_1774 = vector.shape_cast %swap3A_1773 : vector<1x16xi32> to vector<16xi32>
      %swap3A_1775 = vector.shape_cast %add3A_1769 : vector<16xi32> to vector<1x16xi32>
      tpu.vector_store %arg10[%swap3A_1771, %swap3A_1772], %swap3A_1775 {strides = array<i32>} : memref<8x128xi32, #tpu.memory_space<vmem>>, vector<1x16xi32>,
      %get3A_1776 = arith.constant 96 : index
      %get3A_1777 = tpu.vector_load %arg9[%get3A_1776] {strides = array<i32>} : memref<128xi32, #tpu.memory_space<vmem>>, vector<16xi32>,
      %get3A_1778 = vector.shape_cast %get3A_1777 : vector<16xi32> to vector<16xi32>
      %mul3A_1779 = arith.constant 64 : i32
      %mul3A_1780 = arith.muli %select_n3A, %mul3A_1779 : i32
      %add3A_1781 = arith.addi %mul3A_1780, %mul3A_74 : i32
      %add3A_1782 = arith.addi %add3A_1781, %add3A_1673 : i32
      %mul3A_1783 = arith.constant 50176 : i32
      %mul3A_1784 = arith.muli %add3A_1782, %mul3A_1783 : i32
      %add3A_1785 = vector.broadcast %mul3A_1784 : i32 to vector<16xi32>
      %add3A_1786 = arith.addi %get3A_1778, %add3A_1785 : vector<16xi32>
      %swap3A_1787 = arith.constant 5 : i32
      %swap3A_1788 = arith.index_cast %swap3A_1787 : i32 to index
      %swap3A_1789 = arith.constant 96 : index
      %swap3A_1790 = tpu.vector_load %arg10[%swap3A_1788, %swap3A_1789] {strides = array<i32>} : memref<8x128xi32, #tpu.memory_space<vmem>>, vector<1x16xi32>,
      %swap3A_1791 = vector.shape_cast %swap3A_1790 : vector<1x16xi32> to vector<16xi32>
      %swap3A_1792 = vector.shape_cast %add3A_1786 : vector<16xi32> to vector<1x16xi32>
      tpu.vector_store %arg10[%swap3A_1788, %swap3A_1789], %swap3A_1792 {strides = array<i32>} : memref<8x128xi32, #tpu.memory_space<vmem>>, vector<1x16xi32>,
      %get3A_1793 = arith.constant 112 : index
      %get3A_1794 = tpu.vector_load %arg9[%get3A_1793] {strides = array<i32>} : memref<128xi32, #tpu.memory_space<vmem>>, vector<16xi32>,
      %get3A_1795 = vector.shape_cast %get3A_1794 : vector<16xi32> to vector<16xi32>
      %mul3A_1796 = arith.constant 64 : i32
      %mul3A_1797 = arith.muli %select_n3A, %mul3A_1796 : i32
      %add3A_1798 = arith.addi %mul3A_1797, %mul3A_74 : i32
      %add3A_1799 = arith.addi %add3A_1798, %add3A_1673 : i32
      %mul3A_1800 = arith.constant 50176 : i32
      %mul3A_1801 = arith.muli %add3A_1799, %mul3A_1800 : i32
      %add3A_1802 = vector.broadcast %mul3A_1801 : i32 to vector<16xi32>
      %add3A_1803 = arith.addi %get3A_1795, %add3A_1802 : vector<16xi32>
      %swap3A_1804 = arith.constant 5 : i32
      %swap3A_1805 = arith.index_cast %swap3A_1804 : i32 to index
      %swap3A_1806 = arith.constant 112 : index
      %swap3A_1807 = tpu.vector_load %arg10[%swap3A_1805, %swap3A_1806] {strides = array<i32>} : memref<8x128xi32, #tpu.memory_space<vmem>>, vector<1x16xi32>,
      %swap3A_1808 = vector.shape_cast %swap3A_1807 : vector<1x16xi32> to vector<16xi32>
      %swap3A_1809 = vector.shape_cast %add3A_1803 : vector<16xi32> to vector<1x16xi32>
      tpu.vector_store %arg10[%swap3A_1805, %swap3A_1806], %swap3A_1809 {strides = array<i32>} : memref<8x128xi32, #tpu.memory_space<vmem>>, vector<1x16xi32>,
      %mul3A_1810 = arith.constant 8 : i32
      %mul3A_1811 = arith.muli %scan3A_969, %mul3A_1810 : i32
      %add3A_1812 = arith.constant 6 : i32
      %add3A_1813 = arith.addi %mul3A_1811, %add3A_1812 : i32
      %get3A_1814 = arith.constant 0 : index
      %get3A_1815 = tpu.vector_load %arg9[%get3A_1814] {strides = array<i32>} : memref<128xi32, #tpu.memory_space<vmem>>, vector<16xi32>,
      %get3A_1816 = vector.shape_cast %get3A_1815 : vector<16xi32> to vector<16xi32>
      %mul3A_1817 = arith.constant 64 : i32
      %mul3A_1818 = arith.muli %select_n3A, %mul3A_1817 : i32
      %add3A_1819 = arith.addi %mul3A_1818, %mul3A_74 : i32
      %add3A_1820 = arith.addi %add3A_1819, %add3A_1813 : i32
      %mul3A_1821 = arith.constant 50176 : i32
      %mul3A_1822 = arith.muli %add3A_1820, %mul3A_1821 : i32
      %add3A_1823 = vector.broadcast %mul3A_1822 : i32 to vector<16xi32>
      %add3A_1824 = arith.addi %get3A_1816, %add3A_1823 : vector<16xi32>
      %swap3A_1825 = arith.constant 6 : i32
      %swap3A_1826 = arith.index_cast %swap3A_1825 : i32 to index
      %swap3A_1827 = arith.constant 0 : index
      %swap3A_1828 = tpu.vector_load %arg10[%swap3A_1826, %swap3A_1827] {strides = array<i32>} : memref<8x128xi32, #tpu.memory_space<vmem>>, vector<1x16xi32>,
      %swap3A_1829 = vector.shape_cast %swap3A_1828 : vector<1x16xi32> to vector<16xi32>
      %swap3A_1830 = vector.shape_cast %add3A_1824 : vector<16xi32> to vector<1x16xi32>
      tpu.vector_store %arg10[%swap3A_1826, %swap3A_1827], %swap3A_1830 {strides = array<i32>} : memref<8x128xi32, #tpu.memory_space<vmem>>, vector<1x16xi32>,
      %get3A_1831 = arith.constant 16 : index
      %get3A_1832 = tpu.vector_load %arg9[%get3A_1831] {strides = array<i32>} : memref<128xi32, #tpu.memory_space<vmem>>, vector<16xi32>,
      %get3A_1833 = vector.shape_cast %get3A_1832 : vector<16xi32> to vector<16xi32>
      %mul3A_1834 = arith.constant 64 : i32
      %mul3A_1835 = arith.muli %select_n3A, %mul3A_1834 : i32
      %add3A_1836 = arith.addi %mul3A_1835, %mul3A_74 : i32
      %add3A_1837 = arith.addi %add3A_1836, %add3A_1813 : i32
      %mul3A_1838 = arith.constant 50176 : i32
      %mul3A_1839 = arith.muli %add3A_1837, %mul3A_1838 : i32
      %add3A_1840 = vector.broadcast %mul3A_1839 : i32 to vector<16xi32>
      %add3A_1841 = arith.addi %get3A_1833, %add3A_1840 : vector<16xi32>
      %swap3A_1842 = arith.constant 6 : i32
      %swap3A_1843 = arith.index_cast %swap3A_1842 : i32 to index
      %swap3A_1844 = arith.constant 16 : index
      %swap3A_1845 = tpu.vector_load %arg10[%swap3A_1843, %swap3A_1844] {strides = array<i32>} : memref<8x128xi32, #tpu.memory_space<vmem>>, vector<1x16xi32>,
      %swap3A_1846 = vector.shape_cast %swap3A_1845 : vector<1x16xi32> to vector<16xi32>
      %swap3A_1847 = vector.shape_cast %add3A_1841 : vector<16xi32> to vector<1x16xi32>
      tpu.vector_store %arg10[%swap3A_1843, %swap3A_1844], %swap3A_1847 {strides = array<i32>} : memref<8x128xi32, #tpu.memory_space<vmem>>, vector<1x16xi32>,
      %get3A_1848 = arith.constant 32 : index
      %get3A_1849 = tpu.vector_load %arg9[%get3A_1848] {strides = array<i32>} : memref<128xi32, #tpu.memory_space<vmem>>, vector<16xi32>,
      %get3A_1850 = vector.shape_cast %get3A_1849 : vector<16xi32> to vector<16xi32>
      %mul3A_1851 = arith.constant 64 : i32
      %mul3A_1852 = arith.muli %select_n3A, %mul3A_1851 : i32
      %add3A_1853 = arith.addi %mul3A_1852, %mul3A_74 : i32
      %add3A_1854 = arith.addi %add3A_1853, %add3A_1813 : i32
      %mul3A_1855 = arith.constant 50176 : i32
      %mul3A_1856 = arith.muli %add3A_1854, %mul3A_1855 : i32
      %add3A_1857 = vector.broadcast %mul3A_1856 : i32 to vector<16xi32>
      %add3A_1858 = arith.addi %get3A_1850, %add3A_1857 : vector<16xi32>
      %swap3A_1859 = arith.constant 6 : i32
      %swap3A_1860 = arith.index_cast %swap3A_1859 : i32 to index
      %swap3A_1861 = arith.constant 32 : index
      %swap3A_1862 = tpu.vector_load %arg10[%swap3A_1860, %swap3A_1861] {strides = array<i32>} : memref<8x128xi32, #tpu.memory_space<vmem>>, vector<1x16xi32>,
      %swap3A_1863 = vector.shape_cast %swap3A_1862 : vector<1x16xi32> to vector<16xi32>
      %swap3A_1864 = vector.shape_cast %add3A_1858 : vector<16xi32> to vector<1x16xi32>
      tpu.vector_store %arg10[%swap3A_1860, %swap3A_1861], %swap3A_1864 {strides = array<i32>} : memref<8x128xi32, #tpu.memory_space<vmem>>, vector<1x16xi32>,
      %get3A_1865 = arith.constant 48 : index
      %get3A_1866 = tpu.vector_load %arg9[%get3A_1865] {strides = array<i32>} : memref<128xi32, #tpu.memory_space<vmem>>, vector<16xi32>,
      %get3A_1867 = vector.shape_cast %get3A_1866 : vector<16xi32> to vector<16xi32>
      %mul3A_1868 = arith.constant 64 : i32
      %mul3A_1869 = arith.muli %select_n3A, %mul3A_1868 : i32
      %add3A_1870 = arith.addi %mul3A_1869, %mul3A_74 : i32
      %add3A_1871 = arith.addi %add3A_1870, %add3A_1813 : i32
      %mul3A_1872 = arith.constant 50176 : i32
      %mul3A_1873 = arith.muli %add3A_1871, %mul3A_1872 : i32
      %add3A_1874 = vector.broadcast %mul3A_1873 : i32 to vector<16xi32>
      %add3A_1875 = arith.addi %get3A_1867, %add3A_1874 : vector<16xi32>
      %swap3A_1876 = arith.constant 6 : i32
      %swap3A_1877 = arith.index_cast %swap3A_1876 : i32 to index
      %swap3A_1878 = arith.constant 48 : index
      %swap3A_1879 = tpu.vector_load %arg10[%swap3A_1877, %swap3A_1878] {strides = array<i32>} : memref<8x128xi32, #tpu.memory_space<vmem>>, vector<1x16xi32>,
      %swap3A_1880 = vector.shape_cast %swap3A_1879 : vector<1x16xi32> to vector<16xi32>
      %swap3A_1881 = vector.shape_cast %add3A_1875 : vector<16xi32> to vector<1x16xi32>
      tpu.vector_store %arg10[%swap3A_1877, %swap3A_1878], %swap3A_1881 {strides = array<i32>} : memref<8x128xi32, #tpu.memory_space<vmem>>, vector<1x16xi32>,
      %get3A_1882 = arith.constant 64 : index
      %get3A_1883 = tpu.vector_load %arg9[%get3A_1882] {strides = array<i32>} : memref<128xi32, #tpu.memory_space<vmem>>, vector<16xi32>,
      %get3A_1884 = vector.shape_cast %get3A_1883 : vector<16xi32> to vector<16xi32>
      %mul3A_1885 = arith.constant 64 : i32
      %mul3A_1886 = arith.muli %select_n3A, %mul3A_1885 : i32
      %add3A_1887 = arith.addi %mul3A_1886, %mul3A_74 : i32
      %add3A_1888 = arith.addi %add3A_1887, %add3A_1813 : i32
      %mul3A_1889 = arith.constant 50176 : i32
      %mul3A_1890 = arith.muli %add3A_1888, %mul3A_1889 : i32
      %add3A_1891 = vector.broadcast %mul3A_1890 : i32 to vector<16xi32>
      %add3A_1892 = arith.addi %get3A_1884, %add3A_1891 : vector<16xi32>
      %swap3A_1893 = arith.constant 6 : i32
      %swap3A_1894 = arith.index_cast %swap3A_1893 : i32 to index
      %swap3A_1895 = arith.constant 64 : index
      %swap3A_1896 = tpu.vector_load %arg10[%swap3A_1894, %swap3A_1895] {strides = array<i32>} : memref<8x128xi32, #tpu.memory_space<vmem>>, vector<1x16xi32>,
      %swap3A_1897 = vector.shape_cast %swap3A_1896 : vector<1x16xi32> to vector<16xi32>
      %swap3A_1898 = vector.shape_cast %add3A_1892 : vector<16xi32> to vector<1x16xi32>
      tpu.vector_store %arg10[%swap3A_1894, %swap3A_1895], %swap3A_1898 {strides = array<i32>} : memref<8x128xi32, #tpu.memory_space<vmem>>, vector<1x16xi32>,
      %get3A_1899 = arith.constant 80 : index
      %get3A_1900 = tpu.vector_load %arg9[%get3A_1899] {strides = array<i32>} : memref<128xi32, #tpu.memory_space<vmem>>, vector<16xi32>,
      %get3A_1901 = vector.shape_cast %get3A_1900 : vector<16xi32> to vector<16xi32>
      %mul3A_1902 = arith.constant 64 : i32
      %mul3A_1903 = arith.muli %select_n3A, %mul3A_1902 : i32
      %add3A_1904 = arith.addi %mul3A_1903, %mul3A_74 : i32
      %add3A_1905 = arith.addi %add3A_1904, %add3A_1813 : i32
      %mul3A_1906 = arith.constant 50176 : i32
      %mul3A_1907 = arith.muli %add3A_1905, %mul3A_1906 : i32
      %add3A_1908 = vector.broadcast %mul3A_1907 : i32 to vector<16xi32>
      %add3A_1909 = arith.addi %get3A_1901, %add3A_1908 : vector<16xi32>
      %swap3A_1910 = arith.constant 6 : i32
      %swap3A_1911 = arith.index_cast %swap3A_1910 : i32 to index
      %swap3A_1912 = arith.constant 80 : index
      %swap3A_1913 = tpu.vector_load %arg10[%swap3A_1911, %swap3A_1912] {strides = array<i32>} : memref<8x128xi32, #tpu.memory_space<vmem>>, vector<1x16xi32>,
      %swap3A_1914 = vector.shape_cast %swap3A_1913 : vector<1x16xi32> to vector<16xi32>
      %swap3A_1915 = vector.shape_cast %add3A_1909 : vector<16xi32> to vector<1x16xi32>
      tpu.vector_store %arg10[%swap3A_1911, %swap3A_1912], %swap3A_1915 {strides = array<i32>} : memref<8x128xi32, #tpu.memory_space<vmem>>, vector<1x16xi32>,
      %get3A_1916 = arith.constant 96 : index
      %get3A_1917 = tpu.vector_load %arg9[%get3A_1916] {strides = array<i32>} : memref<128xi32, #tpu.memory_space<vmem>>, vector<16xi32>,
      %get3A_1918 = vector.shape_cast %get3A_1917 : vector<16xi32> to vector<16xi32>
      %mul3A_1919 = arith.constant 64 : i32
      %mul3A_1920 = arith.muli %select_n3A, %mul3A_1919 : i32
      %add3A_1921 = arith.addi %mul3A_1920, %mul3A_74 : i32
      %add3A_1922 = arith.addi %add3A_1921, %add3A_1813 : i32
      %mul3A_1923 = arith.constant 50176 : i32
      %mul3A_1924 = arith.muli %add3A_1922, %mul3A_1923 : i32
      %add3A_1925 = vector.broadcast %mul3A_1924 : i32 to vector<16xi32>
      %add3A_1926 = arith.addi %get3A_1918, %add3A_1925 : vector<16xi32>
      %swap3A_1927 = arith.constant 6 : i32
      %swap3A_1928 = arith.index_cast %swap3A_1927 : i32 to index
      %swap3A_1929 = arith.constant 96 : index
      %swap3A_1930 = tpu.vector_load %arg10[%swap3A_1928, %swap3A_1929] {strides = array<i32>} : memref<8x128xi32, #tpu.memory_space<vmem>>, vector<1x16xi32>,
      %swap3A_1931 = vector.shape_cast %swap3A_1930 : vector<1x16xi32> to vector<16xi32>
      %swap3A_1932 = vector.shape_cast %add3A_1926 : vector<16xi32> to vector<1x16xi32>
      tpu.vector_store %arg10[%swap3A_1928, %swap3A_1929], %swap3A_1932 {strides = array<i32>} : memref<8x128xi32, #tpu.memory_space<vmem>>, vector<1x16xi32>,
      %get3A_1933 = arith.constant 112 : index
      %get3A_1934 = tpu.vector_load %arg9[%get3A_1933] {strides = array<i32>} : memref<128xi32, #tpu.memory_space<vmem>>, vector<16xi32>,
      %get3A_1935 = vector.shape_cast %get3A_1934 : vector<16xi32> to vector<16xi32>
      %mul3A_1936 = arith.constant 64 : i32
      %mul3A_1937 = arith.muli %select_n3A, %mul3A_1936 : i32
      %add3A_1938 = arith.addi %mul3A_1937, %mul3A_74 : i32
      %add3A_1939 = arith.addi %add3A_1938, %add3A_1813 : i32
      %mul3A_1940 = arith.constant 50176 : i32
      %mul3A_1941 = arith.muli %add3A_1939, %mul3A_1940 : i32
      %add3A_1942 = vector.broadcast %mul3A_1941 : i32 to vector<16xi32>
      %add3A_1943 = arith.addi %get3A_1935, %add3A_1942 : vector<16xi32>
      %swap3A_1944 = arith.constant 6 : i32
      %swap3A_1945 = arith.index_cast %swap3A_1944 : i32 to index
      %swap3A_1946 = arith.constant 112 : index
      %swap3A_1947 = tpu.vector_load %arg10[%swap3A_1945, %swap3A_1946] {strides = array<i32>} : memref<8x128xi32, #tpu.memory_space<vmem>>, vector<1x16xi32>,
      %swap3A_1948 = vector.shape_cast %swap3A_1947 : vector<1x16xi32> to vector<16xi32>
      %swap3A_1949 = vector.shape_cast %add3A_1943 : vector<16xi32> to vector<1x16xi32>
      tpu.vector_store %arg10[%swap3A_1945, %swap3A_1946], %swap3A_1949 {strides = array<i32>} : memref<8x128xi32, #tpu.memory_space<vmem>>, vector<1x16xi32>,
      %mul3A_1950 = arith.constant 8 : i32
      %mul3A_1951 = arith.muli %scan3A_969, %mul3A_1950 : i32
      %add3A_1952 = arith.constant 7 : i32
      %add3A_1953 = arith.addi %mul3A_1951, %add3A_1952 : i32
      %get3A_1954 = arith.constant 0 : index
      %get3A_1955 = tpu.vector_load %arg9[%get3A_1954] {strides = array<i32>} : memref<128xi32, #tpu.memory_space<vmem>>, vector<16xi32>,
      %get3A_1956 = vector.shape_cast %get3A_1955 : vector<16xi32> to vector<16xi32>
      %mul3A_1957 = arith.constant 64 : i32
      %mul3A_1958 = arith.muli %select_n3A, %mul3A_1957 : i32
      %add3A_1959 = arith.addi %mul3A_1958, %mul3A_74 : i32
      %add3A_1960 = arith.addi %add3A_1959, %add3A_1953 : i32
      %mul3A_1961 = arith.constant 50176 : i32
      %mul3A_1962 = arith.muli %add3A_1960, %mul3A_1961 : i32
      %add3A_1963 = vector.broadcast %mul3A_1962 : i32 to vector<16xi32>
      %add3A_1964 = arith.addi %get3A_1956, %add3A_1963 : vector<16xi32>
      %swap3A_1965 = arith.constant 7 : i32
      %swap3A_1966 = arith.index_cast %swap3A_1965 : i32 to index
      %swap3A_1967 = arith.constant 0 : index
      %swap3A_1968 = tpu.vector_load %arg10[%swap3A_1966, %swap3A_1967] {strides = array<i32>} : memref<8x128xi32, #tpu.memory_space<vmem>>, vector<1x16xi32>,
      %swap3A_1969 = vector.shape_cast %swap3A_1968 : vector<1x16xi32> to vector<16xi32>
      %swap3A_1970 = vector.shape_cast %add3A_1964 : vector<16xi32> to vector<1x16xi32>
      tpu.vector_store %arg10[%swap3A_1966, %swap3A_1967], %swap3A_1970 {strides = array<i32>} : memref<8x128xi32, #tpu.memory_space<vmem>>, vector<1x16xi32>,
      %get3A_1971 = arith.constant 16 : index
      %get3A_1972 = tpu.vector_load %arg9[%get3A_1971] {strides = array<i32>} : memref<128xi32, #tpu.memory_space<vmem>>, vector<16xi32>,
      %get3A_1973 = vector.shape_cast %get3A_1972 : vector<16xi32> to vector<16xi32>
      %mul3A_1974 = arith.constant 64 : i32
      %mul3A_1975 = arith.muli %select_n3A, %mul3A_1974 : i32
      %add3A_1976 = arith.addi %mul3A_1975, %mul3A_74 : i32
      %add3A_1977 = arith.addi %add3A_1976, %add3A_1953 : i32
      %mul3A_1978 = arith.constant 50176 : i32
      %mul3A_1979 = arith.muli %add3A_1977, %mul3A_1978 : i32
      %add3A_1980 = vector.broadcast %mul3A_1979 : i32 to vector<16xi32>
      %add3A_1981 = arith.addi %get3A_1973, %add3A_1980 : vector<16xi32>
      %swap3A_1982 = arith.constant 7 : i32
      %swap3A_1983 = arith.index_cast %swap3A_1982 : i32 to index
      %swap3A_1984 = arith.constant 16 : index
      %swap3A_1985 = tpu.vector_load %arg10[%swap3A_1983, %swap3A_1984] {strides = array<i32>} : memref<8x128xi32, #tpu.memory_space<vmem>>, vector<1x16xi32>,
      %swap3A_1986 = vector.shape_cast %swap3A_1985 : vector<1x16xi32> to vector<16xi32>
      %swap3A_1987 = vector.shape_cast %add3A_1981 : vector<16xi32> to vector<1x16xi32>
      tpu.vector_store %arg10[%swap3A_1983, %swap3A_1984], %swap3A_1987 {strides = array<i32>} : memref<8x128xi32, #tpu.memory_space<vmem>>, vector<1x16xi32>,
      %get3A_1988 = arith.constant 32 : index
      %get3A_1989 = tpu.vector_load %arg9[%get3A_1988] {strides = array<i32>} : memref<128xi32, #tpu.memory_space<vmem>>, vector<16xi32>,
      %get3A_1990 = vector.shape_cast %get3A_1989 : vector<16xi32> to vector<16xi32>
      %mul3A_1991 = arith.constant 64 : i32
      %mul3A_1992 = arith.muli %select_n3A, %mul3A_1991 : i32
      %add3A_1993 = arith.addi %mul3A_1992, %mul3A_74 : i32
      %add3A_1994 = arith.addi %add3A_1993, %add3A_1953 : i32
      %mul3A_1995 = arith.constant 50176 : i32
      %mul3A_1996 = arith.muli %add3A_1994, %mul3A_1995 : i32
      %add3A_1997 = vector.broadcast %mul3A_1996 : i32 to vector<16xi32>
      %add3A_1998 = arith.addi %get3A_1990, %add3A_1997 : vector<16xi32>
      %swap3A_1999 = arith.constant 7 : i32
      %swap3A_2000 = arith.index_cast %swap3A_1999 : i32 to index
      %swap3A_2001 = arith.constant 32 : index
      %swap3A_2002 = tpu.vector_load %arg10[%swap3A_2000, %swap3A_2001] {strides = array<i32>} : memref<8x128xi32, #tpu.memory_space<vmem>>, vector<1x16xi32>,
      %swap3A_2003 = vector.shape_cast %swap3A_2002 : vector<1x16xi32> to vector<16xi32>
      %swap3A_2004 = vector.shape_cast %add3A_1998 : vector<16xi32> to vector<1x16xi32>
      tpu.vector_store %arg10[%swap3A_2000, %swap3A_2001], %swap3A_2004 {strides = array<i32>} : memref<8x128xi32, #tpu.memory_space<vmem>>, vector<1x16xi32>,
      %get3A_2005 = arith.constant 48 : index
      %get3A_2006 = tpu.vector_load %arg9[%get3A_2005] {strides = array<i32>} : memref<128xi32, #tpu.memory_space<vmem>>, vector<16xi32>,
      %get3A_2007 = vector.shape_cast %get3A_2006 : vector<16xi32> to vector<16xi32>
      %mul3A_2008 = arith.constant 64 : i32
      %mul3A_2009 = arith.muli %select_n3A, %mul3A_2008 : i32
      %add3A_2010 = arith.addi %mul3A_2009, %mul3A_74 : i32
      %add3A_2011 = arith.addi %add3A_2010, %add3A_1953 : i32
      %mul3A_2012 = arith.constant 50176 : i32
      %mul3A_2013 = arith.muli %add3A_2011, %mul3A_2012 : i32
      %add3A_2014 = vector.broadcast %mul3A_2013 : i32 to vector<16xi32>
      %add3A_2015 = arith.addi %get3A_2007, %add3A_2014 : vector<16xi32>
      %swap3A_2016 = arith.constant 7 : i32
      %swap3A_2017 = arith.index_cast %swap3A_2016 : i32 to index
      %swap3A_2018 = arith.constant 48 : index
      %swap3A_2019 = tpu.vector_load %arg10[%swap3A_2017, %swap3A_2018] {strides = array<i32>} : memref<8x128xi32, #tpu.memory_space<vmem>>, vector<1x16xi32>,
      %swap3A_2020 = vector.shape_cast %swap3A_2019 : vector<1x16xi32> to vector<16xi32>
      %swap3A_2021 = vector.shape_cast %add3A_2015 : vector<16xi32> to vector<1x16xi32>
      tpu.vector_store %arg10[%swap3A_2017, %swap3A_2018], %swap3A_2021 {strides = array<i32>} : memref<8x128xi32, #tpu.memory_space<vmem>>, vector<1x16xi32>,
      %get3A_2022 = arith.constant 64 : index
      %get3A_2023 = tpu.vector_load %arg9[%get3A_2022] {strides = array<i32>} : memref<128xi32, #tpu.memory_space<vmem>>, vector<16xi32>,
      %get3A_2024 = vector.shape_cast %get3A_2023 : vector<16xi32> to vector<16xi32>
      %mul3A_2025 = arith.constant 64 : i32
      %mul3A_2026 = arith.muli %select_n3A, %mul3A_2025 : i32
      %add3A_2027 = arith.addi %mul3A_2026, %mul3A_74 : i32
      %add3A_2028 = arith.addi %add3A_2027, %add3A_1953 : i32
      %mul3A_2029 = arith.constant 50176 : i32
      %mul3A_2030 = arith.muli %add3A_2028, %mul3A_2029 : i32
      %add3A_2031 = vector.broadcast %mul3A_2030 : i32 to vector<16xi32>
      %add3A_2032 = arith.addi %get3A_2024, %add3A_2031 : vector<16xi32>
      %swap3A_2033 = arith.constant 7 : i32
      %swap3A_2034 = arith.index_cast %swap3A_2033 : i32 to index
      %swap3A_2035 = arith.constant 64 : index
      %swap3A_2036 = tpu.vector_load %arg10[%swap3A_2034, %swap3A_2035] {strides = array<i32>} : memref<8x128xi32, #tpu.memory_space<vmem>>, vector<1x16xi32>,
      %swap3A_2037 = vector.shape_cast %swap3A_2036 : vector<1x16xi32> to vector<16xi32>
      %swap3A_2038 = vector.shape_cast %add3A_2032 : vector<16xi32> to vector<1x16xi32>
      tpu.vector_store %arg10[%swap3A_2034, %swap3A_2035], %swap3A_2038 {strides = array<i32>} : memref<8x128xi32, #tpu.memory_space<vmem>>, vector<1x16xi32>,
      %get3A_2039 = arith.constant 80 : index
      %get3A_2040 = tpu.vector_load %arg9[%get3A_2039] {strides = array<i32>} : memref<128xi32, #tpu.memory_space<vmem>>, vector<16xi32>,
      %get3A_2041 = vector.shape_cast %get3A_2040 : vector<16xi32> to vector<16xi32>
      %mul3A_2042 = arith.constant 64 : i32
      %mul3A_2043 = arith.muli %select_n3A, %mul3A_2042 : i32
      %add3A_2044 = arith.addi %mul3A_2043, %mul3A_74 : i32
      %add3A_2045 = arith.addi %add3A_2044, %add3A_1953 : i32
      %mul3A_2046 = arith.constant 50176 : i32
      %mul3A_2047 = arith.muli %add3A_2045, %mul3A_2046 : i32
      %add3A_2048 = vector.broadcast %mul3A_2047 : i32 to vector<16xi32>
      %add3A_2049 = arith.addi %get3A_2041, %add3A_2048 : vector<16xi32>
      %swap3A_2050 = arith.constant 7 : i32
      %swap3A_2051 = arith.index_cast %swap3A_2050 : i32 to index
      %swap3A_2052 = arith.constant 80 : index
      %swap3A_2053 = tpu.vector_load %arg10[%swap3A_2051, %swap3A_2052] {strides = array<i32>} : memref<8x128xi32, #tpu.memory_space<vmem>>, vector<1x16xi32>,
      %swap3A_2054 = vector.shape_cast %swap3A_2053 : vector<1x16xi32> to vector<16xi32>
      %swap3A_2055 = vector.shape_cast %add3A_2049 : vector<16xi32> to vector<1x16xi32>
      tpu.vector_store %arg10[%swap3A_2051, %swap3A_2052], %swap3A_2055 {strides = array<i32>} : memref<8x128xi32, #tpu.memory_space<vmem>>, vector<1x16xi32>,
      %get3A_2056 = arith.constant 96 : index
      %get3A_2057 = tpu.vector_load %arg9[%get3A_2056] {strides = array<i32>} : memref<128xi32, #tpu.memory_space<vmem>>, vector<16xi32>,
      %get3A_2058 = vector.shape_cast %get3A_2057 : vector<16xi32> to vector<16xi32>
      %mul3A_2059 = arith.constant 64 : i32
      %mul3A_2060 = arith.muli %select_n3A, %mul3A_2059 : i32
      %add3A_2061 = arith.addi %mul3A_2060, %mul3A_74 : i32
      %add3A_2062 = arith.addi %add3A_2061, %add3A_1953 : i32
      %mul3A_2063 = arith.constant 50176 : i32
      %mul3A_2064 = arith.muli %add3A_2062, %mul3A_2063 : i32
      %add3A_2065 = vector.broadcast %mul3A_2064 : i32 to vector<16xi32>
      %add3A_2066 = arith.addi %get3A_2058, %add3A_2065 : vector<16xi32>
      %swap3A_2067 = arith.constant 7 : i32
      %swap3A_2068 = arith.index_cast %swap3A_2067 : i32 to index
      %swap3A_2069 = arith.constant 96 : index
      %swap3A_2070 = tpu.vector_load %arg10[%swap3A_2068, %swap3A_2069] {strides = array<i32>} : memref<8x128xi32, #tpu.memory_space<vmem>>, vector<1x16xi32>,
      %swap3A_2071 = vector.shape_cast %swap3A_2070 : vector<1x16xi32> to vector<16xi32>
      %swap3A_2072 = vector.shape_cast %add3A_2066 : vector<16xi32> to vector<1x16xi32>
      tpu.vector_store %arg10[%swap3A_2068, %swap3A_2069], %swap3A_2072 {strides = array<i32>} : memref<8x128xi32, #tpu.memory_space<vmem>>, vector<1x16xi32>,
      %get3A_2073 = arith.constant 112 : index
      %get3A_2074 = tpu.vector_load %arg9[%get3A_2073] {strides = array<i32>} : memref<128xi32, #tpu.memory_space<vmem>>, vector<16xi32>,
      %get3A_2075 = vector.shape_cast %get3A_2074 : vector<16xi32> to vector<16xi32>
      %mul3A_2076 = arith.constant 64 : i32
      %mul3A_2077 = arith.muli %select_n3A, %mul3A_2076 : i32
      %add3A_2078 = arith.addi %mul3A_2077, %mul3A_74 : i32
      %add3A_2079 = arith.addi %add3A_2078, %add3A_1953 : i32
      %mul3A_2080 = arith.constant 50176 : i32
      %mul3A_2081 = arith.muli %add3A_2079, %mul3A_2080 : i32
      %add3A_2082 = vector.broadcast %mul3A_2081 : i32 to vector<16xi32>
      %add3A_2083 = arith.addi %get3A_2075, %add3A_2082 : vector<16xi32>
      %swap3A_2084 = arith.constant 7 : i32
      %swap3A_2085 = arith.index_cast %swap3A_2084 : i32 to index
      %swap3A_2086 = arith.constant 112 : index
      %swap3A_2087 = tpu.vector_load %arg10[%swap3A_2085, %swap3A_2086] {strides = array<i32>} : memref<8x128xi32, #tpu.memory_space<vmem>>, vector<1x16xi32>,
      %swap3A_2088 = vector.shape_cast %swap3A_2087 : vector<1x16xi32> to vector<16xi32>
      %swap3A_2089 = vector.shape_cast %add3A_2083 : vector<16xi32> to vector<1x16xi32>
      tpu.vector_store %arg10[%swap3A_2085, %swap3A_2086], %swap3A_2089 {strides = array<i32>} : memref<8x128xi32, #tpu.memory_space<vmem>>, vector<1x16xi32>,
      %mul3A_2090 = arith.constant 8 : i32
      %mul3A_2091 = arith.muli %scan3A_969, %mul3A_2090 : i32
      %add3A_2092 = arith.constant 0 : i32
      %add3A_2093 = arith.addi %mul3A_2091, %add3A_2092 : i32
      %dma_start3A_2094 = arith.constant 0 : i32
      %dma_start3A_2095 = arith.constant 0 : i32
      %dma_start3A_2096 = tpu.memref_slice %arg11[%add3A_2093, %dma_start3A_2095] : memref<32x128xf32, #tpu.memory_space<vmem>> -> memref<1x128xf32, #tpu.memory_space<vmem>>
      %dma_start3A_2097 = tpu.memref_squeeze %dma_start3A_2096 : memref<1x128xf32, #tpu.memory_space<vmem>> -> memref<128xf32, #tpu.memory_space<vmem>>
      %dma_start3A_2098 = arith.constant 0 : i32
      %dma_start3A_2099 = tpu.memref_slice %arg10[%dma_start3A_2094, %dma_start3A_2098] : memref<8x128xi32, #tpu.memory_space<vmem>> -> memref<1x128xi32, #tpu.memory_space<vmem>>
      %dma_start3A_2100 = tpu.memref_squeeze %dma_start3A_2099 : memref<1x128xi32, #tpu.memory_space<vmem>> -> memref<128xi32, #tpu.memory_space<vmem>>
      %dma_start3A_2101 = arith.constant 0 : i32
      %dma_start3A_2102 = tpu.memref_slice %arg3[%dma_start3A_2101] : memref<12845056xf32, #tpu.memory_space<hbm>> -> memref<12845056xf32, #tpu.memory_space<hbm>>
      tpu.enqueue_indirect_dma source(%dma_start3A_2102 : memref<12845056xf32, #tpu.memory_space<hbm>>) target(%dma_start3A_2097 : memref<128xf32, #tpu.memory_space<vmem>>) offsets(%dma_start3A_2100 : memref<128xi32, #tpu.memory_space<vmem>>) semaphore(%arg13 : memref<!tpu.dma_semaphore, #tpu.memory_space<semaphore_mem>>)
      %mul3A_2103 = arith.constant 8 : i32
      %mul3A_2104 = arith.muli %scan3A_969, %mul3A_2103 : i32
      %add3A_2105 = arith.constant 1 : i32
      %add3A_2106 = arith.addi %mul3A_2104, %add3A_2105 : i32
      %dma_start3A_2107 = arith.constant 1 : i32
      %dma_start3A_2108 = arith.constant 0 : i32
      %dma_start3A_2109 = tpu.memref_slice %arg11[%add3A_2106, %dma_start3A_2108] : memref<32x128xf32, #tpu.memory_space<vmem>> -> memref<1x128xf32, #tpu.memory_space<vmem>>
      %dma_start3A_2110 = tpu.memref_squeeze %dma_start3A_2109 : memref<1x128xf32, #tpu.memory_space<vmem>> -> memref<128xf32, #tpu.memory_space<vmem>>
      %dma_start3A_2111 = arith.constant 0 : i32
      %dma_start3A_2112 = tpu.memref_slice %arg10[%dma_start3A_2107, %dma_start3A_2111] : memref<8x128xi32, #tpu.memory_space<vmem>> -> memref<1x128xi32, #tpu.memory_space<vmem>>
      %dma_start3A_2113 = tpu.memref_squeeze %dma_start3A_2112 : memref<1x128xi32, #tpu.memory_space<vmem>> -> memref<128xi32, #tpu.memory_space<vmem>>
      %dma_start3A_2114 = arith.constant 0 : i32
      %dma_start3A_2115 = tpu.memref_slice %arg3[%dma_start3A_2114] : memref<12845056xf32, #tpu.memory_space<hbm>> -> memref<12845056xf32, #tpu.memory_space<hbm>>
      tpu.enqueue_indirect_dma source(%dma_start3A_2115 : memref<12845056xf32, #tpu.memory_space<hbm>>) target(%dma_start3A_2110 : memref<128xf32, #tpu.memory_space<vmem>>) offsets(%dma_start3A_2113 : memref<128xi32, #tpu.memory_space<vmem>>) semaphore(%arg13 : memref<!tpu.dma_semaphore, #tpu.memory_space<semaphore_mem>>)
      %mul3A_2116 = arith.constant 8 : i32
      %mul3A_2117 = arith.muli %scan3A_969, %mul3A_2116 : i32
      %add3A_2118 = arith.constant 2 : i32
      %add3A_2119 = arith.addi %mul3A_2117, %add3A_2118 : i32
      %dma_start3A_2120 = arith.constant 2 : i32
      %dma_start3A_2121 = arith.constant 0 : i32
      %dma_start3A_2122 = tpu.memref_slice %arg11[%add3A_2119, %dma_start3A_2121] : memref<32x128xf32, #tpu.memory_space<vmem>> -> memref<1x128xf32, #tpu.memory_space<vmem>>
      %dma_start3A_2123 = tpu.memref_squeeze %dma_start3A_2122 : memref<1x128xf32, #tpu.memory_space<vmem>> -> memref<128xf32, #tpu.memory_space<vmem>>
      %dma_start3A_2124 = arith.constant 0 : i32
      %dma_start3A_2125 = tpu.memref_slice %arg10[%dma_start3A_2120, %dma_start3A_2124] : memref<8x128xi32, #tpu.memory_space<vmem>> -> memref<1x128xi32, #tpu.memory_space<vmem>>
      %dma_start3A_2126 = tpu.memref_squeeze %dma_start3A_2125 : memref<1x128xi32, #tpu.memory_space<vmem>> -> memref<128xi32, #tpu.memory_space<vmem>>
      %dma_start3A_2127 = arith.constant 0 : i32
      %dma_start3A_2128 = tpu.memref_slice %arg3[%dma_start3A_2127] : memref<12845056xf32, #tpu.memory_space<hbm>> -> memref<12845056xf32, #tpu.memory_space<hbm>>
      tpu.enqueue_indirect_dma source(%dma_start3A_2128 : memref<12845056xf32, #tpu.memory_space<hbm>>) target(%dma_start3A_2123 : memref<128xf32, #tpu.memory_space<vmem>>) offsets(%dma_start3A_2126 : memref<128xi32, #tpu.memory_space<vmem>>) semaphore(%arg13 : memref<!tpu.dma_semaphore, #tpu.memory_space<semaphore_mem>>)
      %mul3A_2129 = arith.constant 8 : i32
      %mul3A_2130 = arith.muli %scan3A_969, %mul3A_2129 : i32
      %add3A_2131 = arith.constant 3 : i32
      %add3A_2132 = arith.addi %mul3A_2130, %add3A_2131 : i32
      %dma_start3A_2133 = arith.constant 3 : i32
      %dma_start3A_2134 = arith.constant 0 : i32
      %dma_start3A_2135 = tpu.memref_slice %arg11[%add3A_2132, %dma_start3A_2134] : memref<32x128xf32, #tpu.memory_space<vmem>> -> memref<1x128xf32, #tpu.memory_space<vmem>>
      %dma_start3A_2136 = tpu.memref_squeeze %dma_start3A_2135 : memref<1x128xf32, #tpu.memory_space<vmem>> -> memref<128xf32, #tpu.memory_space<vmem>>
      %dma_start3A_2137 = arith.constant 0 : i32
      %dma_start3A_2138 = tpu.memref_slice %arg10[%dma_start3A_2133, %dma_start3A_2137] : memref<8x128xi32, #tpu.memory_space<vmem>> -> memref<1x128xi32, #tpu.memory_space<vmem>>
      %dma_start3A_2139 = tpu.memref_squeeze %dma_start3A_2138 : memref<1x128xi32, #tpu.memory_space<vmem>> -> memref<128xi32, #tpu.memory_space<vmem>>
      %dma_start3A_2140 = arith.constant 0 : i32
      %dma_start3A_2141 = tpu.memref_slice %arg3[%dma_start3A_2140] : memref<12845056xf32, #tpu.memory_space<hbm>> -> memref<12845056xf32, #tpu.memory_space<hbm>>
      tpu.enqueue_indirect_dma source(%dma_start3A_2141 : memref<12845056xf32, #tpu.memory_space<hbm>>) target(%dma_start3A_2136 : memref<128xf32, #tpu.memory_space<vmem>>) offsets(%dma_start3A_2139 : memref<128xi32, #tpu.memory_space<vmem>>) semaphore(%arg13 : memref<!tpu.dma_semaphore, #tpu.memory_space<semaphore_mem>>)
      %mul3A_2142 = arith.constant 8 : i32
      %mul3A_2143 = arith.muli %scan3A_969, %mul3A_2142 : i32
      %add3A_2144 = arith.constant 4 : i32
      %add3A_2145 = arith.addi %mul3A_2143, %add3A_2144 : i32
      %dma_start3A_2146 = arith.constant 4 : i32
      %dma_start3A_2147 = arith.constant 0 : i32
      %dma_start3A_2148 = tpu.memref_slice %arg11[%add3A_2145, %dma_start3A_2147] : memref<32x128xf32, #tpu.memory_space<vmem>> -> memref<1x128xf32, #tpu.memory_space<vmem>>
      %dma_start3A_2149 = tpu.memref_squeeze %dma_start3A_2148 : memref<1x128xf32, #tpu.memory_space<vmem>> -> memref<128xf32, #tpu.memory_space<vmem>>
      %dma_start3A_2150 = arith.constant 0 : i32
      %dma_start3A_2151 = tpu.memref_slice %arg10[%dma_start3A_2146, %dma_start3A_2150] : memref<8x128xi32, #tpu.memory_space<vmem>> -> memref<1x128xi32, #tpu.memory_space<vmem>>
      %dma_start3A_2152 = tpu.memref_squeeze %dma_start3A_2151 : memref<1x128xi32, #tpu.memory_space<vmem>> -> memref<128xi32, #tpu.memory_space<vmem>>
      %dma_start3A_2153 = arith.constant 0 : i32
      %dma_start3A_2154 = tpu.memref_slice %arg3[%dma_start3A_2153] : memref<12845056xf32, #tpu.memory_space<hbm>> -> memref<12845056xf32, #tpu.memory_space<hbm>>
      tpu.enqueue_indirect_dma source(%dma_start3A_2154 : memref<12845056xf32, #tpu.memory_space<hbm>>) target(%dma_start3A_2149 : memref<128xf32, #tpu.memory_space<vmem>>) offsets(%dma_start3A_2152 : memref<128xi32, #tpu.memory_space<vmem>>) semaphore(%arg13 : memref<!tpu.dma_semaphore, #tpu.memory_space<semaphore_mem>>)
      %mul3A_2155 = arith.constant 8 : i32
      %mul3A_2156 = arith.muli %scan3A_969, %mul3A_2155 : i32
      %add3A_2157 = arith.constant 5 : i32
      %add3A_2158 = arith.addi %mul3A_2156, %add3A_2157 : i32
      %dma_start3A_2159 = arith.constant 5 : i32
      %dma_start3A_2160 = arith.constant 0 : i32
      %dma_start3A_2161 = tpu.memref_slice %arg11[%add3A_2158, %dma_start3A_2160] : memref<32x128xf32, #tpu.memory_space<vmem>> -> memref<1x128xf32, #tpu.memory_space<vmem>>
      %dma_start3A_2162 = tpu.memref_squeeze %dma_start3A_2161 : memref<1x128xf32, #tpu.memory_space<vmem>> -> memref<128xf32, #tpu.memory_space<vmem>>
      %dma_start3A_2163 = arith.constant 0 : i32
      %dma_start3A_2164 = tpu.memref_slice %arg10[%dma_start3A_2159, %dma_start3A_2163] : memref<8x128xi32, #tpu.memory_space<vmem>> -> memref<1x128xi32, #tpu.memory_space<vmem>>
      %dma_start3A_2165 = tpu.memref_squeeze %dma_start3A_2164 : memref<1x128xi32, #tpu.memory_space<vmem>> -> memref<128xi32, #tpu.memory_space<vmem>>
      %dma_start3A_2166 = arith.constant 0 : i32
      %dma_start3A_2167 = tpu.memref_slice %arg3[%dma_start3A_2166] : memref<12845056xf32, #tpu.memory_space<hbm>> -> memref<12845056xf32, #tpu.memory_space<hbm>>
      tpu.enqueue_indirect_dma source(%dma_start3A_2167 : memref<12845056xf32, #tpu.memory_space<hbm>>) target(%dma_start3A_2162 : memref<128xf32, #tpu.memory_space<vmem>>) offsets(%dma_start3A_2165 : memref<128xi32, #tpu.memory_space<vmem>>) semaphore(%arg13 : memref<!tpu.dma_semaphore, #tpu.memory_space<semaphore_mem>>)
      %mul3A_2168 = arith.constant 8 : i32
      %mul3A_2169 = arith.muli %scan3A_969, %mul3A_2168 : i32
      %add3A_2170 = arith.constant 6 : i32
      %add3A_2171 = arith.addi %mul3A_2169, %add3A_2170 : i32
      %dma_start3A_2172 = arith.constant 6 : i32
      %dma_start3A_2173 = arith.constant 0 : i32
      %dma_start3A_2174 = tpu.memref_slice %arg11[%add3A_2171, %dma_start3A_2173] : memref<32x128xf32, #tpu.memory_space<vmem>> -> memref<1x128xf32, #tpu.memory_space<vmem>>
      %dma_start3A_2175 = tpu.memref_squeeze %dma_start3A_2174 : memref<1x128xf32, #tpu.memory_space<vmem>> -> memref<128xf32, #tpu.memory_space<vmem>>
      %dma_start3A_2176 = arith.constant 0 : i32
      %dma_start3A_2177 = tpu.memref_slice %arg10[%dma_start3A_2172, %dma_start3A_2176] : memref<8x128xi32, #tpu.memory_space<vmem>> -> memref<1x128xi32, #tpu.memory_space<vmem>>
      %dma_start3A_2178 = tpu.memref_squeeze %dma_start3A_2177 : memref<1x128xi32, #tpu.memory_space<vmem>> -> memref<128xi32, #tpu.memory_space<vmem>>
      %dma_start3A_2179 = arith.constant 0 : i32
      %dma_start3A_2180 = tpu.memref_slice %arg3[%dma_start3A_2179] : memref<12845056xf32, #tpu.memory_space<hbm>> -> memref<12845056xf32, #tpu.memory_space<hbm>>
      tpu.enqueue_indirect_dma source(%dma_start3A_2180 : memref<12845056xf32, #tpu.memory_space<hbm>>) target(%dma_start3A_2175 : memref<128xf32, #tpu.memory_space<vmem>>) offsets(%dma_start3A_2178 : memref<128xi32, #tpu.memory_space<vmem>>) semaphore(%arg13 : memref<!tpu.dma_semaphore, #tpu.memory_space<semaphore_mem>>)
      %mul3A_2181 = arith.constant 8 : i32
      %mul3A_2182 = arith.muli %scan3A_969, %mul3A_2181 : i32
      %add3A_2183 = arith.constant 7 : i32
      %add3A_2184 = arith.addi %mul3A_2182, %add3A_2183 : i32
      %dma_start3A_2185 = arith.constant 7 : i32
      %dma_start3A_2186 = arith.constant 0 : i32
      %dma_start3A_2187 = tpu.memref_slice %arg11[%add3A_2184, %dma_start3A_2186] : memref<32x128xf32, #tpu.memory_space<vmem>> -> memref<1x128xf32, #tpu.memory_space<vmem>>
      %dma_start3A_2188 = tpu.memref_squeeze %dma_start3A_2187 : memref<1x128xf32, #tpu.memory_space<vmem>> -> memref<128xf32, #tpu.memory_space<vmem>>
      %dma_start3A_2189 = arith.constant 0 : i32
      %dma_start3A_2190 = tpu.memref_slice %arg10[%dma_start3A_2185, %dma_start3A_2189] : memref<8x128xi32, #tpu.memory_space<vmem>> -> memref<1x128xi32, #tpu.memory_space<vmem>>
      %dma_start3A_2191 = tpu.memref_squeeze %dma_start3A_2190 : memref<1x128xi32, #tpu.memory_space<vmem>> -> memref<128xi32, #tpu.memory_space<vmem>>
      %dma_start3A_2192 = arith.constant 0 : i32
      %dma_start3A_2193 = tpu.memref_slice %arg3[%dma_start3A_2192] : memref<12845056xf32, #tpu.memory_space<hbm>> -> memref<12845056xf32, #tpu.memory_space<hbm>>
      tpu.enqueue_indirect_dma source(%dma_start3A_2193 : memref<12845056xf32, #tpu.memory_space<hbm>>) target(%dma_start3A_2188 : memref<128xf32, #tpu.memory_space<vmem>>) offsets(%dma_start3A_2191 : memref<128xi32, #tpu.memory_space<vmem>>) semaphore(%arg13 : memref<!tpu.dma_semaphore, #tpu.memory_space<semaphore_mem>>)
      %dma_wait3A_2194 = arith.constant 0 : i32
      %dma_wait3A_2195 = arith.constant 0 : i32
      %dma_wait3A_2196 = tpu.memref_slice %arg11[%add3A_2093, %dma_wait3A_2195] : memref<32x128xf32, #tpu.memory_space<vmem>> -> memref<1x128xf32, #tpu.memory_space<vmem>>
      %dma_wait3A_2197 = tpu.memref_squeeze %dma_wait3A_2196 : memref<1x128xf32, #tpu.memory_space<vmem>> -> memref<128xf32, #tpu.memory_space<vmem>>
      %dma_wait3A_2198 = arith.constant 0 : i32
      %dma_wait3A_2199 = tpu.memref_slice %arg10[%dma_wait3A_2194, %dma_wait3A_2198] : memref<8x128xi32, #tpu.memory_space<vmem>> -> memref<1x128xi32, #tpu.memory_space<vmem>>
      %dma_wait3A_2200 = tpu.memref_squeeze %dma_wait3A_2199 : memref<1x128xi32, #tpu.memory_space<vmem>> -> memref<128xi32, #tpu.memory_space<vmem>>
      %dma_wait3A_2201 = arith.constant 0 : i32
      %dma_wait3A_2202 = tpu.memref_slice %arg3[%dma_wait3A_2201] : memref<12845056xf32, #tpu.memory_space<hbm>> -> memref<12845056xf32, #tpu.memory_space<hbm>>
      tpu.wait_indirect_dma semaphore(%arg13 : memref<!tpu.dma_semaphore, #tpu.memory_space<semaphore_mem>>) src(%dma_wait3A_2202 : memref<12845056xf32, #tpu.memory_space<hbm>>) dst(%dma_wait3A_2197 : memref<128xf32, #tpu.memory_space<vmem>>)
      %dma_wait3A_2203 = arith.constant 1 : i32
      %dma_wait3A_2204 = arith.constant 0 : i32
      %dma_wait3A_2205 = tpu.memref_slice %arg11[%add3A_2106, %dma_wait3A_2204] : memref<32x128xf32, #tpu.memory_space<vmem>> -> memref<1x128xf32, #tpu.memory_space<vmem>>
      %dma_wait3A_2206 = tpu.memref_squeeze %dma_wait3A_2205 : memref<1x128xf32, #tpu.memory_space<vmem>> -> memref<128xf32, #tpu.memory_space<vmem>>
      %dma_wait3A_2207 = arith.constant 0 : i32
      %dma_wait3A_2208 = tpu.memref_slice %arg10[%dma_wait3A_2203, %dma_wait3A_2207] : memref<8x128xi32, #tpu.memory_space<vmem>> -> memref<1x128xi32, #tpu.memory_space<vmem>>
      %dma_wait3A_2209 = tpu.memref_squeeze %dma_wait3A_2208 : memref<1x128xi32, #tpu.memory_space<vmem>> -> memref<128xi32, #tpu.memory_space<vmem>>
      %dma_wait3A_2210 = arith.constant 0 : i32
      %dma_wait3A_2211 = tpu.memref_slice %arg3[%dma_wait3A_2210] : memref<12845056xf32, #tpu.memory_space<hbm>> -> memref<12845056xf32, #tpu.memory_space<hbm>>
      tpu.wait_indirect_dma semaphore(%arg13 : memref<!tpu.dma_semaphore, #tpu.memory_space<semaphore_mem>>) src(%dma_wait3A_2211 : memref<12845056xf32, #tpu.memory_space<hbm>>) dst(%dma_wait3A_2206 : memref<128xf32, #tpu.memory_space<vmem>>)
      %dma_wait3A_2212 = arith.constant 2 : i32
      %dma_wait3A_2213 = arith.constant 0 : i32
      %dma_wait3A_2214 = tpu.memref_slice %arg11[%add3A_2119, %dma_wait3A_2213] : memref<32x128xf32, #tpu.memory_space<vmem>> -> memref<1x128xf32, #tpu.memory_space<vmem>>
      %dma_wait3A_2215 = tpu.memref_squeeze %dma_wait3A_2214 : memref<1x128xf32, #tpu.memory_space<vmem>> -> memref<128xf32, #tpu.memory_space<vmem>>
      %dma_wait3A_2216 = arith.constant 0 : i32
      %dma_wait3A_2217 = tpu.memref_slice %arg10[%dma_wait3A_2212, %dma_wait3A_2216] : memref<8x128xi32, #tpu.memory_space<vmem>> -> memref<1x128xi32, #tpu.memory_space<vmem>>
      %dma_wait3A_2218 = tpu.memref_squeeze %dma_wait3A_2217 : memref<1x128xi32, #tpu.memory_space<vmem>> -> memref<128xi32, #tpu.memory_space<vmem>>
      %dma_wait3A_2219 = arith.constant 0 : i32
      %dma_wait3A_2220 = tpu.memref_slice %arg3[%dma_wait3A_2219] : memref<12845056xf32, #tpu.memory_space<hbm>> -> memref<12845056xf32, #tpu.memory_space<hbm>>
      tpu.wait_indirect_dma semaphore(%arg13 : memref<!tpu.dma_semaphore, #tpu.memory_space<semaphore_mem>>) src(%dma_wait3A_2220 : memref<12845056xf32, #tpu.memory_space<hbm>>) dst(%dma_wait3A_2215 : memref<128xf32, #tpu.memory_space<vmem>>)
      %dma_wait3A_2221 = arith.constant 3 : i32
      %dma_wait3A_2222 = arith.constant 0 : i32
      %dma_wait3A_2223 = tpu.memref_slice %arg11[%add3A_2132, %dma_wait3A_2222] : memref<32x128xf32, #tpu.memory_space<vmem>> -> memref<1x128xf32, #tpu.memory_space<vmem>>
      %dma_wait3A_2224 = tpu.memref_squeeze %dma_wait3A_2223 : memref<1x128xf32, #tpu.memory_space<vmem>> -> memref<128xf32, #tpu.memory_space<vmem>>
      %dma_wait3A_2225 = arith.constant 0 : i32
      %dma_wait3A_2226 = tpu.memref_slice %arg10[%dma_wait3A_2221, %dma_wait3A_2225] : memref<8x128xi32, #tpu.memory_space<vmem>> -> memref<1x128xi32, #tpu.memory_space<vmem>>
      %dma_wait3A_2227 = tpu.memref_squeeze %dma_wait3A_2226 : memref<1x128xi32, #tpu.memory_space<vmem>> -> memref<128xi32, #tpu.memory_space<vmem>>
      %dma_wait3A_2228 = arith.constant 0 : i32
      %dma_wait3A_2229 = tpu.memref_slice %arg3[%dma_wait3A_2228] : memref<12845056xf32, #tpu.memory_space<hbm>> -> memref<12845056xf32, #tpu.memory_space<hbm>>
      tpu.wait_indirect_dma semaphore(%arg13 : memref<!tpu.dma_semaphore, #tpu.memory_space<semaphore_mem>>) src(%dma_wait3A_2229 : memref<12845056xf32, #tpu.memory_space<hbm>>) dst(%dma_wait3A_2224 : memref<128xf32, #tpu.memory_space<vmem>>)
      %dma_wait3A_2230 = arith.constant 4 : i32
      %dma_wait3A_2231 = arith.constant 0 : i32
      %dma_wait3A_2232 = tpu.memref_slice %arg11[%add3A_2145, %dma_wait3A_2231] : memref<32x128xf32, #tpu.memory_space<vmem>> -> memref<1x128xf32, #tpu.memory_space<vmem>>
      %dma_wait3A_2233 = tpu.memref_squeeze %dma_wait3A_2232 : memref<1x128xf32, #tpu.memory_space<vmem>> -> memref<128xf32, #tpu.memory_space<vmem>>
      %dma_wait3A_2234 = arith.constant 0 : i32
      %dma_wait3A_2235 = tpu.memref_slice %arg10[%dma_wait3A_2230, %dma_wait3A_2234] : memref<8x128xi32, #tpu.memory_space<vmem>> -> memref<1x128xi32, #tpu.memory_space<vmem>>
      %dma_wait3A_2236 = tpu.memref_squeeze %dma_wait3A_2235 : memref<1x128xi32, #tpu.memory_space<vmem>> -> memref<128xi32, #tpu.memory_space<vmem>>
      %dma_wait3A_2237 = arith.constant 0 : i32
      %dma_wait3A_2238 = tpu.memref_slice %arg3[%dma_wait3A_2237] : memref<12845056xf32, #tpu.memory_space<hbm>> -> memref<12845056xf32, #tpu.memory_space<hbm>>
      tpu.wait_indirect_dma semaphore(%arg13 : memref<!tpu.dma_semaphore, #tpu.memory_space<semaphore_mem>>) src(%dma_wait3A_2238 : memref<12845056xf32, #tpu.memory_space<hbm>>) dst(%dma_wait3A_2233 : memref<128xf32, #tpu.memory_space<vmem>>)
      %dma_wait3A_2239 = arith.constant 5 : i32
      %dma_wait3A_2240 = arith.constant 0 : i32
      %dma_wait3A_2241 = tpu.memref_slice %arg11[%add3A_2158, %dma_wait3A_2240] : memref<32x128xf32, #tpu.memory_space<vmem>> -> memref<1x128xf32, #tpu.memory_space<vmem>>
      %dma_wait3A_2242 = tpu.memref_squeeze %dma_wait3A_2241 : memref<1x128xf32, #tpu.memory_space<vmem>> -> memref<128xf32, #tpu.memory_space<vmem>>
      %dma_wait3A_2243 = arith.constant 0 : i32
      %dma_wait3A_2244 = tpu.memref_slice %arg10[%dma_wait3A_2239, %dma_wait3A_2243] : memref<8x128xi32, #tpu.memory_space<vmem>> -> memref<1x128xi32, #tpu.memory_space<vmem>>
      %dma_wait3A_2245 = tpu.memref_squeeze %dma_wait3A_2244 : memref<1x128xi32, #tpu.memory_space<vmem>> -> memref<128xi32, #tpu.memory_space<vmem>>
      %dma_wait3A_2246 = arith.constant 0 : i32
      %dma_wait3A_2247 = tpu.memref_slice %arg3[%dma_wait3A_2246] : memref<12845056xf32, #tpu.memory_space<hbm>> -> memref<12845056xf32, #tpu.memory_space<hbm>>
      tpu.wait_indirect_dma semaphore(%arg13 : memref<!tpu.dma_semaphore, #tpu.memory_space<semaphore_mem>>) src(%dma_wait3A_2247 : memref<12845056xf32, #tpu.memory_space<hbm>>) dst(%dma_wait3A_2242 : memref<128xf32, #tpu.memory_space<vmem>>)
      %dma_wait3A_2248 = arith.constant 6 : i32
      %dma_wait3A_2249 = arith.constant 0 : i32
      %dma_wait3A_2250 = tpu.memref_slice %arg11[%add3A_2171, %dma_wait3A_2249] : memref<32x128xf32, #tpu.memory_space<vmem>> -> memref<1x128xf32, #tpu.memory_space<vmem>>
      %dma_wait3A_2251 = tpu.memref_squeeze %dma_wait3A_2250 : memref<1x128xf32, #tpu.memory_space<vmem>> -> memref<128xf32, #tpu.memory_space<vmem>>
      %dma_wait3A_2252 = arith.constant 0 : i32
      %dma_wait3A_2253 = tpu.memref_slice %arg10[%dma_wait3A_2248, %dma_wait3A_2252] : memref<8x128xi32, #tpu.memory_space<vmem>> -> memref<1x128xi32, #tpu.memory_space<vmem>>
      %dma_wait3A_2254 = tpu.memref_squeeze %dma_wait3A_2253 : memref<1x128xi32, #tpu.memory_space<vmem>> -> memref<128xi32, #tpu.memory_space<vmem>>
      %dma_wait3A_2255 = arith.constant 0 : i32
      %dma_wait3A_2256 = tpu.memref_slice %arg3[%dma_wait3A_2255] : memref<12845056xf32, #tpu.memory_space<hbm>> -> memref<12845056xf32, #tpu.memory_space<hbm>>
      tpu.wait_indirect_dma semaphore(%arg13 : memref<!tpu.dma_semaphore, #tpu.memory_space<semaphore_mem>>) src(%dma_wait3A_2256 : memref<12845056xf32, #tpu.memory_space<hbm>>) dst(%dma_wait3A_2251 : memref<128xf32, #tpu.memory_space<vmem>>)
      %dma_wait3A_2257 = arith.constant 7 : i32
      %dma_wait3A_2258 = arith.constant 0 : i32
      %dma_wait3A_2259 = tpu.memref_slice %arg11[%add3A_2184, %dma_wait3A_2258] : memref<32x128xf32, #tpu.memory_space<vmem>> -> memref<1x128xf32, #tpu.memory_space<vmem>>
      %dma_wait3A_2260 = tpu.memref_squeeze %dma_wait3A_2259 : memref<1x128xf32, #tpu.memory_space<vmem>> -> memref<128xf32, #tpu.memory_space<vmem>>
      %dma_wait3A_2261 = arith.constant 0 : i32
      %dma_wait3A_2262 = tpu.memref_slice %arg10[%dma_wait3A_2257, %dma_wait3A_2261] : memref<8x128xi32, #tpu.memory_space<vmem>> -> memref<1x128xi32, #tpu.memory_space<vmem>>
      %dma_wait3A_2263 = tpu.memref_squeeze %dma_wait3A_2262 : memref<1x128xi32, #tpu.memory_space<vmem>> -> memref<128xi32, #tpu.memory_space<vmem>>
      %dma_wait3A_2264 = arith.constant 0 : i32
      %dma_wait3A_2265 = tpu.memref_slice %arg3[%dma_wait3A_2264] : memref<12845056xf32, #tpu.memory_space<hbm>> -> memref<12845056xf32, #tpu.memory_space<hbm>>
      tpu.wait_indirect_dma semaphore(%arg13 : memref<!tpu.dma_semaphore, #tpu.memory_space<semaphore_mem>>) src(%dma_wait3A_2265 : memref<12845056xf32, #tpu.memory_space<hbm>>) dst(%dma_wait3A_2260 : memref<128xf32, #tpu.memory_space<vmem>>)
    }
    %scan3A_968 = arith.constant 4 : i32
    "tpu.region"() ({
      %run_scoped3A = tpu.sem_alloc : memref<!tpu.dma_semaphore, #tpu.memory_space<semaphore_mem>>
      %dma_start3A_969 = tpu.memref_slice %arg7[%select_n3A, %mul3A_74, %mul3A_72] : memref<4x64x512xf32, #tpu.memory_space<hbm>> -> memref<1x32x128xf32, #tpu.memory_space<hbm>>
      %dma_start3A_970 = tpu.memref_squeeze %dma_start3A_969 : memref<1x32x128xf32, #tpu.memory_space<hbm>> -> memref<32x128xf32, #tpu.memory_space<hbm>>
      %dma_start3A_971 = tpu.memref_slice %arg7[%select_n3A, %mul3A_74, %mul3A_72] : memref<4x64x512xf32, #tpu.memory_space<hbm>> -> memref<1x32x128xf32, #tpu.memory_space<hbm>>
      %dma_start3A_972 = tpu.memref_squeeze %dma_start3A_971 : memref<1x32x128xf32, #tpu.memory_space<hbm>> -> memref<32x128xf32, #tpu.memory_space<hbm>>
      tpu.enqueue_dma source(%arg11 : memref<32x128xf32, #tpu.memory_space<vmem>>) target(%dma_start3A_972 : memref<32x128xf32, #tpu.memory_space<hbm>>) target_semaphore(%run_scoped3A : memref<!tpu.dma_semaphore, #tpu.memory_space<semaphore_mem>>)
      %dma_wait3A_973 = tpu.memref_slice %arg7[%select_n3A, %mul3A_74, %mul3A_72] : memref<4x64x512xf32, #tpu.memory_space<hbm>> -> memref<1x32x128xf32, #tpu.memory_space<hbm>>
      %dma_wait3A_974 = tpu.memref_squeeze %dma_wait3A_973 : memref<1x32x128xf32, #tpu.memory_space<hbm>> -> memref<32x128xf32, #tpu.memory_space<hbm>>
      %dma_wait3A_975 = tpu.memref_slice %arg7[%select_n3A, %mul3A_74, %mul3A_72] : memref<4x64x512xf32, #tpu.memory_space<hbm>> -> memref<1x32x128xf32, #tpu.memory_space<hbm>>
      %dma_wait3A_976 = tpu.memref_squeeze %dma_wait3A_975 : memref<1x32x128xf32, #tpu.memory_space<hbm>> -> memref<32x128xf32, #tpu.memory_space<hbm>>
      tpu.wait_dma2 semaphore(%run_scoped3A : memref<!tpu.dma_semaphore, #tpu.memory_space<semaphore_mem>>) src(%arg11 : memref<32x128xf32, #tpu.memory_space<vmem>>) dst(%dma_wait3A_976 : memref<32x128xf32, #tpu.memory_space<hbm>>)
      tpu.yield
    }) : () -> ()
    return
  }
}

module attributes {stable_mosaic.version = 14 : i64} {
  func.func @_topk_thresh_body(%arg0: i32, %arg1: memref<1x392x128xf32, #tpu.memory_space<vmem>>, %arg2: memref<1x392x128xf32, #tpu.memory_space<vmem>>, %arg3: memref<1x392x128xi32, #tpu.memory_space<vmem>>, %arg4: memref<1x1x128xi32, #tpu.memory_space<vmem>>) attributes {dimension_semantics = [#tpu.dimension_semantics<arbitrary>], iteration_bounds = array<i64: 4>, scalar_prefetch = 0 : i64, scratch_operands = 0 : i64, tpu.core_type = #tpu.core_type<tc>, window_params = [{transform_indices = @transform_0, window_bounds = array<i64: 1, 392, 128>}, {transform_indices = @transform_1, window_bounds = array<i64: 1, 392, 128>}, {transform_indices = @transform_2, window_bounds = array<i64: 1, 392, 128>}, {transform_indices = @transform_3, window_bounds = array<i64: 1, 1, 128>}]} {
    %get3A = arith.constant 0 : index
    %get3A_0 = arith.constant 0 : index
    %get3A_1 = arith.constant 0 : index
    %get3A_2 = vector.load %arg1[%get3A, %get3A_0, %get3A_1] : memref<1x392x128xf32, #tpu.memory_space<vmem>>, vector<1x392x128xf32>
    %get3A_3 = vector.shape_cast %get3A_2 : vector<1x392x128xf32> to vector<392x128xf32>
    %get3A_4 = arith.constant 0 : index
    %get3A_5 = arith.constant 0 : index
    %get3A_6 = arith.constant 0 : index
    %get3A_7 = vector.load %arg2[%get3A_4, %get3A_5, %get3A_6] : memref<1x392x128xf32, #tpu.memory_space<vmem>>, vector<1x392x128xf32>
    %get3A_8 = vector.shape_cast %get3A_7 : vector<1x392x128xf32> to vector<392x128xf32>
    %add3A = arith.constant 9.99999968E-21 : f32
    %add3A_9 = vector.broadcast %add3A : f32 to vector<392x128xf32>
    %add3A_10 = arith.addf %get3A_8, %add3A_9 : vector<392x128xf32>
    %log3A = math.log %add3A_10 : vector<392x128xf32>
    %neg3A = arith.constant 0.000000e+00 : f32
    %neg3A_11 = vector.broadcast %neg3A : f32 to vector<392x128xf32>
    %neg3A_12 = arith.subf %neg3A_11, %log3A : vector<392x128xf32>
    %add3A_13 = arith.constant 9.99999968E-21 : f32
    %add3A_14 = vector.broadcast %add3A_13 : f32 to vector<392x128xf32>
    %add3A_15 = arith.addf %neg3A_12, %add3A_14 : vector<392x128xf32>
    %log3A_16 = math.log %add3A_15 : vector<392x128xf32>
    %neg3A_17 = arith.constant 0.000000e+00 : f32
    %neg3A_18 = vector.broadcast %neg3A_17 : f32 to vector<392x128xf32>
    %neg3A_19 = arith.subf %neg3A_18, %log3A_16 : vector<392x128xf32>
    %add3A_20 = arith.constant 9.99999993E-9 : f32
    %add3A_21 = vector.broadcast %add3A_20 : f32 to vector<392x128xf32>
    %add3A_22 = arith.addf %get3A_3, %add3A_21 : vector<392x128xf32>
    %log3A_23 = math.log %add3A_22 : vector<392x128xf32>
    %add3A_24 = arith.addf %log3A_23, %neg3A_19 : vector<392x128xf32>
    %bitcast_convert_type3A = tpu.bitcast %add3A_24 : vector<392x128xf32> -> vector<392x128xi32>
    %lt3A = arith.constant 0 : i32
    %lt3A_25 = vector.broadcast %lt3A : i32 to vector<392x128xi32>
    %lt3A_26 = arith.cmpi slt, %bitcast_convert_type3A, %lt3A_25 : vector<392x128xi32>
    %xor3A = arith.constant 2147483647 : i32
    %xor3A_27 = vector.broadcast %xor3A : i32 to vector<392x128xi32>
    %xor3A_28 = arith.xori %bitcast_convert_type3A, %xor3A_27 : vector<392x128xi32>
    %select_n3A = arith.select %lt3A_26, %xor3A_28, %bitcast_convert_type3A : vector<392x128xi1>, vector<392x128xi32>
    %bitcast_convert_type3A_29 = tpu.bitcast %select_n3A : vector<392x128xi32> -> vector<392x128xi32>
    %xor3A_30 = arith.constant -2147483648 : i32
    %xor3A_31 = vector.broadcast %xor3A_30 : i32 to vector<392x128xi32>
    %xor3A_32 = arith.xori %bitcast_convert_type3A_29, %xor3A_31 : vector<392x128xi32>
    %swap3A = arith.constant 0 : index
    %swap3A_33 = arith.constant 0 : index
    %swap3A_34 = arith.constant 0 : index
    %swap3A_35 = vector.load %arg3[%swap3A, %swap3A_33, %swap3A_34] : memref<1x392x128xi32, #tpu.memory_space<vmem>>, vector<1x392x128xi32>
    %swap3A_36 = vector.shape_cast %swap3A_35 : vector<1x392x128xi32> to vector<392x128xi32>
    %swap3A_37 = vector.shape_cast %xor3A_32 : vector<392x128xi32> to vector<1x392x128xi32>
    tpu.vector_store %arg3[%swap3A, %swap3A_33, %swap3A_34], %swap3A_37 {strides = array<i32>} : memref<1x392x128xi32, #tpu.memory_space<vmem>>, vector<1x392x128xi32>,
    %scan3A = arith.constant 0 : i32
    %scan3A_38 = arith.constant -1 : i32
    %scan3A_39 = arith.constant 0 : i32
    %scan3A_40 = arith.constant 33 : i32
    %scan3A_41 = arith.addi %scan3A_39, %scan3A_40 : i32
    %scan3A_42 = arith.constant 1 : i32
    %scan3A_43:2 = scf.for %scan3A_64 = %scan3A_39 to %scan3A_41 step %scan3A_42 iter_args(%scan3A_65 = %scan3A, %scan3A_66 = %scan3A_38) -> (i32, i32)  : i32 {
      %sub3A = arith.subi %scan3A_66, %scan3A_65 : i32
      %jit3A_67 = arith.constant 2 : i32
      %div3A = arith.divui %sub3A, %jit3A_67 : i32
      %add3A_68 = arith.addi %scan3A_65, %div3A : i32
      %gt3A_69 = vector.broadcast %add3A_68 : i32 to vector<392x128xi32>
      %gt3A_70 = arith.cmpi ugt, %xor3A_32, %gt3A_69 : vector<392x128xi32>
      %convert_element_type3A_71 = arith.extui %gt3A_70 : vector<392x128xi1> to vector<392x128xi32>
      %reduce_sum3A_72 = vector.shape_cast %convert_element_type3A_71 : vector<392x128xi32> to vector<1x392x128xi32>
      %reduce_sum3A_73 = arith.constant dense<0> : vector<1xi32>
      %reduce_sum3A_74 = vector.multi_reduction <add>, %reduce_sum3A_72, %reduce_sum3A_73 [1, 2] : vector<1x392x128xi32> to vector<1xi32>
      %reduce_sum3A_75 = vector.shape_cast %reduce_sum3A_74 : vector<1xi32> to vector<1x1x1xi32>
      %reduce_sum3A_76 = vector.extract %reduce_sum3A_75[0, 0, 0] : i32 from vector<1x1x1xi32>
      %ge3A = arith.constant 512 : i32
      %ge3A_77 = arith.cmpi sge, %reduce_sum3A_76, %ge3A : i32
      %add3A_78 = arith.constant 1 : i32
      %add3A_79 = arith.addi %add3A_68, %add3A_78 : i32
      %select_n3A_80 = arith.select %ge3A_77, %add3A_79, %scan3A_65 : i32
      %select_n3A_81 = arith.select %ge3A_77, %scan3A_66, %add3A_68 : i32
      scf.yield %select_n3A_80, %select_n3A_81 : i32, i32
    }
    %gt3A = vector.broadcast %scan3A_43#0 : i32 to vector<392x128xi32>
    %gt3A_44 = arith.cmpi ugt, %xor3A_32, %gt3A : vector<392x128xi32>
    %convert_element_type3A = arith.extui %gt3A_44 : vector<392x128xi1> to vector<392x128xi32>
    %reduce_sum3A = vector.shape_cast %convert_element_type3A : vector<392x128xi32> to vector<1x392x128xi32>
    %reduce_sum3A_45 = arith.constant dense<0> : vector<1xi32>
    %reduce_sum3A_46 = vector.multi_reduction <add>, %reduce_sum3A, %reduce_sum3A_45 [1, 2] : vector<1x392x128xi32> to vector<1xi32>
    %reduce_sum3A_47 = vector.shape_cast %reduce_sum3A_46 : vector<1xi32> to vector<1x1x1xi32>
    %reduce_sum3A_48 = vector.extract %reduce_sum3A_47[0, 0, 0] : i32 from vector<1x1x1xi32>
    %iota3A = tpu.iota {dimensions = array<i32: 1>} : vector<1x128xi32>
    %eq3A = arith.constant 0 : i32
    %eq3A_49 = vector.broadcast %eq3A : i32 to vector<1x128xi32>
    %eq3A_50 = arith.cmpi eq, %iota3A, %eq3A_49 : vector<1x128xi32>
    %eq3A_51 = arith.constant 1 : i32
    %eq3A_52 = vector.broadcast %eq3A_51 : i32 to vector<1x128xi32>
    %eq3A_53 = arith.cmpi eq, %iota3A, %eq3A_52 : vector<1x128xi32>
    %jit3A = arith.constant 0 : i32
    %broadcast_in_dim3A = vector.broadcast %reduce_sum3A_48 : i32 to vector<1x128xi32>
    %broadcast_in_dim3A_54 = vector.broadcast %jit3A : i32 to vector<1x128xi32>
    %select_n3A_55 = arith.select %eq3A_53, %broadcast_in_dim3A, %broadcast_in_dim3A_54 : vector<1x128xi1>, vector<1x128xi32>
    %broadcast_in_dim3A_56 = vector.broadcast %scan3A_43#0 : i32 to vector<1x128xi32>
    %select_n3A_57 = arith.select %eq3A_50, %broadcast_in_dim3A_56, %select_n3A_55 : vector<1x128xi1>, vector<1x128xi32>
    %swap3A_58 = arith.constant 0 : index
    %swap3A_59 = arith.constant 0 : index
    %swap3A_60 = arith.constant 0 : index
    %swap3A_61 = vector.load %arg4[%swap3A_58, %swap3A_59, %swap3A_60] : memref<1x1x128xi32, #tpu.memory_space<vmem>>, vector<1x1x128xi32>
    %swap3A_62 = vector.shape_cast %swap3A_61 : vector<1x1x128xi32> to vector<1x128xi32>
    %swap3A_63 = vector.shape_cast %select_n3A_57 : vector<1x128xi32> to vector<1x1x128xi32>
    tpu.vector_store %arg4[%swap3A_58, %swap3A_59, %swap3A_60], %swap3A_63 {strides = array<i32>} : memref<1x1x128xi32, #tpu.memory_space<vmem>>, vector<1x1x128xi32>,
    return
  }
  func.func @transform_0(%arg0: i32) -> (i32, i32, i32) {
    %c0_i32 = arith.constant 0 : i32
    %c0_i32_0 = arith.constant 0 : i32
    %c0_i32_1 = arith.constant 0 : i32
    return %arg0, %c0_i32, %c0_i32_0 : i32, i32, i32
  }
  func.func @transform_1(%arg0: i32) -> (i32, i32, i32) {
    %c0_i32 = arith.constant 0 : i32
    %c0_i32_0 = arith.constant 0 : i32
    %c0_i32_1 = arith.constant 0 : i32
    return %arg0, %c0_i32, %c0_i32_0 : i32, i32, i32
  }
  func.func @transform_2(%arg0: i32) -> (i32, i32, i32) {
    %c0_i32 = arith.constant 0 : i32
    %c0_i32_0 = arith.constant 0 : i32
    %c0_i32_1 = arith.constant 0 : i32
    return %arg0, %c0_i32, %c0_i32_0 : i32, i32, i32
  }
  func.func @transform_3(%arg0: i32) -> (i32, i32, i32) {
    %c0_i32 = arith.constant 0 : i32
    %c0_i32_0 = arith.constant 0 : i32
    %c0_i32_1 = arith.constant 0 : i32
    return %arg0, %c0_i32, %c0_i32_0 : i32, i32, i32
  }
}

module attributes {stable_mosaic.version = 14 : i64} {
  func.func @_pairwise_body(%arg0: i32, %arg1: memref<1x64x512xf32, #tpu.memory_space<vmem>>, %arg2: memref<1x8x512xf32, #tpu.memory_space<vmem>>, %arg3: memref<1x1x384xf32, #tpu.memory_space<vmem>>) attributes {dimension_semantics = [#tpu.dimension_semantics<arbitrary>], iteration_bounds = array<i64: 4>, scalar_prefetch = 0 : i64, scratch_operands = 0 : i64, tpu.core_type = #tpu.core_type<tc>, window_params = [{transform_indices = @transform_0, window_bounds = array<i64: 1, 64, 512>}, {transform_indices = @transform_1, window_bounds = array<i64: 1, 8, 512>}, {transform_indices = @transform_2, window_bounds = array<i64: 1, 1, 384>}]} {
    %iota3A = tpu.iota {dimensions = array<i32: 0>} : vector<512x512xi32>
    %iota3A_0 = tpu.iota {dimensions = array<i32: 1>} : vector<512x512xi32>
    %eq3A = arith.cmpi eq, %iota3A, %iota3A_0 : vector<512x512xi32>
    %convert_element_type3A = arith.extui %eq3A : vector<512x512xi1> to vector<512x512xi32>
    %convert_element_type3A_1 = arith.sitofp %convert_element_type3A : vector<512x512xi32> to vector<512x512xf32>
    %get3A = arith.constant 0 : index
    %get3A_2 = arith.constant 0 : index
    %get3A_3 = arith.constant 0 : index
    %get3A_4 = vector.load %arg1[%get3A, %get3A_2, %get3A_3] : memref<1x64x512xf32, #tpu.memory_space<vmem>>, vector<1x64x512xf32>
    %get3A_5 = vector.shape_cast %get3A_4 : vector<1x64x512xf32> to vector<64x512xf32>
    %dot_general3A = arith.constant dense<0.000000e+00> : vector<512x64xf32>
    %dot_general3A_6 = tpu.matmul %convert_element_type3A_1, %get3A_5, %dot_general3A {dimension_numbers = #tpu.dot_dimension_numbers<[1], [1], [0], [0], [0, 0, 1, 0], [], []>, transpose_lhs_hint = false} : vector<512x512xf32>, vector<64x512xf32>, vector<512x64xf32> -> vector<512x64xf32>
    %get3A_7 = arith.constant 0 : index
    %get3A_8 = arith.constant 0 : index
    %get3A_9 = arith.constant 0 : index
    %get3A_10 = vector.load %arg2[%get3A_7, %get3A_8, %get3A_9] : memref<1x8x512xf32, #tpu.memory_space<vmem>>, vector<1x8x512xf32>
    %get3A_11 = vector.shape_cast %get3A_10 : vector<1x8x512xf32> to vector<8x512xf32>
    %dot_general3A_12 = arith.constant dense<0.000000e+00> : vector<512x8xf32>
    %dot_general3A_13 = tpu.matmul %convert_element_type3A_1, %get3A_11, %dot_general3A_12 {dimension_numbers = #tpu.dot_dimension_numbers<[1], [1], [0], [0], [0, 0, 1, 0], [], []>, transpose_lhs_hint = false} : vector<512x512xf32>, vector<8x512xf32>, vector<512x8xf32> -> vector<512x8xf32>
    %iota3A_14 = tpu.iota {dimensions = array<i32: 1>} : vector<1x64xi32>
    %iota3A_15 = tpu.iota {dimensions = array<i32: 1>} : vector<1x8xi32>
    %broadcast_in_dim3A = arith.constant 0.000000e+00 : f32
    %broadcast_in_dim3A_16 = vector.broadcast %broadcast_in_dim3A : f32 to vector<512x512xf32>
    %scan3A = arith.constant 0 : i32
    %scan3A_17 = arith.constant 64 : i32
    %scan3A_18 = arith.addi %scan3A, %scan3A_17 : i32
    %scan3A_19 = arith.constant 1 : i32
    %scan3A_20 = scf.for %scan3A_212 = %scan3A to %scan3A_18 step %scan3A_19 iter_args(%scan3A_213 = %broadcast_in_dim3A_16) -> (vector<512x512xf32>)  : i32 {
      %get3A_214 = arith.constant 0 : index
      %get3A_215 = arith.index_cast %scan3A_212 : i32 to index
      %get3A_216 = arith.constant 0 : index
      %get3A_217 = vector.load %arg1[%get3A_214, %get3A_215, %get3A_216] : memref<1x64x512xf32, #tpu.memory_space<vmem>>, vector<1x1x512xf32>
      %get3A_218 = vector.shape_cast %get3A_217 : vector<1x1x512xf32> to vector<1x512xf32>
      %eq3A_219 = vector.broadcast %scan3A_212 : i32 to vector<1x64xi32>
      %eq3A_220 = arith.cmpi eq, %iota3A_14, %eq3A_219 : vector<1x64xi32>
      %convert_element_type3A_221 = arith.extui %eq3A_220 : vector<1x64xi1> to vector<1x64xi32>
      %convert_element_type3A_222 = arith.sitofp %convert_element_type3A_221 : vector<1x64xi32> to vector<1x64xf32>
      %mul3A_223 = vector.broadcast %convert_element_type3A_222 : vector<1x64xf32> to vector<512x64xf32>
      %mul3A_224 = arith.mulf %dot_general3A_6, %mul3A_223 : vector<512x64xf32>
      %reduce_sum3A_225 = arith.constant dense<0.000000e+00> : vector<512xf32>
      %reduce_sum3A_226 = vector.multi_reduction <add>, %mul3A_224, %reduce_sum3A_225 [1] : vector<512x64xf32> to vector<512xf32>
      %broadcast_in_dim3A_227 = vector.shape_cast %reduce_sum3A_226 : vector<512xf32> to vector<512x1xf32>
      %sub3A_228 = vector.broadcast %broadcast_in_dim3A_227 : vector<512x1xf32> to vector<512x512xf32>
      %sub3A_229 = vector.broadcast %get3A_218 : vector<1x512xf32> to vector<512x512xf32>
      %sub3A_230 = arith.subf %sub3A_228, %sub3A_229 : vector<512x512xf32>
      %abs3A = math.absf %sub3A_230 : vector<512x512xf32>
      %lt3A = arith.constant 1.000000e+00 : f32
      %lt3A_231 = vector.broadcast %lt3A : f32 to vector<512x512xf32>
      %lt3A_232 = arith.cmpf olt, %abs3A, %lt3A_231 : vector<512x512xf32>
      %mul3A_233 = arith.constant 5.000000e-01 : f32
      %mul3A_234 = vector.broadcast %mul3A_233 : f32 to vector<512x512xf32>
      %mul3A_235 = arith.mulf %mul3A_234, %sub3A_230 : vector<512x512xf32>
      %mul3A_236 = arith.mulf %mul3A_235, %sub3A_230 : vector<512x512xf32>
      %sub3A_237 = arith.constant 5.000000e-01 : f32
      %sub3A_238 = vector.broadcast %sub3A_237 : f32 to vector<512x512xf32>
      %sub3A_239 = arith.subf %abs3A, %sub3A_238 : vector<512x512xf32>
      %select_n3A = arith.select %lt3A_232, %mul3A_236, %sub3A_239 : vector<512x512xi1>, vector<512x512xf32>
      %add3A_240 = arith.addf %scan3A_213, %select_n3A : vector<512x512xf32>
      scf.yield %add3A_240 : vector<512x512xf32>
    }
    %scan3A_21 = arith.constant 64 : i32
    %mul3A = arith.constant 1.562500e-02 : f32
    %mul3A_22 = vector.broadcast %mul3A : f32 to vector<512x512xf32>
    %mul3A_23 = arith.mulf %scan3A_20, %mul3A_22 : vector<512x512xf32>
    %get3A_24 = arith.constant 0 : index
    %get3A_25 = arith.constant 0 : index
    %get3A_26 = arith.constant 0 : index
    %get3A_27 = vector.load %arg2[%get3A_24, %get3A_25, %get3A_26] : memref<1x8x512xf32, #tpu.memory_space<vmem>>, vector<1x1x512xf32>
    %get3A_28 = vector.shape_cast %get3A_27 : vector<1x1x512xf32> to vector<1x512xf32>
    %eq3A_29 = arith.constant 0 : i32
    %eq3A_30 = vector.broadcast %eq3A_29 : i32 to vector<1x8xi32>
    %eq3A_31 = arith.cmpi eq, %iota3A_15, %eq3A_30 : vector<1x8xi32>
    %convert_element_type3A_32 = arith.extui %eq3A_31 : vector<1x8xi1> to vector<1x8xi32>
    %convert_element_type3A_33 = arith.sitofp %convert_element_type3A_32 : vector<1x8xi32> to vector<1x8xf32>
    %mul3A_34 = vector.broadcast %convert_element_type3A_33 : vector<1x8xf32> to vector<512x8xf32>
    %mul3A_35 = arith.mulf %dot_general3A_13, %mul3A_34 : vector<512x8xf32>
    %reduce_sum3A = arith.constant dense<0.000000e+00> : vector<512xf32>
    %reduce_sum3A_36 = vector.multi_reduction <add>, %mul3A_35, %reduce_sum3A [1] : vector<512x8xf32> to vector<512xf32>
    %broadcast_in_dim3A_37 = vector.shape_cast %reduce_sum3A_36 : vector<512xf32> to vector<512x1xf32>
    %sub3A = vector.broadcast %broadcast_in_dim3A_37 : vector<512x1xf32> to vector<512x512xf32>
    %sub3A_38 = vector.broadcast %get3A_28 : vector<1x512xf32> to vector<512x512xf32>
    %sub3A_39 = arith.subf %sub3A, %sub3A_38 : vector<512x512xf32>
    %mul3A_40 = arith.mulf %sub3A_39, %sub3A_39 : vector<512x512xf32>
    %get3A_41 = arith.constant 0 : index
    %get3A_42 = arith.constant 1 : index
    %get3A_43 = arith.constant 0 : index
    %get3A_44 = vector.load %arg2[%get3A_41, %get3A_42, %get3A_43] : memref<1x8x512xf32, #tpu.memory_space<vmem>>, vector<1x1x512xf32>
    %get3A_45 = vector.shape_cast %get3A_44 : vector<1x1x512xf32> to vector<1x512xf32>
    %eq3A_46 = arith.constant 1 : i32
    %eq3A_47 = vector.broadcast %eq3A_46 : i32 to vector<1x8xi32>
    %eq3A_48 = arith.cmpi eq, %iota3A_15, %eq3A_47 : vector<1x8xi32>
    %convert_element_type3A_49 = arith.extui %eq3A_48 : vector<1x8xi1> to vector<1x8xi32>
    %convert_element_type3A_50 = arith.sitofp %convert_element_type3A_49 : vector<1x8xi32> to vector<1x8xf32>
    %mul3A_51 = vector.broadcast %convert_element_type3A_50 : vector<1x8xf32> to vector<512x8xf32>
    %mul3A_52 = arith.mulf %dot_general3A_13, %mul3A_51 : vector<512x8xf32>
    %reduce_sum3A_53 = arith.constant dense<0.000000e+00> : vector<512xf32>
    %reduce_sum3A_54 = vector.multi_reduction <add>, %mul3A_52, %reduce_sum3A_53 [1] : vector<512x8xf32> to vector<512xf32>
    %broadcast_in_dim3A_55 = vector.shape_cast %reduce_sum3A_54 : vector<512xf32> to vector<512x1xf32>
    %sub3A_56 = vector.broadcast %broadcast_in_dim3A_55 : vector<512x1xf32> to vector<512x512xf32>
    %sub3A_57 = vector.broadcast %get3A_45 : vector<1x512xf32> to vector<512x512xf32>
    %sub3A_58 = arith.subf %sub3A_56, %sub3A_57 : vector<512x512xf32>
    %mul3A_59 = arith.mulf %sub3A_58, %sub3A_58 : vector<512x512xf32>
    %add3A = arith.addf %mul3A_40, %mul3A_59 : vector<512x512xf32>
    %get3A_60 = arith.constant 0 : index
    %get3A_61 = arith.constant 2 : index
    %get3A_62 = arith.constant 0 : index
    %get3A_63 = vector.load %arg2[%get3A_60, %get3A_61, %get3A_62] : memref<1x8x512xf32, #tpu.memory_space<vmem>>, vector<1x1x512xf32>
    %get3A_64 = vector.shape_cast %get3A_63 : vector<1x1x512xf32> to vector<1x512xf32>
    %eq3A_65 = arith.constant 2 : i32
    %eq3A_66 = vector.broadcast %eq3A_65 : i32 to vector<1x8xi32>
    %eq3A_67 = arith.cmpi eq, %iota3A_15, %eq3A_66 : vector<1x8xi32>
    %convert_element_type3A_68 = arith.extui %eq3A_67 : vector<1x8xi1> to vector<1x8xi32>
    %convert_element_type3A_69 = arith.sitofp %convert_element_type3A_68 : vector<1x8xi32> to vector<1x8xf32>
    %mul3A_70 = vector.broadcast %convert_element_type3A_69 : vector<1x8xf32> to vector<512x8xf32>
    %mul3A_71 = arith.mulf %dot_general3A_13, %mul3A_70 : vector<512x8xf32>
    %reduce_sum3A_72 = arith.constant dense<0.000000e+00> : vector<512xf32>
    %reduce_sum3A_73 = vector.multi_reduction <add>, %mul3A_71, %reduce_sum3A_72 [1] : vector<512x8xf32> to vector<512xf32>
    %broadcast_in_dim3A_74 = vector.shape_cast %reduce_sum3A_73 : vector<512xf32> to vector<512x1xf32>
    %sub3A_75 = vector.broadcast %broadcast_in_dim3A_74 : vector<512x1xf32> to vector<512x512xf32>
    %sub3A_76 = vector.broadcast %get3A_64 : vector<1x512xf32> to vector<512x512xf32>
    %sub3A_77 = arith.subf %sub3A_75, %sub3A_76 : vector<512x512xf32>
    %mul3A_78 = arith.mulf %sub3A_77, %sub3A_77 : vector<512x512xf32>
    %add3A_79 = arith.addf %add3A, %mul3A_78 : vector<512x512xf32>
    %get3A_80 = arith.constant 0 : index
    %get3A_81 = arith.constant 3 : index
    %get3A_82 = arith.constant 0 : index
    %get3A_83 = vector.load %arg2[%get3A_80, %get3A_81, %get3A_82] : memref<1x8x512xf32, #tpu.memory_space<vmem>>, vector<1x1x512xf32>
    %get3A_84 = vector.shape_cast %get3A_83 : vector<1x1x512xf32> to vector<1x512xf32>
    %eq3A_85 = arith.constant 3 : i32
    %eq3A_86 = vector.broadcast %eq3A_85 : i32 to vector<1x8xi32>
    %eq3A_87 = arith.cmpi eq, %iota3A_15, %eq3A_86 : vector<1x8xi32>
    %convert_element_type3A_88 = arith.extui %eq3A_87 : vector<1x8xi1> to vector<1x8xi32>
    %convert_element_type3A_89 = arith.sitofp %convert_element_type3A_88 : vector<1x8xi32> to vector<1x8xf32>
    %mul3A_90 = vector.broadcast %convert_element_type3A_89 : vector<1x8xf32> to vector<512x8xf32>
    %mul3A_91 = arith.mulf %dot_general3A_13, %mul3A_90 : vector<512x8xf32>
    %reduce_sum3A_92 = arith.constant dense<0.000000e+00> : vector<512xf32>
    %reduce_sum3A_93 = vector.multi_reduction <add>, %mul3A_91, %reduce_sum3A_92 [1] : vector<512x8xf32> to vector<512xf32>
    %broadcast_in_dim3A_94 = vector.shape_cast %reduce_sum3A_93 : vector<512xf32> to vector<512x1xf32>
    %sub3A_95 = vector.broadcast %broadcast_in_dim3A_94 : vector<512x1xf32> to vector<512x512xf32>
    %sub3A_96 = vector.broadcast %get3A_84 : vector<1x512xf32> to vector<512x512xf32>
    %sub3A_97 = arith.subf %sub3A_95, %sub3A_96 : vector<512x512xf32>
    %mul3A_98 = arith.mulf %sub3A_97, %sub3A_97 : vector<512x512xf32>
    %get3A_99 = arith.constant 0 : index
    %get3A_100 = arith.constant 4 : index
    %get3A_101 = arith.constant 0 : index
    %get3A_102 = vector.load %arg2[%get3A_99, %get3A_100, %get3A_101] : memref<1x8x512xf32, #tpu.memory_space<vmem>>, vector<1x1x512xf32>
    %get3A_103 = vector.shape_cast %get3A_102 : vector<1x1x512xf32> to vector<1x512xf32>
    %eq3A_104 = arith.constant 4 : i32
    %eq3A_105 = vector.broadcast %eq3A_104 : i32 to vector<1x8xi32>
    %eq3A_106 = arith.cmpi eq, %iota3A_15, %eq3A_105 : vector<1x8xi32>
    %convert_element_type3A_107 = arith.extui %eq3A_106 : vector<1x8xi1> to vector<1x8xi32>
    %convert_element_type3A_108 = arith.sitofp %convert_element_type3A_107 : vector<1x8xi32> to vector<1x8xf32>
    %mul3A_109 = vector.broadcast %convert_element_type3A_108 : vector<1x8xf32> to vector<512x8xf32>
    %mul3A_110 = arith.mulf %dot_general3A_13, %mul3A_109 : vector<512x8xf32>
    %reduce_sum3A_111 = arith.constant dense<0.000000e+00> : vector<512xf32>
    %reduce_sum3A_112 = vector.multi_reduction <add>, %mul3A_110, %reduce_sum3A_111 [1] : vector<512x8xf32> to vector<512xf32>
    %broadcast_in_dim3A_113 = vector.shape_cast %reduce_sum3A_112 : vector<512xf32> to vector<512x1xf32>
    %sub3A_114 = vector.broadcast %broadcast_in_dim3A_113 : vector<512x1xf32> to vector<512x512xf32>
    %sub3A_115 = vector.broadcast %get3A_103 : vector<1x512xf32> to vector<512x512xf32>
    %sub3A_116 = arith.subf %sub3A_114, %sub3A_115 : vector<512x512xf32>
    %mul3A_117 = arith.mulf %sub3A_116, %sub3A_116 : vector<512x512xf32>
    %add3A_118 = arith.addf %mul3A_98, %mul3A_117 : vector<512x512xf32>
    %mul3A_119 = arith.constant 2.500000e+01 : f32
    %mul3A_120 = vector.broadcast %mul3A_119 : f32 to vector<512x512xf32>
    %mul3A_121 = arith.mulf %add3A_118, %mul3A_120 : vector<512x512xf32>
    %mul3A_122 = arith.constant 5.000000e+00 : f32
    %mul3A_123 = vector.broadcast %mul3A_122 : f32 to vector<512x512xf32>
    %mul3A_124 = arith.mulf %add3A_79, %mul3A_123 : vector<512x512xf32>
    %add3A_125 = arith.addf %mul3A_121, %mul3A_124 : vector<512x512xf32>
    %neg3A = arith.constant 0.000000e+00 : f32
    %neg3A_126 = vector.broadcast %neg3A : f32 to vector<512x512xf32>
    %neg3A_127 = arith.subf %neg3A_126, %add3A_125 : vector<512x512xf32>
    %mul3A_128 = arith.constant 2.500000e+01 : f32
    %mul3A_129 = vector.broadcast %mul3A_128 : f32 to vector<512x512xf32>
    %mul3A_130 = arith.mulf %add3A_118, %mul3A_129 : vector<512x512xf32>
    %neg3A_131 = arith.constant 0.000000e+00 : f32
    %neg3A_132 = vector.broadcast %neg3A_131 : f32 to vector<512x512xf32>
    %neg3A_133 = arith.subf %neg3A_132, %mul3A_130 : vector<512x512xf32>
    %exp3A = math.exp %neg3A_127 : vector<512x512xf32>
    %mul3A_134 = arith.constant 5.000000e-01 : f32
    %mul3A_135 = vector.broadcast %mul3A_134 : f32 to vector<512x512xf32>
    %mul3A_136 = arith.mulf %mul3A_135, %exp3A : vector<512x512xf32>
    %exp3A_137 = math.exp %neg3A_133 : vector<512x512xf32>
    %mul3A_138 = arith.constant 5.000000e-01 : f32
    %mul3A_139 = vector.broadcast %mul3A_138 : f32 to vector<512x512xf32>
    %mul3A_140 = arith.mulf %mul3A_139, %exp3A_137 : vector<512x512xf32>
    %add3A_141 = arith.addf %mul3A_136, %mul3A_140 : vector<512x512xf32>
    %sub3A_142 = arith.constant 0.000000e+00 : f32
    %sub3A_143 = vector.broadcast %sub3A_142 : f32 to vector<512x512xf32>
    %sub3A_144 = arith.subf %add3A_141, %sub3A_143 : vector<512x512xf32>
    %mul3A_145 = arith.constant 1.000000e+00 : f32
    %mul3A_146 = vector.broadcast %mul3A_145 : f32 to vector<512x512xf32>
    %mul3A_147 = arith.mulf %sub3A_144, %mul3A_146 : vector<512x512xf32>
    %eq3A_148 = arith.constant 5 : i32
    %eq3A_149 = vector.broadcast %eq3A_148 : i32 to vector<1x8xi32>
    %eq3A_150 = arith.cmpi eq, %iota3A_15, %eq3A_149 : vector<1x8xi32>
    %convert_element_type3A_151 = arith.extui %eq3A_150 : vector<1x8xi1> to vector<1x8xi32>
    %convert_element_type3A_152 = arith.sitofp %convert_element_type3A_151 : vector<1x8xi32> to vector<1x8xf32>
    %mul3A_153 = vector.broadcast %convert_element_type3A_152 : vector<1x8xf32> to vector<512x8xf32>
    %mul3A_154 = arith.mulf %dot_general3A_13, %mul3A_153 : vector<512x8xf32>
    %reduce_sum3A_155 = arith.constant dense<0.000000e+00> : vector<512xf32>
    %reduce_sum3A_156 = vector.multi_reduction <add>, %mul3A_154, %reduce_sum3A_155 [1] : vector<512x8xf32> to vector<512xf32>
    %broadcast_in_dim3A_157 = vector.shape_cast %reduce_sum3A_156 : vector<512xf32> to vector<512x1xf32>
    %get3A_158 = arith.constant 0 : index
    %get3A_159 = arith.constant 5 : index
    %get3A_160 = arith.constant 0 : index
    %get3A_161 = vector.load %arg2[%get3A_158, %get3A_159, %get3A_160] : memref<1x8x512xf32, #tpu.memory_space<vmem>>, vector<1x1x512xf32>
    %get3A_162 = vector.shape_cast %get3A_161 : vector<1x1x512xf32> to vector<1x512xf32>
    %mul3A_163 = vector.broadcast %broadcast_in_dim3A_157 : vector<512x1xf32> to vector<512x512xf32>
    %mul3A_164 = vector.broadcast %get3A_162 : vector<1x512xf32> to vector<512x512xf32>
    %mul3A_165 = arith.mulf %mul3A_163, %mul3A_164 : vector<512x512xf32>
    %eq3A_166 = arith.constant 6 : i32
    %eq3A_167 = vector.broadcast %eq3A_166 : i32 to vector<1x8xi32>
    %eq3A_168 = arith.cmpi eq, %iota3A_15, %eq3A_167 : vector<1x8xi32>
    %convert_element_type3A_169 = arith.extui %eq3A_168 : vector<1x8xi1> to vector<1x8xi32>
    %convert_element_type3A_170 = arith.sitofp %convert_element_type3A_169 : vector<1x8xi32> to vector<1x8xf32>
    %mul3A_171 = vector.broadcast %convert_element_type3A_170 : vector<1x8xf32> to vector<512x8xf32>
    %mul3A_172 = arith.mulf %dot_general3A_13, %mul3A_171 : vector<512x8xf32>
    %reduce_sum3A_173 = arith.constant dense<0.000000e+00> : vector<512xf32>
    %reduce_sum3A_174 = vector.multi_reduction <add>, %mul3A_172, %reduce_sum3A_173 [1] : vector<512x8xf32> to vector<512xf32>
    %broadcast_in_dim3A_175 = vector.shape_cast %reduce_sum3A_174 : vector<512xf32> to vector<512x1xf32>
    %get3A_176 = arith.constant 0 : index
    %get3A_177 = arith.constant 6 : index
    %get3A_178 = arith.constant 0 : index
    %get3A_179 = vector.load %arg2[%get3A_176, %get3A_177, %get3A_178] : memref<1x8x512xf32, #tpu.memory_space<vmem>>, vector<1x1x512xf32>
    %get3A_180 = vector.shape_cast %get3A_179 : vector<1x1x512xf32> to vector<1x512xf32>
    %mul3A_181 = vector.broadcast %broadcast_in_dim3A_175 : vector<512x1xf32> to vector<512x512xf32>
    %mul3A_182 = vector.broadcast %get3A_180 : vector<1x512xf32> to vector<512x512xf32>
    %mul3A_183 = arith.mulf %mul3A_181, %mul3A_182 : vector<512x512xf32>
    %max3A = arith.constant 9.99999993E-9 : f32
    %max3A_184 = vector.broadcast %max3A : f32 to vector<512x512xf32>
    %max3A_185 = arith.maximumf %mul3A_183, %max3A_184 : vector<512x512xf32>
    %sqrt3A = math.sqrt %max3A_185 : vector<512x512xf32>
    %mul3A_186 = arith.mulf %mul3A_165, %mul3A_23 : vector<512x512xf32>
    %mul3A_187 = arith.mulf %mul3A_186, %mul3A_147 : vector<512x512xf32>
    %mul3A_188 = arith.mulf %sqrt3A, %mul3A_187 : vector<512x512xf32>
    %reduce_sum3A_189 = vector.shape_cast %mul3A_188 : vector<512x512xf32> to vector<1x512x512xf32>
    %reduce_sum3A_190 = arith.constant dense<0.000000e+00> : vector<1xf32>
    %reduce_sum3A_191 = vector.multi_reduction <add>, %reduce_sum3A_189, %reduce_sum3A_190 [1, 2] : vector<1x512x512xf32> to vector<1xf32>
    %reduce_sum3A_192 = vector.shape_cast %reduce_sum3A_191 : vector<1xf32> to vector<1x1x1xf32>
    %reduce_sum3A_193 = vector.extract %reduce_sum3A_192[0, 0, 0] : f32 from vector<1x1x1xf32>
    %reduce_sum3A_194 = vector.shape_cast %mul3A_187 : vector<512x512xf32> to vector<1x512x512xf32>
    %reduce_sum3A_195 = arith.constant dense<0.000000e+00> : vector<1xf32>
    %reduce_sum3A_196 = vector.multi_reduction <add>, %reduce_sum3A_194, %reduce_sum3A_195 [1, 2] : vector<1x512x512xf32> to vector<1xf32>
    %reduce_sum3A_197 = vector.shape_cast %reduce_sum3A_196 : vector<1xf32> to vector<1x1x1xf32>
    %reduce_sum3A_198 = vector.extract %reduce_sum3A_197[0, 0, 0] : f32 from vector<1x1x1xf32>
    %reduce_sum3A_199 = vector.shape_cast %mul3A_165 : vector<512x512xf32> to vector<1x512x512xf32>
    %reduce_sum3A_200 = arith.constant dense<0.000000e+00> : vector<1xf32>
    %reduce_sum3A_201 = vector.multi_reduction <add>, %reduce_sum3A_199, %reduce_sum3A_200 [1, 2] : vector<1x512x512xf32> to vector<1xf32>
    %reduce_sum3A_202 = vector.shape_cast %reduce_sum3A_201 : vector<1xf32> to vector<1x1x1xf32>
    %reduce_sum3A_203 = vector.extract %reduce_sum3A_202[0, 0, 0] : f32 from vector<1x1x1xf32>
    %broadcast_in_dim3A_204 = vector.broadcast %reduce_sum3A_193 : f32 to vector<1x128xf32>
    %broadcast_in_dim3A_205 = vector.broadcast %reduce_sum3A_198 : f32 to vector<1x128xf32>
    %broadcast_in_dim3A_206 = vector.broadcast %reduce_sum3A_203 : f32 to vector<1x128xf32>
    %concatenate3A = tpu.concatenate %broadcast_in_dim3A_204, %broadcast_in_dim3A_205, %broadcast_in_dim3A_206 in 1 : vector<1x128xf32>, vector<1x128xf32>, vector<1x128xf32> -> vector<1x384xf32>
    %swap3A = arith.constant 0 : index
    %swap3A_207 = arith.constant 0 : index
    %swap3A_208 = arith.constant 0 : index
    %swap3A_209 = vector.load %arg3[%swap3A, %swap3A_207, %swap3A_208] : memref<1x1x384xf32, #tpu.memory_space<vmem>>, vector<1x1x384xf32>
    %swap3A_210 = vector.shape_cast %swap3A_209 : vector<1x1x384xf32> to vector<1x384xf32>
    %swap3A_211 = vector.shape_cast %concatenate3A : vector<1x384xf32> to vector<1x1x384xf32>
    tpu.vector_store %arg3[%swap3A, %swap3A_207, %swap3A_208], %swap3A_211 {strides = array<i32>} : memref<1x1x384xf32, #tpu.memory_space<vmem>>, vector<1x1x384xf32>,
    return
  }
  func.func @transform_0(%arg0: i32) -> (i32, i32, i32) {
    %c0_i32 = arith.constant 0 : i32
    %c0_i32_0 = arith.constant 0 : i32
    %c0_i32_1 = arith.constant 0 : i32
    return %arg0, %c0_i32, %c0_i32_0 : i32, i32, i32
  }
  func.func @transform_1(%arg0: i32) -> (i32, i32, i32) {
    %c0_i32 = arith.constant 0 : i32
    %c0_i32_0 = arith.constant 0 : i32
    %c0_i32_1 = arith.constant 0 : i32
    return %arg0, %c0_i32, %c0_i32_0 : i32, i32, i32
  }
  func.func @transform_2(%arg0: i32) -> (i32, i32, i32) {
    %c0_i32 = arith.constant 0 : i32
    %c0_i32_0 = arith.constant 0 : i32
    %c0_i32_1 = arith.constant 0 : i32
    return %arg0, %c0_i32, %c0_i32_0 : i32, i32, i32
  }
}

</mosaic_0001>

<sc_bundles>
// kernel: kernel.5.cloned.1.call-start
scs
__scs_entry_jumppad:
0x0: {  	(pc) =	sbr.rel $0x88, $3  }
0x1: {  	(tag) =	ssettag $0x0;
	lr =	simm.s32 $0x1  }
0x2: {  	[smem:$0x3F9D] =	sst lr;
	_ =	strace $0xD0000000  }
0x3: {  	_ = 	snop  }
0x4: {  	_ = 	snop  }
0x5: {  	_ = 	snop  }
0x6: {  	_ = 	snop  }
0x7: {  	_ = 	snop  }
__scs_overlays_trampoline_lowered:
0x8: {  	[smem:$0x3FAC] =	sst s0  }
0x9: {  	[smem:$0x3FAD] =	sst s1  }
0xa: {  	[smem:$0x3FAE] =	sst s2  }
0xb: {  	[smem:$0x3FAF] =	sst s3  }
0xc: {  	[smem:$0x3FB0] =	sst s4  }
0xd: {  	[smem:$0x3FB1] =	sst s5  }
0xe: {  	[smem:$0x3FB2] =	sst s6  }
0xf: {  	[smem:$0x3FB3] =	sst s7  }
0x10: {  	[smem:$0x3FB4] =	sst s8  }
0x11: {  	[smem:$0x3FB5] =	sst s9;
	s0 =	simm.s32 @!p0 $0x0  }
0x12: {  	s1 =	sld [smem:$0x3F9B];
	s0 =	simm.s32 @p0 $0x1  }
0x13: {  	[smem:$0x3FB6] =	sst s0;
	s0 =	simm.s32 @!p1 $0x0  }
0x14: {  	s2 =	sld [smem:$0x3F9A];
	s0 =	simm.s32 @p1 $0x1  }
0x15: {  	[smem:$0x3FB7] =	sst s0;
	s0 =	simm.s32 @!p2 $0x0  }
0x16: {  	s3 =	sld [smem:$0x3FDB];
	s0 =	simm.s32 @p2 $0x1  }
0x17: {  	s4 =	simm.s32 $0x1BF5;
	[smem:$0x3FB9] =	sst s0  }
0x18: {  	s0 =	sld [smem:$0x3F9C];
	_ =	swait.ge [sflag:s4], $0x0  }
0x19: {  	s7 =	sld [smem:$0x3F9D]  }
0x1a: {  	s8 =	sadd.s32 $0xFFFFE003, lr  }
0x1b: {  	s9 =	sadd.s32 $0xFFFFFEF7, lr;
	s5 =	simm.s32 $0xFFFFFFFF;
	p2 =	slt.u32 s8, $0xFFFFF086  }
0x1c: {  	p1 =	slt.u32 s9, $0xF7A;
	s5 =	simm.s32 @!p2 $0x0  }
0x1d: {  	s5 =	simm.s32 @p1 $0x1;
	p0 =	seq.s32 s7, s2  }
0x1e: {  	s7 =	smul.u32 @!p0 $0xF7A, s2;
	p2 =	seq.s32 @!p0 s5, $0x0  }
0x1f: {  	s9 =	smul.u32 $0xF7A, s1;
	s8 =	simm.s32 @!p0 $0x1BF5;
	p2 =	por !p2, p0  }
0x20: {  	[sflag:s8] =	ssyncset.s32 @!p0 $0xFFFFF086;
	s6 =	sadd.s32 @!p0 s3, s7;
	s7 =	simm.s32 @!p0 $0x108  }
0x21: {  	s3 =	sadd.s32 s3, s9;
	s6 =	sadd.s32 @!p0 $0x88, s6;
	s7 =	simm.s32 @p2 $0x1082  }
0x22: {  	[simem:s7], [sflag:s8] =	dma.local @!p0 [hbm:s6], $0xF7A  }
0x23: {  	s9 =	sor.u32 $0xD0000000, s2;
	s6 =	simm.s32 $0x108;
	_ =	swait.ge @!p0 [sflag:s8], $0x0  }
0x24: {  	s3 =	sadd.s32 $0x88, s3;
	s6 =	simm.s32 @!p1 $0x1082;
	[sflag:s4] =	ssyncset.s32 $0xFFFFF086  }
0x25: {  	[simem:s6], [sflag:s4] =	dma.local [hbm:s3], $0xF7A  }
0x26: {  	[smem:$0x3F9D] =	sst s1;
	(tag) =	ssettag s2;
	_ =	strace s9  }
0x27: {  	s1 =	sld [smem:$0x3FAD]  }
0x28: {  	s2 =	sld [smem:$0x3FAE]  }
0x29: {  	s4 =	sld [smem:$0x3FB0]  }
0x2a: {  	p0 =	seq.s32 s5, $0x0;
	s5 =	sld [smem:$0x3FB1]  }
0x2b: {  	s6 =	sld [smem:$0x3FB2]  }
0x2c: {  	s7 =	sld [smem:$0x3FB3]  }
0x2d: {  	s3 =	simm.s32 $0x108;
	s8 =	sld [smem:$0x3FB4]  }
0x2e: {  	s3 =	simm.s32 @!p0 $0x1082;
	s9 =	sld [smem:$0x3FB5]  }
0x2f: {  	lr =	sadd.s32 s0, s3;
	s0 =	sld [smem:$0x3FAC]  }
0x30: {  	s3 =	sld [smem:$0x3FAF]  }
0x31: {  	[smem:$0x3FB8] =	sst s10  }
0x32: {  	s10 =	sld [smem:$0x3FB6];
	_ =	sdelay $0x3  }
0x33: {  	p0 =	seq.s32 s10, $0x1;
	s10 =	sld [smem:$0x3FB8];
	_ =	sdelay $0x3  }
0x34: {  	[smem:$0x3FB8] =	sst s10  }
0x35: {  	s10 =	sld [smem:$0x3FB7];
	_ =	sdelay $0x3  }
0x36: {  	p1 =	seq.s32 s10, $0x1;
	s10 =	sld [smem:$0x3FB8];
	_ =	sdelay $0x3  }
0x37: {  	[smem:$0x3FB8] =	sst s10  }
0x38: {  	s10 =	sld [smem:$0x3FB9]  }
0x39: {  	_ = 	snop;
	(pc) =	sbr.ind lr, $3  }
0x3a: {  	_ = 	snop  }
0x3b: {  	_ = 	snop  }
0x3c: {  	p2 =	seq.s32 s10, $0x1;
	s10 =	sld [smem:$0x3FB8]  }
0x3d: {  	_ =	shalt  }
0x3e: {  	_ =	shalt  }
0x3f: {  	_ =	shalt  }
0x40: {  	_ =	shalt  }
0x41: {  	_ =	shalt  }
0x42: {  	_ =	shalt  }
0x43: {  	_ =	shalt  }
0x44: {  	_ =	shalt  }
0x45: {  	_ =	shalt  }
0x46: {  	_ =	shalt  }
0x47: {  	_ =	shalt  }
0x48: {  	_ =	shalt  }
0x49: {  	_ =	shalt  }
0x4a: {  	_ =	shalt  }
0x4b: {  	_ =	shalt  }
0x4c: {  	_ =	shalt  }
0x4d: {  	_ =	shalt  }
0x4e: {  	_ =	shalt  }
0x4f: {  	_ =	shalt  }
0x50: {  	_ =	shalt  }
0x51: {  	_ =	shalt  }
0x52: {  	_ =	shalt  }
0x53: {  	_ =	shalt  }
0x54: {  	_ =	shalt  }
0x55: {  	_ =	shalt  }
0x56: {  	_ =	shalt  }
0x57: {  	_ =	shalt  }
0x58: {  	_ =	shalt  }
0x59: {  	_ =	shalt  }
0x5a: {  	_ =	shalt  }
0x5b: {  	_ =	shalt  }
0x5c: {  	_ =	shalt  }
0x5d: {  	_ =	shalt  }
0x5e: {  	_ =	shalt  }
0x5f: {  	_ =	shalt  }
0x60: {  	_ =	shalt  }
0x61: {  	_ =	shalt  }
0x62: {  	_ =	shalt  }
0x63: {  	_ =	shalt  }
0x64: {  	_ =	shalt  }
0x65: {  	_ =	shalt  }
0x66: {  	_ =	shalt  }
0x67: {  	_ =	shalt  }
0x68: {  	_ =	shalt  }
0x69: {  	_ =	shalt  }
0x6a: {  	_ =	shalt  }
0x6b: {  	_ =	shalt  }
0x6c: {  	_ =	shalt  }
0x6d: {  	_ =	shalt  }
0x6e: {  	_ =	shalt  }
0x6f: {  	_ =	shalt  }
0x70: {  	_ =	shalt  }
0x71: {  	_ =	shalt  }
0x72: {  	_ =	shalt  }
0x73: {  	_ =	shalt  }
0x74: {  	_ =	shalt  }
0x75: {  	_ =	shalt  }
0x76: {  	_ =	shalt  }
0x77: {  	_ =	shalt  }
0x78: {  	_ =	shalt  }
0x79: {  	_ =	shalt  }
0x7a: {  	_ =	shalt  }
0x7b: {  	_ =	shalt  }
0x7c: {  	_ =	shalt  }
0x7d: {  	_ =	shalt  }
0x7e: {  	_ =	shalt  }
0x7f: {  	_ =	shalt  }
0x80: {  	_ =	shalt  }
0x81: {  	_ =	shalt  }
0x82: {  	_ =	shalt  }
0x83: {  	_ =	shalt  }
0x84: {  	_ =	shalt  }
0x85: {  	_ =	shalt  }
0x86: {  	_ =	shalt  }
0x87: {  	_ =	shalt  }
.Lfunc_end0:
.L_simem_size_0:
called_computation_lowered:
.L_overlay_start_0:
0x88: {  	s2 =	sld [smem:$0x3FD9]  }
0x89: {  	s3 =	sld [smem:$0x3FFE];
	_ =	sdelay $0x1  }
0x8a: {  	s1 =	srdreg.scid  }
0x8b: {  	s0 =	sand.u32 $0x1, s1  }
0x8c: {  	s16 =	sshll.u32 s0, $0xA;
	s2 =	sadd.s32 s3, s2  }
0x8d: {  	s2 =	sadd.s32 s2, s16  }
0x8e: {  	[smem:$0x3FC4] =	sst s2  }
0x8f: {  	_ = 	snop  }
0x90: {  	(tm) =	ssettm $0x1  }
0x91: {  	s17 =	sld [smem:$0x3FFB];
	_ =	sdelay $0x3  }
0x92: {  	_ =	strace s17  }
0x93: {  	s2 =	sld [smem:$0x3FFC];
	_ =	sdelay $0x3  }
0x94: {  	_ =	strace s2  }
0x95: {  	s2 =	sld [smem:$0x3FFD];
	_ =	sdelay $0x3  }
0x96: {  	_ =	strace s2  }
0x97: {  	_ =	strace $0x8FFFFFFF  }
0x98: {  	s18 =	sld [smem:$0x3FDB];
	_ =	sdelay $0x1  }
0x99: {  	s19 =	simm.s32 $_scs_section_size  }
0x9a: {  	s4 =	simm.s32 $_size__tile_overlayer_lowered;
	s5 =	simm.s32 $_tile_overlayer_lowered  }
0x9b: {  	s22 =	simm.s32 $0x1BFF;
	s21 =	sshll.u32 s5, $0x1;
	s2 =	sadd.s32 s19, s18  }
0x9c: {  	s6 =	simm.s32 $0x0;
	s20 =	sshll.u32 s4, $0x1;
	s4 =	sadd.s32 s21, s2  }
0x9d: {  	[timem:s6], [sflag:s22] =	dma.local [hbm:s4], s20  }
0x9e: {  	_ =	swait.ge [sflag:s22], s20  }
0x9f: {  	s3 =	ssub.s32 $0x0, s20;
	[sflag:s22] =	ssyncset.done $0x0  }
0xa0: {  	[sflag:s22] =	ssyncadd.s32 s3;
	_ =	sdelay $0x1  }
0xa1: {  	s23 =	simm.s32 $0x1B8B  }
0xa2: {  	_ =	swait.ge [sflag:s23], $0x1  }
0xa3: {  	[sflag:s23] =	ssyncset.done $0x0  }
0xa4: {  	s25 =	simm.s32 $0x1B8E;
	s24 =	sld [smem:$0x3FFE];
	[sflag:s23] =	ssyncadd.s32 $0xFFFFFFFF  }
0xa5: {  	s26 =	simm.s32 $execute0_lowered;
	[smem:$0x3FD2] =	sst s25  }
0xa6: {  	s4 =	sshll.u32 s26, $0x1;
	_ =	strace $0x80000046;
	[dreg:$0x1] =	wrdreg $0xFFFFFFFF  }
0xa7: {  	s28 =	simm.s32 $_size_execute0_lowered;
	s2 =	sadd.s32 s2, s4;
	[dreg:$0x0] =	wrdreg $0x0  }
0xa8: {  	s4 =	sshll.u32 s28, $0x1;
	[dreg:$0x2] =	wrdreg s2  }
0xa9: {  	[dreg:$0x3] =	wrdreg s4  }
0xaa: {  	[dreg:$0x4] =	wrdreg $0xC0  }
0xab: {  	_ =	task [dreg:s6], $0x5FFFF  }
0xac: {  	[dreg:$0x1] =	wrdreg $0xFFFFFFFF  }
0xad: {  	[dreg:$0x0] =	wrdreg $0x60  }
0xae: {  	[dreg:$0x2] =	wrdreg s24  }
0xaf: {  	[dreg:$0x3] =	wrdreg $0x9  }
0xb0: {  	_ =	task.clear_ibuf [dreg:s6], $0x4FFFF;
	_ =	strace $0x90000046  }
0xb1: {  	s29 =	simm.s32 $0x9;
	_ =	strace $0x80000048  }
0xb2: {  	_ =	swait.ge [sflag:s29], $0x1  }
0xb3: {  	[sflag:s29] =	ssyncadd.s32 $0xFFFFFFFF  }
0xb4: {  	_ =	strace $0x90000048  }
0xb5: {  	_ =	sfence  }
0xb6: {  	s30 =	sld [smem:$0x0];
	_ =	sdelay $0x2  }
0xb7: {  	s31 =	sshll.u32 s1, $0xD;
	s1 =	sshrl.u32 s1, $0x2  }
0xb8: {  	s3 =	sand.u32 $0x4000, s31;
	s1 =	sadd.s32 s1, s30  }
0xb9: {  	s0 =	sor.u32 s3, s0;
	s1 =	sshll.u32 s1, $0x11  }
0xba: {  	s0 =	sor.u32 s1, s0  }
0xbb: {  	s0 =	sadd.s32 $0x8F2B, s0  }
0xbc: {  	[sflag:s0] =	ssyncadd.remote.s32 $0x1  }
0xbd: {  	_ =	sfence.sel $0xFFFF  }
0xbe: {  	[dreg:$0x0] =	wrdreg $0xFFFFFFFF;
	(pc) =	sbr.abs _section_cstart, $3  }
0xbf: {  	[dreg:$0x1] =	wrdreg $0xFFFFFFFF  }
0xc0: {  	_ =	task.clear_ibuf [dreg:s6], $0x2FFFF;
	_ =	strace $0x9FFFFFFF  }
0xc1: {  	(tm) =	ssettm $0x7FFFFFFF  }
tec
execute0_lowered:
.L_overlay_start_1:
0x0: {  	(tag) =	ssettag $0x1  }
0x1: {  	s7 =	rddreg [dreg:$0x0]  }
0x2: {  	s0 =	srdreg.scid;
	s9 =	stileid.u32  }
0x3: {  	s4 =	simm.s32 $0x0;
	s13 =	simm.s32 $0x80;
	s16 =	simm.s32 $0x100  }
0x4: {  	s18 =	simm.s32 $0x180;
	s20 =	simm.s32 $0x200;
	s0 =	sand.u32 $0x1, s0  }
0x5: {  	s1 =	sshll.u32 s9, $0x8;
	s2 =	sshrl.u32 s9, $0x2;
	[smem:$0x7FF] =	sst s4  }
0x6: {  	s4 =	sadd.s32 $0x1EC00, s7;
	s6 =	sadd.s32 $0xC600, s7;
	s23 =	sadd.s32 $0x6200, s7  }
0x7: {  	s8 =	sshll.u32 s9, $0xA;
	s9 =	sshrl.u32 s9, $0x1;
	s3 =	sshll.u32 s0, $0x7  }
0x8: {  	s1 =	sand.u32 $0x100, s1;
	_ =	strace $0x80000047;
	[dreg:$0x2] =	wrdreg s6  }
0x9: {  	s21 =	sshll.u32 s2, $0x9;
	[dreg:$0x3] =	wrdreg s23;
	s26 =	smul.u32 $0xC400, s2  }
0xa: {  	s24 =	sshll.u32 s2, $0xC;
	s0 =	ssub.s32 $0x2, s0;
	s28 =	smul.u32 $0x24C00, s2  }
0xb: {  	s8 =	sand.u32 $0x800, s8;
	s2 =	smul.u32 $0x310000, s2;
	s9 =	sand.u32 $0x1, s9  }
0xc: {  	s23 =	simm.s32 $0x280;
	s1 =	sor.u32 s3, s1;
	s6 =	sadd.s32 s24, s7  }
0xd: {  	s25 =	sshrl.u32 s0, $0x1;
	s29 =	smul.u32 $0x188000, s9;
	s24 =	simm.s32 $0x300  }
0xe: {  	s3 =	sor.u32 s21, s1;
	s0 =	ssub.s32 s0, s25;
	s10 =	sadd.s32 $0xC400, s28  }
0xf: {  	v2 =	vimm.s32 $0xECA86420;
	s6 =	sadd.s32 s8, s6;
	s30 =	sadd.s32 $0x18800, s28;
	s8 =	simm.s32 $0x2  }
0x10: {  	vm0 =	vcmask $0xB08;
	vm1 =	vcmask $0x1310;
	vm2 =	vcmask $0x1B18;
	s25 =	simm.s32 $0x380;
	s22 =	sshrl.u32 s3, $0x3;
	s0 =	smax.u32 s0, $0x1  }
0x11: {  	vm3 =	vcmask $0x300;
	vm4 =	vcmask $0x2320;
	vm5 =	vcmask $0x2B28;
	s3 =	sadd.s32 s3, s7;
	s31 =	sadd.s32 s29, s2;
	[dreg:$0x7] =	wrdreg s0  }
0x12: {  	vm6 =	vcmask $0x3330;
	vm7 =	vcmask $0x3B38;
	v4 =	vunpack.c.l.s4.s8 v2;
	s1 =	sadd.s32 s1, s6;
	s3 =	sadd.s32 $0x1AAC00, s3;
	[dreg:$0x8] =	wrdreg s31  }
0x13: {  	v5 =	vlaneseq.u32;
	vm8 =	vmmov $0xff;
	v6 =	vimm.f32 $0.0e+00;
	s5 =	sadd.s32 s22, s7;
	s1 =	sadd.s32 $0x1A6C00, s1;
	[dreg:$0x5] =	wrdreg s3  }
0x14: {  	v5 =	vmul.u32 $0x2, v5;
	v4 =	vunpack.c.0.s8.s32 v4;
	v0 =	vmov s26;
	s26 =	simm.s32 $0x400;
	s5 =	sadd.s32 $0xC400, s5;
	[dreg:$0x6] =	wrdreg s1  }
0x15: {  	v1 =	vmov s28;
	v2 =	vmov s10;
	v3 =	vmov s30;
	s22 =	simm.s32 $0x1;
	s1 =	simm.s32 $0x0;
	[dreg:$0x4] =	wrdreg s5  }
.LBB2_1:
0x16: {  	[dreg:$0x9] =	wrdreg s1  }
0x17: {  	s28 =	simm.s32 $0x0;
	s0 =	rddreg [dreg:$0x4]  }
0x18: {  	[tilespmem:s28], [sflag:$0x2] =	stream.linear.gather [hbm4b:s0+s28], $0x80, $0x38;
	[tilespmem:$0x1880] =	vst v63  }
0x19: {  	_ =	swait.ge [sflag:s8], $0x80  }
0x1a: {  	[sflag:s8] =	ssyncset.done $0x0  }
0x1b: {  	[sflag:s8] =	ssyncadd.s32 $0xFFFFFF80  }
0x1c: {  	v7 =	vld [tilespmem:$0x0];
	_ =	sdelay $0x4  }
0x1d: {  	(v2sf) =	vpush v7, $0xD  }
0x1e: {  	(v2sf) =	vpush v7, $0xC  }
0x1f: {  	(v2sf) =	vpush v7, $0xE;
	_ =	sdelay $0xc  }
0x20: {  	s6 =	spop (v2sf)  }
0x21: {  	s30 =	spop (v2sf);
	(v2sf) =	vpush v7, $0xF  }
0x22: {  	s10 =	spop (v2sf);
	(v2sf) =	vpush v7, $0x9;
	_ =	sdelay $0x2  }
0x23: {  	(v2sf) =	vpush v7, $0x8  }
0x24: {  	(v2sf) =	vpush v7, $0xA;
	_ =	sdelay $0x2  }
0x25: {  	(v2sf) =	vpush v7, $0xB  }
0x26: {  	(v2sf) =	vpush v7, $0x1  }
0x27: {  	s29 =	sshra.s32 s6, $0x1F;
	(v2sf) =	vpush v7, $0x0  }
0x28: {  	s0 =	smul.u32 $0x92492493, s29;
	(v2sf) =	vpush v7, $0x2  }
0x29: {  	s31 =	sshra.s32 s30, $0x1F  }
0x2a: {  	[smem:$0x74E] =	sst s0;
	s0 =	smul.u32 $0x92492493, s31;
	(v2sf) =	vpush v7, $0x3  }
0x2b: {  	_ = 	snop  }
0x2c: {  	[smem:$0x74F] =	sst s0;
	s0 =	sshra.s32 s10, $0x1F;
	(v2sf) =	vpush v7, $0x4;
	s9 =	spop (v2sf)  }
0x2d: {  	v9 =	vld [tilespmem:$0x10];
	s1 =	smul.u32 $0x92492493, s0;
	s2 =	sshra.s32 s9, $0x1F;
	s12 =	spop (v2sf)  }
0x2e: {  	(v2sf) =	vpush v7, $0x5;
	s2 =	smul.u32 $0x92492493, s2;
	s3 =	sshra.s32 s12, $0x1F  }
0x2f: {  	(v2sf) =	vpush v7, $0x6;
	s3 =	smul.u32 $0x92492493, s3  }
0x30: {  	[smem:$0x751] =	sst s2;
	s2 =	spop (v2sf)  }
0x31: {  	(v2sf) =	vpush v7, $0x7;
	[smem:$0x752] =	sst s3;
	s5 =	sshra.s32 s2, $0x1F;
	s3 =	spop (v2sf)  }
0x32: {  	(v2sf) =	vpush v9, $0xD;
	s5 =	smul.u32 $0x92492493, s5;
	s7 =	sshra.s32 s3, $0x1F  }
0x33: {  	[smem:$0x750] =	sst s1;
	s7 =	smul.u32 $0x92492493, s7  }
0x34: {  	[smem:$0x753] =	sst s5;
	s5 =	spop (v2sf)  }
0x35: {  	(v2sf) =	vpush v9, $0xC;
	[smem:$0x754] =	sst s7;
	s8 =	sshra.s32 s5, $0x1F;
	s31 =	spop (v2sf)  }
0x36: {  	(v2sf) =	vpush v9, $0xE;
	s11 =	smul.u32 $0x92492493, s8;
	s14 =	sshra.s32 s31, $0x1F;
	s7 =	spop (v2sf)  }
0x37: {  	(v2sf) =	vpush v9, $0xF;
	s15 =	smul.u32 $0x92492493, s14;
	s17 =	sshra.s32 s7, $0x1F;
	s19 =	spop (v2sf)  }
0x38: {  	[smem:$0x755] =	sst s11;
	s21 =	smul.u32 $0x92492493, s17  }
0x39: {  	(v2sf) =	vpush v9, $0x9;
	s28 =	sshra.s32 s19, $0x1F;
	s29 =	spop (v2sf);
	[smem:$0x756] =	sst s15  }
0x3a: {  	(v2sf) =	vpush v9, $0x8;
	[smem:$0x758] =	sst s29;
	s8 =	smul.u32 $0x92492493, s28  }
0x3b: {  	s11 =	sshra.s32 s29, $0x1F;
	s14 =	spop (v2sf);
	[smem:$0x757] =	sst s21  }
0x3c: {  	(v2sf) =	vpush v9, $0xA;
	s0 =	smul.u32 $0x92492493, s11;
	s11 =	sshra.s32 s14, $0x1F;
	[smem:$0x759] =	sst s8  }
0x3d: {  	s8 =	spop (v2sf);
	s15 =	smul.u32 $0x92492493, s11  }
0x3e: {  	[smem:$0x75A] =	sst s14;
	s14 =	sshra.s32 s8, $0x1F;
	s11 =	spop (v2sf)  }
0x3f: {  	[smem:$0x75C] =	sst s15;
	s17 =	smul.u32 $0x92492493, s14;
	s15 =	sshra.s32 s11, $0x1F  }
0x40: {  	(v2sf) =	vpush v9, $0xB;
	s14 =	spop (v2sf);
	s21 =	smul.u32 $0x92492493, s15  }
0x41: {  	s15 =	spop (v2sf);
	[smem:$0x75D] =	sst s17;
	s17 =	sshra.s32 s14, $0x1F  }
0x42: {  	[smem:$0x75E] =	sst s21;
	s28 =	smul.u32 $0x92492493, s17;
	s21 =	sshra.s32 s15, $0x1F  }
0x43: {  	[smem:$0x75B] =	sst s0;
	s29 =	smul.u32 $0x92492493, s21  }
0x44: {  	(v2sf) =	vpush v9, $0x1;
	s17 =	spop (v2sf);
	[smem:$0x75F] =	sst s28  }
0x45: {  	s21 =	spop (v2sf);
	s28 =	sshra.s32 s17, $0x1F;
	[smem:$0x760] =	sst s29  }
0x46: {  	(v2sf) =	vpush v9, $0x0;
	s1 =	smul.u32 $0x92492493, s28;
	s29 =	sshra.s32 s21, $0x1F;
	s28 =	spop (v2sf)  }
0x47: {  	[smem:$0x761] =	sst s28;
	s29 =	smul.u32 $0x92492493, s29  }
0x48: {  	(v2sf) =	vpush v9, $0x2;
	s0 =	spop (v2sf);
	[smem:$0x762] =	sst s1  }
0x49: {  	s28 =	sshra.s32 s28, $0x1F;
	[smem:$0x764] =	sst s0;
	s1 =	spop (v2sf)  }
0x4a: {  	(v2sf) =	vpush v9, $0x3;
	[smem:$0x763] =	sst s29;
	s29 =	smul.u32 $0x92492493, s28  }
0x4b: {  	s0 =	sshra.s32 s0, $0x1F;
	[smem:$0x766] =	sst s1;
	s28 =	spop (v2sf)  }
0x4c: {  	s0 =	smul.u32 $0x92492493, s0;
	[smem:$0x767] =	sst s28  }
0x4d: {  	(v2sf) =	vpush v9, $0x4;
	[smem:$0x765] =	sst s29  }
0x4e: {  	s1 =	sshra.s32 s1, $0x1F;
	[smem:$0x768] =	sst s0  }
0x4f: {  	(v2sf) =	vpush v9, $0x5;
	s28 =	sshra.s32 s28, $0x1F;
	s29 =	smul.u32 $0x92492493, s1;
	s1 =	spop (v2sf)  }
0x50: {  	s28 =	smul.u32 $0x92492493, s28;
	[smem:$0x76A] =	sst s1  }
0x51: {  	v8 =	vld [tilespmem:$0x20];
	(v2sf) =	vpush v9, $0x6;
	[smem:$0x769] =	sst s29  }
0x52: {  	s0 =	sshra.s32 s1, $0x1F;
	[smem:$0x76B] =	sst s28  }
0x53: {  	s28 =	spop (v2sf);
	s0 =	smul.u32 $0x92492493, s0  }
0x54: {  	(v2sf) =	vpush v9, $0x7;
	[smem:$0x76C] =	sst s28  }
0x55: {  	s1 =	spop (v2sf);
	[smem:$0x76E] =	sst s0  }
0x56: {  	(v2sf) =	vpush v8, $0xD;
	s28 =	sshra.s32 s28, $0x1F;
	[smem:$0x76D] =	sst s1  }
0x57: {  	s28 =	smul.u32 $0x92492493, s28;
	s0 =	sshra.s32 s1, $0x1F;
	s1 =	spop (v2sf)  }
0x58: {  	(v2sf) =	vpush v8, $0xC;
	[smem:$0x770] =	sst s1;
	s29 =	smul.u32 $0x92492493, s0  }
0x59: {  	s0 =	sshra.s32 s1, $0x1F;
	[smem:$0x76F] =	sst s28;
	s28 =	spop (v2sf)  }
0x5a: {  	s0 =	smul.u32 $0x92492493, s0;
	[smem:$0x771] =	sst s29  }
0x5b: {  	[smem:$0x772] =	sst s28  }
0x5c: {  	(v2sf) =	vpush v8, $0xE;
	s1 =	spop (v2sf);
	[smem:$0x774] =	sst s0  }
0x5d: {  	(v2sf) =	vpush v8, $0xF;
	s28 =	sshra.s32 s28, $0x1F;
	[smem:$0x773] =	sst s1  }
0x5e: {  	s28 =	smul.u32 $0x92492493, s28;
	s0 =	sshra.s32 s1, $0x1F;
	s1 =	spop (v2sf)  }
0x5f: {  	[smem:$0x776] =	sst s1;
	s29 =	smul.u32 $0x92492493, s0  }
0x60: {  	s1 =	sshra.s32 s1, $0x1F;
	[smem:$0x775] =	sst s28;
	s28 =	spop (v2sf)  }
0x61: {  	s0 =	smul.u32 $0x92492493, s1;
	[smem:$0x777] =	sst s29  }
0x62: {  	[smem:$0x778] =	sst s28  }
0x63: {  	(v2sf) =	vpush v8, $0x9;
	s1 =	spop (v2sf);
	[smem:$0x77A] =	sst s0;
	s0 =	sshra.s32 s28, $0x1F  }
0x64: {  	[smem:$0x779] =	sst s1;
	s28 =	smul.u32 $0x92492493, s0;
	s0 =	sshra.s32 s1, $0x1F  }
0x65: {  	s1 =	spop (v2sf);
	s0 =	smul.u32 $0x92492493, s0  }
0x66: {  	[smem:$0x77C] =	sst s1  }
0x67: {  	[smem:$0x77D] =	sst s0;
	s0 =	sshra.s32 s1, $0x1F;
	s1 =	spop (v2sf)  }
0x68: {  	[smem:$0x77B] =	sst s28;
	s28 =	smul.u32 $0x92492493, s0;
	s0 =	sshra.s32 s1, $0x1F  }
0x69: {  	(v2sf) =	vpush v8, $0x8;
	[smem:$0x77E] =	sst s1;
	s1 =	smul.u32 $0x92492493, s0  }
0x6a: {  	s29 =	smulhi.u32 $0x92492493, s6;
	[smem:$0x780] =	sst s28  }
0x6b: {  	s28 =	spop (v2sf);
	[smem:$0x781] =	sst s1  }
0x6c: {  	[smem:$0x77F] =	sst s28;
	s1 =	spop (v2sf)  }
0x6d: {  	s6 =	ssub.s32 s29, s6;
	s0 =	sshra.s32 s28, $0x1F;
	[smem:$0x782] =	sst s1  }
0x6e: {  	s28 =	smul.u32 $0x92492493, s0;
	s29 =	sshra.s32 s1, $0x1F;
	s1 =	sld [smem:$0x74E]  }
0x6f: {  	s0 =	smul.u32 $0x92492493, s29;
	s29 =	sld [smem:$0x74F]  }
0x70: {  	(v2sf) =	vpush v8, $0xA;
	[smem:$0x783] =	sst s28;
	s28 =	smulhi.u32 $0x92492493, s30  }
0x71: {  	(v2sf) =	vpush v8, $0xB  }
0x72: {  	s6 =	sadd.s32 s1, s6;
	s1 =	ssub.s32 s28, s30;
	s30 =	spop (v2sf)  }
0x73: {  	[dreg:$0xb] =	wrdreg s6;
	s6 =	sadd.s32 s29, s1;
	s1 =	sshra.s32 s30, $0x1F  }
0x74: {  	s29 =	smul.u32 $0x92492493, s1  }
0x75: {  	[dreg:$0xd] =	wrdreg s6  }
0x76: {  	[smem:$0x786] =	sst s29  }
0x77: {  	s28 =	smulhi.u32 $0x92492493, s10;
	s29 =	sld [smem:$0x750]  }
0x78: {  	(v2sf) =	vpush v8, $0x1;
	s6 =	smulhi.u32 $0x92492493, s9;
	s1 =	spop (v2sf)  }
0x79: {  	[smem:$0x785] =	sst s0;
	s10 =	ssub.s32 s28, s10;
	s28 =	sshra.s32 s1, $0x1F  }
0x7a: {  	s0 =	ssub.s32 s6, s9;
	s9 =	sld [smem:$0x751];
	s10 =	sadd.s32 s29, s10  }
0x7b: {  	(v2sf) =	vpush v8, $0x0;
	[dreg:$0xc] =	wrdreg s10;
	s10 =	smul.u32 $0x92492493, s28  }
0x7c: {  	[smem:$0x784] =	sst s1  }
0x7d: {  	s6 =	smulhi.u32 $0x92492493, s12;
	[smem:$0x787] =	sst s10  }
0x7e: {  	(v2sf) =	vpush v8, $0x2;
	s0 =	sadd.s32 s9, s0;
	s29 =	smulhi.u32 $0x92492493, s2;
	s10 =	sld [smem:$0x752]  }
0x7f: {  	s9 =	spop (v2sf);
	[dreg:$0xa] =	wrdreg s0;
	s28 =	ssub.s32 s6, s12  }
0x80: {  	s12 =	smulhi.u32 $0x92492493, s3;
	s1 =	ssub.s32 s29, s2;
	s2 =	spop (v2sf)  }
0x81: {  	[smem:$0x788] =	sst s2;
	s0 =	sadd.s32 s10, s28;
	s28 =	sshra.s32 s9, $0x1F  }
0x82: {  	[dreg:$0xe] =	wrdreg s0;
	s29 =	smul.u32 $0x92492493, s28  }
0x83: {  	s0 =	ssub.s32 s12, s3;
	s12 =	sshra.s32 s2, $0x1F;
	s28 =	sld [smem:$0x753]  }
0x84: {  	s6 =	smul.u32 $0x92492493, s12;
	[smem:$0x78A] =	sst s29  }
0x85: {  	s29 =	sld [smem:$0x754]  }
0x86: {  	s10 =	smulhi.u32 $0x92492493, s5;
	s1 =	sadd.s32 s28, s1;
	[smem:$0x78B] =	sst s6  }
0x87: {  	s28 =	spop (v2sf);
	[dreg:$0x11] =	wrdreg s1  }
0x88: {  	s10 =	ssub.s32 s10, s5;
	[smem:$0x789] =	sst s28  }
0x89: {  	(v2sf) =	vpush v8, $0x3;
	s6 =	smulhi.u32 $0x92492493, s19;
	s2 =	sshra.s32 s28, $0x1F;
	s28 =	sld [smem:$0x758]  }
0x8a: {  	s5 =	spop (v2sf);
	s0 =	sadd.s32 s29, s0;
	s29 =	sld [smem:$0x755]  }
0x8b: {  	s12 =	smulhi.u32 $0x92492493, s31;
	[smem:$0x78C] =	sst s5  }
0x8c: {  	(v2sf) =	vpush v8, $0x4;
	s2 =	smul.u32 $0x92492493, s2;
	s19 =	ssub.s32 s6, s19;
	s6 =	sld [smem:$0x759]  }
0x8d: {  	s1 =	ssub.s32 s12, s31;
	s31 =	spop (v2sf);
	[dreg:$0xf] =	wrdreg s0  }
0x8e: {  	(v2sf) =	vpush v8, $0x5;
	[smem:$0x78E] =	sst s31  }
0x8f: {  	[smem:$0x78D] =	sst s2  }
0x90: {  	s2 =	sshra.s32 s31, $0x1F;
	s31 =	sld [smem:$0x75C]  }
0x91: {  	s3 =	smulhi.u32 $0x92492493, s7;
	s0 =	sadd.s32 s29, s10;
	s10 =	sld [smem:$0x757]  }
0x92: {  	s2 =	smul.u32 $0x92492493, s2;
	[dreg:$0x10] =	wrdreg s0  }
0x93: {  	s0 =	ssub.s32 s3, s7;
	s3 =	sshra.s32 s5, $0x1F;
	s7 =	sld [smem:$0x756]  }
0x94: {  	s12 =	smul.u32 $0x92492493, s3;
	[smem:$0x790] =	sst s2;
	s0 =	sadd.s32 s10, s0  }
0x95: {  	[dreg:$0x1c] =	wrdreg s0  }
0x96: {  	[smem:$0x78F] =	sst s12  }
0x97: {  	s29 =	smulhi.u32 $0x92492493, s28;
	s1 =	sadd.s32 s7, s1;
	s7 =	sld [smem:$0x75A]  }
0x98: {  	s0 =	sadd.s32 s6, s19;
	s12 =	spop (v2sf);
	[dreg:$0x13] =	wrdreg s1  }
0x99: {  	s19 =	smulhi.u32 $0x92492493, s8;
	[dreg:$0x14] =	wrdreg s0  }
0x9a: {  	v10 =	vld [tilespmem:$0x30];
	(v2sf) =	vpush v8, $0x6;
	s1 =	ssub.s32 s29, s28;
	s28 =	sshra.s32 s12, $0x1F;
	s29 =	sld [smem:$0x75B]  }
0x9b: {  	s5 =	smul.u32 $0x92492493, s28;
	s6 =	ssub.s32 s19, s8;
	s8 =	spop (v2sf)  }
0x9c: {  	(v2sf) =	vpush v8, $0x7;
	s10 =	smulhi.u32 $0x92492493, s7;
	[smem:$0x791] =	sst s8  }
0x9d: {  	s28 =	spop (v2sf);
	[smem:$0x792] =	sst s5  }
0x9e: {  	s2 =	sshra.s32 s8, $0x1F;
	s1 =	sadd.s32 s29, s1;
	[smem:$0x793] =	sst s28  }
0x9f: {  	(v2sf) =	vpush v10, $0xD;
	s2 =	smul.u32 $0x92492493, s2;
	[dreg:$0x18] =	wrdreg s1  }
0xa0: {  	s0 =	ssub.s32 s10, s7;
	s10 =	sld [smem:$0x75D]  }
0xa1: {  	s29 =	smulhi.u32 $0x92492493, s15;
	[smem:$0x794] =	sst s2  }
0xa2: {  	s0 =	sadd.s32 s31, s0;
	s31 =	sld [smem:$0x75E]  }
0xa3: {  	s7 =	smulhi.u32 $0x92492493, s11;
	s8 =	ssub.s32 s29, s15;
	s29 =	sld [smem:$0x762]  }
0xa4: {  	s19 =	smulhi.u32 $0x92492493, s14;
	[dreg:$0x12] =	wrdreg s0  }
0xa5: {  	s3 =	sshra.s32 s28, $0x1F;
	s1 =	ssub.s32 s7, s11;
	s11 =	sld [smem:$0x760]  }
0xa6: {  	s7 =	smul.u32 $0x92492493, s3;
	s0 =	sadd.s32 s10, s6;
	s6 =	sld [smem:$0x75F]  }
0xa7: {  	(v2sf) =	vpush v10, $0xC;
	[dreg:$0x15] =	wrdreg s0  }
0xa8: {  	s10 =	smulhi.u32 $0x92492493, s17;
	s0 =	ssub.s32 s19, s14;
	[smem:$0x795] =	sst s7  }
0xa9: {  	s1 =	sadd.s32 s31, s1;
	s31 =	spop (v2sf);
	s19 =	sld [smem:$0x761]  }
0xaa: {  	s14 =	smulhi.u32 $0x92492493, s21;
	s7 =	sld [smem:$0x764]  }
0xab: {  	(v2sf) =	vpush v10, $0xE;
	[dreg:$0x19] =	wrdreg s1;
	s1 =	ssub.s32 s10, s17;
	s10 =	spop (v2sf)  }
0xac: {  	s0 =	sadd.s32 s6, s0;
	s2 =	ssub.s32 s14, s21;
	s14 =	sld [smem:$0x766]  }
0xad: {  	s28 =	sshra.s32 s10, $0x1F;
	[dreg:$0x16] =	wrdreg s0  }
0xae: {  	s17 =	spop (v2sf);
	s0 =	sadd.s32 s11, s8;
	s11 =	sld [smem:$0x765]  }
0xaf: {  	s5 =	smul.u32 $0x92492493, s28;
	s28 =	sld [smem:$0x767]  }
0xb0: {  	s15 =	sshra.s32 s31, $0x1F;
	s21 =	smulhi.u32 $0x92492493, s19;
	[dreg:$0x17] =	wrdreg s0  }
0xb1: {  	s0 =	smul.u32 $0x92492493, s15;
	[smem:$0x797] =	sst s5  }
0xb2: {  	s8 =	smulhi.u32 $0x92492493, s7;
	s5 =	sld [smem:$0x76E]  }
0xb3: {  	s6 =	ssub.s32 s21, s19;
	s15 =	smulhi.u32 $0x92492493, s14;
	[smem:$0x796] =	sst s0  }
0xb4: {  	s21 =	sshra.s32 s17, $0x1F;
	s0 =	sadd.s32 s29, s1;
	s1 =	sld [smem:$0x763]  }
0xb5: {  	(v2sf) =	vpush v10, $0xF;
	s3 =	smul.u32 $0x92492493, s21;
	s21 =	sld [smem:$0x76A]  }
0xb6: {  	s19 =	spop (v2sf);
	[dreg:$0x1e] =	wrdreg s0  }
0xb7: {  	s29 =	smulhi.u32 $0x92492493, s28;
	[smem:$0x798] =	sst s3  }
0xb8: {  	s0 =	sadd.s32 s1, s2;
	s2 =	ssub.s32 s8, s7;
	s8 =	sld [smem:$0x768]  }
0xb9: {  	s1 =	ssub.s32 s15, s14;
	s15 =	ssub.s32 s29, s28;
	[dreg:$0x1a] =	wrdreg s0  }
0xba: {  	s29 =	spop (v2sf);
	s0 =	sadd.s32 s11, s6;
	s11 =	sld [smem:$0x769]  }
0xbb: {  	(v2sf) =	vpush v10, $0x9;
	[smem:$0x799] =	sst s29  }
0xbc: {  	s7 =	sshra.s32 s19, $0x1F;
	s28 =	smulhi.u32 $0x92492493, s21;
	s6 =	sld [smem:$0x76B]  }
0xbd: {  	s14 =	smul.u32 $0x92492493, s7;
	s7 =	sld [smem:$0x76C]  }
0xbe: {  	[dreg:$0x1b] =	wrdreg s0  }
0xbf: {  	s3 =	ssub.s32 s28, s21;
	s21 =	sld [smem:$0x76D]  }
0xc0: {  	s0 =	sadd.s32 s8, s2;
	[smem:$0x79A] =	sst s14  }
0xc1: {  	[dreg:$0x1d] =	wrdreg s0  }
0xc2: {  	s0 =	sadd.s32 s11, s1;
	s1 =	sld [smem:$0x784]  }
0xc3: {  	(v2sf) =	vpush v10, $0x8;
	s8 =	smulhi.u32 $0x92492493, s7;
	[smem:$0x7BF] =	sst s0;
	s0 =	sadd.s32 s6, s15  }
0xc4: {  	s15 =	spop (v2sf);
	[dreg:$0x1f] =	wrdreg s0  }
0xc5: {  	s11 =	sshra.s32 s29, $0x1F;
	[smem:$0x79B] =	sst s15  }
0xc6: {  	s14 =	smul.u32 $0x92492493, s11;
	s2 =	ssub.s32 s8, s7;
	s8 =	sld [smem:$0x76F]  }
0xc7: {  	s29 =	sshra.s32 s15, $0x1F;
	s15 =	sld [smem:$0x770]  }
0xc8: {  	s28 =	smulhi.u32 $0x92492493, s21;
	s0 =	sadd.s32 s5, s3;
	[smem:$0x79D] =	sst s14  }
0xc9: {  	(v2sf) =	vpush v10, $0xA;
	[smem:$0x7C4] =	sst s0;
	s11 =	smul.u32 $0x92492493, s29  }
0xca: {  	s14 =	ssub.s32 s28, s21;
	s28 =	spop (v2sf);
	s29 =	sld [smem:$0x771]  }
0xcb: {  	(v2sf) =	vpush v10, $0xB;
	[smem:$0x79C] =	sst s28  }
0xcc: {  	[smem:$0x79E] =	sst s11  }
0xcd: {  	s0 =	sadd.s32 s8, s2;
	s2 =	sld [smem:$0x772]  }
0xce: {  	[smem:$0x7BD] =	sst s0  }
0xcf: {  	s0 =	sadd.s32 s29, s14;
	s14 =	sld [smem:$0x773]  }
0xd0: {  	s21 =	smulhi.u32 $0x92492493, s15;
	s8 =	sshra.s32 s28, $0x1F;
	s29 =	sld [smem:$0x774]  }
0xd1: {  	s11 =	smul.u32 $0x92492493, s8;
	s8 =	sld [smem:$0x776]  }
0xd2: {  	[smem:$0x7BB] =	sst s0;
	s3 =	ssub.s32 s21, s15;
	s21 =	spop (v2sf)  }
0xd3: {  	(v2sf) =	vpush v10, $0x1;
	s7 =	smulhi.u32 $0x92492493, s2;
	[smem:$0x79F] =	sst s11;
	s28 =	sshra.s32 s21, $0x1F  }
0xd4: {  	s15 =	smulhi.u32 $0x92492493, s14;
	s0 =	sadd.s32 s29, s3;
	s3 =	sld [smem:$0x775]  }
0xd5: {  	s5 =	smul.u32 $0x92492493, s28;
	s28 =	sld [smem:$0x778]  }
0xd6: {  	s11 =	smulhi.u32 $0x92492493, s8;
	[smem:$0x7BE] =	sst s0  }
0xd7: {  	s2 =	ssub.s32 s7, s2;
	[smem:$0x7A1] =	sst s5;
	s7 =	ssub.s32 s15, s14  }
0xd8: {  	s14 =	spop (v2sf);
	s15 =	sld [smem:$0x777];
	s0 =	sadd.s32 s3, s2  }
0xd9: {  	(v2sf) =	vpush v10, $0x0;
	s29 =	smulhi.u32 $0x92492493, s28;
	s3 =	ssub.s32 s11, s8;
	s11 =	sld [smem:$0x779]  }
0xda: {  	s8 =	spop (v2sf);
	[smem:$0x7C0] =	sst s0  }
0xdb: {  	s5 =	sshra.s32 s14, $0x1F;
	[smem:$0x7A0] =	sst s8  }
0xdc: {  	s0 =	sadd.s32 s15, s7;
	s2 =	ssub.s32 s29, s28;
	s29 =	sld [smem:$0x77A]  }
0xdd: {  	s7 =	smul.u32 $0x92492493, s5;
	s28 =	sshra.s32 s8, $0x1F;
	[smem:$0x7C1] =	sst s0  }
0xde: {  	s5 =	smul.u32 $0x92492493, s28;
	s28 =	sld [smem:$0x77E]  }
0xdf: {  	[smem:$0x7A2] =	sst s7  }
0xe0: {  	s15 =	smulhi.u32 $0x92492493, s11;
	s7 =	sld [smem:$0x77C]  }
0xe1: {  	(v2sf) =	vpush v10, $0x2;
	s0 =	sadd.s32 s29, s3;
	s3 =	sld [smem:$0x77B]  }
0xe2: {  	[smem:$0x7A3] =	sst s5;
	s6 =	ssub.s32 s15, s11;
	s15 =	spop (v2sf)  }
0xe3: {  	s11 =	sld [smem:$0x77D];
	s29 =	smulhi.u32 $0x92492493, s28  }
0xe4: {  	[smem:$0x7C3] =	sst s0;
	s8 =	smulhi.u32 $0x92492493, s7  }
0xe5: {  	s0 =	sadd.s32 s3, s2;
	s2 =	ssub.s32 s29, s28;
	s29 =	sld [smem:$0x780]  }
0xe6: {  	(v2sf) =	vpush v10, $0x3;
	s5 =	sshra.s32 s15, $0x1F;
	[smem:$0x7C5] =	sst s0;
	s0 =	sadd.s32 s11, s6  }
0xe7: {  	s3 =	ssub.s32 s8, s7;
	s6 =	smul.u32 $0x92492493, s5;
	s8 =	sld [smem:$0x77F]  }
0xe8: {  	s7 =	spop (v2sf);
	[smem:$0x7C8] =	sst s0  }
0xe9: {  	[smem:$0x7A4] =	sst s7  }
0xea: {  	[smem:$0x7A5] =	sst s6  }
0xeb: {  	(v2sf) =	vpush v10, $0x4;
	s0 =	sadd.s32 s29, s3;
	s3 =	sld [smem:$0x781]  }
0xec: {  	s28 =	sshra.s32 s7, $0x1F;
	s29 =	sld [smem:$0x783];
	s11 =	smulhi.u32 $0x92492493, s8  }
0xed: {  	s5 =	smul.u32 $0x92492493, s28;
	[smem:$0x7C9] =	sst s0  }
0xee: {  	s7 =	ssub.s32 s11, s8;
	s11 =	sld [smem:$0x782]  }
0xef: {  	(v2sf) =	vpush v10, $0x5;
	[smem:$0x7A6] =	sst s5  }
0xf0: {  	s5 =	smulhi.u32 $0x92492493, s30;
	s0 =	sadd.s32 s3, s2;
	s8 =	spop (v2sf)  }
0xf1: {  	[smem:$0x7C7] =	sst s0;
	s0 =	sadd.s32 s29, s7;
	s28 =	smulhi.u32 $0x92492493, s11  }
0xf2: {  	s7 =	sshra.s32 s8, $0x1F;
	s2 =	ssub.s32 s5, s30;
	s30 =	sld [smem:$0x785]  }
0xf3: {  	s5 =	sld [smem:$0x786];
	s3 =	ssub.s32 s28, s11;
	s11 =	smul.u32 $0x92492493, s7  }
0xf4: {  	s6 =	smulhi.u32 $0x92492493, s1;
	[smem:$0x7CB] =	sst s0  }
0xf5: {  	(v2sf) =	vpush v10, $0x6;
	s29 =	spop (v2sf);
	s0 =	sadd.s32 s30, s3;
	[smem:$0x7A7] =	sst s11  }
0xf6: {  	s28 =	sshra.s32 s29, $0x1F;
	[smem:$0x7D0] =	sst s0  }
0xf7: {  	s11 =	smul.u32 $0x92492493, s28;
	s28 =	ssub.s32 s6, s1;
	s1 =	sld [smem:$0x787]  }
0xf8: {  	s0 =	sadd.s32 s5, s2;
	s5 =	sld [smem:$0x788]  }
0xf9: {  	s30 =	smulhi.u32 $0x92492493, s9;
	[smem:$0x7CE] =	sst s0  }
0xfa: {  	[smem:$0x7A8] =	sst s11;
	s11 =	spop (v2sf)  }
0xfb: {  	(v2sf) =	vpush v10, $0x7;
	s0 =	sadd.s32 s1, s28;
	s28 =	sshra.s32 s11, $0x1F;
	s1 =	sld [smem:$0x789]  }
0xfc: {  	v11 =	vld [tilespmem:$0x40];
	s3 =	ssub.s32 s30, s9;
	[smem:$0x7CC] =	sst s0;
	s30 =	smul.u32 $0x92492493, s28  }
0xfd: {  	s7 =	smulhi.u32 $0x92492493, s5;
	s28 =	sld [smem:$0x78A]  }
0xfe: {  	s9 =	spop (v2sf);
	[smem:$0x7A9] =	sst s30  }
0xff: {  	s2 =	ssub.s32 s7, s5;
	s5 =	sshra.s32 s9, $0x1F;
	s30 =	sld [smem:$0x78B]  }
0x100: {  	s6 =	smulhi.u32 $0x92492493, s1;
	s0 =	sadd.s32 s28, s3;
	s28 =	sld [smem:$0x78D]  }
0x101: {  	(v2sf) =	vpush v11, $0xD;
	s3 =	smul.u32 $0x92492493, s5;
	[smem:$0x7D1] =	sst s0  }
0x102: {  	s5 =	ssub.s32 s6, s1;
	s6 =	sld [smem:$0x78C]  }
0x103: {  	s0 =	sadd.s32 s30, s2;
	[smem:$0x7AA] =	sst s3  }
0x104: {  	s30 =	spop (v2sf);
	[smem:$0x7D5] =	sst s0;
	s0 =	sadd.s32 s28, s5  }
0x105: {  	s5 =	sshra.s32 s30, $0x1F;
	[smem:$0x7CA] =	sst s0  }
0x106: {  	(v2sf) =	vpush v11, $0xC;
	s0 =	sld [smem:$0x78E];
	s28 =	smul.u32 $0x92492493, s5  }
0x107: {  	s3 =	sld [smem:$0x78F];
	s7 =	smulhi.u32 $0x92492493, s6  }
0x108: {  	[smem:$0x7AB] =	sst s28  }
0x109: {  	s7 =	ssub.s32 s7, s6;
	s28 =	sld [smem:$0x790];
	s2 =	smulhi.u32 $0x92492493, s0  }
0x10a: {  	(v2sf) =	vpush v11, $0xE;
	s5 =	spop (v2sf);
	s1 =	sadd.s32 s3, s7  }
0x10b: {  	s6 =	smulhi.u32 $0x92492493, s12;
	[smem:$0x7C6] =	sst s1;
	s2 =	ssub.s32 s2, s0  }
0x10c: {  	s0 =	sshra.s32 s5, $0x1F;
	s1 =	sadd.s32 s28, s2;
	s28 =	sld [smem:$0x792]  }
0x10d: {  	s0 =	smul.u32 $0x92492493, s0  }
0x10e: {  	s3 =	ssub.s32 s6, s12;
	s6 =	sld [smem:$0x791]  }
0x10f: {  	[smem:$0x7AC] =	sst s0;
	s0 =	sadd.s32 s28, s3  }
0x110: {  	(v2sf) =	vpush v11, $0xF;
	s12 =	spop (v2sf);
	[smem:$0x7CF] =	sst s0  }
0x111: {  	s7 =	smulhi.u32 $0x92492493, s6;
	s0 =	sld [smem:$0x793]  }
0x112: {  	s3 =	sshra.s32 s12, $0x1F  }
0x113: {  	[smem:$0x7CD] =	sst s1;
	s2 =	ssub.s32 s7, s6;
	s7 =	smul.u32 $0x92492493, s3  }
0x114: {  	s3 =	sld [smem:$0x795];
	s28 =	smulhi.u32 $0x92492493, s0  }
0x115: {  	s6 =	spop (v2sf);
	[smem:$0x7AD] =	sst s7  }
0x116: {  	s7 =	smulhi.u32 $0x92492493, s31;
	s1 =	ssub.s32 s28, s0;
	s28 =	sld [smem:$0x794]  }
0x117: {  	s0 =	sshra.s32 s6, $0x1F;
	s1 =	sadd.s32 s3, s1  }
0x118: {  	(v2sf) =	vpush v11, $0x9;
	s7 =	ssub.s32 s7, s31;
	s0 =	smul.u32 $0x92492493, s0;
	[smem:$0x7D3] =	sst s1  }
0x119: {  	s31 =	spop (v2sf);
	s2 =	sadd.s32 s28, s2;
	s28 =	sld [smem:$0x796]  }
0x11a: {  	s3 =	smulhi.u32 $0x92492493, s17;
	[smem:$0x7AE] =	sst s0  }
0x11b: {  	s1 =	smulhi.u32 $0x92492493, s10;
	[smem:$0x7D2] =	sst s2  }
0x11c: {  	s0 =	sadd.s32 s28, s7;
	s7 =	sshra.s32 s31, $0x1F;
	s28 =	sld [smem:$0x797]  }
0x11d: {  	(v2sf) =	vpush v11, $0x8;
	[smem:$0x7D6] =	sst s0;
	s0 =	smul.u32 $0x92492493, s7  }
0x11e: {  	s1 =	ssub.s32 s1, s10;
	s2 =	ssub.s32 s3, s17;
	s17 =	sld [smem:$0x798]  }
0x11f: {  	s10 =	spop (v2sf);
	[smem:$0x7AF] =	sst s0;
	s1 =	sadd.s32 s28, s1  }
0x120: {  	s7 =	smulhi.u32 $0x92492493, s19;
	[smem:$0x7D9] =	sst s1  }
0x121: {  	s0 =	sshra.s32 s10, $0x1F;
	s1 =	sadd.s32 s17, s2;
	s17 =	sld [smem:$0x79A]  }
0x122: {  	s0 =	smul.u32 $0x92492493, s0;
	[smem:$0x7DA] =	sst s1  }
0x123: {  	(v2sf) =	vpush v11, $0xA;
	s1 =	sld [smem:$0x799]  }
0x124: {  	s19 =	ssub.s32 s7, s19;
	[smem:$0x7B0] =	sst s0  }
0x125: {  	s0 =	sadd.s32 s17, s19;
	s17 =	sld [smem:$0x79B];
	_ =	sdelay $0x1  }
0x126: {  	s28 =	spop (v2sf);
	s7 =	smulhi.u32 $0x92492493, s1  }
0x127: {  	s19 =	sshra.s32 s28, $0x1F;
	[smem:$0x7D7] =	sst s0;
	s0 =	smulhi.u32 $0x92492493, s17  }
0x128: {  	s3 =	smul.u32 $0x92492493, s19  }
0x129: {  	s7 =	ssub.s32 s7, s1;
	s1 =	ssub.s32 s0, s17;
	s17 =	sld [smem:$0x79D]  }
0x12a: {  	(v2sf) =	vpush v11, $0xB;
	[smem:$0x7B1] =	sst s3  }
0x12b: {  	s19 =	spop (v2sf);
	s0 =	sld [smem:$0x79C]  }
0x12c: {  	s2 =	sshra.s32 s19, $0x1F;
	s7 =	sadd.s32 s17, s7;
	s17 =	sld [smem:$0x79E]  }
0x12d: {  	(v2sf) =	vpush v11, $0x1;
	s2 =	smul.u32 $0x92492493, s2;
	[smem:$0x7DE] =	sst s7  }
0x12e: {  	s3 =	smulhi.u32 $0x92492493, s0;
	s7 =	sld [smem:$0x79F]  }
0x12f: {  	[smem:$0x7B2] =	sst s2  }
0x130: {  	s0 =	ssub.s32 s3, s0;
	s3 =	smulhi.u32 $0x92492493, s14;
	s1 =	sadd.s32 s17, s1  }
0x131: {  	(v2sf) =	vpush v11, $0x0;
	s17 =	spop (v2sf);
	[smem:$0x7E3] =	sst s1;
	s0 =	sadd.s32 s7, s0  }
0x132: {  	s1 =	smulhi.u32 $0x92492493, s21;
	[smem:$0x7DF] =	sst s0  }
0x133: {  	s7 =	sshra.s32 s17, $0x1F;
	s0 =	ssub.s32 s3, s14;
	s3 =	sld [smem:$0x7A0]  }
0x134: {  	s2 =	smul.u32 $0x92492493, s7;
	s14 =	sld [smem:$0x7A1]  }
0x135: {  	_ = 	snop  }
0x136: {  	s1 =	ssub.s32 s1, s21;
	[smem:$0x7B3] =	sst s2  }
0x137: {  	s2 =	smulhi.u32 $0x92492493, s3;
	s1 =	sadd.s32 s14, s1;
	s14 =	sld [smem:$0x7A2]  }
0x138: {  	_ = 	snop  }
0x139: {  	(v2sf) =	vpush v11, $0x2;
	s21 =	spop (v2sf);
	s2 =	ssub.s32 s2, s3;
	s3 =	sld [smem:$0x7A3]  }
0x13a: {  	s7 =	sshra.s32 s21, $0x1F;
	[smem:$0x7DC] =	sst s1;
	s0 =	sadd.s32 s14, s0  }
0x13b: {  	s1 =	smul.u32 $0x92492493, s7;
	[smem:$0x7E1] =	sst s0  }
0x13c: {  	(v2sf) =	vpush v11, $0x3;
	s14 =	spop (v2sf);
	s0 =	sadd.s32 s3, s2;
	s3 =	sld [smem:$0x7A4]  }
0x13d: {  	(v2sf) =	vpush v11, $0x4;
	[smem:$0x7B4] =	sst s1;
	s1 =	smulhi.u32 $0x92492493, s15;
	s7 =	sshra.s32 s14, $0x1F  }
0x13e: {  	(v2sf) =	vpush v11, $0x5;
	s2 =	smul.u32 $0x92492493, s7  }
0x13f: {  	(v2sf) =	vpush v11, $0x6;
	[smem:$0x7E4] =	sst s0;
	s0 =	smulhi.u32 $0x92492493, s3  }
0x140: {  	(v2sf) =	vpush v11, $0x7;
	s1 =	ssub.s32 s1, s15;
	s15 =	spop (v2sf);
	[smem:$0x7B5] =	sst s2  }
0x141: {  	v12 =	vld [tilespmem:$0x50];
	s0 =	ssub.s32 s0, s3;
	s3 =	sld [smem:$0x7A5];
	_ =	sdelay $0x2  }
0x142: {  	s7 =	sshra.s32 s15, $0x1F;
	s1 =	sadd.s32 s3, s1;
	s3 =	sld [smem:$0x7A6]  }
0x143: {  	[smem:$0x7D8] =	sst s1;
	s1 =	smul.u32 $0x92492493, s7  }
0x144: {  	s2 =	smulhi.u32 $0x92492493, s8;
	s7 =	sld [smem:$0x7A7]  }
0x145: {  	s0 =	sadd.s32 s3, s0;
	[smem:$0x7B6] =	sst s1;
	s1 =	smulhi.u32 $0x92492493, s29  }
0x146: {  	s3 =	ssub.s32 s2, s8;
	s8 =	spop (v2sf);
	[smem:$0x7D4] =	sst s0  }
0x147: {  	s0 =	sadd.s32 s7, s3;
	s3 =	smulhi.u32 $0x92492493, s11;
	s7 =	sshra.s32 s8, $0x1F  }
0x148: {  	[smem:$0x7DB] =	sst s0;
	s1 =	ssub.s32 s1, s29;
	s2 =	smul.u32 $0x92492493, s7  }
0x149: {  	s29 =	spop (v2sf);
	s0 =	ssub.s32 s3, s11;
	s11 =	sld [smem:$0x7A8]  }
0x14a: {  	s7 =	sshra.s32 s29, $0x1F  }
0x14b: {  	[smem:$0x7B7] =	sst s2;
	s3 =	smul.u32 $0x92492493, s7  }
0x14c: {  	s1 =	sadd.s32 s11, s1;
	s11 =	sld [smem:$0x7A9]  }
0x14d: {  	[smem:$0x7B8] =	sst s3  }
0x14e: {  	s2 =	smulhi.u32 $0x92492493, s9;
	s3 =	sld [smem:$0x7AA]  }
0x14f: {  	_ = 	snop  }
0x150: {  	s7 =	ssub.s32 s2, s9;
	s0 =	sadd.s32 s11, s0  }
0x151: {  	[smem:$0x7E0] =	sst s0;
	s0 =	sadd.s32 s3, s7;
	s7 =	smulhi.u32 $0x92492493, s5  }
0x152: {  	[smem:$0x7E2] =	sst s0  }
0x153: {  	s11 =	smulhi.u32 $0x92492493, s30;
	s0 =	ssub.s32 s7, s5;
	s5 =	sld [smem:$0x7AB]  }
0x154: {  	_ = 	snop  }
0x155: {  	[smem:$0x7DD] =	sst s1;
	s1 =	ssub.s32 s11, s30  }
0x156: {  	(v2sf) =	vpush v12, $0xD;
	s9 =	spop (v2sf);
	s1 =	sadd.s32 s5, s1;
	s5 =	sld [smem:$0x7AC]  }
0x157: {  	s2 =	smulhi.u32 $0x92492493, s12;
	s11 =	spop (v2sf)  }
0x158: {  	s3 =	sshra.s32 s9, $0x1F;
	s7 =	sshra.s32 s11, $0x1F;
	[smem:$0x7E5] =	sst s1  }
0x159: {  	s1 =	smul.u32 $0x92492493, s7;
	s0 =	sadd.s32 s5, s0;
	s5 =	sld [smem:$0x7AD]  }
0x15a: {  	s30 =	smul.u32 $0x92492493, s3  }
0x15b: {  	s3 =	ssub.s32 s2, s12;
	s12 =	smulhi.u32 $0x92492493, s31;
	[smem:$0x7B9] =	sst s1  }
0x15c: {  	(v2sf) =	vpush v12, $0xC;
	s7 =	spop (v2sf);
	[smem:$0x7E8] =	sst s0;
	s0 =	sadd.s32 s5, s3  }
0x15d: {  	(v2sf) =	vpush v12, $0xE;
	s1 =	smulhi.u32 $0x92492493, s6;
	s3 =	sshra.s32 s7, $0x1F;
	[smem:$0x7E9] =	sst s0  }
0x15e: {  	s2 =	smul.u32 $0x92492493, s3;
	s0 =	ssub.s32 s12, s31;
	s31 =	sld [smem:$0x7AF]  }
0x15f: {  	s1 =	ssub.s32 s1, s6;
	s6 =	spop (v2sf)  }
0x160: {  	s12 =	sshra.s32 s6, $0x1F;
	[smem:$0x7BA] =	sst s2;
	s2 =	smulhi.u32 $0x92492493, s10  }
0x161: {  	s0 =	sadd.s32 s31, s0;
	s31 =	smul.u32 $0x92492493, s12;
	s12 =	sld [smem:$0x7B0]  }
0x162: {  	s5 =	sld [smem:$0x7AE]  }
0x163: {  	s3 =	ssub.s32 s2, s10  }
0x164: {  	[smem:$0x7EC] =	sst s0;
	s0 =	sadd.s32 s12, s3;
	s3 =	smulhi.u32 $0x92492493, s19  }
0x165: {  	s1 =	sadd.s32 s5, s1;
	s5 =	spop (v2sf)  }
0x166: {  	(v2sf) =	vpush v12, $0xF;
	s10 =	smulhi.u32 $0x92492493, s28;
	s3 =	ssub.s32 s3, s19;
	s19 =	sld [smem:$0x7B1]  }
0x167: {  	[smem:$0x7E6] =	sst s1;
	s12 =	sshra.s32 s5, $0x1F  }
0x168: {  	s1 =	ssub.s32 s10, s28;
	[smem:$0x7F1] =	sst s0;
	s28 =	smul.u32 $0x92492493, s12  }
0x169: {  	s12 =	smulhi.u32 $0x92492493, s17;
	s0 =	sadd.s32 s19, s1;
	s1 =	sld [smem:$0x7B2]  }
0x16a: {  	s19 =	sld [smem:$0x7B3]  }
0x16b: {  	s2 =	spop (v2sf);
	s12 =	ssub.s32 s12, s17;
	s17 =	smulhi.u32 $0x92492493, s21  }
0x16c: {  	[smem:$0x7ED] =	sst s0;
	s0 =	sadd.s32 s1, s3;
	s1 =	spop (v2sf)  }
0x16d: {  	[smem:$0x7EA] =	sst s0;
	s0 =	sadd.s32 s19, s12;
	s19 =	sshra.s32 s1, $0x1F  }
0x16e: {  	(v2sf) =	vpush v12, $0x9;
	s12 =	smul.u32 $0x92492493, s19;
	s19 =	sld [smem:$0x7B4]  }
0x16f: {  	(v2sf) =	vpush v12, $0x8  }
0x170: {  	(v2sf) =	vpush v12, $0xA;
	s21 =	ssub.s32 s17, s21  }
0x171: {  	[smem:$0x7EF] =	sst s0;
	s21 =	sadd.s32 s19, s21  }
0x172: {  	[smem:$0x7F2] =	sst s21  }
0x173: {  	s0 =	smulhi.u32 $0x92492493, s14;
	s21 =	sld [smem:$0x7B5]  }
0x174: {  	_ = 	snop  }
0x175: {  	s17 =	spop (v2sf);
	s3 =	ssub.s32 s0, s14;
	s14 =	smulhi.u32 $0x92492493, s15  }
0x176: {  	s0 =	sshra.s32 s17, $0x1F;
	s3 =	sadd.s32 s21, s3;
	s21 =	sld [smem:$0x7B6]  }
0x177: {  	s0 =	smul.u32 $0x92492493, s0  }
0x178: {  	s19 =	ssub.s32 s14, s15  }
0x179: {  	[smem:$0x7BC] =	sst s0;
	s0 =	sadd.s32 s21, s19;
	s19 =	smulhi.u32 $0x92492493, s29  }
0x17a: {  	[smem:$0x7E7] =	sst s0  }
0x17b: {  	s14 =	smulhi.u32 $0x92492493, s8;
	s0 =	ssub.s32 s19, s29;
	s19 =	sld [smem:$0x7B7]  }
0x17c: {  	s15 =	smulhi.u32 $0x92492493, s9  }
0x17d: {  	s14 =	ssub.s32 s14, s8;
	[smem:$0x7EB] =	sst s3;
	s3 =	spop (v2sf)  }
0x17e: {  	s8 =	spop (v2sf);
	s14 =	sadd.s32 s19, s14;
	s19 =	sld [smem:$0x7B8]  }
0x17f: {  	s15 =	ssub.s32 s15, s9;
	s9 =	spop (v2sf);
	s29 =	sshra.s32 s8, $0x1F  }
0x180: {  	[smem:$0x7EE] =	sst s14;
	s14 =	smul.u32 $0x92492493, s29  }
0x181: {  	(v2sf) =	vpush v12, $0xB;
	s29 =	sld [smem:$0x7B9];
	s0 =	sadd.s32 s19, s0;
	s19 =	smulhi.u32 $0x92492493, s11  }
0x182: {  	(v2sf) =	vpush v12, $0x1;
	[smem:$0x7F0] =	sst s0;
	s0 =	sadd.s32 s30, s15;
	s30 =	sshra.s32 s9, $0x1F  }
0x183: {  	[smem:$0x7F3] =	sst s0;
	s0 =	smulhi.u32 $0x92492493, s7;
	s15 =	ssub.s32 s19, s11  }
0x184: {  	s19 =	smul.u32 $0x92492493, s30;
	s15 =	sadd.s32 s29, s15;
	s29 =	sld [smem:$0x7BA]  }
0x185: {  	(v2sf) =	vpush v12, $0x0  }
0x186: {  	[smem:$0x7C2] =	sst s19;
	s0 =	ssub.s32 s0, s7;
	s7 =	smulhi.u32 $0x92492493, s6  }
0x187: {  	(v2sf) =	vpush v12, $0x2;
	[smem:$0x7F4] =	sst s15;
	s15 =	smulhi.u32 $0x92492493, s5;
	s0 =	sadd.s32 s29, s0  }
0x188: {  	s6 =	ssub.s32 s7, s6;
	[smem:$0x7F5] =	sst s0  }
0x189: {  	s5 =	ssub.s32 s15, s5;
	s0 =	sadd.s32 s31, s6;
	s31 =	rddreg [dreg:$0x1c]  }
0x18a: {  	s19 =	smulhi.u32 $0x92492493, s2;
	s5 =	sadd.s32 s28, s5;
	s28 =	rddreg [dreg:$0xc]  }
0x18b: {  	[smem:$0x7F8] =	sst s0  }
0x18c: {  	s10 =	sshra.s32 s2, $0x1F;
	(v2sf) =	vpush v12, $0x3;
	s0 =	ssub.s32 s19, s2;
	s19 =	rddreg [dreg:$0xd]  }
0x18d: {  	s10 =	smul.u32 $0x92492493, s10;
	[smem:$0x7F7] =	sst s5  }
0x18e: {  	s21 =	sshra.s32 s3, $0x1F;
	s6 =	smulhi.u32 $0x92492493, s1;
	s5 =	rddreg [dreg:$0xb]  }
0x18f: {  	s21 =	smul.u32 $0x92492493, s21;
	s0 =	sadd.s32 s10, s0;
	s10 =	rddreg [dreg:$0x13]  }
0x190: {  	s11 =	spop (v2sf);
	v15 =	vmov s19;
	s19 =	ssub.s32 s6, s1;
	s6 =	rddreg [dreg:$0x14]  }
0x191: {  	s30 =	sshra.s32 s11, $0x1F;
	s7 =	spop (v2sf);
	[smem:$0x7F6] =	sst s0  }
0x192: {  	s29 =	smul.u32 $0x92492493, s30;
	s30 =	sshra.s32 s7, $0x1F;
	v15 =	vsel vm0, s5, v15;
	s5 =	rddreg [dreg:$0x11]  }
0x193: {  	s15 =	smul.u32 $0x92492493, s30;
	v14 =	vmov s31;
	s0 =	sadd.s32 s12, s19;
	s12 =	rddreg [dreg:$0xa]  }
0x194: {  	s30 =	spop (v2sf);
	v14 =	vnsel vm3, $0x0, v14;
	[smem:$0x7F9] =	sst s0  }
0x195: {  	s1 =	smulhi.u32 $0x92492493, s17;
	v14 =	vsel vm0, s10, v14;
	v15 =	vsel vm1, s28, v15;
	s28 =	rddreg [dreg:$0xe]  }
0x196: {  	s10 =	spop (v2sf);
	v14 =	vsel vm1, s6, v14;
	s6 =	rddreg [dreg:$0x18]  }
0x197: {  	s19 =	sshra.s32 s10, $0x1F;
	s1 =	ssub.s32 s1, s17;
	s17 =	rddreg [dreg:$0xf]  }
0x198: {  	(v2sf) =	vpush v12, $0x4;
	s2 =	sshra.s32 s30, $0x1F;
	v16 =	vmov s5;
	v14 =	vsel vm2, s6, v14;
	s6 =	smul.u32 $0x92492493, s19;
	s19 =	rddreg [dreg:$0x12]  }
0x199: {  	s31 =	smul.u32 $0x92492493, s2;
	v16 =	vsel vm0, s28, v16;
	s28 =	rddreg [dreg:$0x10]  }
0x19a: {  	s5 =	smulhi.u32 $0x92492493, s3;
	v15 =	vsel vm2, s12, v15;
	s12 =	rddreg [dreg:$0x15]  }
0x19b: {  	s2 =	spop (v2sf);
	v16 =	vsel vm1, s17, v16;
	v14 =	vsel vm4, s19, v14;
	s19 =	sld [smem:$0x7BB]  }
0x19c: {  	s3 =	ssub.s32 s5, s3;
	s17 =	sshra.s32 s2, $0x1F;
	v19 =	vsel vm2, s28, v16;
	s28 =	sld [smem:$0x7BC]  }
0x19d: {  	v14 =	vsel vm5, s12, v14;
	s12 =	sadd.s32 s21, s3;
	s3 =	smul.u32 $0x92492493, s17;
	s17 =	rddreg [dreg:$0x19]  }
0x19e: {  	s21 =	rddreg [dreg:$0x16]  }
0x19f: {  	[smem:$0x7FC] =	sst s12  }
0x1a0: {  	s5 =	smulhi.u32 $0x92492493, s8;
	v14 =	vsel vm6, s17, v14;
	s12 =	sld [smem:$0x7BD]  }
0x1a1: {  	v20 =	vsel vm7, s21, v14;
	s21 =	sld [smem:$0x7BE]  }
0x1a2: {  	v33 =	vmov s19;
	s19 =	ssub.s32 s5, s8;
	s0 =	sadd.s32 s28, s1;
	s28 =	rddreg [dreg:$0x1e]  }
0x1a3: {  	(v2sf) =	vpush v12, $0x5;
	s14 =	sadd.s32 s14, s19;
	s19 =	rddreg [dreg:$0x17]  }
0x1a4: {  	(v2sf) =	vpush v12, $0x6;
	s1 =	sld [smem:$0x7BF]  }
0x1a5: {  	[smem:$0x7FB] =	sst s0  }
0x1a6: {  	s8 =	smulhi.u32 $0x92492493, s9;
	[smem:$0x7FA] =	sst s14  }
0x1a7: {  	s5 =	spop (v2sf);
	v34 =	vmov s28;
	s28 =	rddreg [dreg:$0x1a]  }
0x1a8: {  	v16 =	vnsel vm3, $0x0, v33;
	s17 =	sshra.s32 s5, $0x1F;
	s8 =	ssub.s32 s8, s9;
	s9 =	sld [smem:$0x7C0]  }
0x1a9: {  	v16 =	vsel vm0, s12, v16;
	s12 =	smul.u32 $0x92492493, s17;
	s17 =	rddreg [dreg:$0x1d]  }
0x1aa: {  	s14 =	smulhi.u32 $0x92492493, s11;
	v14 =	vsel vm0, s19, v34;
	v16 =	vsel vm1, s21, v16;
	s21 =	sld [smem:$0x7C1]  }
0x1ab: {  	v14 =	vsel vm1, s28, v14;
	s28 =	sld [smem:$0x7C2]  }
0x1ac: {  	v17 =	vmov s1;
	v18 =	vsel vm2, s9, v16;
	s9 =	ssub.s32 s14, s11;
	s11 =	rddreg [dreg:$0x1b]  }
0x1ad: {  	v35 =	vsel vm0, s17, v17;
	s17 =	sld [smem:$0x7C6]  }
0x1ae: {  	s29 =	sadd.s32 s29, s9;
	s9 =	sld [smem:$0x7C3]  }
0x1af: {  	v16 =	vsel vm2, s11, v14;
	s11 =	sld [smem:$0x7C4]  }
0x1b0: {  	v13 =	vld [tilespmem:$0x60];
	s14 =	smulhi.u32 $0x92492493, s7;
	[smem:$0x7FD] =	sst s29  }
0x1b1: {  	v36 =	vsel vm4, s21, v18;
	s21 =	sadd.s32 s28, s8;
	s8 =	rddreg [dreg:$0x1f]  }
0x1b2: {  	s19 =	spop (v2sf);
	s7 =	ssub.s32 s14, s7;
	s14 =	sld [smem:$0x7C5]  }
0x1b3: {  	(v2sf) =	vpush v12, $0x7;
	s28 =	spop (v2sf);
	v14 =	vsel vm1, s8, v35;
	v17 =	vsel vm5, s9, v36;
	s9 =	sld [smem:$0x7C7]  }
0x1b4: {  	s29 =	sshra.s32 s28, $0x1F;
	v25 =	vsel vm2, s11, v14;
	s11 =	sld [smem:$0x7C8]  }
0x1b5: {  	(v2sf) =	vpush v13, $0xD;
	v38 =	vmov s17;
	s17 =	sadd.s32 s15, s7;
	s15 =	smul.u32 $0x92492493, s29;
	s29 =	sld [smem:$0x7CA]  }
0x1b6: {  	(v2sf) =	vpush v13, $0xC;
	v37 =	vsel vm6, s14, v17;
	s14 =	sld [smem:$0x7C9]  }
0x1b7: {  	s7 =	smulhi.u32 $0x92492493, s10;
	v23 =	vsel vm7, s11, v37;
	s11 =	sld [smem:$0x7CC]  }
0x1b8: {  	v17 =	vnsel vm3, $0x0, v38;
	v39 =	vmov s9;
	s9 =	sld [smem:$0x7CB]  }
0x1b9: {  	s7 =	ssub.s32 s7, s10;
	v17 =	vsel vm0, s29, v17;
	s29 =	sld [smem:$0x7CD]  }
0x1ba: {  	s8 =	smulhi.u32 $0x92492493, s30;
	v41 =	vmov s11;
	s11 =	sadd.s32 s6, s7;
	s6 =	sld [smem:$0x7CE]  }
0x1bb: {  	s7 =	sld [smem:$0x7CF]  }
0x1bc: {  	s8 =	ssub.s32 s8, s30;
	v17 =	vsel vm1, s29, v17;
	s29 =	sld [smem:$0x7D2]  }
0x1bd: {  	s31 =	sadd.s32 s31, s8;
	s8 =	sld [smem:$0x7D0];
	v40 =	vsel vm0, s14, v39  }
0x1be: {  	v14 =	vsel vm1, s9, v40;
	s9 =	sld [smem:$0x7D1];
	v21 =	vsel vm2, s7, v17  }
0x1bf: {  	v18 =	vsel vm0, s6, v41;
	s6 =	smulhi.u32 $0x92492493, s5;
	v43 =	vsel vm4, s29, v21;
	s29 =	sld [smem:$0x7D4]  }
0x1c0: {  	s10 =	smulhi.u32 $0x92492493, s2;
	v17 =	vsel vm2, s8, v14;
	s8 =	sld [smem:$0x7D3]  }
0x1c1: {  	s0 =	sshra.s32 s19, $0x1F;
	s5 =	ssub.s32 s6, s5;
	s6 =	sld [smem:$0x7D5]  }
0x1c2: {  	s30 =	spop (v2sf);
	s2 =	ssub.s32 s10, s2;
	v44 =	vmov s29;
	s29 =	sld [smem:$0x7D7]  }
0x1c3: {  	v42 =	vsel vm1, s9, v18;
	s9 =	sadd.s32 s3, s2;
	s2 =	smulhi.u32 $0x92492493, s19;
	v18 =	vsel vm5, s8, v43;
	s8 =	sld [smem:$0x7D6]  }
0x1c4: {  	s1 =	smul.u32 $0x92492493, s0;
	s10 =	spop (v2sf)  }
0x1c5: {  	s3 =	spop (v2sf);
	s2 =	ssub.s32 s2, s19;
	v22 =	vmov s29;
	s29 =	sld [smem:$0x7D9]  }
0x1c6: {  	s5 =	sadd.s32 s12, s5;
	v26 =	vsel vm2, s6, v42;
	s6 =	sshra.s32 s3, $0x1F;
	v45 =	vsel vm6, s8, v18;
	s8 =	sld [smem:$0x7D8]  }
0x1c7: {  	s12 =	sadd.s32 s1, s2;
	s2 =	smul.u32 $0x92492493, s6;
	s6 =	sld [smem:$0x7DB]  }
0x1c8: {  	s19 =	smulhi.u32 $0x92492493, s28;
	v46 =	vnsel vm3, $0x0, v44;
	v21 =	vsel vm7, s29, v45;
	s29 =	sld [smem:$0x7DD]  }
0x1c9: {  	s1 =	sld [smem:$0x7DA];
	v18 =	vsel vm0, s8, v46  }
0x1ca: {  	s8 =	ssub.s32 s19, s28;
	s19 =	sld [smem:$0x7DC];
	v18 =	vsel vm1, s6, v18  }
0x1cb: {  	v18 =	vsel vm2, s29, v18;
	s29 =	sld [smem:$0x7DF];
	_ =	sdelay $0x1  }
0x1cc: {  	(v2sf) =	vpush v13, $0xE;
	v48 =	vmov s19  }
0x1cd: {  	v47 =	vsel vm0, s1, v22;
	v22 =	vsel vm0, s29, v48;
	s29 =	sld [smem:$0x7E1];
	_ =	sdelay $0x1  }
0x1ce: {  	s15 =	sadd.s32 s15, s8;
	s8 =	sld [smem:$0x7DE]  }
0x1cf: {  	(v2sf) =	vpush v13, $0xF;
	v22 =	vsel vm1, s29, v22;
	s29 =	sld [smem:$0x7E3];
	_ =	sdelay $0x1  }
0x1d0: {  	v14 =	vsel vm1, s8, v47;
	s8 =	sld [smem:$0x7E0]  }
0x1d1: {  	v27 =	vsel vm2, s29, v14;
	s29 =	sld [smem:$0x7E4];
	_ =	sdelay $0x1  }
0x1d2: {  	v18 =	vsel vm4, s8, v18;
	s8 =	sld [smem:$0x7E2]  }
0x1d3: {  	v29 =	vsel vm2, s29, v22;
	s29 =	sld [smem:$0x7E5]  }
0x1d4: {  	s14 =	sshra.s32 s30, $0x1F  }
0x1d5: {  	s14 =	smul.u32 $0x92492493, s14;
	s7 =	sshra.s32 s10, $0x1F;
	v18 =	vsel vm5, s8, v18  }
0x1d6: {  	s7 =	smul.u32 $0x92492493, s7;
	v49 =	vsel vm6, s29, v18;
	s29 =	sld [smem:$0x7E8]  }
0x1d7: {  	s1 =	smulhi.u32 $0x92492493, s10  }
0x1d8: {  	s28 =	spop (v2sf);
	s6 =	smulhi.u32 $0x92492493, s30  }
0x1d9: {  	s1 =	ssub.s32 s1, s10;
	s10 =	smulhi.u32 $0x92492493, s3;
	v28 =	vsel vm7, s29, v49;
	s29 =	sld [smem:$0x7EA]  }
0x1da: {  	s19 =	sshra.s32 s28, $0x1F;
	s8 =	sadd.s32 s7, s1;
	s7 =	sld [smem:$0x7E7]  }
0x1db: {  	(v2sf) =	vpush v13, $0x9;
	s6 =	ssub.s32 s6, s30;
	s30 =	smul.u32 $0x92492493, s19  }
0x1dc: {  	(v2sf) =	vpush v13, $0x8;
	s19 =	spop (v2sf);
	v54 =	vmov s29;
	s29 =	sld [smem:$0x7EB]  }
0x1dd: {  	s14 =	sadd.s32 s14, s6;
	s0 =	sshra.s32 s19, $0x1F;
	s1 =	sld [smem:$0x7E6];
	v51 =	vmov s7  }
0x1de: {  	s6 =	smul.u32 $0x92492493, s0;
	s0 =	ssub.s32 s10, s3;
	s10 =	sld [smem:$0x7E9];
	v53 =	vnsel vm3, $0x0, v51  }
0x1df: {  	v18 =	vsel vm0, s29, v53;
	s29 =	sld [smem:$0x7EC]  }
0x1e0: {  	v50 =	vmov s1  }
0x1e1: {  	v52 =	vsel vm0, s10, v50  }
0x1e2: {  	v14 =	vsel vm1, s29, v52;
	s29 =	sld [smem:$0x7ED];
	_ =	sdelay $0x2  }
0x1e3: {  	v22 =	vsel vm0, s29, v54;
	s29 =	sld [smem:$0x7EE]  }
0x1e4: {  	s3 =	smulhi.u32 $0x92492493, s28;
	_ =	sdelay $0x1  }
0x1e5: {  	s3 =	ssub.s32 s3, s28;
	v18 =	vsel vm1, s29, v18;
	s29 =	sld [smem:$0x7EF]  }
0x1e6: {  	s30 =	sadd.s32 s30, s3  }
0x1e7: {  	s7 =	spop (v2sf);
	s1 =	sadd.s32 s2, s0;
	s2 =	smulhi.u32 $0x92492493, s19  }
0x1e8: {  	s10 =	sshra.s32 s7, $0x1F;
	s28 =	spop (v2sf);
	v24 =	vsel vm1, s29, v22;
	s29 =	sld [smem:$0x7F0]  }
0x1e9: {  	s0 =	smul.u32 $0x92492493, s10;
	s2 =	ssub.s32 s2, s19;
	s10 =	sshra.s32 s28, $0x1F  }
0x1ea: {  	s3 =	sadd.s32 s6, s2;
	s6 =	smul.u32 $0x92492493, s10;
	s10 =	sld [smem:$0x7F1]  }
0x1eb: {  	v18 =	vsel vm2, s29, v18;
	s29 =	sld [smem:$0x7F2]  }
0x1ec: {  	(v2sf) =	vpush v13, $0xA  }
0x1ed: {  	v55 =	vsel vm2, s10, v14;
	s10 =	sld [smem:$0x7F3]  }
0x1ee: {  	(v2sf) =	vpush v13, $0xB;
	v24 =	vsel vm2, s29, v24;
	s29 =	sld [smem:$0x7F4]  }
0x1ef: {  	v30 =	vmov s31;
	s31 =	sld [smem:$0x7F5]  }
0x1f0: {  	(v2sf) =	vpush v13, $0x1;
	v18 =	vsel vm4, s10, v18  }
0x1f1: {  	v18 =	vsel vm5, s29, v18  }
0x1f2: {  	v18 =	vsel vm6, s31, v18;
	s31 =	sld [smem:$0x7F6]  }
0x1f3: {  	(v2sf) =	vpush v13, $0x0;
	_ =	sdelay $0x1  }
0x1f4: {  	v31 =	vmov s31;
	s31 =	sld [smem:$0x7F7]  }
0x1f5: {  	(v2sf) =	vpush v13, $0x2;
	_ =	sdelay $0x1  }
0x1f6: {  	(v2sf) =	vpush v13, $0x3;
	s19 =	smulhi.u32 $0x92492493, s7;
	v31 =	vsel vm0, s31, v31;
	s31 =	sld [smem:$0x7F8]  }
0x1f7: {  	(v2sf) =	vpush v13, $0x4  }
0x1f8: {  	s2 =	ssub.s32 s19, s7;
	s7 =	smulhi.u32 $0x92492493, s28  }
0x1f9: {  	s2 =	sadd.s32 s0, s2;
	s10 =	spop (v2sf);
	v18 =	vsel vm7, s31, v18;
	s31 =	sld [smem:$0x7F9]  }
0x1fa: {  	(v2sf) =	vpush v13, $0x5;
	s7 =	ssub.s32 s7, s28;
	s0 =	smulhi.u32 $0x92492493, s10;
	s19 =	sshra.s32 s10, $0x1F  }
0x1fb: {  	v30 =	vnsel vm3, $0x0, v30;
	s6 =	sadd.s32 s6, s7;
	v14 =	vld [tilespmem:$0x70];
	s28 =	spop (v2sf);
	s19 =	smul.u32 $0x92492493, s19  }
0x1fc: {  	v30 =	vsel vm0, s17, v30;
	(v2sf) =	vpush v13, $0x6;
	s7 =	smulhi.u32 $0x92492493, s28;
	s17 =	sshra.s32 s28, $0x1F;
	v31 =	vsel vm1, s31, v31;
	s31 =	sld [smem:$0x7FA]  }
0x1fd: {  	v30 =	vsel vm1, s11, v30;
	s11 =	spop (v2sf);
	s0 =	ssub.s32 s0, s10;
	s10 =	smul.u32 $0x92492493, s17  }
0x1fe: {  	v33 =	vsel vm2, s9, v30;
	(v2sf) =	vpush v13, $0x7;
	s9 =	smulhi.u32 $0x92492493, s11;
	s17 =	sshra.s32 s11, $0x1F;
	s0 =	sadd.s32 s19, s0  }
0x1ff: {  	s19 =	ssub.s32 s7, s28;
	s7 =	smul.u32 $0x92492493, s17;
	v32 =	vmov s31;
	s31 =	sld [smem:$0x7FC]  }
0x200: {  	(v2sf) =	vpush v14, $0xD;
	s17 =	spop (v2sf);
	s29 =	sld [smem:$0x7FB]  }
0x201: {  	v15 =	vcombine.low v19, v15;
	v58 =	vsel vm4, s5, v33;
	s28 =	sshra.s32 s17, $0x1F  }
0x202: {  	v59 =	vmov s1;
	(v2sf) =	vpush v14, $0xC;
	s5 =	sadd.s32 s10, s19;
	s9 =	ssub.s32 s9, s11;
	v57 =	vsel vm0, s31, v32;
	s31 =	smul.u32 $0x92492493, s28  }
0x203: {  	s1 =	sadd.s32 s7, s9;
	v56 =	vsel vm2, s29, v31;
	v32 =	vsel vm5, s12, v58;
	s12 =	spop (v2sf);
	v31 =	vsel vm1, s21, v57;
	s21 =	smulhi.u32 $0x92492493, s17  }
0x204: {  	v60 =	vperm.xlane v15, v4;
	(v2sf) =	vpush v14, $0xE;
	s29 =	sld [smem:$0x7FD];
	v32 =	vsel vm6, s15, v32;
	s15 =	smulhi.u32 $0x92492493, s12;
	s19 =	sshra.s32 s12, $0x1F  }
0x205: {  	v20 =	vperm.xlane v20, v5;
	s28 =	spop (v2sf);
	v19 =	vsel vm7, s14, v32;
	v32 =	vsel vm0, s8, v59;
	s9 =	smul.u32 $0x92492493, s19;
	s21 =	ssub.s32 s21, s17  }
0x206: {  	(v2sf) =	vpush v14, $0xF;
	v61 =	vsel vm1, s30, v32;
	s30 =	smulhi.u32 $0x92492493, s28;
	s14 =	ssub.s32 s15, s12;
	s17 =	spop (v2sf)  }
0x207: {  	v20 =	vsel vm8, v20, v60;
	v62 =	vmov s6;
	v31 =	vsel vm2, s29, v31;
	s29 =	sadd.s32 s31, s21;
	s31 =	sshra.s32 s28, $0x1F;
	s19 =	smulhi.u32 $0x92492493, s17  }
0x208: {  	v20 =	vadd.s32 v7, v20;
	v32 =	vsel vm0, s2, v62;
	(v2sf) =	vpush v14, $0x9;
	s2 =	sadd.s32 s9, s14;
	s21 =	sshra.s32 s17, $0x1F;
	s15 =	smul.u32 $0x92492493, s31  }
0x209: {  	v36 =	vshrl.u32 v20, $0x1F;
	v16 =	vcombine.low v25, v16;
	s8 =	ssub.s32 s30, s28;
	s9 =	smul.u32 $0x92492493, s21;
	s28 =	spop (v2sf)  }
0x20a: {  	v20 =	vshra.s32 v20, $0x7;
	v63 =	vmov s29;
	(v2sf) =	vpush v14, $0x8;
	s30 =	smulhi.u32 $0x92492493, s28;
	s31 =	sshra.s32 s28, $0x1F  }
0x20b: {  	v37 =	vperm.xlane v16, v4;
	v23 =	vperm.xlane v23, v5;
	v33 =	vnsel vm3, $0x0, v63;
	s11 =	ssub.s32 s19, s17;
	s14 =	spop (v2sf);
	s12 =	smul.u32 $0x92492493, s31  }
0x20c: {  	v20 =	vadd.s32 v36, v20;
	(v2sf) =	vpush v14, $0xA;
	s29 =	sadd.s32 s15, s8;
	v33 =	vsel vm0, s1, v33;
	s15 =	smulhi.u32 $0x92492493, s14;
	s17 =	sshra.s32 s14, $0x1F  }
0x20d: {  	v40 =	vmul.u32 $0xFFFFFF20, v20;
	v23 =	vsel vm8, v23, v37;
	v33 =	vsel vm1, s2, v33;
	s19 =	ssub.s32 s30, s28;
	s21 =	smul.u32 $0x92492493, s17;
	s28 =	spop (v2sf)  }
0x20e: {  	v20 =	vcvt.s32.f32 v20;
	s1 =	sadd.s32 s9, s11;
	(v2sf) =	vpush v14, $0xB;
	v39 =	vsel vm2, s29, v33;
	s29 =	smulhi.u32 $0x92492493, s28;
	s30 =	sshra.s32 s28, $0x1F  }
0x20f: {  	v23 =	vadd.s32 v9, v23;
	v17 =	vcombine.low v26, v17;
	v32 =	vsel vm1, s0, v32;
	s0 =	sadd.s32 s12, s19;
	s31 =	spop (v2sf);
	s6 =	smul.u32 $0x92492493, s30  }
0x210: {  	v42 =	vadd.s32 v7, v40;
	v44 =	vshrl.u32 v23, $0x1F;
	s2 =	ssub.s32 s15, s14;
	(v2sf) =	vpush v14, $0x1;
	s9 =	smulhi.u32 $0x92492493, s31;
	s10 =	sshra.s32 s31, $0x1F  }
0x211: {  	v23 =	vshra.s32 v23, $0x7;
	v45 =	vperm.xlane v17, v4;
	v15 =	vsel vm2, s3, v61;
	s2 =	sadd.s32 s21, s2;
	s11 =	spop (v2sf);
	s3 =	smul.u32 $0x92492493, s10  }
0x212: {  	v21 =	vperm.xlane v21, v5;
	v41 =	vsel vm4, s1, v39;
	(v2sf) =	vpush v14, $0x0;
	s1 =	ssub.s32 s29, s28;
	s14 =	smulhi.u32 $0x92492493, s11;
	s15 =	sshra.s32 s11, $0x1F  }
0x213: {  	v43 =	vcvt.s32.f32 v42;
	v23 =	vadd.s32 v44, v23;
	v25 =	vsel vm5, s0, v41;
	s17 =	spop (v2sf);
	s12 =	sadd.s32 s6, s1;
	s6 =	smul.u32 $0x92492493, s15  }
0x214: {  	v21 =	vsel vm8, v21, v45;
	(v2sf) =	vpush v14, $0x2;
	v46 =	vsel vm6, s2, v25;
	s2 =	ssub.s32 s9, s31;
	s21 =	smulhi.u32 $0x92492493, s17;
	s28 =	sshra.s32 s17, $0x1F  }
0x215: {  	v48 =	vmul.u32 $0xFFFFFF20, v23;
	v23 =	vcvt.s32.f32 v23;
	v38 =	vsel vm2, s5, v32;
	s19 =	ssub.s32 s14, s11;
	s5 =	smul.u32 $0x92492493, s28;
	s29 =	spop (v2sf)  }
0x216: {  	v20 =	vmul.f32 $4.464285910e-03, v20;
	v21 =	vadd.s32 v8, v21;
	(v2sf) =	vpush v14, $0x3;
	s2 =	sadd.s32 s3, s2;
	s30 =	smulhi.u32 $0x92492493, s29;
	s31 =	sshra.s32 s29, $0x1F  }
0x217: {  	v26 =	vmul.f32 $4.464285910e-03, v43;
	v23 =	vmul.f32 $4.464285910e-03, v23;
	v50 =	vshrl.u32 v21, $0x1F;
	s0 =	sadd.s32 s6, s19;
	s3 =	smul.u32 $0x92492493, s31;
	s9 =	spop (v2sf)  }
0x218: {  	v47 =	vcombine.low v29, v27;
	v27 =	vadd.s32 v9, v48;
	s1 =	ssub.s32 s21, s17;
	(v2sf) =	vpush v14, $0x4;
	s10 =	smulhi.u32 $0x92492493, s9;
	s11 =	sshra.s32 s9, $0x1F  }
0x219: {  	v21 =	vshra.s32 v21, $0x7;
	v27 =	vcvt.s32.f32 v27;
	v17 =	vsel vm7, s12, v46;
	s1 =	sadd.s32 s5, s1;
	s5 =	smul.u32 $0x92492493, s11;
	s12 =	spop (v2sf)  }
0x21a: {  	v21 =	vadd.s32 v50, v21;
	v49 =	vmov s0;
	(v2sf) =	vpush v14, $0x5;
	s0 =	ssub.s32 s30, s29;
	s14 =	smulhi.u32 $0x92492493, s12;
	s15 =	sshra.s32 s12, $0x1F  }
0x21b: {  	v27 =	vmul.f32 $4.464285910e-03, v27;
	v28 =	vperm.xlane v28, v5;
	v53 =	vmul.u32 $0xFFFFFF20, v21;
	s0 =	sadd.s32 s3, s0;
	s17 =	spop (v2sf);
	s3 =	smul.u32 $0x92492493, s15  }
0x21c: {  	v21 =	vcvt.s32.f32 v21;
	v29 =	vsel vm0, s2, v49;
	(v2sf) =	vpush v14, $0x6;
	s2 =	ssub.s32 s10, s9;
	s21 =	smulhi.u32 $0x92492493, s17;
	s28 =	sshra.s32 s17, $0x1F  }
0x21d: {  	v7 =	vadd.s32 v0, v7;
	v22 =	vcombine.low v24, v55;
	v25 =	vperm.xlane v47, v4;
	s30 =	spop (v2sf);
	s2 =	sadd.s32 s5, s2;
	s29 =	smul.u32 $0x92492493, s28  }
0x21e: {  	v24 =	vadd.s32 v8, v53;
	v52 =	vsel vm1, s1, v29;
	(v2sf) =	vpush v14, $0x7;
	s19 =	ssub.s32 s14, s12;
	s31 =	smulhi.u32 $0x92492493, s30;
	s9 =	sshra.s32 s30, $0x1F  }
0x21f: {  	v24 =	vcvt.s32.f32 v24;
	v25 =	vsel vm8, v28, v25;
	v28 =	vsel vm2, s0, v52;
	s0 =	sadd.s32 s3, s19;
	s10 =	spop (v2sf);
	s5 =	smul.u32 $0x92492493, s9  }
0x220: {  	v9 =	vadd.s32 v0, v9;
	v22 =	vperm.xlane v22, v4;
	v18 =	vperm.xlane v18, v5;
	s1 =	ssub.s32 s21, s17;
	s11 =	smulhi.u32 $0x92492493, s10;
	s12 =	sshra.s32 s10, $0x1F  }
0x221: {  	v21 =	vmul.f32 $4.464285910e-03, v21;
	v8 =	vadd.s32 v0, v8;
	v54 =	vcombine.low v31, v56;
	s1 =	sadd.s32 s29, s1;
	s14 =	spop (v2sf);
	s3 =	smul.u32 $0x92492493, s12  }
0x222: {  	[tilespmem:$0x1800] =	vst v6;
	v18 =	vsel vm8, v18, v22;
	v56 =	vmul.f32 $4.464285910e-03, v24;
	v55 =	vmov s0;
	s0 =	ssub.s32 s31, s30;
	s15 =	smulhi.u32 $0x92492493, s14;
	s17 =	sshra.s32 s14, $0x1F  }
0x223: {  	[tilespmem:$0x1810] =	vst v6;
	v18 =	vadd.s32 v11, v18;
	v19 =	vperm.xlane v19, v5;
	v58 =	vperm.xlane v54, v4;
	s0 =	sadd.s32 s5, s0;
	s19 =	spop (v2sf);
	s5 =	smul.u32 $0x92492493, s17  }
0x224: {  	[tilespmem:$0x1820] =	vst v6;
	v61 =	vshrl.u32 v18, $0x1F;
	v18 =	vshra.s32 v18, $0x7;
	v30 =	vsel vm0, s2, v55;
	s2 =	ssub.s32 s11, s10;
	s28 =	smulhi.u32 $0x92492493, s19;
	s29 =	sshra.s32 s19, $0x1F  }
0x225: {  	[tilespmem:$0xA0] =	vst v8;
	v8 =	vcombine.low v38, v15;
	v19 =	vsel vm8, v19, v58;
	v25 =	vadd.s32 v10, v25;
	s30 =	spop (v2sf);
	s21 =	ssub.s32 s15, s14;
	s6 =	smul.u32 $0x92492493, s29  }
0x226: {  	[tilespmem:$0x1830] =	vst v6;
	v51 =	vshrl.u32 v25, $0x1F;
	v25 =	vshra.s32 v25, $0x7;
	v30 =	vsel vm1, s1, v30;
	s2 =	sadd.s32 s3, s2;
	s31 =	smulhi.u32 $0x92492493, s30;
	s9 =	sshra.s32 s30, $0x1F  }
0x227: {  	[tilespmem:$0x1840] =	vst v6;
	v19 =	vadd.s32 v12, v19;
	v25 =	vadd.s32 v51, v25;
	v59 =	vsel vm2, s0, v30;
	s0 =	sadd.s32 s5, s21;
	s3 =	smul.u32 $0x92492493, s9;
	s10 =	spop (v2sf)  }
0x228: {  	[tilespmem:$0x1850] =	vst v6;
	v63 =	vshrl.u32 v19, $0x1F;
	v19 =	vshra.s32 v19, $0x7;
	v57 =	vmul.u32 $0xFFFFFF20, v25;
	s1 =	ssub.s32 s28, s19;
	s11 =	smulhi.u32 $0x92492493, s10;
	s12 =	sshra.s32 s10, $0x1F  }
0x229: {  	[tilespmem:$0x90] =	vst v9;
	v18 =	vadd.s32 v61, v18;
	v8 =	vperm.xlane v8, v4;
	v9 =	vadd.s32 v63, v19;
	s1 =	sadd.s32 s6, s1;
	s14 =	spop (v2sf);
	s6 =	smul.u32 $0x92492493, s12  }
0x22a: {  	[tilespmem:$0x80] =	vst v7;
	v33 =	vmul.u32 $0xFFFFFF20, v9;
	v7 =	vadd.s32 v10, v57;
	v62 =	vmov s0;
	s0 =	ssub.s32 s31, s30;
	s15 =	smulhi.u32 $0x92492493, s14;
	s17 =	sshra.s32 s14, $0x1F  }
0x22b: {  	[tilespmem:$0x1860] =	vst v6;
	v9 =	vcvt.s32.f32 v9;
	v7 =	vcvt.s32.f32 v7;
	v24 =	vnsel vm3, $0x0, v62;
	s0 =	sadd.s32 s3, s0;
	s19 =	spop (v2sf);
	s3 =	smul.u32 $0x92492493, s17  }
0x22c: {  	[tilespmem:$0x1870] =	vst v6;
	v41 =	vadd.s32 v0, v12;
	v32 =	vperm.xlane v17, v5;
	v24 =	vsel vm0, s2, v24;
	s2 =	ssub.s32 s11, s10;
	s28 =	smulhi.u32 $0x92492493, s19;
	s29 =	sshra.s32 s19, $0x1F  }
0x22d: {  	[tilespmem:$0x1690] =	vst v27;
	v29 =	vmul.u32 $0xFFFFFF20, v18;
	v7 =	vmul.f32 $4.464285910e-03, v7;
	v27 =	vsel vm1, s1, v24;
	s21 =	sadd.s32 s6, s2;
	s30 =	smul.u32 $0x92492493, s29;
	s31 =	spop (v2sf)  }
0x22e: {  	[tilespmem:$0x1600] =	vst v20;
	v9 =	vmul.f32 $4.464285910e-03, v9;
	v8 =	vsel vm8, v32, v8;
	v31 =	vsel vm2, s0, v27;
	s1 =	ssub.s32 s15, s14;
	s9 =	smulhi.u32 $0x92492493, s31;
	s10 =	sshra.s32 s31, $0x1F  }
0x22f: {  	v8 =	vadd.s32 v13, v8;
	[tilespmem:$0x16B0] =	vst v7;
	v7 =	vadd.s32 v11, v29;
	v34 =	vsel vm4, s21, v31;
	s3 =	sadd.s32 s3, s1;
	s11 =	ssub.s32 s28, s19;
	s12 =	smul.u32 $0x92492493, s10  }
0x230: {  	[tilespmem:$0x1680] =	vst v26;
	v36 =	vshrl.u32 v8, $0x1F;
	v7 =	vcvt.s32.f32 v7;
	v17 =	vsel vm5, s3, v34;
	s0 =	sadd.s32 s30, s11;
	s1 =	ssub.s32 s9, s31  }
0x231: {  	[tilespmem:$0x1610] =	vst v23;
	v8 =	vshra.s32 v8, $0x7;
	v35 =	vcombine.low v59, v28;
	v17 =	vsel vm6, s0, v17;
	s14 =	sadd.s32 s12, s1  }
0x232: {  	[tilespmem:$0x1620] =	vst v21;
	v10 =	vadd.s32 v0, v10;
	v7 =	vmul.f32 $4.464285910e-03, v7;
	v17 =	vsel vm7, s14, v17  }
0x233: {  	[tilespmem:$0xB0] =	vst v10;
	v10 =	vadd.s32 v12, v33;
	v15 =	vperm.xlane v35, v4;
	v37 =	vperm.xlane v17, v5  }
0x234: {  	v60 =	vcvt.s32.f32 v25;
	v8 =	vadd.s32 v36, v8;
	[tilespmem:$0x16C0] =	vst v7;
	v7 =	vcvt.s32.f32 v10  }
0x235: {  	[tilespmem:$0x16A0] =	vst v56;
	v38 =	vmul.u32 $0xFFFFFF20, v8;
	v8 =	vcvt.s32.f32 v8;
	v15 =	vsel vm8, v37, v15  }
0x236: {  	[tilespmem:$0x1650] =	vst v9;
	v11 =	vadd.s32 v0, v11;
	v7 =	vmul.f32 $4.464285910e-03, v7;
	v39 =	vadd.s32 v14, v15  }
0x237: {  	[tilespmem:$0xC0] =	vst v11;
	v10 =	vadd.s32 v13, v38;
	v40 =	vshrl.u32 v39, $0x1F;
	v11 =	vshra.s32 v39, $0x7  }
0x238: {  	v25 =	vmul.f32 $4.464285910e-03, v60;
	[tilespmem:$0x16D0] =	vst v7;
	v7 =	vcvt.s32.f32 v10;
	v9 =	vadd.s32 v40, v11  }
0x239: {  	[tilespmem:$0xD0] =	vst v41;
	v8 =	vmul.f32 $4.464285910e-03, v8;
	v30 =	vcvt.s32.f32 v18;
	v11 =	vmul.u32 $0xFFFFFF20, v9  }
0x23a: {  	[tilespmem:$0x1630] =	vst v25;
	v7 =	vmul.f32 $4.464285910e-03, v7  }
0x23b: {  	[tilespmem:$0x1660] =	vst v8;
	v16 =	vmul.f32 $4.464285910e-03, v30;
	v9 =	vcvt.s32.f32 v9;
	v8 =	vadd.s32 v14, v11  }
0x23c: {  	[tilespmem:$0x16E0] =	vst v7;
	v7 =	vcvt.s32.f32 v8  }
0x23d: {  	[tilespmem:$0x1640] =	vst v16;
	v9 =	vmul.f32 $4.464285910e-03, v9;
	v8 =	vadd.s32 v0, v13  }
0x23e: {  	[tilespmem:$0xE0] =	vst v8;
	v7 =	vmul.f32 $4.464285910e-03, v7  }
0x23f: {  	[tilespmem:$0x1670] =	vst v9  }
0x240: {  	[tilespmem:$0x16F0] =	vst v7;
	v7 =	vadd.s32 v0, v14  }
0x241: {  	s17 =	simm.s32 $0x1700;
	s15 =	rddreg [dreg:$0x0];
	[tilespmem:$0xF0] =	vst v7  }
0x242: {  	[tilespmem:s17], [sflag:$0x1] =	stream.indirect.gather [hbm4b:s15+s13], $0x1, s13, s13, $0xb8;
	[tilespmem:$0x1880] =	vst v63  }
0x243: {  	s19 =	rddreg [dreg:$0x3];
	s21 =	simm.s32 $0x1780  }
0x244: {  	[tilespmem:s21], [sflag:$0x1] =	stream.indirect.gather [hbm4b:s19+s13], $0x1, s13, s13, $0xb8;
	[tilespmem:$0x1880] =	vst v63  }
0x245: {  	v7 =	vld [tilespmem:$0x0]  }
0x246: {  	v8 =	vld [tilespmem:$0x10]  }
0x247: {  	v42 =	vld [tilespmem:$0x20]  }
0x248: {  	v43 =	vld [tilespmem:$0x30]  }
0x249: {  	v44 =	vld [tilespmem:$0x40]  }
0x24a: {  	v45 =	vld [tilespmem:$0x50];
	v7 =	vadd.s32 v1, v7  }
0x24b: {  	[tilespmem:$0x100] =	vst v7;
	v7 =	vadd.s32 v1, v8;
	v8 =	vld [tilespmem:$0x60]  }
0x24c: {  	v46 =	vld [tilespmem:$0x70];
	[tilespmem:$0x110] =	vst v7;
	v7 =	vadd.s32 v1, v42  }
0x24d: {  	[tilespmem:$0x120] =	vst v7;
	v7 =	vadd.s32 v1, v43  }
0x24e: {  	[tilespmem:$0x130] =	vst v7;
	v7 =	vadd.s32 v1, v44  }
0x24f: {  	[tilespmem:$0x140] =	vst v7;
	v7 =	vadd.s32 v1, v45  }
0x250: {  	[tilespmem:$0x150] =	vst v7;
	v7 =	vadd.s32 v1, v8  }
0x251: {  	[tilespmem:$0x160] =	vst v7;
	v7 =	vadd.s32 v1, v46  }
0x252: {  	s29 =	simm.s32 $0x1480;
	s28 =	rddreg [dreg:$0x2];
	[tilespmem:$0x170] =	vst v7  }
0x253: {  	[tilespmem:s29], [sflag:$0x1] =	stream.indirect.gather [hbm4b:s28+s13], $0x1, s16, s13, $0xb8;
	[tilespmem:$0x1880] =	vst v63  }
0x254: {  	v7 =	vld [tilespmem:$0x0]  }
0x255: {  	v8 =	vld [tilespmem:$0x10]  }
0x256: {  	v47 =	vld [tilespmem:$0x20]  }
0x257: {  	v48 =	vld [tilespmem:$0x30]  }
0x258: {  	v49 =	vld [tilespmem:$0x40]  }
0x259: {  	v50 =	vld [tilespmem:$0x50];
	v7 =	vadd.s32 v2, v7  }
0x25a: {  	[tilespmem:$0x180] =	vst v7;
	v7 =	vadd.s32 v2, v8;
	v8 =	vld [tilespmem:$0x60]  }
0x25b: {  	v51 =	vld [tilespmem:$0x70];
	[tilespmem:$0x190] =	vst v7;
	v7 =	vadd.s32 v2, v47  }
0x25c: {  	[tilespmem:$0x1A0] =	vst v7;
	v7 =	vadd.s32 v2, v48  }
0x25d: {  	[tilespmem:$0x1B0] =	vst v7;
	v7 =	vadd.s32 v2, v49  }
0x25e: {  	[tilespmem:$0x1C0] =	vst v7;
	v7 =	vadd.s32 v2, v50  }
0x25f: {  	[tilespmem:$0x1D0] =	vst v7;
	v7 =	vadd.s32 v2, v8  }
0x260: {  	[tilespmem:$0x1E0] =	vst v7;
	v7 =	vadd.s32 v2, v51  }
0x261: {  	s30 =	simm.s32 $0x1500;
	[tilespmem:$0x1F0] =	vst v7  }
0x262: {  	[tilespmem:s30], [sflag:$0x1] =	stream.indirect.gather [hbm4b:s28+s13], $0x1, s18, s13, $0xb8;
	[tilespmem:$0x1880] =	vst v63  }
0x263: {  	v7 =	vld [tilespmem:$0x0]  }
0x264: {  	v8 =	vld [tilespmem:$0x10]  }
0x265: {  	v52 =	vld [tilespmem:$0x20]  }
0x266: {  	v53 =	vld [tilespmem:$0x30]  }
0x267: {  	v54 =	vld [tilespmem:$0x40]  }
0x268: {  	v55 =	vld [tilespmem:$0x50];
	v7 =	vadd.s32 v3, v7  }
0x269: {  	[tilespmem:$0x200] =	vst v7;
	v7 =	vadd.s32 v3, v8;
	v8 =	vld [tilespmem:$0x60]  }
0x26a: {  	v56 =	vld [tilespmem:$0x70];
	[tilespmem:$0x210] =	vst v7;
	v7 =	vadd.s32 v3, v52  }
0x26b: {  	[tilespmem:$0x220] =	vst v7;
	v7 =	vadd.s32 v3, v53  }
0x26c: {  	[tilespmem:$0x230] =	vst v7;
	v7 =	vadd.s32 v3, v54  }
0x26d: {  	[tilespmem:$0x240] =	vst v7;
	v7 =	vadd.s32 v3, v55  }
0x26e: {  	[tilespmem:$0x250] =	vst v7;
	v7 =	vadd.s32 v3, v8  }
0x26f: {  	[tilespmem:$0x260] =	vst v7;
	v7 =	vadd.s32 v3, v56  }
0x270: {  	s31 =	simm.s32 $0x1580;
	[tilespmem:$0x270] =	vst v7  }
0x271: {  	[tilespmem:s31], [sflag:$0x1] =	stream.indirect.gather [hbm4b:s28+s13], $0x1, s20, s13, $0xb8;
	[tilespmem:$0x1880] =	vst v63  }
0x272: {  	_ =	swait.ge [sflag:s22], $0x80  }
0x273: {  	[sflag:s22] =	ssyncset.done $0x0  }
0x274: {  	[sflag:s22] =	ssyncadd.s32 $0xFFFFFF80  }
0x275: {  	_ =	swait.ge [sflag:s22], $0x80  }
0x276: {  	[sflag:s22] =	ssyncset.done $0x0  }
0x277: {  	[sflag:s22] =	ssyncadd.s32 $0xFFFFFF80  }
0x278: {  	_ =	swait.ge [sflag:s22], $0x80  }
0x279: {  	[sflag:s22] =	ssyncset.done $0x0  }
0x27a: {  	[sflag:s22] =	ssyncadd.s32 $0xFFFFFF80  }
0x27b: {  	_ =	swait.ge [sflag:s22], $0x80  }
0x27c: {  	[sflag:s22] =	ssyncset.done $0x0  }
0x27d: {  	[sflag:s22] =	ssyncadd.s32 $0xFFFFFF80  }
0x27e: {  	_ =	swait.ge [sflag:s22], $0x80  }
0x27f: {  	s8 =	simm.s32 $0x2;
	[sflag:s22] =	ssyncset.done $0x0  }
0x280: {  	s5 =	simm.s32 $0x0;
	s3 =	rddreg [dreg:$0x5];
	[sflag:s22] =	ssyncadd.s32 $0xFFFFFF80  }
0x281: {  	[hbm4b:s3+s5] =	stream.linear.scatter [tilespmem:s29], [sflag:$0x2], $0x400, $0x38;
	[tilespmem:$0x1880] =	vst v63  }
0x282: {  	_ =	swait.ge [sflag:s8], $0x400  }
0x283: {  	[sflag:s8] =	ssyncset.done $0x0  }
0x284: {  	[sflag:s8] =	ssyncadd.s32 $0xFFFFFC00  }
0x285: {  	v7 =	vld [tilespmem:$0x70]  }
0x286: {  	v8 =	vld [tilespmem:$0x60]  }
0x287: {  	v57 =	vld [tilespmem:$0x40]  }
0x288: {  	s5 =	rddreg [dreg:$0x8];
	v58 =	vld [tilespmem:$0x20]  }
0x289: {  	s6 =	sadd.s32 $0x55C00, s5;
	v59 =	vld [tilespmem:$0x10]  }
0x28a: {  	v60 =	vld [tilespmem:$0x50];
	v7 =	vadd.s32 s6, v7  }
0x28b: {  	v61 =	vld [tilespmem:$0x30];
	v8 =	vadd.s32 s6, v8;
	[tilespmem:$0x470] =	vst v7  }
0x28c: {  	v22 =	vld [tilespmem:$0x20];
	v9 =	vadd.s32 s6, v57;
	[tilespmem:$0x460] =	vst v8  }
0x28d: {  	v31 =	vld [tilespmem:$0x0];
	v10 =	vadd.s32 s6, v58;
	[tilespmem:$0x440] =	vst v9  }
0x28e: {  	v49 =	vld [tilespmem:$0x0];
	v11 =	vadd.s32 s6, v59;
	[tilespmem:$0x420] =	vst v10  }
0x28f: {  	v50 =	vld [tilespmem:$0x60];
	v16 =	vadd.s32 s6, v60;
	[tilespmem:$0x410] =	vst v11  }
0x290: {  	s9 =	sadd.s32 $0x3D400, s5;
	v51 =	vld [tilespmem:$0x70];
	v13 =	vadd.s32 s6, v61;
	[tilespmem:$0x450] =	vst v16  }
0x291: {  	s10 =	sadd.s32 $0x31000, s5;
	v54 =	vld [tilespmem:$0x60];
	v25 =	vadd.s32 s9, v22;
	[tilespmem:$0x430] =	vst v13  }
0x292: {  	s14 =	sadd.s32 $0xC400, s5;
	v19 =	vld [tilespmem:$0x70];
	v12 =	vadd.s32 s10, v31;
	[tilespmem:$0x320] =	vst v25  }
0x293: {  	v20 =	vld [tilespmem:$0x40];
	v53 =	vadd.s32 s14, v49;
	[tilespmem:$0x280] =	vst v12  }
0x294: {  	v21 =	vld [tilespmem:$0x30];
	v55 =	vadd.s32 s9, v50;
	[tilespmem:$0x100] =	vst v53  }
0x295: {  	v56 =	vadd.s32 s5, v51;
	v7 =	vld [tilespmem:$0x0];
	[tilespmem:$0x360] =	vst v55  }
0x296: {  	v60 =	vadd.s32 s5, v54;
	v8 =	vld [tilespmem:$0x40];
	[tilespmem:$0xF0] =	vst v56  }
0x297: {  	v62 =	vld [tilespmem:$0x30];
	v13 =	vadd.s32 s9, v19;
	[tilespmem:$0xE0] =	vst v60  }
0x298: {  	v17 =	vld [tilespmem:$0x10];
	v9 =	vadd.s32 s9, v20;
	[tilespmem:$0x370] =	vst v13  }
0x299: {  	v63 =	vld [tilespmem:$0x20];
	v10 =	vadd.s32 s9, v21;
	[tilespmem:$0x340] =	vst v9  }
0x29a: {  	s7 =	sadd.s32 $0x49800, s5;
	v18 =	vld [tilespmem:$0x0];
	[tilespmem:$0x330] =	vst v10;
	v7 =	vadd.s32 s6, v7  }
0x29b: {  	v23 =	vld [tilespmem:$0x10];
	v8 =	vadd.s32 s7, v8;
	[tilespmem:$0x400] =	vst v7  }
0x29c: {  	v36 =	vld [tilespmem:$0x10];
	v7 =	vadd.s32 s7, v62;
	[tilespmem:$0x3C0] =	vst v8  }
0x29d: {  	v27 =	vld [tilespmem:$0x50];
	[tilespmem:$0x3B0] =	vst v7;
	v7 =	vadd.s32 s7, v17  }
0x29e: {  	v8 =	vadd.s32 s7, v63;
	[tilespmem:$0x390] =	vst v7;
	v7 =	vld [tilespmem:$0x0]  }
0x29f: {  	v28 =	vld [tilespmem:$0x30];
	[tilespmem:$0x3A0] =	vst v8;
	v8 =	vadd.s32 s7, v18  }
0x2a0: {  	s11 =	sadd.s32 $0x24C00, s5;
	v11 =	vadd.s32 s9, v23;
	[tilespmem:$0x380] =	vst v8;
	v8 =	vld [tilespmem:$0x30]  }
0x2a1: {  	v24 =	vld [tilespmem:$0x40];
	v12 =	vadd.s32 s11, v36;
	[tilespmem:$0x310] =	vst v11  }
0x2a2: {  	v26 =	vld [tilespmem:$0x40];
	v10 =	vadd.s32 s10, v27;
	[tilespmem:$0x210] =	vst v12  }
0x2a3: {  	v29 =	vld [tilespmem:$0x70];
	[tilespmem:$0x2D0] =	vst v10;
	v7 =	vadd.s32 s9, v7  }
0x2a4: {  	v9 =	vadd.s32 s10, v28;
	[tilespmem:$0x300] =	vst v7;
	v7 =	vld [tilespmem:$0x20]  }
0x2a5: {  	v30 =	vld [tilespmem:$0x10];
	[tilespmem:$0x2B0] =	vst v9;
	v8 =	vadd.s32 s5, v8  }
0x2a6: {  	v41 =	vld [tilespmem:$0x20];
	[tilespmem:$0xB0] =	vst v8;
	v8 =	vadd.s32 s5, v24  }
0x2a7: {  	v32 =	vld [tilespmem:$0x60];
	[tilespmem:$0xC0] =	vst v8;
	v8 =	vadd.s32 s10, v26  }
0x2a8: {  	v11 =	vadd.s32 s10, v29;
	[tilespmem:$0x2C0] =	vst v8;
	v8 =	vld [tilespmem:$0x70]  }
0x2a9: {  	v33 =	vld [tilespmem:$0x50];
	[tilespmem:$0x2F0] =	vst v11;
	v7 =	vadd.s32 s10, v7  }
0x2aa: {  	s12 =	sadd.s32 $0x18800, s5;
	v13 =	vadd.s32 s10, v30;
	[tilespmem:$0x2A0] =	vst v7;
	v7 =	vld [tilespmem:$0x30]  }
0x2ab: {  	v34 =	vld [tilespmem:$0x40];
	v12 =	vadd.s32 s12, v41;
	[tilespmem:$0x290] =	vst v13  }
0x2ac: {  	v35 =	vld [tilespmem:$0x20];
	v10 =	vadd.s32 s11, v32;
	[tilespmem:$0x1A0] =	vst v12  }
0x2ad: {  	v37 =	vld [tilespmem:$0x70];
	[tilespmem:$0x260] =	vst v10;
	v8 =	vadd.s32 s11, v8  }
0x2ae: {  	v9 =	vadd.s32 s11, v33;
	[tilespmem:$0x270] =	vst v8;
	v8 =	vld [tilespmem:$0x0]  }
0x2af: {  	v38 =	vld [tilespmem:$0x60];
	[tilespmem:$0x250] =	vst v9;
	v7 =	vadd.s32 s11, v7  }
0x2b0: {  	v11 =	vadd.s32 s11, v34;
	[tilespmem:$0x230] =	vst v7;
	v7 =	vld [tilespmem:$0x40]  }
0x2b1: {  	v39 =	vld [tilespmem:$0x50];
	v13 =	vadd.s32 s11, v35;
	[tilespmem:$0x240] =	vst v11  }
0x2b2: {  	v40 =	vld [tilespmem:$0x30];
	[tilespmem:$0x220] =	vst v13;
	v10 =	vadd.s32 s12, v37  }
0x2b3: {  	v42 =	vld [tilespmem:$0x0];
	[tilespmem:$0x1F0] =	vst v10;
	v8 =	vadd.s32 s11, v8  }
0x2b4: {  	v9 =	vadd.s32 s12, v38;
	[tilespmem:$0x200] =	vst v8;
	v8 =	vld [tilespmem:$0x10]  }
0x2b5: {  	v43 =	vld [tilespmem:$0x70];
	[tilespmem:$0x1E0] =	vst v9;
	v7 =	vadd.s32 s12, v7  }
0x2b6: {  	v11 =	vadd.s32 s12, v39;
	[tilespmem:$0x1C0] =	vst v7;
	v7 =	vld [tilespmem:$0x50]  }
0x2b7: {  	v46 =	vld [tilespmem:$0x30];
	v13 =	vadd.s32 s12, v40;
	[tilespmem:$0x1D0] =	vst v11  }
0x2b8: {  	v47 =	vld [tilespmem:$0x60];
	[tilespmem:$0x1B0] =	vst v13;
	v10 =	vadd.s32 s12, v42  }
0x2b9: {  	v44 =	vld [tilespmem:$0x60];
	[tilespmem:$0x180] =	vst v10;
	v8 =	vadd.s32 s12, v8  }
0x2ba: {  	v9 =	vadd.s32 s14, v43;
	[tilespmem:$0x190] =	vst v8;
	v8 =	vld [tilespmem:$0x20]  }
0x2bb: {  	v48 =	vld [tilespmem:$0x10];
	[tilespmem:$0x170] =	vst v9;
	v7 =	vadd.s32 s14, v7  }
0x2bc: {  	v45 =	vld [tilespmem:$0x40];
	[tilespmem:$0x150] =	vst v7;
	v7 =	vadd.s32 s14, v46  }
0x2bd: {  	v52 =	vld [tilespmem:$0x50];
	[tilespmem:$0x130] =	vst v7;
	v7 =	vadd.s32 s10, v47  }
0x2be: {  	v11 =	vadd.s32 s14, v44;
	[tilespmem:$0x2E0] =	vst v7;
	v7 =	vld [tilespmem:$0x70]  }
0x2bf: {  	v57 =	vld [tilespmem:$0x20];
	[tilespmem:$0x160] =	vst v11;
	v8 =	vadd.s32 s14, v8  }
0x2c0: {  	v59 =	vld [tilespmem:$0x0];
	[tilespmem:$0x120] =	vst v8;
	v8 =	vadd.s32 s14, v48  }
0x2c1: {  	v13 =	vadd.s32 s14, v45;
	[tilespmem:$0x110] =	vst v8;
	v8 =	vld [tilespmem:$0x60]  }
0x2c2: {  	v58 =	vld [tilespmem:$0x50];
	[tilespmem:$0x140] =	vst v13;
	v10 =	vadd.s32 s9, v52  }
0x2c3: {  	v61 =	vld [tilespmem:$0x50];
	[tilespmem:$0x350] =	vst v10;
	v7 =	vadd.s32 s7, v7  }
0x2c4: {  	v62 =	vadd.s32 s5, v57;
	[tilespmem:$0x3F0] =	vst v7;
	v7 =	vld [tilespmem:$0x10]  }
0x2c5: {  	v63 =	vadd.s32 s5, v59;
	[tilespmem:$0xA0] =	vst v62  }
0x2c6: {  	[tilespmem:$0x80] =	vst v63;
	v8 =	vadd.s32 s7, v8  }
0x2c7: {  	[tilespmem:$0x3E0] =	vst v8;
	v8 =	vadd.s32 s5, v58  }
0x2c8: {  	[tilespmem:$0xD0] =	vst v8;
	v8 =	vadd.s32 s7, v61  }
0x2c9: {  	[tilespmem:$0x3D0] =	vst v8;
	v7 =	vadd.s32 s5, v7  }
0x2ca: {  	s15 =	simm.s32 $0x480;
	[tilespmem:$0x90] =	vst v7  }
0x2cb: {  	[tilespmem:s15], [sflag:$0x1] =	stream.indirect.gather [hbm4b:s4+s13], $0x1, s13, s13, $0xb8;
	[tilespmem:$0x1880] =	vst v63  }
0x2cc: {  	s17 =	simm.s32 $0x500  }
0x2cd: {  	[tilespmem:s17], [sflag:$0x1] =	stream.indirect.gather [hbm4b:s4+s13], $0x1, s16, s13, $0xb8;
	[tilespmem:$0x1880] =	vst v63  }
0x2ce: {  	s19 =	simm.s32 $0x580  }
0x2cf: {  	[tilespmem:s19], [sflag:$0x1] =	stream.indirect.gather [hbm4b:s4+s13], $0x1, s18, s13, $0xb8;
	[tilespmem:$0x1880] =	vst v63  }
0x2d0: {  	s21 =	simm.s32 $0x600  }
0x2d1: {  	[tilespmem:s21], [sflag:$0x1] =	stream.indirect.gather [hbm4b:s4+s13], $0x1, s20, s13, $0xb8;
	[tilespmem:$0x1880] =	vst v63  }
0x2d2: {  	s28 =	simm.s32 $0x680  }
0x2d3: {  	[tilespmem:s28], [sflag:$0x1] =	stream.indirect.gather [hbm4b:s4+s13], $0x1, s23, s13, $0xb8;
	[tilespmem:$0x1880] =	vst v63  }
0x2d4: {  	s29 =	simm.s32 $0x700  }
0x2d5: {  	[tilespmem:s29], [sflag:$0x1] =	stream.indirect.gather [hbm4b:s4+s13], $0x1, s24, s13, $0xb8;
	[tilespmem:$0x1880] =	vst v63  }
0x2d6: {  	s30 =	simm.s32 $0x780  }
0x2d7: {  	[tilespmem:s30], [sflag:$0x1] =	stream.indirect.gather [hbm4b:s4+s13], $0x1, s25, s13, $0xb8;
	[tilespmem:$0x1880] =	vst v63  }
0x2d8: {  	s31 =	simm.s32 $0x800  }
0x2d9: {  	[tilespmem:s31], [sflag:$0x1] =	stream.indirect.gather [hbm4b:s4+s13], $0x1, s26, s13, $0xb8;
	[tilespmem:$0x1880] =	vst v63  }
0x2da: {  	_ =	swait.ge [sflag:s22], $0x80  }
0x2db: {  	[sflag:s22] =	ssyncset.done $0x0  }
0x2dc: {  	[sflag:s22] =	ssyncadd.s32 $0xFFFFFF80  }
0x2dd: {  	_ =	swait.ge [sflag:s22], $0x80  }
0x2de: {  	[sflag:s22] =	ssyncset.done $0x0  }
0x2df: {  	[sflag:s22] =	ssyncadd.s32 $0xFFFFFF80  }
0x2e0: {  	_ =	swait.ge [sflag:s22], $0x80  }
0x2e1: {  	[sflag:s22] =	ssyncset.done $0x0  }
0x2e2: {  	[sflag:s22] =	ssyncadd.s32 $0xFFFFFF80  }
0x2e3: {  	_ =	swait.ge [sflag:s22], $0x80  }
0x2e4: {  	[sflag:s22] =	ssyncset.done $0x0  }
0x2e5: {  	s0 =	simm.s32 $0x1000;
	s1 =	smov.u32 s5;
	[sflag:s22] =	ssyncadd.s32 $0xFFFFFF80  }
.LBB2_2:
0x2e6: {  	p0 =	sne.s32 s0, $0x3000;
	_ =	swait.ge [sflag:s22], $0x80;
	s1 =	sadd.s32 $0x62000, s1  }
0x2e7: {  	s2 =	smov.u32 s0;
	s0 =	sadd.s32 $0x1000, s0;
	[sflag:s22] =	ssyncset.done $0x0  }
0x2e8: {  	[sflag:s22] =	ssyncadd.s32 $0xFFFFFF80  }
0x2e9: {  	_ =	swait.ge [sflag:s22], $0x80  }
0x2ea: {  	[sflag:s22] =	ssyncset.done $0x0  }
0x2eb: {  	[sflag:s22] =	ssyncadd.s32 $0xFFFFFF80  }
0x2ec: {  	_ =	swait.ge [sflag:s22], $0x80  }
0x2ed: {  	[sflag:s22] =	ssyncset.done $0x0  }
0x2ee: {  	[sflag:s22] =	ssyncadd.s32 $0xFFFFFF80  }
0x2ef: {  	_ =	swait.ge [sflag:s22], $0x80  }
0x2f0: {  	[sflag:s22] =	ssyncset.done $0x0  }
0x2f1: {  	[sflag:s22] =	ssyncadd.s32 $0xFFFFFF80;
	_ =	sdelay $0x1  }
0x2f2: {  	v7 =	vld [tilespmem:$0x70]  }
0x2f3: {  	v8 =	vld [tilespmem:$0x60]  }
0x2f4: {  	v9 =	vld [tilespmem:$0x50]  }
0x2f5: {  	v10 =	vld [tilespmem:$0x40]  }
0x2f6: {  	v11 =	vld [tilespmem:$0x30]  }
0x2f7: {  	s5 =	sadd.s32 $0x55C00, s1;
	v12 =	vld [tilespmem:$0x20]  }
0x2f8: {  	v7 =	vadd.s32 s5, v7;
	v13 =	vld [tilespmem:$0x10];
	v8 =	vadd.s32 s5, v8  }
0x2f9: {  	v14 =	vld [tilespmem:$0x0]  }
0x2fa: {  	v15 =	vld [tilespmem:$0x40];
	v10 =	vadd.s32 s5, v10  }
0x2fb: {  	v16 =	vld [tilespmem:$0x30]  }
0x2fc: {  	v17 =	vld [tilespmem:$0x20];
	v12 =	vadd.s32 s5, v12;
	[tilespmem:$0x470] =	vst v7  }
0x2fd: {  	v7 =	vld [tilespmem:$0x10];
	v13 =	vadd.s32 s5, v13;
	[tilespmem:$0x460] =	vst v8  }
0x2fe: {  	s3 =	sadd.s32 $0x49800, s1;
	v8 =	vld [tilespmem:$0x0];
	v14 =	vadd.s32 s5, v14;
	[tilespmem:$0x440] =	vst v10  }
0x2ff: {  	v10 =	vld [tilespmem:$0x70];
	v15 =	vadd.s32 s3, v15;
	[tilespmem:$0x420] =	vst v12  }
0x300: {  	v9 =	vadd.s32 s5, v9;
	v12 =	vld [tilespmem:$0x40];
	v16 =	vadd.s32 s3, v16;
	[tilespmem:$0x410] =	vst v13  }
0x301: {  	v11 =	vadd.s32 s5, v11;
	v13 =	vld [tilespmem:$0x30];
	v17 =	vadd.s32 s3, v17;
	[tilespmem:$0x450] =	vst v9  }
0x302: {  	v9 =	vld [tilespmem:$0x40];
	v7 =	vadd.s32 s3, v7;
	[tilespmem:$0x430] =	vst v11  }
0x303: {  	v11 =	vld [tilespmem:$0x30];
	v8 =	vadd.s32 s3, v8;
	[tilespmem:$0x400] =	vst v14  }
0x304: {  	v14 =	vld [tilespmem:$0x20];
	[tilespmem:$0x3C0] =	vst v15  }
0x305: {  	v15 =	vld [tilespmem:$0x10];
	[tilespmem:$0x3B0] =	vst v16  }
0x306: {  	v16 =	vld [tilespmem:$0x0];
	[tilespmem:$0x3A0] =	vst v17  }
0x307: {  	s5 =	sadd.s32 $0x3D400, s1;
	v17 =	vld [tilespmem:$0x70];
	[tilespmem:$0x390] =	vst v7  }
0x308: {  	v10 =	vadd.s32 s5, v10;
	v9 =	vadd.s32 s5, v9;
	v7 =	vld [tilespmem:$0x60];
	v11 =	vadd.s32 s5, v11;
	[tilespmem:$0x380] =	vst v8  }
0x309: {  	v8 =	vld [tilespmem:$0x50];
	v14 =	vadd.s32 s5, v14;
	[tilespmem:$0x370] =	vst v10  }
0x30a: {  	v10 =	vld [tilespmem:$0x40];
	v15 =	vadd.s32 s5, v15;
	[tilespmem:$0x340] =	vst v9  }
0x30b: {  	v9 =	vld [tilespmem:$0x30];
	v16 =	vadd.s32 s5, v16;
	[tilespmem:$0x330] =	vst v11  }
0x30c: {  	v11 =	vld [tilespmem:$0x20];
	[tilespmem:$0x320] =	vst v14  }
0x30d: {  	v14 =	vld [tilespmem:$0x10];
	[tilespmem:$0x310] =	vst v15  }
0x30e: {  	v13 =	vadd.s32 s1, v13;
	v15 =	vld [tilespmem:$0x0];
	[tilespmem:$0x300] =	vst v16  }
0x30f: {  	s6 =	sadd.s32 $0x31000, s1;
	v12 =	vadd.s32 s1, v12;
	[tilespmem:$0xB0] =	vst v13;
	v13 =	vld [tilespmem:$0x70]  }
0x310: {  	v8 =	vadd.s32 s6, v8;
	v10 =	vadd.s32 s6, v10;
	[tilespmem:$0xC0] =	vst v12;
	v12 =	vld [tilespmem:$0x60];
	v9 =	vadd.s32 s6, v9  }
0x311: {  	v7 =	vadd.s32 s6, v7;
	v16 =	vld [tilespmem:$0x50];
	v11 =	vadd.s32 s6, v11;
	[tilespmem:$0x2C0] =	vst v10;
	v10 =	vadd.s32 s6, v17  }
0x312: {  	v17 =	vld [tilespmem:$0x40];
	v14 =	vadd.s32 s6, v14;
	[tilespmem:$0x2D0] =	vst v8  }
0x313: {  	s7 =	sadd.s32 $0x24C00, s1;
	v8 =	vld [tilespmem:$0x30];
	v15 =	vadd.s32 s6, v15;
	[tilespmem:$0x2B0] =	vst v9  }
0x314: {  	v9 =	vld [tilespmem:$0x20];
	v13 =	vadd.s32 s7, v13;
	[tilespmem:$0x2F0] =	vst v10  }
0x315: {  	v10 =	vld [tilespmem:$0x10];
	v12 =	vadd.s32 s7, v12;
	[tilespmem:$0x2A0] =	vst v11  }
0x316: {  	v11 =	vld [tilespmem:$0x0];
	v16 =	vadd.s32 s7, v16;
	[tilespmem:$0x290] =	vst v14  }
0x317: {  	v14 =	vld [tilespmem:$0x70];
	v17 =	vadd.s32 s7, v17;
	[tilespmem:$0x280] =	vst v15  }
0x318: {  	v15 =	vld [tilespmem:$0x60];
	v8 =	vadd.s32 s7, v8;
	[tilespmem:$0x270] =	vst v13  }
0x319: {  	v13 =	vld [tilespmem:$0x50];
	v9 =	vadd.s32 s7, v9;
	[tilespmem:$0x260] =	vst v12  }
0x31a: {  	v12 =	vld [tilespmem:$0x40];
	v10 =	vadd.s32 s7, v10;
	[tilespmem:$0x250] =	vst v16  }
0x31b: {  	s6 =	sadd.s32 $0x18800, s1;
	v16 =	vld [tilespmem:$0x30];
	v11 =	vadd.s32 s7, v11;
	[tilespmem:$0x240] =	vst v17  }
0x31c: {  	v17 =	vld [tilespmem:$0x20];
	v14 =	vadd.s32 s6, v14;
	[tilespmem:$0x230] =	vst v8  }
0x31d: {  	v8 =	vld [tilespmem:$0x10];
	v15 =	vadd.s32 s6, v15;
	[tilespmem:$0x220] =	vst v9  }
0x31e: {  	v9 =	vld [tilespmem:$0x0];
	v13 =	vadd.s32 s6, v13;
	[tilespmem:$0x210] =	vst v10  }
0x31f: {  	v10 =	vld [tilespmem:$0x70];
	v12 =	vadd.s32 s6, v12;
	[tilespmem:$0x200] =	vst v11  }
0x320: {  	v11 =	vld [tilespmem:$0x60];
	v16 =	vadd.s32 s6, v16;
	[tilespmem:$0x1F0] =	vst v14  }
0x321: {  	v14 =	vld [tilespmem:$0x50];
	v17 =	vadd.s32 s6, v17;
	[tilespmem:$0x1E0] =	vst v15  }
0x322: {  	v15 =	vld [tilespmem:$0x40];
	v8 =	vadd.s32 s6, v8;
	[tilespmem:$0x1D0] =	vst v13  }
0x323: {  	s7 =	sadd.s32 $0xC400, s1;
	v13 =	vld [tilespmem:$0x30];
	v9 =	vadd.s32 s6, v9;
	[tilespmem:$0x1C0] =	vst v12  }
0x324: {  	v12 =	vld [tilespmem:$0x20];
	v10 =	vadd.s32 s7, v10;
	[tilespmem:$0x1B0] =	vst v16  }
0x325: {  	v16 =	vld [tilespmem:$0x10];
	v11 =	vadd.s32 s7, v11;
	[tilespmem:$0x1A0] =	vst v17  }
0x326: {  	v17 =	vld [tilespmem:$0x0];
	v14 =	vadd.s32 s7, v14;
	[tilespmem:$0x190] =	vst v8  }
0x327: {  	v8 =	vld [tilespmem:$0x70];
	v15 =	vadd.s32 s7, v15;
	[tilespmem:$0x180] =	vst v9  }
0x328: {  	v9 =	vld [tilespmem:$0x60];
	v13 =	vadd.s32 s7, v13;
	[tilespmem:$0x170] =	vst v10  }
0x329: {  	v10 =	vld [tilespmem:$0x50];
	v12 =	vadd.s32 s7, v12;
	[tilespmem:$0x160] =	vst v11  }
0x32a: {  	v11 =	vld [tilespmem:$0x10];
	v16 =	vadd.s32 s7, v16;
	[tilespmem:$0x150] =	vst v14  }
0x32b: {  	v14 =	vadd.s32 s7, v17;
	[tilespmem:$0x140] =	vst v15;
	v15 =	vld [tilespmem:$0x60]  }
0x32c: {  	v8 =	vadd.s32 s1, v8;
	[tilespmem:$0x130] =	vst v13;
	v13 =	vld [tilespmem:$0x50]  }
0x32d: {  	v17 =	vld [tilespmem:$0x20];
	v9 =	vadd.s32 s1, v9;
	[tilespmem:$0x120] =	vst v12  }
0x32e: {  	v10 =	vadd.s32 s1, v10;
	[tilespmem:$0x2E0] =	vst v7;
	v7 =	vld [tilespmem:$0x70]  }
0x32f: {  	v11 =	vadd.s32 s1, v11;
	[tilespmem:$0x110] =	vst v16;
	v12 =	vld [tilespmem:$0x60]  }
0x330: {  	[tilespmem:$0x100] =	vst v14;
	v14 =	vadd.s32 s5, v15;
	v15 =	vld [tilespmem:$0x50]  }
0x331: {  	v13 =	vadd.s32 s5, v13;
	[tilespmem:$0x360] =	vst v14  }
0x332: {  	v14 =	vadd.s32 s1, v17;
	[tilespmem:$0xF0] =	vst v8  }
0x333: {  	v8 =	vld [tilespmem:$0x0];
	[tilespmem:$0x350] =	vst v13;
	v7 =	vadd.s32 s3, v7  }
0x334: {  	v12 =	vadd.s32 s3, v12;
	[tilespmem:$0x3F0] =	vst v7  }
0x335: {  	[tilespmem:$0xE0] =	vst v9;
	v7 =	vadd.s32 s3, v15  }
0x336: {  	[tilespmem:$0x3E0] =	vst v12  }
0x337: {  	[tilespmem:$0xA0] =	vst v14  }
0x338: {  	v8 =	vadd.s32 s1, v8;
	[tilespmem:$0xD0] =	vst v10  }
0x339: {  	s2 =	sshra.s32 s2, $0x2;
	[tilespmem:$0x80] =	vst v8  }
0x33a: {  	s3 =	sadd.s32 $0x480, s2;
	[tilespmem:$0x3D0] =	vst v7  }
0x33b: {  	s5 =	sadd.s32 $0x500, s2;
	[tilespmem:$0x90] =	vst v11  }
0x33c: {  	[tilespmem:s3], [sflag:$0x1] =	stream.indirect.gather [hbm4b:s4+s13], $0x1, s13, s13, $0xb8;
	[tilespmem:$0x1880] =	vst v63  }
0x33d: {  	s3 =	sadd.s32 $0x580, s2  }
0x33e: {  	[tilespmem:s5], [sflag:$0x1] =	stream.indirect.gather [hbm4b:s4+s13], $0x1, s16, s13, $0xb8;
	[tilespmem:$0x1880] =	vst v63  }
0x33f: {  	s5 =	sadd.s32 $0x600, s2  }
0x340: {  	[tilespmem:s3], [sflag:$0x1] =	stream.indirect.gather [hbm4b:s4+s13], $0x1, s18, s13, $0xb8;
	[tilespmem:$0x1880] =	vst v63  }
0x341: {  	s3 =	sadd.s32 $0x680, s2  }
0x342: {  	[tilespmem:s5], [sflag:$0x1] =	stream.indirect.gather [hbm4b:s4+s13], $0x1, s20, s13, $0xb8;
	[tilespmem:$0x1880] =	vst v63  }
0x343: {  	s5 =	sadd.s32 $0x700, s2  }
0x344: {  	[tilespmem:s3], [sflag:$0x1] =	stream.indirect.gather [hbm4b:s4+s13], $0x1, s23, s13, $0xb8;
	[tilespmem:$0x1880] =	vst v63  }
0x345: {  	s3 =	sadd.s32 $0x780, s2  }
0x346: {  	[tilespmem:s5], [sflag:$0x1] =	stream.indirect.gather [hbm4b:s4+s13], $0x1, s24, s13, $0xb8;
	[tilespmem:$0x1880] =	vst v63  }
0x347: {  	s2 =	sadd.s32 $0x800, s2  }
0x348: {  	[tilespmem:s3], [sflag:$0x1] =	stream.indirect.gather [hbm4b:s4+s13], $0x1, s25, s13, $0xb8;
	[tilespmem:$0x1880] =	vst v63  }
0x349: {  	_ = 	snop  }
0x34a: {  	[tilespmem:s2], [sflag:$0x1] =	stream.indirect.gather [hbm4b:s4+s13], $0x1, s26, s13, $0xb8;
	[tilespmem:$0x1880] =	vst v63  }
0x34b: {  	_ =	swait.ge [sflag:s22], $0x80  }
0x34c: {  	[sflag:s22] =	ssyncset.done $0x0  }
0x34d: {  	[sflag:s22] =	ssyncadd.s32 $0xFFFFFF80  }
0x34e: {  	_ =	swait.ge [sflag:s22], $0x80  }
0x34f: {  	[sflag:s22] =	ssyncset.done $0x0  }
0x350: {  	[sflag:s22] =	ssyncadd.s32 $0xFFFFFF80  }
0x351: {  	_ =	swait.ge [sflag:s22], $0x80  }
.Ltmp0:
0x352: {  	[sflag:s22] =	ssyncset.done $0x0;
	(pc) =	sbr.rel @p0 .LBB2_2-.Ltmp0, $4  }
0x353: {  	[sflag:s22] =	ssyncadd.s32 $0xFFFFFF80  }
0x354: {  	_ =	swait.ge [sflag:s22], $0x80  }
0x355: {  	[sflag:s22] =	ssyncset.done $0x0  }
0x356: {  	[sflag:s22] =	ssyncadd.s32 $0xFFFFFF80  }
0x357: {  	_ =	swait.ge [sflag:s22], $0x80  }
0x358: {  	[sflag:s22] =	ssyncset.done $0x0  }
0x359: {  	[sflag:s22] =	ssyncadd.s32 $0xFFFFFF80  }
0x35a: {  	_ =	swait.ge [sflag:s22], $0x80  }
0x35b: {  	[sflag:s22] =	ssyncset.done $0x0  }
0x35c: {  	[sflag:s22] =	ssyncadd.s32 $0xFFFFFF80  }
0x35d: {  	_ =	swait.ge [sflag:s22], $0x80  }
0x35e: {  	[sflag:s22] =	ssyncset.done $0x0  }
0x35f: {  	[sflag:s22] =	ssyncadd.s32 $0xFFFFFF80  }
0x360: {  	_ =	swait.ge [sflag:s22], $0x80  }
0x361: {  	s1 =	simm.s32 $0x1000;
	[sflag:s22] =	ssyncset.done $0x0  }
0x362: {  	s2 =	simm.s32 $0x480;
	s0 =	rddreg [dreg:$0x6];
	[sflag:s22] =	ssyncadd.s32 $0xFFFFFF80  }
0x363: {  	[hbm4b:s0+s26] =	stream.strided.scatter [tilespmem:s2], [sflag:$0x2], $0x1000, s1, s26, $0x38;
	[tilespmem:$0x1880] =	vst v63  }
0x364: {  	_ =	swait.ge [sflag:s8], $0x1000  }
0x365: {  	s30 =	rddreg [dreg:$0x9]  }
0x366: {  	s31 =	rddreg [dreg:$0x7];
	s1 =	sadd.s32 $0x1, s30  }
0x367: {  	p0 =	sne.s32 s1, s31  }
.Ltmp1:
0x368: {  	_ = 	snop;
	(pc) =	sbr.rel @p0 .LBB2_1-.Ltmp1, $3  }
0x369: {  	_ =	sdelay $0x1  }
0x36a: {  	[sflag:s8] =	ssyncset.done $0x0  }
0x36b: {  	[sflag:s8] =	ssyncadd.s32 $0xFFFFF000  }
0x36c: {  	_ =	sfence.sel $0x180000  }
0x36d: {  	[bflag:$0x0] =	sbarrier.arrive $0xFFFF  }
0x36e: {  	_ =	strace $0x90000047  }
0x36f: {  	s0 =	stileid.u32;
	[bflag:$0x2] =	sbarrier.arrive $0xFFFF  }
0x370: {  	p0 =	sne.s32 s0, $0x0;
	s0 =	rddreg [dreg:$0x1]  }
0x371: {  	s0 =	sadd.s32 @!p0 $0x100000, s0  }
0x372: {  	[sflag:s0] =	ssyncadd.tile.s32 @!p0 $0x1;
	_ =	shalt  }
.Lfunc_end2:
_tile_overlayer_lowered:
.L_overlay_start_2:
0x373: {  	(tag) =	ssettag $0x2  }
0x374: {  	s0 =	rddreg [dreg:$0x0];
	s2 =	stileid.u32  }
0x375: {  	s1 =	rddreg [dreg:$0x1];
	p0 =	sne.s32 s2, $0x0  }
0x376: {  	s3 =	rddreg [dreg:$0x2];
	[bflag:$0x3] =	sbarrier.arrive $0xFFFF;
	s2 =	simm.s32 @!p0 $0x1C02  }
0x377: {  	[timem:s3], [sflag:s2] =	dma.local @!p0 [hbm:s0], s1  }
0x378: {  	s0 =	simm.s32 @!p0 $0x2  }
0x379: {  	_ =	swait.ge @!p0 [sflag:s0], s1  }
0x37a: {  	s1 =	ssub.s32 @!p0 $0x0, s1;
	[sflag:s0] =	ssyncset.done @!p0 $0x0  }
0x37b: {  	[sflag:s0] =	ssyncadd.s32 @!p0 s1  }
0x37c: {  	[bflag:$0x3] =	sbarrier.arrive $0xFFFF  }
0x37d: {  	_ =	shalt  }

</sc_bundles>
